<compile_context>
chip_gen: v7x
topology: tpu7x:2x2x1
jax: 0.10.2.dev20260603
libtpu: 0.0.44.dev20260713+nightly
codegen_flags: <defaults>
</compile_context>

<pallas_src>
import functools

import jax
import jax.numpy as jnp
from jax import lax
from jax.experimental import pallas as pl
from jax.experimental.pallas import tpu as pltpu
from jax.experimental.pallas import tpu_sc as plsc

_NC = 2
_NS = 16
_NW = _NC * _NS
_L = 16




def _fps_kernel(P, N, x_ref, y_ref, z_ref, idx_ref, cx_ref, cy_ref, cz_ref):
    R = N // 128
    Pr = P // 128
    x = x_ref[0]
    y = y_ref[0]
    z = z_ref[0]
    iota_n = (lax.broadcasted_iota(jnp.int32, (R, 128), 0) * 128
              + lax.broadcasted_iota(jnp.int32, (R, 128), 1))
    iota_p = (lax.broadcasted_iota(jnp.int32, (Pr, 128), 0) * 128
              + lax.broadcasted_iota(jnp.int32, (Pr, 128), 1))

    def body(i, state):
        dist, far, idxs, cxs, cys, czs = state
        sel_n = iota_n == far
        cx = jnp.sum(jnp.where(sel_n, x, 0.0))
        cy = jnp.sum(jnp.where(sel_n, y, 0.0))
        cz = jnp.sum(jnp.where(sel_n, z, 0.0))
        sel_p = iota_p == i
        idxs = jnp.where(sel_p, far, idxs)
        cxs = jnp.where(sel_p, cx, cxs)
        cys = jnp.where(sel_p, cy, cys)
        czs = jnp.where(sel_p, cz, czs)
        dx = x - cx
        dy = y - cy
        dz = z - cz
        d = dx * dx + dy * dy
        d = d + dz * dz
        dist = jnp.minimum(dist, d)
        m = jnp.max(dist)
        far = jnp.min(jnp.where(dist == m, iota_n, jnp.int32(N)))
        return dist, far, idxs, cxs, cys, czs

    init = (jnp.full((R, 128), 1e10, jnp.float32), jnp.int32(0),
            jnp.zeros((Pr, 128), jnp.int32), jnp.zeros((Pr, 128), jnp.float32),
            jnp.zeros((Pr, 128), jnp.float32), jnp.zeros((Pr, 128), jnp.float32))
    _, _, idxs, cxs, cys, czs = lax.fori_loop(0, P, body, init)
    idx_ref[0] = idxs
    cx_ref[0] = cxs
    cy_ref[0] = cys
    cz_ref[0] = czs


def _fps_call(X, Y, Z, P):
    B, N = X.shape
    R = N // 128
    Pr = P // 128
    xb = X.reshape(B, R, 128)
    yb = Y.reshape(B, R, 128)
    zb = Z.reshape(B, R, 128)
    in_spec = pl.BlockSpec((1, R, 128), lambda b: (b, 0, 0))
    out_spec = pl.BlockSpec((1, Pr, 128), lambda b: (b, 0, 0))
    out_shape = [jax.ShapeDtypeStruct((B, Pr, 128), jnp.int32)] + \
        [jax.ShapeDtypeStruct((B, Pr, 128), jnp.float32)] * 3
    idx, cx, cy, cz = pl.pallas_call(
        functools.partial(_fps_kernel, P, N),
        grid=(B,),
        in_specs=[in_spec] * 3,
        out_specs=[out_spec] * 4,
        out_shape=out_shape,
    )(xb, yb, zb)
    return (idx.reshape(B, P), cx.reshape(B, P), cy.reshape(B, P),
            cz.reshape(B, P))




def _table_kernel(inv_r, xyz_ref, wx_ref, f_ref, wf_ref, t_ref):
    t = jnp.dot(xyz_ref[0], wx_ref[...], preferred_element_type=jnp.float32)
    t = t * inv_r
    if f_ref is not None:
        t = t + jnp.dot(f_ref[0], wf_ref[...],
                        preferred_element_type=jnp.float32)
    t_ref[0] = t


def _table_call(xyz, wx, feats, wf, inv_r):
    B, N, _ = xyz.shape
    C1 = wx.shape[1]
    in_specs = [pl.BlockSpec((1, N, 3), lambda b: (b, 0, 0)),
                pl.BlockSpec(wx.shape, lambda b: (0, 0))]
    args = [xyz, wx]
    if feats is not None:
        C = feats.shape[2]
        in_specs += [pl.BlockSpec((1, N, C), lambda b: (b, 0, 0)),
                     pl.BlockSpec(wf.shape, lambda b: (0, 0))]
        args += [feats, wf]
        kern = functools.partial(_table_kernel, inv_r)
    else:
        kern = lambda x, w, o: _table_kernel(inv_r, x, w, None, None, o)
    return pl.pallas_call(
        kern,
        grid=(B,),
        in_specs=in_specs,
        out_specs=pl.BlockSpec((1, N, C1), lambda b: (b, 0, 0)),
        out_shape=jax.ShapeDtypeStruct((B, N, C1), jnp.float32),
    )(*args)




def _ballquery_call(xt, yt, zt, cx, cy, cz, N, S, ns, r2):
    BN = xt.shape[0]
    BS = cx.shape[0]
    cpt = BS // _NW
    nv = N // _L
    r2 = jnp.float32(r2)

    mesh = plsc.VectorSubcoreMesh(core_axis_name="c", subcore_axis_name="s",
                                  num_cores=_NC, num_subcores=_NS)

    def bf16r(v):
        u = plsc.bitcast(v, jnp.int32)
        u = u + jnp.int32(0x7FFF) + ((u >> 16) & 1)
        u = u & jnp.int32(-65536)
        return plsc.bitcast(u, jnp.float32)

    @functools.partial(
        pl.kernel, mesh=mesh,
        out_type=jax.ShapeDtypeStruct((BS * ns,), jnp.int32),
        compiler_params=pltpu.CompilerParams(needs_layout_passes=False),
        scratch_types=[
            pltpu.VMEM((N,), jnp.float32),
            pltpu.VMEM((N,), jnp.float32),
            pltpu.VMEM((N,), jnp.float32),
            pltpu.VMEM((N,), jnp.float32),
            pltpu.VMEM((cpt,), jnp.float32),
            pltpu.VMEM((cpt,), jnp.float32),
            pltpu.VMEM((cpt,), jnp.float32),
            pltpu.VMEM((cpt * ns + _L,), jnp.int32),
        ],
    )
    def bq(xt_h, yt_h, zt_h, cx_h, cy_h, cz_h, out_h,
           xv, yv, zv, ssv, cxv, cyv, czv, obuf):
        wid = lax.axis_index("s") * _NC + lax.axis_index("c")
        base_c = wid * cpt
        b = base_c // S
        goff = b * N
        pltpu.sync_copy(xt_h.at[pl.ds(goff, N)], xv)
        pltpu.sync_copy(yt_h.at[pl.ds(goff, N)], yv)
        pltpu.sync_copy(zt_h.at[pl.ds(goff, N)], zv)
        pltpu.sync_copy(cx_h.at[pl.ds(base_c, cpt)], cxv)
        pltpu.sync_copy(cy_h.at[pl.ds(base_c, cpt)], cyv)
        pltpu.sync_copy(cz_h.at[pl.ds(base_c, cpt)], czv)
        lane = lax.iota(jnp.int32, _L)
        take = lambda v, i: jnp.take_along_axis(v, i, axis=0)

        def prep(v, _):
            sl = pl.ds(v * _L, _L)
            xj = xv[sl]
            yj = yv[sl]
            zj = zv[sl]
            ssj = xj * xj + yj * yj
            ssv[sl] = ssj + zj * zj
            xv[sl] = bf16r(xj)
            yv[sl] = bf16r(yj)
            zv[sl] = bf16r(zj)
            return _

        lax.fori_loop(0, nv, prep, 0)

        def per_chunk(cc, _):
            cxc = cxv[pl.ds(cc * _L, _L)]
            cyc = cyv[pl.ds(cc * _L, _L)]
            czc = czv[pl.ds(cc * _L, _L)]

            def per_center(i16, _):
                i = cc * _L + i16
                isp = jnp.full((_L,), i16, jnp.int32)
                cxs = take(cxc, isp)
                cys = take(cyc, isp)
                czs = take(czc, isp)
                ssc = cxs * cxs + cys * cys
                ssc = ssc + czs * czs
                cxr = bf16r(cxs)
                cyr = bf16r(cys)
                czr = bf16r(czs)
                obase = i * ns

                def scan_body(v, ptr):
                    off = v * _L
                    xj = xv[pl.ds(off, _L)]
                    yj = yv[pl.ds(off, _L)]
                    zj = zv[pl.ds(off, _L)]
                    ssj = ssv[pl.ds(off, _L)]
                    dot = cxr * xj + cyr * yj
                    dot = dot + czr * zj
                    d2 = (ssc + ssj) - 2.0 * dot
                    m = jnp.logical_and(d2 <= r2, ptr < ns)
                    gidx = lane + (off + goff)
                    plsc.store_compressed(obuf.at[pl.ds(obase + ptr, _L)],
                                          gidx, mask=m)
                    ptr = ptr + jnp.sum(m.astype(jnp.int32))
                    return ptr

                count = lax.fori_loop(0, nv, scan_body, jnp.int32(0))

                fvec = obuf[pl.ds(obase, _L)]
                first = take(fvec, jnp.zeros((_L,), jnp.int32))
                first = jnp.where(count > 0, first,
                                  jnp.int32(goff + N - 1))
                for k in range(ns // _L):
                    pos = lane + (k * _L)
                    cur = obuf[pl.ds(obase + k * _L, _L)]
                    obuf[pl.ds(obase + k * _L, _L)] = jnp.where(
                        pos < count, cur, first)
                return _

            return lax.fori_loop(0, _L, per_center, _)

        lax.fori_loop(0, cpt // _L, per_chunk, 0)
        pltpu.sync_copy(obuf.at[pl.ds(0, cpt * ns)],
                        out_h.at[pl.ds(base_c * ns, cpt * ns)])

    out = bq(xt, yt, zt, cx, cy, cz)
    return out.reshape(BS, ns)




def _gather_call(table, idx):
    M, D = table.shape
    Rows = idx.shape[0]
    rpw = Rows // _NW
    k = rpw // 128
    idx2 = idx.reshape(Rows // 128, 128)

    mesh = plsc.VectorSubcoreMesh(core_axis_name="c", subcore_axis_name="s",
                                  num_cores=_NC, num_subcores=_NS)

    @functools.partial(
        pl.kernel, mesh=mesh,
        out_type=jax.ShapeDtypeStruct((Rows, D), jnp.float32),
        compiler_params=pltpu.CompilerParams(needs_layout_passes=False,
                                             use_tc_tiling_on_sc=False),
        scratch_types=[
            pltpu.VMEM((k, 128), jnp.int32),
            pltpu.VMEM((128, D), jnp.float32),
            pltpu.SemaphoreType.DMA,
        ],
    )
    def gk(t_h, i_h, o_h, idxv, buf, sem):
        wid = lax.axis_index("s") * _NC + lax.axis_index("c")
        pltpu.sync_copy(i_h.at[pl.ds(wid * k, k)], idxv)

        def body(j, _):
            pltpu.async_copy(t_h.at[idxv.at[j]], buf, sem).wait()
            pltpu.sync_copy(buf, o_h.at[pl.ds(wid * rpw + j * 128, 128)])
            return _

        lax.fori_loop(0, k, body, 0)

    return gk(table, idx2)




def _mlp_kernel(g, ns, inv_r, tg_ref, cen_ref, wx_ref, b1_ref, w2_ref, b2_ref,
                w3_ref, b3_ref, out_ref):
    C1 = wx_ref.shape[1]
    tcc = jnp.dot(cen_ref[...], wx_ref[...],
                  preferred_element_type=jnp.float32) * inv_r
    tcb = jnp.broadcast_to(tcc[:, None, :], (g, ns, C1)).reshape(g * ns, C1)
    h = jnp.maximum(tg_ref[...] - tcb + b1_ref[...], 0.0)
    h = jnp.maximum(jnp.dot(h, w2_ref[...],
                            preferred_element_type=jnp.float32)
                    + b2_ref[...], 0.0)
    h = jnp.maximum(jnp.dot(h, w3_ref[...],
                            preferred_element_type=jnp.float32)
                    + b3_ref[...], 0.0)
    C3 = h.shape[1]
    out_ref[...] = jnp.max(h.reshape(g, ns, C3), axis=1)


def _mlp_call(tg, centers, wx, b1, w2, b2, w3, b3, ns, inv_r):
    Rows, C1 = tg.shape
    BS = Rows // ns
    g = 32
    nblk = BS // g
    C3 = w3.shape[1]
    full = lambda a: pl.BlockSpec(a.shape, lambda i: (0,) * a.ndim)
    b1r = b1.reshape(1, -1)
    b2r = b2.reshape(1, -1)
    b3r = b3.reshape(1, -1)
    return pl.pallas_call(
        functools.partial(_mlp_kernel, g, ns, inv_r),
        grid=(nblk,),
        in_specs=[
            pl.BlockSpec((g * ns, C1), lambda i: (i, 0)),
            pl.BlockSpec((g, 3), lambda i: (i, 0)),
            full(wx), full(b1r), full(w2), full(b2r), full(w3), full(b3r),
        ],
        out_specs=pl.BlockSpec((g, C3), lambda i: (i, 0)),
        out_shape=jax.ShapeDtypeStruct((BS, C3), jnp.float32),
    )(tg, centers, wx, b1r, w2, b2r, w3, b3r)




def _fp_kernel(xu_ref, xk_ref, bb_ref, fu_ref, fk_ref, wa_ref, wb_ref,
               b1_ref, w2_ref, b2_ref, out_ref):
    xu = xu_ref[0]
    xk = xk_ref[0]
    n_u = xu.shape[0]
    n_k = xk.shape[0]
    contract = (((1,), (1,)), ((), ()))
    au = jnp.sum(xu * xu, axis=-1, keepdims=True)
    ak = bb_ref[0]
    xur = xu.astype(jnp.bfloat16).astype(jnp.float32)
    xkr = xk.astype(jnp.bfloat16).astype(jnp.float32)
    ab = lax.dot_general(xur, xkr, contract,
                         preferred_element_type=jnp.float32)
    d2 = jnp.maximum(au + ak - 2.0 * ab, 0.0)
    iota_k = lax.broadcasted_iota(jnp.int32, (n_u, n_k), 1)

    dm = d2
    ds_list = []
    idx_list = []
    for _ in range(3):
        mt = jnp.min(dm, axis=-1, keepdims=True)
        it = jnp.min(jnp.where(dm == mt, iota_k, jnp.int32(n_k)),
                     axis=-1, keepdims=True)
        ds_list.append(mt)
        idx_list.append(it)
        dm = jnp.where(iota_k == it, jnp.float32(3e38), dm)

    w0 = 1.0 / (ds_list[0] + 1e-8)
    w1 = 1.0 / (ds_list[1] + 1e-8)
    w2w = 1.0 / (ds_list[2] + 1e-8)
    wsum = w0 + w1
    wsum = wsum + w2w
    w0 = w0 / wsum
    w1 = w1 / wsum
    w2w = w2w / wsum
    zero = jnp.float32(0.0)
    m = jnp.where(iota_k == idx_list[0], w0, zero)
    m = m + jnp.where(iota_k == idx_list[1], w1, zero)
    m = m + jnp.where(iota_k == idx_list[2], w2w, zero)

    fkb = jnp.dot(fk_ref[0], wb_ref[...], preferred_element_type=jnp.float32)
    interp = jnp.dot(m, fkb, preferred_element_type=jnp.float32)
    h = jnp.dot(fu_ref[0], wa_ref[...], preferred_element_type=jnp.float32)
    h = jnp.maximum(h + interp + b1_ref[...], 0.0)
    h = jnp.maximum(jnp.dot(h, w2_ref[...],
                            preferred_element_type=jnp.float32)
                    + b2_ref[...], 0.0)
    out_ref[0] = h


def _fp_call(xyz_u, xyz_k, feats_u, feats_k, layers):
    (w1, b1), (w2, b2) = layers
    Cu = feats_u.shape[2]
    wa = w1[:Cu]
    wb = w1[Cu:]
    B, n_u, _ = xyz_u.shape
    n_k = xyz_k.shape[1]
    C2 = w2.shape[1]
    full = lambda a: pl.BlockSpec(a.shape, lambda i: (0,) * a.ndim)
    b1r = b1.reshape(1, -1)
    b2r = b2.reshape(1, -1)
    bb = jnp.sum(xyz_k * xyz_k, axis=-1)[:, None, :]
    blk = lambda a: pl.BlockSpec((1,) + a.shape[1:],
                                 lambda i: (i,) + (0,) * (a.ndim - 1))
    return pl.pallas_call(
        _fp_kernel,
        grid=(B,),
        in_specs=[blk(xyz_u), blk(xyz_k), blk(bb), blk(feats_u),
                  blk(feats_k), full(wa), full(wb), full(b1r), full(w2),
                  full(b2r)],
        out_specs=pl.BlockSpec((1, n_u, C2), lambda i: (i, 0, 0)),
        out_shape=jax.ShapeDtypeStruct((B, n_u, C2), jnp.float32),
    )(xyz_u, xyz_k, bb, feats_u, feats_k, wa, wb, b1r, w2, b2r)




def _sa_level(X, Y, Z, feats, layers, S, ns, radius):
    B, N = X.shape
    (w1, b1), (w2, b2), (w3, b3) = layers
    wx = w1[:3]
    wf = w1[3:] if w1.shape[0] > 3 else None
    inv_r = 1.0 / radius
    r2 = radius * radius

    fps_idx, nX, nY, nZ = _fps_call(X, Y, Z, S)

    xyz = jnp.stack([X, Y, Z], axis=-1)
    table = _table_call(xyz, wx, feats, wf, inv_r)

    idx = _ballquery_call(
        X.reshape(B * N), Y.reshape(B * N), Z.reshape(B * N),
        nX.reshape(B * S), nY.reshape(B * S), nZ.reshape(B * S),
        N, S, ns, r2)

    C1 = wx.shape[1]
    tg = _gather_call(table.reshape(B * N, C1), idx.reshape(B * S * ns))

    centers = jnp.stack([nX.reshape(B * S), nY.reshape(B * S),
                         nZ.reshape(B * S)], axis=-1)
    nf = _mlp_call(tg, centers, wx, b1, w2, b2, w3, b3, ns, inv_r)
    C3 = w3.shape[1]
    return nX, nY, nZ, nf.reshape(B, S, C3), fps_idx


def kernel(pointcloud, params):
    xyz = pointcloud[..., :3]
    B = xyz.shape[0]
    X = xyz[..., 0]
    Y = xyz[..., 1]
    Z = xyz[..., 2]

    X1, Y1, Z1, f1, i1 = _sa_level(X, Y, Z, None, params['sa1'],
                                   2048, 64, 0.2)
    X2, Y2, Z2, f2, _ = _sa_level(X1, Y1, Z1, f1, params['sa2'],
                                  1024, 32, 0.4)
    X3, Y3, Z3, f3, _ = _sa_level(X2, Y2, Z2, f2, params['sa3'],
                                  512, 16, 0.8)
    X4, Y4, Z4, f4, _ = _sa_level(X3, Y3, Z3, f3, params['sa4'],
                                  256, 16, 1.2)

    xyz2 = jnp.stack([X2, Y2, Z2], axis=-1)
    xyz3 = jnp.stack([X3, Y3, Z3], axis=-1)
    xyz4 = jnp.stack([X4, Y4, Z4], axis=-1)

    g = _fp_call(xyz3, xyz4, f3, f4, params['fp1'])
    g = _fp_call(xyz2, xyz3, f2, g, params['fp2'])

    fp2_inds = i1[:, :1024]
    return g, xyz2, fp2_inds

# --- scband reference (transcript-rebuilt; emitter-appended) ---
"""Pipeline reference for scband-pointnet2-backbone-163208757635 (READ-ONLY COPY).

The authoritative reference and input builder live on the scoring server;
editing this copy changes nothing except your own understanding.
"""

import jax, jax.numpy as jnp
import numpy as np


def pairwise_d2(a, b):
    aa = jnp.sum(a * a, -1)[:, :, None]
    bb = jnp.sum(b * b, -1)[:, None, :]
    ab = jnp.einsum('bsc,bnc->bsn', a, b)
    return jnp.maximum(aa + bb - 2.0 * ab, 0.0)


def gather(x, idx):
    return jax.vmap(lambda xb, ib: xb[ib])(x, idx)


def fps(xyz, npoint):
    B, N, _ = xyz.shape

    def body(i, state):
        dist, far, idxs = state
        idxs = idxs.at[:, i].set(far)
        centroid = gather(xyz, far[:, None])  # [B,1,3]
        d = jnp.sum((xyz - centroid) ** 2, -1)  # [B,N]
        dist = jnp.minimum(dist, d)
        far = jnp.argmax(dist, axis=-1).astype(jnp.int32)
        return (dist, far, idxs)

    dist0 = jnp.full((B, N), 1e10, jnp.float32)
    far0 = jnp.zeros((B,), jnp.int32)
    idxs0 = jnp.zeros((B, npoint), jnp.int32)
    _, _, idxs = jax.lax.fori_loop(0, npoint, body, (dist0, far0, idxs0))
    return idxs


def ball_query(xyz, new_xyz, radius, nsample):
    N = xyz.shape[1]
    d2 = pairwise_d2(new_xyz, xyz)  # [B,S,N]
    ar = jnp.arange(N, dtype=jnp.int32)
    key = jnp.where(d2 <= radius * radius, ar[None, None, :], N)
    skey = jnp.sort(key, axis=-1)[:, :, :nsample]
    first = skey[:, :, :1]
    idx = jnp.where(skey < N, skey, first)
    return idx


def mlp_apply(x, layers):
    for W, b in layers:
        x = jax.nn.relu(x @ W + b)
    return x


def sa_module(xyz, feats, npoint, radius, nsample, layers):
    fps_idx = fps(jax.lax.stop_gradient(xyz), npoint)
    new_xyz = gather(xyz, fps_idx)  # [B,S,3]
    idx = ball_query(jax.lax.stop_gradient(xyz), jax.lax.stop_gradient(new_xyz), radius, nsample)
    grouped_xyz = gather(xyz, idx) - new_xyz[:, :, None, :]
    grouped_xyz = grouped_xyz / radius  # normalize_xyz=True
    if feats is not None:
        grouped = jnp.concatenate([grouped_xyz, gather(feats, idx)], -1)
    else:
        grouped = grouped_xyz  # use_xyz=True, no input features
    h = mlp_apply(grouped, layers)  # [B,S,ns,C]
    new_feats = jnp.max(h, axis=2)
    return new_xyz, new_feats, fps_idx


def fp_module(unknown_xyz, known_xyz, unknown_feats, known_feats, layers):
    d2 = jax.lax.stop_gradient(pairwise_d2(unknown_xyz, known_xyz))
    neg, idx = jax.lax.top_k(-d2, 3)
    d = -neg
    w = 1.0 / (d + 1e-8)
    w = w / jnp.sum(w, -1, keepdims=True)
    nb = gather(known_feats, idx)  # [B,n_u,3,C]
    interp = jnp.sum(nb * w[..., None], axis=2)
    x = jnp.concatenate([unknown_feats, interp], -1)
    return mlp_apply(x, layers)


def _make_mlp(key, dims):
    layers = []
    for i in range(len(dims) - 1):
        key, k1 = jax.random.split(key)
        W = jax.random.normal(k1, (dims[i], dims[i + 1]), jnp.float32) * (1.0 / np.sqrt(dims[i]))
        b = jnp.zeros((dims[i + 1],), jnp.float32)
        layers.append((W, b))
    return key, layers


def setup_inputs(seed: int = 0) -> dict:
    key = jax.random.key(seed)
    key, kp = jax.random.split(key)
    pointcloud = jax.random.normal(kp, (2, 16384, 3), jnp.float32)
    params = {}
    key, params['sa1'] = _make_mlp(key, [3, 64, 64, 128])
    key, params['sa2'] = _make_mlp(key, [128 + 3, 128, 128, 256])
    key, params['sa3'] = _make_mlp(key, [256 + 3, 128, 128, 256])
    key, params['sa4'] = _make_mlp(key, [256 + 3, 128, 128, 256])
    key, params['fp1'] = _make_mlp(key, [512, 256, 256])
    key, params['fp2'] = _make_mlp(key, [512, 256, 256])
    return {'pointcloud': pointcloud, 'params': params}


def reference(pointcloud, params):
    xyz = pointcloud[..., :3]
    xyz1, f1, i1 = sa_module(xyz, None, 2048, 0.2, 64, params['sa1'])
    xyz2, f2, i2 = sa_module(xyz1, f1, 1024, 0.4, 32, params['sa2'])
    xyz3, f3, i3 = sa_module(xyz2, f2, 512, 0.8, 16, params['sa3'])
    xyz4, f4, i4 = sa_module(xyz3, f3, 256, 1.2, 16, params['sa4'])
    g = fp_module(xyz3, xyz4, f3, f4, params['fp1'])
    g = fp_module(xyz2, xyz3, f2, g, params['fp2'])  # fp2_features [B,1024,256]
    fp2_inds = i1[:, : xyz2.shape[1]]
    return g, xyz2, fp2_inds

if __name__ == "__main__":
    import jax
    _d = setup_inputs()
    print(jax.jit(kernel)(*tuple(_d.values())))

</pallas_src>

<mosaic_0001>
#map = affine_map<(d0, d1) -> (0)>
module attributes {stable_mosaic.version = 14 : i64} {
  func.func @_rewritten_body(%arg0: i32, %arg1: i32, %arg2: memref<32768xf32, #tpu.memory_space<hbm>>, %arg3: memref<32768xf32, #tpu.memory_space<hbm>>, %arg4: memref<32768xf32, #tpu.memory_space<hbm>>, %arg5: memref<4096xf32, #tpu.memory_space<hbm>>, %arg6: memref<4096xf32, #tpu.memory_space<hbm>>, %arg7: memref<4096xf32, #tpu.memory_space<hbm>>, %arg8: memref<1xf32, #tpu.memory_space<hbm>>, %arg9: memref<262144xi32, #tpu.memory_space<hbm>>, %arg10: memref<16384xf32, #tpu.memory_space<vmem>>, %arg11: memref<16384xf32, #tpu.memory_space<vmem>>, %arg12: memref<16384xf32, #tpu.memory_space<vmem>>, %arg13: memref<16384xf32, #tpu.memory_space<vmem>>, %arg14: memref<128xf32, #tpu.memory_space<vmem>>, %arg15: memref<128xf32, #tpu.memory_space<vmem>>, %arg16: memref<128xf32, #tpu.memory_space<vmem>>, %arg17: memref<8208xi32, #tpu.memory_space<vmem>>) attributes {dimension_semantics = [#tpu.dimension_semantics<core_parallel>, #tpu.dimension_semantics<subcore_parallel>], iteration_bounds = array<i64: 2, 16>, scalar_prefetch = 0 : i64, scratch_operands = 8 : i64, tpu.core_type = #tpu.core_type<sc_vector_subcore>, window_params = [{transform_indices = #map}, {transform_indices = #map}, {transform_indices = #map}, {transform_indices = #map}, {transform_indices = #map}, {transform_indices = #map}, {transform_indices = #map}, {transform_indices = #map}]} {
    %empty_ref3A = memref.alloca() : memref<16xf32, #tpu.memory_space<vmem>>
    "tpu.region"() ({
      %run_scoped3A = tpu.sem_alloc : memref<!tpu.dma_semaphore, #tpu.memory_space<semaphore_mem>>
      %dma_start3A = arith.constant 0 : i32
      %dma_start3A_35 = tpu.memref_slice %empty_ref3A[%dma_start3A] : memref<16xf32, #tpu.memory_space<vmem>> -> memref<1xf32, #tpu.memory_space<vmem>>
      %dma_start3A_36 = arith.constant 0 : i32
      %dma_start3A_37 = tpu.memref_slice %empty_ref3A[%dma_start3A_36] : memref<16xf32, #tpu.memory_space<vmem>> -> memref<1xf32, #tpu.memory_space<vmem>>
      tpu.enqueue_dma source(%arg8 : memref<1xf32, #tpu.memory_space<hbm>>) target(%dma_start3A_37 : memref<1xf32, #tpu.memory_space<vmem>>) target_semaphore(%run_scoped3A : memref<!tpu.dma_semaphore, #tpu.memory_space<semaphore_mem>>)
      %dma_wait3A = arith.constant 0 : i32
      %dma_wait3A_38 = tpu.memref_slice %empty_ref3A[%dma_wait3A] : memref<16xf32, #tpu.memory_space<vmem>> -> memref<1xf32, #tpu.memory_space<vmem>>
      %dma_wait3A_39 = arith.constant 0 : i32
      %dma_wait3A_40 = tpu.memref_slice %empty_ref3A[%dma_wait3A_39] : memref<16xf32, #tpu.memory_space<vmem>> -> memref<1xf32, #tpu.memory_space<vmem>>
      tpu.wait_dma2 semaphore(%run_scoped3A : memref<!tpu.dma_semaphore, #tpu.memory_space<semaphore_mem>>) src(%arg8 : memref<1xf32, #tpu.memory_space<hbm>>) dst(%dma_wait3A_40 : memref<1xf32, #tpu.memory_space<vmem>>)
      tpu.yield
    }) : () -> ()
    %get3A = arith.constant 0 : index
    %get3A_0 = tpu.vector_load %empty_ref3A[%get3A] {strides = array<i32>} : memref<16xf32, #tpu.memory_space<vmem>>, vector<16xf32>,
    %slice3A = vector.extract_strided_slice %get3A_0 {offsets = [0], sizes = [1], strides = [1]} : vector<16xf32> to vector<1xf32>
    %squeeze3A = vector.extract %slice3A[0] : f32 from vector<1xf32>
    %mul3A = arith.constant 2 : i32
    %mul3A_1 = arith.muli %arg1, %mul3A : i32
    %add3A = arith.addi %mul3A_1, %arg0 : i32
    %mul3A_2 = arith.constant 128 : i32
    %mul3A_3 = arith.muli %add3A, %mul3A_2 : i32
    %jit3A = arith.constant 2048 : i32
    %div3A = arith.divsi %mul3A_3, %jit3A : i32
    %sign3A = arith.constant 0 : i32
    %sign3A_4 = arith.cmpi sgt, %mul3A_3, %sign3A : i32
    %sign3A_5 = arith.extui %sign3A_4 : i1 to i32
    %sign3A_6 = arith.constant 0 : i32
    %sign3A_7 = arith.cmpi slt, %mul3A_3, %sign3A_6 : i32
    %sign3A_8 = arith.extui %sign3A_7 : i1 to i32
    %sign3A_9 = arith.subi %sign3A_5, %sign3A_8 : i32
    %sign3A_10 = arith.constant 0 : i32
    %sign3A_11 = arith.cmpi sgt, %jit3A, %sign3A_10 : i32
    %sign3A_12 = arith.extui %sign3A_11 : i1 to i32
    %sign3A_13 = arith.constant 0 : i32
    %sign3A_14 = arith.cmpi slt, %jit3A, %sign3A_13 : i32
    %sign3A_15 = arith.extui %sign3A_14 : i1 to i32
    %sign3A_16 = arith.subi %sign3A_12, %sign3A_15 : i32
    %ne3A = arith.cmpi ne, %sign3A_9, %sign3A_16 : i32
    %rem3A = arith.remsi %mul3A_3, %jit3A : i32
    %ne3A_17 = arith.constant 0 : i32
    %ne3A_18 = arith.cmpi ne, %rem3A, %ne3A_17 : i32
    %and3A = arith.andi %ne3A, %ne3A_18 : i1
    %sub3A = arith.constant 1 : i32
    %sub3A_19 = arith.subi %div3A, %sub3A : i32
    %select_n3A = arith.select %and3A, %sub3A_19, %div3A : i32
    %mul3A_20 = arith.constant 16384 : i32
    %mul3A_21 = arith.muli %select_n3A, %mul3A_20 : i32
    "tpu.region"() ({
      %run_scoped3A = tpu.sem_alloc : memref<!tpu.dma_semaphore, #tpu.memory_space<semaphore_mem>>
      %dma_start3A = tpu.memref_slice %arg2[%mul3A_21] : memref<32768xf32, #tpu.memory_space<hbm>> -> memref<16384xf32, #tpu.memory_space<hbm>>
      %dma_start3A_35 = tpu.memref_slice %arg2[%mul3A_21] : memref<32768xf32, #tpu.memory_space<hbm>> -> memref<16384xf32, #tpu.memory_space<hbm>>
      tpu.enqueue_dma source(%dma_start3A_35 : memref<16384xf32, #tpu.memory_space<hbm>>) target(%arg10 : memref<16384xf32, #tpu.memory_space<vmem>>) target_semaphore(%run_scoped3A : memref<!tpu.dma_semaphore, #tpu.memory_space<semaphore_mem>>)
      %dma_wait3A = tpu.memref_slice %arg2[%mul3A_21] : memref<32768xf32, #tpu.memory_space<hbm>> -> memref<16384xf32, #tpu.memory_space<hbm>>
      %dma_wait3A_36 = tpu.memref_slice %arg2[%mul3A_21] : memref<32768xf32, #tpu.memory_space<hbm>> -> memref<16384xf32, #tpu.memory_space<hbm>>
      tpu.wait_dma2 semaphore(%run_scoped3A : memref<!tpu.dma_semaphore, #tpu.memory_space<semaphore_mem>>) src(%dma_wait3A_36 : memref<16384xf32, #tpu.memory_space<hbm>>) dst(%arg10 : memref<16384xf32, #tpu.memory_space<vmem>>)
      tpu.yield
    }) : () -> ()
    "tpu.region"() ({
      %run_scoped3A = tpu.sem_alloc : memref<!tpu.dma_semaphore, #tpu.memory_space<semaphore_mem>>
      %dma_start3A = tpu.memref_slice %arg3[%mul3A_21] : memref<32768xf32, #tpu.memory_space<hbm>> -> memref<16384xf32, #tpu.memory_space<hbm>>
      %dma_start3A_35 = tpu.memref_slice %arg3[%mul3A_21] : memref<32768xf32, #tpu.memory_space<hbm>> -> memref<16384xf32, #tpu.memory_space<hbm>>
      tpu.enqueue_dma source(%dma_start3A_35 : memref<16384xf32, #tpu.memory_space<hbm>>) target(%arg11 : memref<16384xf32, #tpu.memory_space<vmem>>) target_semaphore(%run_scoped3A : memref<!tpu.dma_semaphore, #tpu.memory_space<semaphore_mem>>)
      %dma_wait3A = tpu.memref_slice %arg3[%mul3A_21] : memref<32768xf32, #tpu.memory_space<hbm>> -> memref<16384xf32, #tpu.memory_space<hbm>>
      %dma_wait3A_36 = tpu.memref_slice %arg3[%mul3A_21] : memref<32768xf32, #tpu.memory_space<hbm>> -> memref<16384xf32, #tpu.memory_space<hbm>>
      tpu.wait_dma2 semaphore(%run_scoped3A : memref<!tpu.dma_semaphore, #tpu.memory_space<semaphore_mem>>) src(%dma_wait3A_36 : memref<16384xf32, #tpu.memory_space<hbm>>) dst(%arg11 : memref<16384xf32, #tpu.memory_space<vmem>>)
      tpu.yield
    }) : () -> ()
    "tpu.region"() ({
      %run_scoped3A = tpu.sem_alloc : memref<!tpu.dma_semaphore, #tpu.memory_space<semaphore_mem>>
      %dma_start3A = tpu.memref_slice %arg4[%mul3A_21] : memref<32768xf32, #tpu.memory_space<hbm>> -> memref<16384xf32, #tpu.memory_space<hbm>>
      %dma_start3A_35 = tpu.memref_slice %arg4[%mul3A_21] : memref<32768xf32, #tpu.memory_space<hbm>> -> memref<16384xf32, #tpu.memory_space<hbm>>
      tpu.enqueue_dma source(%dma_start3A_35 : memref<16384xf32, #tpu.memory_space<hbm>>) target(%arg12 : memref<16384xf32, #tpu.memory_space<vmem>>) target_semaphore(%run_scoped3A : memref<!tpu.dma_semaphore, #tpu.memory_space<semaphore_mem>>)
      %dma_wait3A = tpu.memref_slice %arg4[%mul3A_21] : memref<32768xf32, #tpu.memory_space<hbm>> -> memref<16384xf32, #tpu.memory_space<hbm>>
      %dma_wait3A_36 = tpu.memref_slice %arg4[%mul3A_21] : memref<32768xf32, #tpu.memory_space<hbm>> -> memref<16384xf32, #tpu.memory_space<hbm>>
      tpu.wait_dma2 semaphore(%run_scoped3A : memref<!tpu.dma_semaphore, #tpu.memory_space<semaphore_mem>>) src(%dma_wait3A_36 : memref<16384xf32, #tpu.memory_space<hbm>>) dst(%arg12 : memref<16384xf32, #tpu.memory_space<vmem>>)
      tpu.yield
    }) : () -> ()
    "tpu.region"() ({
      %run_scoped3A = tpu.sem_alloc : memref<!tpu.dma_semaphore, #tpu.memory_space<semaphore_mem>>
      %dma_start3A = tpu.memref_slice %arg5[%mul3A_3] : memref<4096xf32, #tpu.memory_space<hbm>> -> memref<128xf32, #tpu.memory_space<hbm>>
      %dma_start3A_35 = tpu.memref_slice %arg5[%mul3A_3] : memref<4096xf32, #tpu.memory_space<hbm>> -> memref<128xf32, #tpu.memory_space<hbm>>
      tpu.enqueue_dma source(%dma_start3A_35 : memref<128xf32, #tpu.memory_space<hbm>>) target(%arg14 : memref<128xf32, #tpu.memory_space<vmem>>) target_semaphore(%run_scoped3A : memref<!tpu.dma_semaphore, #tpu.memory_space<semaphore_mem>>)
      %dma_wait3A = tpu.memref_slice %arg5[%mul3A_3] : memref<4096xf32, #tpu.memory_space<hbm>> -> memref<128xf32, #tpu.memory_space<hbm>>
      %dma_wait3A_36 = tpu.memref_slice %arg5[%mul3A_3] : memref<4096xf32, #tpu.memory_space<hbm>> -> memref<128xf32, #tpu.memory_space<hbm>>
      tpu.wait_dma2 semaphore(%run_scoped3A : memref<!tpu.dma_semaphore, #tpu.memory_space<semaphore_mem>>) src(%dma_wait3A_36 : memref<128xf32, #tpu.memory_space<hbm>>) dst(%arg14 : memref<128xf32, #tpu.memory_space<vmem>>)
      tpu.yield
    }) : () -> ()
    "tpu.region"() ({
      %run_scoped3A = tpu.sem_alloc : memref<!tpu.dma_semaphore, #tpu.memory_space<semaphore_mem>>
      %dma_start3A = tpu.memref_slice %arg6[%mul3A_3] : memref<4096xf32, #tpu.memory_space<hbm>> -> memref<128xf32, #tpu.memory_space<hbm>>
      %dma_start3A_35 = tpu.memref_slice %arg6[%mul3A_3] : memref<4096xf32, #tpu.memory_space<hbm>> -> memref<128xf32, #tpu.memory_space<hbm>>
      tpu.enqueue_dma source(%dma_start3A_35 : memref<128xf32, #tpu.memory_space<hbm>>) target(%arg15 : memref<128xf32, #tpu.memory_space<vmem>>) target_semaphore(%run_scoped3A : memref<!tpu.dma_semaphore, #tpu.memory_space<semaphore_mem>>)
      %dma_wait3A = tpu.memref_slice %arg6[%mul3A_3] : memref<4096xf32, #tpu.memory_space<hbm>> -> memref<128xf32, #tpu.memory_space<hbm>>
      %dma_wait3A_36 = tpu.memref_slice %arg6[%mul3A_3] : memref<4096xf32, #tpu.memory_space<hbm>> -> memref<128xf32, #tpu.memory_space<hbm>>
      tpu.wait_dma2 semaphore(%run_scoped3A : memref<!tpu.dma_semaphore, #tpu.memory_space<semaphore_mem>>) src(%dma_wait3A_36 : memref<128xf32, #tpu.memory_space<hbm>>) dst(%arg15 : memref<128xf32, #tpu.memory_space<vmem>>)
      tpu.yield
    }) : () -> ()
    "tpu.region"() ({
      %run_scoped3A = tpu.sem_alloc : memref<!tpu.dma_semaphore, #tpu.memory_space<semaphore_mem>>
      %dma_start3A = tpu.memref_slice %arg7[%mul3A_3] : memref<4096xf32, #tpu.memory_space<hbm>> -> memref<128xf32, #tpu.memory_space<hbm>>
      %dma_start3A_35 = tpu.memref_slice %arg7[%mul3A_3] : memref<4096xf32, #tpu.memory_space<hbm>> -> memref<128xf32, #tpu.memory_space<hbm>>
      tpu.enqueue_dma source(%dma_start3A_35 : memref<128xf32, #tpu.memory_space<hbm>>) target(%arg16 : memref<128xf32, #tpu.memory_space<vmem>>) target_semaphore(%run_scoped3A : memref<!tpu.dma_semaphore, #tpu.memory_space<semaphore_mem>>)
      %dma_wait3A = tpu.memref_slice %arg7[%mul3A_3] : memref<4096xf32, #tpu.memory_space<hbm>> -> memref<128xf32, #tpu.memory_space<hbm>>
      %dma_wait3A_36 = tpu.memref_slice %arg7[%mul3A_3] : memref<4096xf32, #tpu.memory_space<hbm>> -> memref<128xf32, #tpu.memory_space<hbm>>
      tpu.wait_dma2 semaphore(%run_scoped3A : memref<!tpu.dma_semaphore, #tpu.memory_space<semaphore_mem>>) src(%dma_wait3A_36 : memref<128xf32, #tpu.memory_space<hbm>>) dst(%arg16 : memref<128xf32, #tpu.memory_space<vmem>>)
      tpu.yield
    }) : () -> ()
    %iota3A = tpu.iota {dimensions = array<i32: 0>} : vector<16xi32>
    %scan3A = arith.constant 0 : i32
    %scan3A_22 = arith.constant 0 : i32
    %scan3A_23 = arith.constant 1024 : i32
    %scan3A_24 = arith.addi %scan3A_22, %scan3A_23 : i32
    %scan3A_25 = arith.constant 1 : i32
    scf.for %scan3A_35 = %scan3A_22 to %scan3A_24 step %scan3A_25  : i32 {
      %mul3A_36 = arith.constant 16 : i32
      %mul3A_37 = arith.muli %scan3A_35, %mul3A_36 : i32
      %get3A_38 = arith.index_cast %mul3A_37 : i32 to index
      %get3A_39 = tpu.vector_load %arg10[%get3A_38] {strides = array<i32>} : memref<16384xf32, #tpu.memory_space<vmem>>, vector<16xf32>,
      %get3A_40 = arith.index_cast %mul3A_37 : i32 to index
      %get3A_41 = tpu.vector_load %arg11[%get3A_40] {strides = array<i32>} : memref<16384xf32, #tpu.memory_space<vmem>>, vector<16xf32>,
      %get3A_42 = arith.index_cast %mul3A_37 : i32 to index
      %get3A_43 = tpu.vector_load %arg12[%get3A_42] {strides = array<i32>} : memref<16384xf32, #tpu.memory_space<vmem>>, vector<16xf32>,
      %mul3A_44 = arith.mulf %get3A_39, %get3A_39 : vector<16xf32>
      %mul3A_45 = arith.mulf %get3A_41, %get3A_41 : vector<16xf32>
      %add3A_46 = arith.addf %mul3A_44, %mul3A_45 : vector<16xf32>
      %mul3A_47 = arith.mulf %get3A_43, %get3A_43 : vector<16xf32>
      %add3A_48 = arith.addf %add3A_46, %mul3A_47 : vector<16xf32>
      %swap3A = arith.index_cast %mul3A_37 : i32 to index
      %swap3A_49 = tpu.vector_load %arg13[%swap3A] {strides = array<i32>} : memref<16384xf32, #tpu.memory_space<vmem>>, vector<16xf32>,
      tpu.vector_store %arg13[%swap3A], %add3A_48 {strides = array<i32>} : memref<16384xf32, #tpu.memory_space<vmem>>, vector<16xf32>,
      %bitcast3A = vector.bitcast %get3A_39 : vector<16xf32> to vector<16xi32>
      %add3A_50 = arith.constant 32767 : i32
      %add3A_51 = vector.broadcast %add3A_50 : i32 to vector<16xi32>
      %add3A_52 = arith.addi %bitcast3A, %add3A_51 : vector<16xi32>
      %shift_right_arithmetic3A = arith.constant 16 : i32
      %shift_right_arithmetic3A_53 = vector.broadcast %shift_right_arithmetic3A : i32 to vector<16xi32>
      %shift_right_arithmetic3A_54 = arith.shrsi %bitcast3A, %shift_right_arithmetic3A_53 : vector<16xi32>
      %and3A_55 = arith.constant 1 : i32
      %and3A_56 = vector.broadcast %and3A_55 : i32 to vector<16xi32>
      %and3A_57 = arith.andi %shift_right_arithmetic3A_54, %and3A_56 : vector<16xi32>
      %add3A_58 = arith.addi %add3A_52, %and3A_57 : vector<16xi32>
      %and3A_59 = arith.constant -65536 : i32
      %and3A_60 = vector.broadcast %and3A_59 : i32 to vector<16xi32>
      %and3A_61 = arith.andi %add3A_58, %and3A_60 : vector<16xi32>
      %bitcast3A_62 = vector.bitcast %and3A_61 : vector<16xi32> to vector<16xf32>
      %swap3A_63 = arith.index_cast %mul3A_37 : i32 to index
      %swap3A_64 = tpu.vector_load %arg10[%swap3A_63] {strides = array<i32>} : memref<16384xf32, #tpu.memory_space<vmem>>, vector<16xf32>,
      tpu.vector_store %arg10[%swap3A_63], %bitcast3A_62 {strides = array<i32>} : memref<16384xf32, #tpu.memory_space<vmem>>, vector<16xf32>,
      %bitcast3A_65 = vector.bitcast %get3A_41 : vector<16xf32> to vector<16xi32>
      %add3A_66 = arith.constant 32767 : i32
      %add3A_67 = vector.broadcast %add3A_66 : i32 to vector<16xi32>
      %add3A_68 = arith.addi %bitcast3A_65, %add3A_67 : vector<16xi32>
      %shift_right_arithmetic3A_69 = arith.constant 16 : i32
      %shift_right_arithmetic3A_70 = vector.broadcast %shift_right_arithmetic3A_69 : i32 to vector<16xi32>
      %shift_right_arithmetic3A_71 = arith.shrsi %bitcast3A_65, %shift_right_arithmetic3A_70 : vector<16xi32>
      %and3A_72 = arith.constant 1 : i32
      %and3A_73 = vector.broadcast %and3A_72 : i32 to vector<16xi32>
      %and3A_74 = arith.andi %shift_right_arithmetic3A_71, %and3A_73 : vector<16xi32>
      %add3A_75 = arith.addi %add3A_68, %and3A_74 : vector<16xi32>
      %and3A_76 = arith.constant -65536 : i32
      %and3A_77 = vector.broadcast %and3A_76 : i32 to vector<16xi32>
      %and3A_78 = arith.andi %add3A_75, %and3A_77 : vector<16xi32>
      %bitcast3A_79 = vector.bitcast %and3A_78 : vector<16xi32> to vector<16xf32>
      %swap3A_80 = arith.index_cast %mul3A_37 : i32 to index
      %swap3A_81 = tpu.vector_load %arg11[%swap3A_80] {strides = array<i32>} : memref<16384xf32, #tpu.memory_space<vmem>>, vector<16xf32>,
      tpu.vector_store %arg11[%swap3A_80], %bitcast3A_79 {strides = array<i32>} : memref<16384xf32, #tpu.memory_space<vmem>>, vector<16xf32>,
      %bitcast3A_82 = vector.bitcast %get3A_43 : vector<16xf32> to vector<16xi32>
      %add3A_83 = arith.constant 32767 : i32
      %add3A_84 = vector.broadcast %add3A_83 : i32 to vector<16xi32>
      %add3A_85 = arith.addi %bitcast3A_82, %add3A_84 : vector<16xi32>
      %shift_right_arithmetic3A_86 = arith.constant 16 : i32
      %shift_right_arithmetic3A_87 = vector.broadcast %shift_right_arithmetic3A_86 : i32 to vector<16xi32>
      %shift_right_arithmetic3A_88 = arith.shrsi %bitcast3A_82, %shift_right_arithmetic3A_87 : vector<16xi32>
      %and3A_89 = arith.constant 1 : i32
      %and3A_90 = vector.broadcast %and3A_89 : i32 to vector<16xi32>
      %and3A_91 = arith.andi %shift_right_arithmetic3A_88, %and3A_90 : vector<16xi32>
      %add3A_92 = arith.addi %add3A_85, %and3A_91 : vector<16xi32>
      %and3A_93 = arith.constant -65536 : i32
      %and3A_94 = vector.broadcast %and3A_93 : i32 to vector<16xi32>
      %and3A_95 = arith.andi %add3A_92, %and3A_94 : vector<16xi32>
      %bitcast3A_96 = vector.bitcast %and3A_95 : vector<16xi32> to vector<16xf32>
      %swap3A_97 = arith.index_cast %mul3A_37 : i32 to index
      %swap3A_98 = tpu.vector_load %arg12[%swap3A_97] {strides = array<i32>} : memref<16384xf32, #tpu.memory_space<vmem>>, vector<16xf32>,
      tpu.vector_store %arg12[%swap3A_97], %bitcast3A_96 {strides = array<i32>} : memref<16384xf32, #tpu.memory_space<vmem>>, vector<16xf32>,
    }
    %scan3A_26 = arith.constant 1024 : i32
    %scan3A_27 = arith.constant 0 : i32
    %scan3A_28 = arith.constant 0 : i32
    %scan3A_29 = arith.constant 8 : i32
    %scan3A_30 = arith.addi %scan3A_28, %scan3A_29 : i32
    %scan3A_31 = arith.constant 1 : i32
    scf.for %scan3A_35 = %scan3A_28 to %scan3A_30 step %scan3A_31  : i32 {
      %mul3A_36 = arith.constant 16 : i32
      %mul3A_37 = arith.muli %scan3A_35, %mul3A_36 : i32
      %get3A_38 = arith.index_cast %mul3A_37 : i32 to index
      %get3A_39 = tpu.vector_load %arg14[%get3A_38] {strides = array<i32>} : memref<128xf32, #tpu.memory_space<vmem>>, vector<16xf32>,
      %mul3A_40 = arith.constant 16 : i32
      %mul3A_41 = arith.muli %scan3A_35, %mul3A_40 : i32
      %get3A_42 = arith.index_cast %mul3A_41 : i32 to index
      %get3A_43 = tpu.vector_load %arg15[%get3A_42] {strides = array<i32>} : memref<128xf32, #tpu.memory_space<vmem>>, vector<16xf32>,
      %mul3A_44 = arith.constant 16 : i32
      %mul3A_45 = arith.muli %scan3A_35, %mul3A_44 : i32
      %get3A_46 = arith.index_cast %mul3A_45 : i32 to index
      %get3A_47 = tpu.vector_load %arg16[%get3A_46] {strides = array<i32>} : memref<128xf32, #tpu.memory_space<vmem>>, vector<16xf32>,
      %scan3A_48 = arith.constant 0 : i32
      %scan3A_49 = arith.constant 16 : i32
      %scan3A_50 = arith.addi %scan3A_48, %scan3A_49 : i32
      %scan3A_51 = arith.constant 1 : i32
      scf.for %scan3A_53 = %scan3A_48 to %scan3A_50 step %scan3A_51  : i32 {
        %mul3A_54 = arith.constant 16 : i32
        %mul3A_55 = arith.muli %scan3A_35, %mul3A_54 : i32
        %add3A_56 = arith.addi %mul3A_55, %scan3A_53 : i32
        %broadcast_in_dim3A = vector.broadcast %scan3A_53 : i32 to vector<16xi32>
        %lt3A = arith.constant 0 : i32
        %lt3A_57 = vector.broadcast %lt3A : i32 to vector<16xi32>
        %lt3A_58 = arith.cmpi slt, %broadcast_in_dim3A, %lt3A_57 : vector<16xi32>
        %add3A_59 = arith.constant 16 : i32
        %add3A_60 = vector.broadcast %add3A_59 : i32 to vector<16xi32>
        %add3A_61 = arith.addi %broadcast_in_dim3A, %add3A_60 : vector<16xi32>
        %select_n3A_62 = arith.select %lt3A_58, %add3A_61, %broadcast_in_dim3A : vector<16xi1>, vector<16xi32>
        %reshape3A = vector.shape_cast %select_n3A_62 : vector<16xi32> to vector<16x1xi32>
        %gather3A = vector.shape_cast %reshape3A : vector<16x1xi32> to vector<16xi32>
        %gather3A_63 = tpu.dynamic_gather %get3A_39[%gather3A] in [0] : vector<16xf32>, vector<16xi32> -> vector<16xf32>
        %lt3A_64 = arith.constant 0 : i32
        %lt3A_65 = vector.broadcast %lt3A_64 : i32 to vector<16xi32>
        %lt3A_66 = arith.cmpi slt, %broadcast_in_dim3A, %lt3A_65 : vector<16xi32>
        %add3A_67 = arith.constant 16 : i32
        %add3A_68 = vector.broadcast %add3A_67 : i32 to vector<16xi32>
        %add3A_69 = arith.addi %broadcast_in_dim3A, %add3A_68 : vector<16xi32>
        %select_n3A_70 = arith.select %lt3A_66, %add3A_69, %broadcast_in_dim3A : vector<16xi1>, vector<16xi32>
        %reshape3A_71 = vector.shape_cast %select_n3A_70 : vector<16xi32> to vector<16x1xi32>
        %gather3A_72 = vector.shape_cast %reshape3A_71 : vector<16x1xi32> to vector<16xi32>
        %gather3A_73 = tpu.dynamic_gather %get3A_43[%gather3A_72] in [0] : vector<16xf32>, vector<16xi32> -> vector<16xf32>
        %lt3A_74 = arith.constant 0 : i32
        %lt3A_75 = vector.broadcast %lt3A_74 : i32 to vector<16xi32>
        %lt3A_76 = arith.cmpi slt, %broadcast_in_dim3A, %lt3A_75 : vector<16xi32>
        %add3A_77 = arith.constant 16 : i32
        %add3A_78 = vector.broadcast %add3A_77 : i32 to vector<16xi32>
        %add3A_79 = arith.addi %broadcast_in_dim3A, %add3A_78 : vector<16xi32>
        %select_n3A_80 = arith.select %lt3A_76, %add3A_79, %broadcast_in_dim3A : vector<16xi1>, vector<16xi32>
        %reshape3A_81 = vector.shape_cast %select_n3A_80 : vector<16xi32> to vector<16x1xi32>
        %gather3A_82 = vector.shape_cast %reshape3A_81 : vector<16x1xi32> to vector<16xi32>
        %gather3A_83 = tpu.dynamic_gather %get3A_47[%gather3A_82] in [0] : vector<16xf32>, vector<16xi32> -> vector<16xf32>
        %mul3A_84 = arith.mulf %gather3A_63, %gather3A_63 : vector<16xf32>
        %mul3A_85 = arith.mulf %gather3A_73, %gather3A_73 : vector<16xf32>
        %add3A_86 = arith.addf %mul3A_84, %mul3A_85 : vector<16xf32>
        %mul3A_87 = arith.mulf %gather3A_83, %gather3A_83 : vector<16xf32>
        %add3A_88 = arith.addf %add3A_86, %mul3A_87 : vector<16xf32>
        %bitcast3A = vector.bitcast %gather3A_63 : vector<16xf32> to vector<16xi32>
        %add3A_89 = arith.constant 32767 : i32
        %add3A_90 = vector.broadcast %add3A_89 : i32 to vector<16xi32>
        %add3A_91 = arith.addi %bitcast3A, %add3A_90 : vector<16xi32>
        %shift_right_arithmetic3A = arith.constant 16 : i32
        %shift_right_arithmetic3A_92 = vector.broadcast %shift_right_arithmetic3A : i32 to vector<16xi32>
        %shift_right_arithmetic3A_93 = arith.shrsi %bitcast3A, %shift_right_arithmetic3A_92 : vector<16xi32>
        %and3A_94 = arith.constant 1 : i32
        %and3A_95 = vector.broadcast %and3A_94 : i32 to vector<16xi32>
        %and3A_96 = arith.andi %shift_right_arithmetic3A_93, %and3A_95 : vector<16xi32>
        %add3A_97 = arith.addi %add3A_91, %and3A_96 : vector<16xi32>
        %and3A_98 = arith.constant -65536 : i32
        %and3A_99 = vector.broadcast %and3A_98 : i32 to vector<16xi32>
        %and3A_100 = arith.andi %add3A_97, %and3A_99 : vector<16xi32>
        %bitcast3A_101 = vector.bitcast %and3A_100 : vector<16xi32> to vector<16xf32>
        %bitcast3A_102 = vector.bitcast %gather3A_73 : vector<16xf32> to vector<16xi32>
        %add3A_103 = arith.constant 32767 : i32
        %add3A_104 = vector.broadcast %add3A_103 : i32 to vector<16xi32>
        %add3A_105 = arith.addi %bitcast3A_102, %add3A_104 : vector<16xi32>
        %shift_right_arithmetic3A_106 = arith.constant 16 : i32
        %shift_right_arithmetic3A_107 = vector.broadcast %shift_right_arithmetic3A_106 : i32 to vector<16xi32>
        %shift_right_arithmetic3A_108 = arith.shrsi %bitcast3A_102, %shift_right_arithmetic3A_107 : vector<16xi32>
        %and3A_109 = arith.constant 1 : i32
        %and3A_110 = vector.broadcast %and3A_109 : i32 to vector<16xi32>
        %and3A_111 = arith.andi %shift_right_arithmetic3A_108, %and3A_110 : vector<16xi32>
        %add3A_112 = arith.addi %add3A_105, %and3A_111 : vector<16xi32>
        %and3A_113 = arith.constant -65536 : i32
        %and3A_114 = vector.broadcast %and3A_113 : i32 to vector<16xi32>
        %and3A_115 = arith.andi %add3A_112, %and3A_114 : vector<16xi32>
        %bitcast3A_116 = vector.bitcast %and3A_115 : vector<16xi32> to vector<16xf32>
        %bitcast3A_117 = vector.bitcast %gather3A_83 : vector<16xf32> to vector<16xi32>
        %add3A_118 = arith.constant 32767 : i32
        %add3A_119 = vector.broadcast %add3A_118 : i32 to vector<16xi32>
        %add3A_120 = arith.addi %bitcast3A_117, %add3A_119 : vector<16xi32>
        %shift_right_arithmetic3A_121 = arith.constant 16 : i32
        %shift_right_arithmetic3A_122 = vector.broadcast %shift_right_arithmetic3A_121 : i32 to vector<16xi32>
        %shift_right_arithmetic3A_123 = arith.shrsi %bitcast3A_117, %shift_right_arithmetic3A_122 : vector<16xi32>
        %and3A_124 = arith.constant 1 : i32
        %and3A_125 = vector.broadcast %and3A_124 : i32 to vector<16xi32>
        %and3A_126 = arith.andi %shift_right_arithmetic3A_123, %and3A_125 : vector<16xi32>
        %add3A_127 = arith.addi %add3A_120, %and3A_126 : vector<16xi32>
        %and3A_128 = arith.constant -65536 : i32
        %and3A_129 = vector.broadcast %and3A_128 : i32 to vector<16xi32>
        %and3A_130 = arith.andi %add3A_127, %and3A_129 : vector<16xi32>
        %bitcast3A_131 = vector.bitcast %and3A_130 : vector<16xi32> to vector<16xf32>
        %mul3A_132 = arith.constant 64 : i32
        %mul3A_133 = arith.muli %add3A_56, %mul3A_132 : i32
        %scan3A_134 = arith.constant 0 : i32
        %scan3A_135 = arith.constant 0 : i32
        %scan3A_136 = arith.constant 1024 : i32
        %scan3A_137 = arith.addi %scan3A_135, %scan3A_136 : i32
        %scan3A_138 = arith.constant 1 : i32
        %scan3A_139 = scf.for %scan3A_217 = %scan3A_135 to %scan3A_137 step %scan3A_138 iter_args(%scan3A_218 = %scan3A_134) -> (i32)  : i32 {
          %mul3A_219 = arith.constant 16 : i32
          %mul3A_220 = arith.muli %scan3A_217, %mul3A_219 : i32
          %get3A_221 = arith.index_cast %mul3A_220 : i32 to index
          %get3A_222 = tpu.vector_load %arg10[%get3A_221] {strides = array<i32>} : memref<16384xf32, #tpu.memory_space<vmem>>, vector<16xf32>,
          %get3A_223 = arith.index_cast %mul3A_220 : i32 to index
          %get3A_224 = tpu.vector_load %arg11[%get3A_223] {strides = array<i32>} : memref<16384xf32, #tpu.memory_space<vmem>>, vector<16xf32>,
          %get3A_225 = arith.index_cast %mul3A_220 : i32 to index
          %get3A_226 = tpu.vector_load %arg12[%get3A_225] {strides = array<i32>} : memref<16384xf32, #tpu.memory_space<vmem>>, vector<16xf32>,
          %get3A_227 = arith.index_cast %mul3A_220 : i32 to index
          %get3A_228 = tpu.vector_load %arg13[%get3A_227] {strides = array<i32>} : memref<16384xf32, #tpu.memory_space<vmem>>, vector<16xf32>,
          %mul3A_229 = arith.mulf %bitcast3A_101, %get3A_222 : vector<16xf32>
          %mul3A_230 = arith.mulf %bitcast3A_116, %get3A_224 : vector<16xf32>
          %add3A_231 = arith.addf %mul3A_229, %mul3A_230 : vector<16xf32>
          %mul3A_232 = arith.mulf %bitcast3A_131, %get3A_226 : vector<16xf32>
          %add3A_233 = arith.addf %add3A_231, %mul3A_232 : vector<16xf32>
          %add3A_234 = arith.addf %add3A_88, %get3A_228 : vector<16xf32>
          %mul3A_235 = arith.constant 2.000000e+00 : f32
          %mul3A_236 = vector.broadcast %mul3A_235 : f32 to vector<16xf32>
          %mul3A_237 = arith.mulf %mul3A_236, %add3A_233 : vector<16xf32>
          %sub3A_238 = arith.subf %add3A_234, %mul3A_237 : vector<16xf32>
          %le3A = vector.broadcast %squeeze3A : f32 to vector<16xf32>
          %le3A_239 = arith.cmpf ole, %sub3A_238, %le3A : vector<16xf32>
          %lt3A_240 = arith.constant 64 : i32
          %lt3A_241 = arith.cmpi slt, %scan3A_218, %lt3A_240 : i32
          %and3A_242 = vector.broadcast %lt3A_241 : i1 to vector<16xi1>
          %and3A_243 = arith.andi %le3A_239, %and3A_242 : vector<16xi1>
          %add3A_244 = arith.addi %mul3A_220, %mul3A_21 : i32
          %add3A_245 = vector.broadcast %add3A_244 : i32 to vector<16xi32>
          %add3A_246 = arith.addi %iota3A, %add3A_245 : vector<16xi32>
          %add3A_247 = arith.addi %mul3A_133, %scan3A_218 : i32
          %swap3A_248 = arith.index_cast %add3A_247 : i32 to index
          %swap3A_249 = tpu.vector_load %arg17[%swap3A_248] masked %and3A_243 {strides = array<i32>} : memref<8208xi32, #tpu.memory_space<vmem>>, vector<16xi32>, vector<16xi1>
          tpu.vector_store %arg17[%swap3A_248], %add3A_246 masked %and3A_243 {strides = array<i32>} : memref<8208xi32, #tpu.memory_space<vmem>>, vector<16xi32>, vector<16xi1>
          %convert_element_type3A = arith.extui %and3A_243 : vector<16xi1> to vector<16xi32>
          %reduce_sum3A = arith.constant true
          %reduce_sum3A_250 = vector.broadcast %reduce_sum3A : i1 to vector<16xi1>
          %reduce_sum3A_251 = tpu.scan <sum>, %convert_element_type3A masked %reduce_sum3A_250 : vector<16xi32>, vector<16xi1> -> vector<16xi32>
          %reduce_sum3A_252 = vector.extract %reduce_sum3A_251[15] : i32 from vector<16xi32>
          %add3A_253 = arith.addi %scan3A_218, %reduce_sum3A_252 : i32
          scf.yield %add3A_253 : i32
        }
        %scan3A_140 = arith.constant 1024 : i32
        %get3A_141 = arith.index_cast %mul3A_133 : i32 to index
        %get3A_142 = tpu.vector_load %arg17[%get3A_141] {strides = array<i32>} : memref<8208xi32, #tpu.memory_space<vmem>>, vector<16xi32>,
        %broadcast_in_dim3A_143 = arith.constant 0 : i32
        %broadcast_in_dim3A_144 = vector.broadcast %broadcast_in_dim3A_143 : i32 to vector<16xi32>
        %lt3A_145 = arith.constant 0 : i32
        %lt3A_146 = vector.broadcast %lt3A_145 : i32 to vector<16xi32>
        %lt3A_147 = arith.cmpi slt, %broadcast_in_dim3A_144, %lt3A_146 : vector<16xi32>
        %add3A_148 = arith.constant 16 : i32
        %add3A_149 = vector.broadcast %add3A_148 : i32 to vector<16xi32>
        %add3A_150 = arith.addi %broadcast_in_dim3A_144, %add3A_149 : vector<16xi32>
        %select_n3A_151 = arith.select %lt3A_147, %add3A_150, %broadcast_in_dim3A_144 : vector<16xi1>, vector<16xi32>
        %reshape3A_152 = vector.shape_cast %select_n3A_151 : vector<16xi32> to vector<16x1xi32>
        %gather3A_153 = vector.shape_cast %reshape3A_152 : vector<16x1xi32> to vector<16xi32>
        %gather3A_154 = tpu.dynamic_gather %get3A_142[%gather3A_153] in [0] : vector<16xi32>, vector<16xi32> -> vector<16xi32>
        %gt3A = arith.constant 0 : i32
        %gt3A_155 = arith.cmpi sgt, %scan3A_139, %gt3A : i32
        %add3A_156 = arith.constant 16384 : i32
        %add3A_157 = arith.addi %mul3A_21, %add3A_156 : i32
        %sub3A_158 = arith.constant 1 : i32
        %sub3A_159 = arith.subi %add3A_157, %sub3A_158 : i32
        %broadcast_in_dim3A_160 = vector.broadcast %sub3A_159 : i32 to vector<16xi32>
        %select_n3A_161 = arith.select %gt3A_155, %gather3A_154, %broadcast_in_dim3A_160 : vector<16xi32>
        %add3A_162 = arith.constant 0 : i32
        %add3A_163 = vector.broadcast %add3A_162 : i32 to vector<16xi32>
        %add3A_164 = arith.addi %iota3A, %add3A_163 : vector<16xi32>
        %add3A_165 = arith.constant 0 : i32
        %add3A_166 = arith.addi %mul3A_133, %add3A_165 : i32
        %get3A_167 = arith.index_cast %add3A_166 : i32 to index
        %get3A_168 = tpu.vector_load %arg17[%get3A_167] {strides = array<i32>} : memref<8208xi32, #tpu.memory_space<vmem>>, vector<16xi32>,
        %lt3A_169 = vector.broadcast %scan3A_139 : i32 to vector<16xi32>
        %lt3A_170 = arith.cmpi slt, %add3A_164, %lt3A_169 : vector<16xi32>
        %select_n3A_171 = arith.select %lt3A_170, %get3A_168, %select_n3A_161 : vector<16xi1>, vector<16xi32>
        %add3A_172 = arith.constant 0 : i32
        %add3A_173 = arith.addi %mul3A_133, %add3A_172 : i32
        %swap3A = arith.index_cast %add3A_173 : i32 to index
        %swap3A_174 = tpu.vector_load %arg17[%swap3A] {strides = array<i32>} : memref<8208xi32, #tpu.memory_space<vmem>>, vector<16xi32>,
        tpu.vector_store %arg17[%swap3A], %select_n3A_171 {strides = array<i32>} : memref<8208xi32, #tpu.memory_space<vmem>>, vector<16xi32>,
        %add3A_175 = arith.constant 16 : i32
        %add3A_176 = vector.broadcast %add3A_175 : i32 to vector<16xi32>
        %add3A_177 = arith.addi %iota3A, %add3A_176 : vector<16xi32>
        %add3A_178 = arith.constant 16 : i32
        %add3A_179 = arith.addi %mul3A_133, %add3A_178 : i32
        %get3A_180 = arith.index_cast %add3A_179 : i32 to index
        %get3A_181 = tpu.vector_load %arg17[%get3A_180] {strides = array<i32>} : memref<8208xi32, #tpu.memory_space<vmem>>, vector<16xi32>,
        %lt3A_182 = vector.broadcast %scan3A_139 : i32 to vector<16xi32>
        %lt3A_183 = arith.cmpi slt, %add3A_177, %lt3A_182 : vector<16xi32>
        %select_n3A_184 = arith.select %lt3A_183, %get3A_181, %select_n3A_161 : vector<16xi1>, vector<16xi32>
        %add3A_185 = arith.constant 16 : i32
        %add3A_186 = arith.addi %mul3A_133, %add3A_185 : i32
        %swap3A_187 = arith.index_cast %add3A_186 : i32 to index
        %swap3A_188 = tpu.vector_load %arg17[%swap3A_187] {strides = array<i32>} : memref<8208xi32, #tpu.memory_space<vmem>>, vector<16xi32>,
        tpu.vector_store %arg17[%swap3A_187], %select_n3A_184 {strides = array<i32>} : memref<8208xi32, #tpu.memory_space<vmem>>, vector<16xi32>,
        %add3A_189 = arith.constant 32 : i32
        %add3A_190 = vector.broadcast %add3A_189 : i32 to vector<16xi32>
        %add3A_191 = arith.addi %iota3A, %add3A_190 : vector<16xi32>
        %add3A_192 = arith.constant 32 : i32
        %add3A_193 = arith.addi %mul3A_133, %add3A_192 : i32
        %get3A_194 = arith.index_cast %add3A_193 : i32 to index
        %get3A_195 = tpu.vector_load %arg17[%get3A_194] {strides = array<i32>} : memref<8208xi32, #tpu.memory_space<vmem>>, vector<16xi32>,
        %lt3A_196 = vector.broadcast %scan3A_139 : i32 to vector<16xi32>
        %lt3A_197 = arith.cmpi slt, %add3A_191, %lt3A_196 : vector<16xi32>
        %select_n3A_198 = arith.select %lt3A_197, %get3A_195, %select_n3A_161 : vector<16xi1>, vector<16xi32>
        %add3A_199 = arith.constant 32 : i32
        %add3A_200 = arith.addi %mul3A_133, %add3A_199 : i32
        %swap3A_201 = arith.index_cast %add3A_200 : i32 to index
        %swap3A_202 = tpu.vector_load %arg17[%swap3A_201] {strides = array<i32>} : memref<8208xi32, #tpu.memory_space<vmem>>, vector<16xi32>,
        tpu.vector_store %arg17[%swap3A_201], %select_n3A_198 {strides = array<i32>} : memref<8208xi32, #tpu.memory_space<vmem>>, vector<16xi32>,
        %add3A_203 = arith.constant 48 : i32
        %add3A_204 = vector.broadcast %add3A_203 : i32 to vector<16xi32>
        %add3A_205 = arith.addi %iota3A, %add3A_204 : vector<16xi32>
        %add3A_206 = arith.constant 48 : i32
        %add3A_207 = arith.addi %mul3A_133, %add3A_206 : i32
        %get3A_208 = arith.index_cast %add3A_207 : i32 to index
        %get3A_209 = tpu.vector_load %arg17[%get3A_208] {strides = array<i32>} : memref<8208xi32, #tpu.memory_space<vmem>>, vector<16xi32>,
        %lt3A_210 = vector.broadcast %scan3A_139 : i32 to vector<16xi32>
        %lt3A_211 = arith.cmpi slt, %add3A_205, %lt3A_210 : vector<16xi32>
        %select_n3A_212 = arith.select %lt3A_211, %get3A_209, %select_n3A_161 : vector<16xi1>, vector<16xi32>
        %add3A_213 = arith.constant 48 : i32
        %add3A_214 = arith.addi %mul3A_133, %add3A_213 : i32
        %swap3A_215 = arith.index_cast %add3A_214 : i32 to index
        %swap3A_216 = tpu.vector_load %arg17[%swap3A_215] {strides = array<i32>} : memref<8208xi32, #tpu.memory_space<vmem>>, vector<16xi32>,
        tpu.vector_store %arg17[%swap3A_215], %select_n3A_212 {strides = array<i32>} : memref<8208xi32, #tpu.memory_space<vmem>>, vector<16xi32>,
      }
      %scan3A_52 = arith.constant 16 : i32
    }
    %scan3A_32 = arith.constant 8 : i32
    %mul3A_33 = arith.constant 64 : i32
    %mul3A_34 = arith.muli %mul3A_3, %mul3A_33 : i32
    "tpu.region"() ({
      %run_scoped3A = tpu.sem_alloc : memref<!tpu.dma_semaphore, #tpu.memory_space<semaphore_mem>>
      %dma_start3A = arith.constant 0 : i32
      %dma_start3A_35 = tpu.memref_slice %arg17[%dma_start3A] : memref<8208xi32, #tpu.memory_space<vmem>> -> memref<8192xi32, #tpu.memory_space<vmem>>
      %dma_start3A_36 = tpu.memref_slice %arg9[%mul3A_34] : memref<262144xi32, #tpu.memory_space<hbm>> -> memref<8192xi32, #tpu.memory_space<hbm>>
      %dma_start3A_37 = tpu.memref_slice %arg9[%mul3A_34] : memref<262144xi32, #tpu.memory_space<hbm>> -> memref<8192xi32, #tpu.memory_space<hbm>>
      %dma_start3A_38 = arith.constant 0 : i32
      %dma_start3A_39 = tpu.memref_slice %arg17[%dma_start3A_38] : memref<8208xi32, #tpu.memory_space<vmem>> -> memref<8192xi32, #tpu.memory_space<vmem>>
      tpu.enqueue_dma source(%dma_start3A_39 : memref<8192xi32, #tpu.memory_space<vmem>>) target(%dma_start3A_37 : memref<8192xi32, #tpu.memory_space<hbm>>) target_semaphore(%run_scoped3A : memref<!tpu.dma_semaphore, #tpu.memory_space<semaphore_mem>>)
      %dma_wait3A = arith.constant 0 : i32
      %dma_wait3A_40 = tpu.memref_slice %arg17[%dma_wait3A] : memref<8208xi32, #tpu.memory_space<vmem>> -> memref<8192xi32, #tpu.memory_space<vmem>>
      %dma_wait3A_41 = tpu.memref_slice %arg9[%mul3A_34] : memref<262144xi32, #tpu.memory_space<hbm>> -> memref<8192xi32, #tpu.memory_space<hbm>>
      %dma_wait3A_42 = tpu.memref_slice %arg9[%mul3A_34] : memref<262144xi32, #tpu.memory_space<hbm>> -> memref<8192xi32, #tpu.memory_space<hbm>>
      %dma_wait3A_43 = arith.constant 0 : i32
      %dma_wait3A_44 = tpu.memref_slice %arg17[%dma_wait3A_43] : memref<8208xi32, #tpu.memory_space<vmem>> -> memref<8192xi32, #tpu.memory_space<vmem>>
      tpu.wait_dma2 semaphore(%run_scoped3A : memref<!tpu.dma_semaphore, #tpu.memory_space<semaphore_mem>>) src(%dma_wait3A_44 : memref<8192xi32, #tpu.memory_space<vmem>>) dst(%dma_wait3A_42 : memref<8192xi32, #tpu.memory_space<hbm>>)
      tpu.yield
    }) : () -> ()
    return
  }
}

#map = affine_map<(d0, d1) -> (0, 0)>
module attributes {stable_mosaic.version = 14 : i64} {
  func.func @gk(%arg0: i32, %arg1: i32, %arg2: memref<4096x128xf32, #tpu.memory_space<hbm>>, %arg3: memref<512x128xi32, #tpu.memory_space<hbm>>, %arg4: memref<65536x128xf32, #tpu.memory_space<hbm>>, %arg5: memref<16x128xi32, #tpu.memory_space<vmem>>, %arg6: memref<128x128xf32, #tpu.memory_space<vmem>>, %arg7: memref<!tpu.dma_semaphore, #tpu.memory_space<semaphore_mem>>) attributes {dimension_semantics = [#tpu.dimension_semantics<core_parallel>, #tpu.dimension_semantics<subcore_parallel>], iteration_bounds = array<i64: 2, 16>, scalar_prefetch = 0 : i64, scratch_operands = 3 : i64, tpu.core_type = #tpu.core_type<sc_vector_subcore>, window_params = [{transform_indices = #map}, {transform_indices = #map}, {transform_indices = #map}]} {
    %mul3A = arith.constant 2 : i32
    %mul3A_0 = arith.muli %arg1, %mul3A : i32
    %add3A = arith.addi %mul3A_0, %arg0 : i32
    %mul3A_1 = arith.constant 16 : i32
    %mul3A_2 = arith.muli %add3A, %mul3A_1 : i32
    "tpu.region"() ({
      %run_scoped3A = tpu.sem_alloc : memref<!tpu.dma_semaphore, #tpu.memory_space<semaphore_mem>>
      %dma_start3A = arith.constant 0 : i32
      %dma_start3A_8 = tpu.memref_slice %arg3[%mul3A_2, %dma_start3A] : memref<512x128xi32, #tpu.memory_space<hbm>> -> memref<16x128xi32, #tpu.memory_space<hbm>>
      %dma_start3A_9 = arith.constant 0 : i32
      %dma_start3A_10 = tpu.memref_slice %arg3[%mul3A_2, %dma_start3A_9] : memref<512x128xi32, #tpu.memory_space<hbm>> -> memref<16x128xi32, #tpu.memory_space<hbm>>
      tpu.enqueue_dma source(%dma_start3A_10 : memref<16x128xi32, #tpu.memory_space<hbm>>) target(%arg5 : memref<16x128xi32, #tpu.memory_space<vmem>>) target_semaphore(%run_scoped3A : memref<!tpu.dma_semaphore, #tpu.memory_space<semaphore_mem>>)
      %dma_wait3A = arith.constant 0 : i32
      %dma_wait3A_11 = tpu.memref_slice %arg3[%mul3A_2, %dma_wait3A] : memref<512x128xi32, #tpu.memory_space<hbm>> -> memref<16x128xi32, #tpu.memory_space<hbm>>
      %dma_wait3A_12 = arith.constant 0 : i32
      %dma_wait3A_13 = tpu.memref_slice %arg3[%mul3A_2, %dma_wait3A_12] : memref<512x128xi32, #tpu.memory_space<hbm>> -> memref<16x128xi32, #tpu.memory_space<hbm>>
      tpu.wait_dma2 semaphore(%run_scoped3A : memref<!tpu.dma_semaphore, #tpu.memory_space<semaphore_mem>>) src(%dma_wait3A_13 : memref<16x128xi32, #tpu.memory_space<hbm>>) dst(%arg5 : memref<16x128xi32, #tpu.memory_space<vmem>>)
      tpu.yield
    }) : () -> ()
    %scan3A = arith.constant 0 : i32
    %scan3A_3 = arith.constant 0 : i32
    %scan3A_4 = arith.constant 16 : i32
    %scan3A_5 = arith.addi %scan3A_3, %scan3A_4 : i32
    %scan3A_6 = arith.constant 1 : i32
    scf.for %scan3A_8 = %scan3A_3 to %scan3A_5 step %scan3A_6  : i32 {
      %dma_start3A = arith.constant 0 : i32
      %dma_start3A_9 = tpu.memref_slice %arg5[%scan3A_8, %dma_start3A] : memref<16x128xi32, #tpu.memory_space<vmem>> -> memref<1x128xi32, #tpu.memory_space<vmem>>
      %dma_start3A_10 = tpu.memref_squeeze %dma_start3A_9 : memref<1x128xi32, #tpu.memory_space<vmem>> -> memref<128xi32, #tpu.memory_space<vmem>>
      %dma_start3A_11 = arith.constant 0 : i32
      %dma_start3A_12 = arith.constant 0 : i32
      %dma_start3A_13 = tpu.memref_slice %arg2[%dma_start3A_11, %dma_start3A_12] : memref<4096x128xf32, #tpu.memory_space<hbm>> -> memref<4096x128xf32, #tpu.memory_space<hbm>>
      tpu.enqueue_indirect_dma source(%dma_start3A_13 : memref<4096x128xf32, #tpu.memory_space<hbm>>) target(%arg6 : memref<128x128xf32, #tpu.memory_space<vmem>>) offsets(%dma_start3A_10 : memref<128xi32, #tpu.memory_space<vmem>>) semaphore(%arg7 : memref<!tpu.dma_semaphore, #tpu.memory_space<semaphore_mem>>)
      %dma_wait3A = arith.constant 0 : i32
      %dma_wait3A_14 = tpu.memref_slice %arg5[%scan3A_8, %dma_wait3A] : memref<16x128xi32, #tpu.memory_space<vmem>> -> memref<1x128xi32, #tpu.memory_space<vmem>>
      %dma_wait3A_15 = tpu.memref_squeeze %dma_wait3A_14 : memref<1x128xi32, #tpu.memory_space<vmem>> -> memref<128xi32, #tpu.memory_space<vmem>>
      %dma_wait3A_16 = arith.constant 0 : i32
      %dma_wait3A_17 = arith.constant 0 : i32
      %dma_wait3A_18 = tpu.memref_slice %arg2[%dma_wait3A_16, %dma_wait3A_17] : memref<4096x128xf32, #tpu.memory_space<hbm>> -> memref<4096x128xf32, #tpu.memory_space<hbm>>
      tpu.wait_indirect_dma semaphore(%arg7 : memref<!tpu.dma_semaphore, #tpu.memory_space<semaphore_mem>>) src(%dma_wait3A_18 : memref<4096x128xf32, #tpu.memory_space<hbm>>) dst(%arg6 : memref<128x128xf32, #tpu.memory_space<vmem>>)
      %mul3A_19 = arith.constant 2048 : i32
      %mul3A_20 = arith.muli %add3A, %mul3A_19 : i32
      %mul3A_21 = arith.constant 128 : i32
      %mul3A_22 = arith.muli %scan3A_8, %mul3A_21 : i32
      %add3A_23 = arith.addi %mul3A_20, %mul3A_22 : i32
      "tpu.region"() ({
        %run_scoped3A = tpu.sem_alloc : memref<!tpu.dma_semaphore, #tpu.memory_space<semaphore_mem>>
        %dma_start3A_24 = arith.constant 0 : i32
        %dma_start3A_25 = tpu.memref_slice %arg4[%add3A_23, %dma_start3A_24] : memref<65536x128xf32, #tpu.memory_space<hbm>> -> memref<128x128xf32, #tpu.memory_space<hbm>>
        %dma_start3A_26 = arith.constant 0 : i32
        %dma_start3A_27 = tpu.memref_slice %arg4[%add3A_23, %dma_start3A_26] : memref<65536x128xf32, #tpu.memory_space<hbm>> -> memref<128x128xf32, #tpu.memory_space<hbm>>
        tpu.enqueue_dma source(%arg6 : memref<128x128xf32, #tpu.memory_space<vmem>>) target(%dma_start3A_27 : memref<128x128xf32, #tpu.memory_space<hbm>>) target_semaphore(%run_scoped3A : memref<!tpu.dma_semaphore, #tpu.memory_space<semaphore_mem>>)
        %dma_wait3A_28 = arith.constant 0 : i32
        %dma_wait3A_29 = tpu.memref_slice %arg4[%add3A_23, %dma_wait3A_28] : memref<65536x128xf32, #tpu.memory_space<hbm>> -> memref<128x128xf32, #tpu.memory_space<hbm>>
        %dma_wait3A_30 = arith.constant 0 : i32
        %dma_wait3A_31 = tpu.memref_slice %arg4[%add3A_23, %dma_wait3A_30] : memref<65536x128xf32, #tpu.memory_space<hbm>> -> memref<128x128xf32, #tpu.memory_space<hbm>>
        tpu.wait_dma2 semaphore(%run_scoped3A : memref<!tpu.dma_semaphore, #tpu.memory_space<semaphore_mem>>) src(%arg6 : memref<128x128xf32, #tpu.memory_space<vmem>>) dst(%dma_wait3A_31 : memref<128x128xf32, #tpu.memory_space<hbm>>)
        tpu.yield
      }) : () -> ()
    }
    %scan3A_7 = arith.constant 16 : i32
    return
  }
}

#map = affine_map<(d0, d1) -> (0)>
module attributes {stable_mosaic.version = 14 : i64} {
  func.func @_rewritten_body(%arg0: i32, %arg1: i32, %arg2: memref<4096xf32, #tpu.memory_space<hbm>>, %arg3: memref<4096xf32, #tpu.memory_space<hbm>>, %arg4: memref<4096xf32, #tpu.memory_space<hbm>>, %arg5: memref<2048xf32, #tpu.memory_space<hbm>>, %arg6: memref<2048xf32, #tpu.memory_space<hbm>>, %arg7: memref<2048xf32, #tpu.memory_space<hbm>>, %arg8: memref<1xf32, #tpu.memory_space<hbm>>, %arg9: memref<65536xi32, #tpu.memory_space<hbm>>, %arg10: memref<2048xf32, #tpu.memory_space<vmem>>, %arg11: memref<2048xf32, #tpu.memory_space<vmem>>, %arg12: memref<2048xf32, #tpu.memory_space<vmem>>, %arg13: memref<2048xf32, #tpu.memory_space<vmem>>, %arg14: memref<64xf32, #tpu.memory_space<vmem>>, %arg15: memref<64xf32, #tpu.memory_space<vmem>>, %arg16: memref<64xf32, #tpu.memory_space<vmem>>, %arg17: memref<2064xi32, #tpu.memory_space<vmem>>) attributes {dimension_semantics = [#tpu.dimension_semantics<core_parallel>, #tpu.dimension_semantics<subcore_parallel>], iteration_bounds = array<i64: 2, 16>, scalar_prefetch = 0 : i64, scratch_operands = 8 : i64, tpu.core_type = #tpu.core_type<sc_vector_subcore>, window_params = [{transform_indices = #map}, {transform_indices = #map}, {transform_indices = #map}, {transform_indices = #map}, {transform_indices = #map}, {transform_indices = #map}, {transform_indices = #map}, {transform_indices = #map}]} {
    %empty_ref3A = memref.alloca() : memref<16xf32, #tpu.memory_space<vmem>>
    "tpu.region"() ({
      %run_scoped3A = tpu.sem_alloc : memref<!tpu.dma_semaphore, #tpu.memory_space<semaphore_mem>>
      %dma_start3A = arith.constant 0 : i32
      %dma_start3A_35 = tpu.memref_slice %empty_ref3A[%dma_start3A] : memref<16xf32, #tpu.memory_space<vmem>> -> memref<1xf32, #tpu.memory_space<vmem>>
      %dma_start3A_36 = arith.constant 0 : i32
      %dma_start3A_37 = tpu.memref_slice %empty_ref3A[%dma_start3A_36] : memref<16xf32, #tpu.memory_space<vmem>> -> memref<1xf32, #tpu.memory_space<vmem>>
      tpu.enqueue_dma source(%arg8 : memref<1xf32, #tpu.memory_space<hbm>>) target(%dma_start3A_37 : memref<1xf32, #tpu.memory_space<vmem>>) target_semaphore(%run_scoped3A : memref<!tpu.dma_semaphore, #tpu.memory_space<semaphore_mem>>)
      %dma_wait3A = arith.constant 0 : i32
      %dma_wait3A_38 = tpu.memref_slice %empty_ref3A[%dma_wait3A] : memref<16xf32, #tpu.memory_space<vmem>> -> memref<1xf32, #tpu.memory_space<vmem>>
      %dma_wait3A_39 = arith.constant 0 : i32
      %dma_wait3A_40 = tpu.memref_slice %empty_ref3A[%dma_wait3A_39] : memref<16xf32, #tpu.memory_space<vmem>> -> memref<1xf32, #tpu.memory_space<vmem>>
      tpu.wait_dma2 semaphore(%run_scoped3A : memref<!tpu.dma_semaphore, #tpu.memory_space<semaphore_mem>>) src(%arg8 : memref<1xf32, #tpu.memory_space<hbm>>) dst(%dma_wait3A_40 : memref<1xf32, #tpu.memory_space<vmem>>)
      tpu.yield
    }) : () -> ()
    %get3A = arith.constant 0 : index
    %get3A_0 = tpu.vector_load %empty_ref3A[%get3A] {strides = array<i32>} : memref<16xf32, #tpu.memory_space<vmem>>, vector<16xf32>,
    %slice3A = vector.extract_strided_slice %get3A_0 {offsets = [0], sizes = [1], strides = [1]} : vector<16xf32> to vector<1xf32>
    %squeeze3A = vector.extract %slice3A[0] : f32 from vector<1xf32>
    %mul3A = arith.constant 2 : i32
    %mul3A_1 = arith.muli %arg1, %mul3A : i32
    %add3A = arith.addi %mul3A_1, %arg0 : i32
    %mul3A_2 = arith.constant 64 : i32
    %mul3A_3 = arith.muli %add3A, %mul3A_2 : i32
    %jit3A = arith.constant 1024 : i32
    %div3A = arith.divsi %mul3A_3, %jit3A : i32
    %sign3A = arith.constant 0 : i32
    %sign3A_4 = arith.cmpi sgt, %mul3A_3, %sign3A : i32
    %sign3A_5 = arith.extui %sign3A_4 : i1 to i32
    %sign3A_6 = arith.constant 0 : i32
    %sign3A_7 = arith.cmpi slt, %mul3A_3, %sign3A_6 : i32
    %sign3A_8 = arith.extui %sign3A_7 : i1 to i32
    %sign3A_9 = arith.subi %sign3A_5, %sign3A_8 : i32
    %sign3A_10 = arith.constant 0 : i32
    %sign3A_11 = arith.cmpi sgt, %jit3A, %sign3A_10 : i32
    %sign3A_12 = arith.extui %sign3A_11 : i1 to i32
    %sign3A_13 = arith.constant 0 : i32
    %sign3A_14 = arith.cmpi slt, %jit3A, %sign3A_13 : i32
    %sign3A_15 = arith.extui %sign3A_14 : i1 to i32
    %sign3A_16 = arith.subi %sign3A_12, %sign3A_15 : i32
    %ne3A = arith.cmpi ne, %sign3A_9, %sign3A_16 : i32
    %rem3A = arith.remsi %mul3A_3, %jit3A : i32
    %ne3A_17 = arith.constant 0 : i32
    %ne3A_18 = arith.cmpi ne, %rem3A, %ne3A_17 : i32
    %and3A = arith.andi %ne3A, %ne3A_18 : i1
    %sub3A = arith.constant 1 : i32
    %sub3A_19 = arith.subi %div3A, %sub3A : i32
    %select_n3A = arith.select %and3A, %sub3A_19, %div3A : i32
    %mul3A_20 = arith.constant 2048 : i32
    %mul3A_21 = arith.muli %select_n3A, %mul3A_20 : i32
    "tpu.region"() ({
      %run_scoped3A = tpu.sem_alloc : memref<!tpu.dma_semaphore, #tpu.memory_space<semaphore_mem>>
      %dma_start3A = tpu.memref_slice %arg2[%mul3A_21] : memref<4096xf32, #tpu.memory_space<hbm>> -> memref<2048xf32, #tpu.memory_space<hbm>>
      %dma_start3A_35 = tpu.memref_slice %arg2[%mul3A_21] : memref<4096xf32, #tpu.memory_space<hbm>> -> memref<2048xf32, #tpu.memory_space<hbm>>
      tpu.enqueue_dma source(%dma_start3A_35 : memref<2048xf32, #tpu.memory_space<hbm>>) target(%arg10 : memref<2048xf32, #tpu.memory_space<vmem>>) target_semaphore(%run_scoped3A : memref<!tpu.dma_semaphore, #tpu.memory_space<semaphore_mem>>)
      %dma_wait3A = tpu.memref_slice %arg2[%mul3A_21] : memref<4096xf32, #tpu.memory_space<hbm>> -> memref<2048xf32, #tpu.memory_space<hbm>>
      %dma_wait3A_36 = tpu.memref_slice %arg2[%mul3A_21] : memref<4096xf32, #tpu.memory_space<hbm>> -> memref<2048xf32, #tpu.memory_space<hbm>>
      tpu.wait_dma2 semaphore(%run_scoped3A : memref<!tpu.dma_semaphore, #tpu.memory_space<semaphore_mem>>) src(%dma_wait3A_36 : memref<2048xf32, #tpu.memory_space<hbm>>) dst(%arg10 : memref<2048xf32, #tpu.memory_space<vmem>>)
      tpu.yield
    }) : () -> ()
    "tpu.region"() ({
      %run_scoped3A = tpu.sem_alloc : memref<!tpu.dma_semaphore, #tpu.memory_space<semaphore_mem>>
      %dma_start3A = tpu.memref_slice %arg3[%mul3A_21] : memref<4096xf32, #tpu.memory_space<hbm>> -> memref<2048xf32, #tpu.memory_space<hbm>>
      %dma_start3A_35 = tpu.memref_slice %arg3[%mul3A_21] : memref<4096xf32, #tpu.memory_space<hbm>> -> memref<2048xf32, #tpu.memory_space<hbm>>
      tpu.enqueue_dma source(%dma_start3A_35 : memref<2048xf32, #tpu.memory_space<hbm>>) target(%arg11 : memref<2048xf32, #tpu.memory_space<vmem>>) target_semaphore(%run_scoped3A : memref<!tpu.dma_semaphore, #tpu.memory_space<semaphore_mem>>)
      %dma_wait3A = tpu.memref_slice %arg3[%mul3A_21] : memref<4096xf32, #tpu.memory_space<hbm>> -> memref<2048xf32, #tpu.memory_space<hbm>>
      %dma_wait3A_36 = tpu.memref_slice %arg3[%mul3A_21] : memref<4096xf32, #tpu.memory_space<hbm>> -> memref<2048xf32, #tpu.memory_space<hbm>>
      tpu.wait_dma2 semaphore(%run_scoped3A : memref<!tpu.dma_semaphore, #tpu.memory_space<semaphore_mem>>) src(%dma_wait3A_36 : memref<2048xf32, #tpu.memory_space<hbm>>) dst(%arg11 : memref<2048xf32, #tpu.memory_space<vmem>>)
      tpu.yield
    }) : () -> ()
    "tpu.region"() ({
      %run_scoped3A = tpu.sem_alloc : memref<!tpu.dma_semaphore, #tpu.memory_space<semaphore_mem>>
      %dma_start3A = tpu.memref_slice %arg4[%mul3A_21] : memref<4096xf32, #tpu.memory_space<hbm>> -> memref<2048xf32, #tpu.memory_space<hbm>>
      %dma_start3A_35 = tpu.memref_slice %arg4[%mul3A_21] : memref<4096xf32, #tpu.memory_space<hbm>> -> memref<2048xf32, #tpu.memory_space<hbm>>
      tpu.enqueue_dma source(%dma_start3A_35 : memref<2048xf32, #tpu.memory_space<hbm>>) target(%arg12 : memref<2048xf32, #tpu.memory_space<vmem>>) target_semaphore(%run_scoped3A : memref<!tpu.dma_semaphore, #tpu.memory_space<semaphore_mem>>)
      %dma_wait3A = tpu.memref_slice %arg4[%mul3A_21] : memref<4096xf32, #tpu.memory_space<hbm>> -> memref<2048xf32, #tpu.memory_space<hbm>>
      %dma_wait3A_36 = tpu.memref_slice %arg4[%mul3A_21] : memref<4096xf32, #tpu.memory_space<hbm>> -> memref<2048xf32, #tpu.memory_space<hbm>>
      tpu.wait_dma2 semaphore(%run_scoped3A : memref<!tpu.dma_semaphore, #tpu.memory_space<semaphore_mem>>) src(%dma_wait3A_36 : memref<2048xf32, #tpu.memory_space<hbm>>) dst(%arg12 : memref<2048xf32, #tpu.memory_space<vmem>>)
      tpu.yield
    }) : () -> ()
    "tpu.region"() ({
      %run_scoped3A = tpu.sem_alloc : memref<!tpu.dma_semaphore, #tpu.memory_space<semaphore_mem>>
      %dma_start3A = tpu.memref_slice %arg5[%mul3A_3] : memref<2048xf32, #tpu.memory_space<hbm>> -> memref<64xf32, #tpu.memory_space<hbm>>
      %dma_start3A_35 = tpu.memref_slice %arg5[%mul3A_3] : memref<2048xf32, #tpu.memory_space<hbm>> -> memref<64xf32, #tpu.memory_space<hbm>>
      tpu.enqueue_dma source(%dma_start3A_35 : memref<64xf32, #tpu.memory_space<hbm>>) target(%arg14 : memref<64xf32, #tpu.memory_space<vmem>>) target_semaphore(%run_scoped3A : memref<!tpu.dma_semaphore, #tpu.memory_space<semaphore_mem>>)
      %dma_wait3A = tpu.memref_slice %arg5[%mul3A_3] : memref<2048xf32, #tpu.memory_space<hbm>> -> memref<64xf32, #tpu.memory_space<hbm>>
      %dma_wait3A_36 = tpu.memref_slice %arg5[%mul3A_3] : memref<2048xf32, #tpu.memory_space<hbm>> -> memref<64xf32, #tpu.memory_space<hbm>>
      tpu.wait_dma2 semaphore(%run_scoped3A : memref<!tpu.dma_semaphore, #tpu.memory_space<semaphore_mem>>) src(%dma_wait3A_36 : memref<64xf32, #tpu.memory_space<hbm>>) dst(%arg14 : memref<64xf32, #tpu.memory_space<vmem>>)
      tpu.yield
    }) : () -> ()
    "tpu.region"() ({
      %run_scoped3A = tpu.sem_alloc : memref<!tpu.dma_semaphore, #tpu.memory_space<semaphore_mem>>
      %dma_start3A = tpu.memref_slice %arg6[%mul3A_3] : memref<2048xf32, #tpu.memory_space<hbm>> -> memref<64xf32, #tpu.memory_space<hbm>>
      %dma_start3A_35 = tpu.memref_slice %arg6[%mul3A_3] : memref<2048xf32, #tpu.memory_space<hbm>> -> memref<64xf32, #tpu.memory_space<hbm>>
      tpu.enqueue_dma source(%dma_start3A_35 : memref<64xf32, #tpu.memory_space<hbm>>) target(%arg15 : memref<64xf32, #tpu.memory_space<vmem>>) target_semaphore(%run_scoped3A : memref<!tpu.dma_semaphore, #tpu.memory_space<semaphore_mem>>)
      %dma_wait3A = tpu.memref_slice %arg6[%mul3A_3] : memref<2048xf32, #tpu.memory_space<hbm>> -> memref<64xf32, #tpu.memory_space<hbm>>
      %dma_wait3A_36 = tpu.memref_slice %arg6[%mul3A_3] : memref<2048xf32, #tpu.memory_space<hbm>> -> memref<64xf32, #tpu.memory_space<hbm>>
      tpu.wait_dma2 semaphore(%run_scoped3A : memref<!tpu.dma_semaphore, #tpu.memory_space<semaphore_mem>>) src(%dma_wait3A_36 : memref<64xf32, #tpu.memory_space<hbm>>) dst(%arg15 : memref<64xf32, #tpu.memory_space<vmem>>)
      tpu.yield
    }) : () -> ()
    "tpu.region"() ({
      %run_scoped3A = tpu.sem_alloc : memref<!tpu.dma_semaphore, #tpu.memory_space<semaphore_mem>>
      %dma_start3A = tpu.memref_slice %arg7[%mul3A_3] : memref<2048xf32, #tpu.memory_space<hbm>> -> memref<64xf32, #tpu.memory_space<hbm>>
      %dma_start3A_35 = tpu.memref_slice %arg7[%mul3A_3] : memref<2048xf32, #tpu.memory_space<hbm>> -> memref<64xf32, #tpu.memory_space<hbm>>
      tpu.enqueue_dma source(%dma_start3A_35 : memref<64xf32, #tpu.memory_space<hbm>>) target(%arg16 : memref<64xf32, #tpu.memory_space<vmem>>) target_semaphore(%run_scoped3A : memref<!tpu.dma_semaphore, #tpu.memory_space<semaphore_mem>>)
      %dma_wait3A = tpu.memref_slice %arg7[%mul3A_3] : memref<2048xf32, #tpu.memory_space<hbm>> -> memref<64xf32, #tpu.memory_space<hbm>>
      %dma_wait3A_36 = tpu.memref_slice %arg7[%mul3A_3] : memref<2048xf32, #tpu.memory_space<hbm>> -> memref<64xf32, #tpu.memory_space<hbm>>
      tpu.wait_dma2 semaphore(%run_scoped3A : memref<!tpu.dma_semaphore, #tpu.memory_space<semaphore_mem>>) src(%dma_wait3A_36 : memref<64xf32, #tpu.memory_space<hbm>>) dst(%arg16 : memref<64xf32, #tpu.memory_space<vmem>>)
      tpu.yield
    }) : () -> ()
    %iota3A = tpu.iota {dimensions = array<i32: 0>} : vector<16xi32>
    %scan3A = arith.constant 0 : i32
    %scan3A_22 = arith.constant 0 : i32
    %scan3A_23 = arith.constant 128 : i32
    %scan3A_24 = arith.addi %scan3A_22, %scan3A_23 : i32
    %scan3A_25 = arith.constant 1 : i32
    scf.for %scan3A_35 = %scan3A_22 to %scan3A_24 step %scan3A_25  : i32 {
      %mul3A_36 = arith.constant 16 : i32
      %mul3A_37 = arith.muli %scan3A_35, %mul3A_36 : i32
      %get3A_38 = arith.index_cast %mul3A_37 : i32 to index
      %get3A_39 = tpu.vector_load %arg10[%get3A_38] {strides = array<i32>} : memref<2048xf32, #tpu.memory_space<vmem>>, vector<16xf32>,
      %get3A_40 = arith.index_cast %mul3A_37 : i32 to index
      %get3A_41 = tpu.vector_load %arg11[%get3A_40] {strides = array<i32>} : memref<2048xf32, #tpu.memory_space<vmem>>, vector<16xf32>,
      %get3A_42 = arith.index_cast %mul3A_37 : i32 to index
      %get3A_43 = tpu.vector_load %arg12[%get3A_42] {strides = array<i32>} : memref<2048xf32, #tpu.memory_space<vmem>>, vector<16xf32>,
      %mul3A_44 = arith.mulf %get3A_39, %get3A_39 : vector<16xf32>
      %mul3A_45 = arith.mulf %get3A_41, %get3A_41 : vector<16xf32>
      %add3A_46 = arith.addf %mul3A_44, %mul3A_45 : vector<16xf32>
      %mul3A_47 = arith.mulf %get3A_43, %get3A_43 : vector<16xf32>
      %add3A_48 = arith.addf %add3A_46, %mul3A_47 : vector<16xf32>
      %swap3A = arith.index_cast %mul3A_37 : i32 to index
      %swap3A_49 = tpu.vector_load %arg13[%swap3A] {strides = array<i32>} : memref<2048xf32, #tpu.memory_space<vmem>>, vector<16xf32>,
      tpu.vector_store %arg13[%swap3A], %add3A_48 {strides = array<i32>} : memref<2048xf32, #tpu.memory_space<vmem>>, vector<16xf32>,
      %bitcast3A = vector.bitcast %get3A_39 : vector<16xf32> to vector<16xi32>
      %add3A_50 = arith.constant 32767 : i32
      %add3A_51 = vector.broadcast %add3A_50 : i32 to vector<16xi32>
      %add3A_52 = arith.addi %bitcast3A, %add3A_51 : vector<16xi32>
      %shift_right_arithmetic3A = arith.constant 16 : i32
      %shift_right_arithmetic3A_53 = vector.broadcast %shift_right_arithmetic3A : i32 to vector<16xi32>
      %shift_right_arithmetic3A_54 = arith.shrsi %bitcast3A, %shift_right_arithmetic3A_53 : vector<16xi32>
      %and3A_55 = arith.constant 1 : i32
      %and3A_56 = vector.broadcast %and3A_55 : i32 to vector<16xi32>
      %and3A_57 = arith.andi %shift_right_arithmetic3A_54, %and3A_56 : vector<16xi32>
      %add3A_58 = arith.addi %add3A_52, %and3A_57 : vector<16xi32>
      %and3A_59 = arith.constant -65536 : i32
      %and3A_60 = vector.broadcast %and3A_59 : i32 to vector<16xi32>
      %and3A_61 = arith.andi %add3A_58, %and3A_60 : vector<16xi32>
      %bitcast3A_62 = vector.bitcast %and3A_61 : vector<16xi32> to vector<16xf32>
      %swap3A_63 = arith.index_cast %mul3A_37 : i32 to index
      %swap3A_64 = tpu.vector_load %arg10[%swap3A_63] {strides = array<i32>} : memref<2048xf32, #tpu.memory_space<vmem>>, vector<16xf32>,
      tpu.vector_store %arg10[%swap3A_63], %bitcast3A_62 {strides = array<i32>} : memref<2048xf32, #tpu.memory_space<vmem>>, vector<16xf32>,
      %bitcast3A_65 = vector.bitcast %get3A_41 : vector<16xf32> to vector<16xi32>
      %add3A_66 = arith.constant 32767 : i32
      %add3A_67 = vector.broadcast %add3A_66 : i32 to vector<16xi32>
      %add3A_68 = arith.addi %bitcast3A_65, %add3A_67 : vector<16xi32>
      %shift_right_arithmetic3A_69 = arith.constant 16 : i32
      %shift_right_arithmetic3A_70 = vector.broadcast %shift_right_arithmetic3A_69 : i32 to vector<16xi32>
      %shift_right_arithmetic3A_71 = arith.shrsi %bitcast3A_65, %shift_right_arithmetic3A_70 : vector<16xi32>
      %and3A_72 = arith.constant 1 : i32
      %and3A_73 = vector.broadcast %and3A_72 : i32 to vector<16xi32>
      %and3A_74 = arith.andi %shift_right_arithmetic3A_71, %and3A_73 : vector<16xi32>
      %add3A_75 = arith.addi %add3A_68, %and3A_74 : vector<16xi32>
      %and3A_76 = arith.constant -65536 : i32
      %and3A_77 = vector.broadcast %and3A_76 : i32 to vector<16xi32>
      %and3A_78 = arith.andi %add3A_75, %and3A_77 : vector<16xi32>
      %bitcast3A_79 = vector.bitcast %and3A_78 : vector<16xi32> to vector<16xf32>
      %swap3A_80 = arith.index_cast %mul3A_37 : i32 to index
      %swap3A_81 = tpu.vector_load %arg11[%swap3A_80] {strides = array<i32>} : memref<2048xf32, #tpu.memory_space<vmem>>, vector<16xf32>,
      tpu.vector_store %arg11[%swap3A_80], %bitcast3A_79 {strides = array<i32>} : memref<2048xf32, #tpu.memory_space<vmem>>, vector<16xf32>,
      %bitcast3A_82 = vector.bitcast %get3A_43 : vector<16xf32> to vector<16xi32>
      %add3A_83 = arith.constant 32767 : i32
      %add3A_84 = vector.broadcast %add3A_83 : i32 to vector<16xi32>
      %add3A_85 = arith.addi %bitcast3A_82, %add3A_84 : vector<16xi32>
      %shift_right_arithmetic3A_86 = arith.constant 16 : i32
      %shift_right_arithmetic3A_87 = vector.broadcast %shift_right_arithmetic3A_86 : i32 to vector<16xi32>
      %shift_right_arithmetic3A_88 = arith.shrsi %bitcast3A_82, %shift_right_arithmetic3A_87 : vector<16xi32>
      %and3A_89 = arith.constant 1 : i32
      %and3A_90 = vector.broadcast %and3A_89 : i32 to vector<16xi32>
      %and3A_91 = arith.andi %shift_right_arithmetic3A_88, %and3A_90 : vector<16xi32>
      %add3A_92 = arith.addi %add3A_85, %and3A_91 : vector<16xi32>
      %and3A_93 = arith.constant -65536 : i32
      %and3A_94 = vector.broadcast %and3A_93 : i32 to vector<16xi32>
      %and3A_95 = arith.andi %add3A_92, %and3A_94 : vector<16xi32>
      %bitcast3A_96 = vector.bitcast %and3A_95 : vector<16xi32> to vector<16xf32>
      %swap3A_97 = arith.index_cast %mul3A_37 : i32 to index
      %swap3A_98 = tpu.vector_load %arg12[%swap3A_97] {strides = array<i32>} : memref<2048xf32, #tpu.memory_space<vmem>>, vector<16xf32>,
      tpu.vector_store %arg12[%swap3A_97], %bitcast3A_96 {strides = array<i32>} : memref<2048xf32, #tpu.memory_space<vmem>>, vector<16xf32>,
    }
    %scan3A_26 = arith.constant 128 : i32
    %scan3A_27 = arith.constant 0 : i32
    %scan3A_28 = arith.constant 0 : i32
    %scan3A_29 = arith.constant 4 : i32
    %scan3A_30 = arith.addi %scan3A_28, %scan3A_29 : i32
    %scan3A_31 = arith.constant 1 : i32
    scf.for %scan3A_35 = %scan3A_28 to %scan3A_30 step %scan3A_31  : i32 {
      %mul3A_36 = arith.constant 16 : i32
      %mul3A_37 = arith.muli %scan3A_35, %mul3A_36 : i32
      %get3A_38 = arith.index_cast %mul3A_37 : i32 to index
      %get3A_39 = tpu.vector_load %arg14[%get3A_38] {strides = array<i32>} : memref<64xf32, #tpu.memory_space<vmem>>, vector<16xf32>,
      %mul3A_40 = arith.constant 16 : i32
      %mul3A_41 = arith.muli %scan3A_35, %mul3A_40 : i32
      %get3A_42 = arith.index_cast %mul3A_41 : i32 to index
      %get3A_43 = tpu.vector_load %arg15[%get3A_42] {strides = array<i32>} : memref<64xf32, #tpu.memory_space<vmem>>, vector<16xf32>,
      %mul3A_44 = arith.constant 16 : i32
      %mul3A_45 = arith.muli %scan3A_35, %mul3A_44 : i32
      %get3A_46 = arith.index_cast %mul3A_45 : i32 to index
      %get3A_47 = tpu.vector_load %arg16[%get3A_46] {strides = array<i32>} : memref<64xf32, #tpu.memory_space<vmem>>, vector<16xf32>,
      %scan3A_48 = arith.constant 0 : i32
      %scan3A_49 = arith.constant 16 : i32
      %scan3A_50 = arith.addi %scan3A_48, %scan3A_49 : i32
      %scan3A_51 = arith.constant 1 : i32
      scf.for %scan3A_53 = %scan3A_48 to %scan3A_50 step %scan3A_51  : i32 {
        %mul3A_54 = arith.constant 16 : i32
        %mul3A_55 = arith.muli %scan3A_35, %mul3A_54 : i32
        %add3A_56 = arith.addi %mul3A_55, %scan3A_53 : i32
        %broadcast_in_dim3A = vector.broadcast %scan3A_53 : i32 to vector<16xi32>
        %lt3A = arith.constant 0 : i32
        %lt3A_57 = vector.broadcast %lt3A : i32 to vector<16xi32>
        %lt3A_58 = arith.cmpi slt, %broadcast_in_dim3A, %lt3A_57 : vector<16xi32>
        %add3A_59 = arith.constant 16 : i32
        %add3A_60 = vector.broadcast %add3A_59 : i32 to vector<16xi32>
        %add3A_61 = arith.addi %broadcast_in_dim3A, %add3A_60 : vector<16xi32>
        %select_n3A_62 = arith.select %lt3A_58, %add3A_61, %broadcast_in_dim3A : vector<16xi1>, vector<16xi32>
        %reshape3A = vector.shape_cast %select_n3A_62 : vector<16xi32> to vector<16x1xi32>
        %gather3A = vector.shape_cast %reshape3A : vector<16x1xi32> to vector<16xi32>
        %gather3A_63 = tpu.dynamic_gather %get3A_39[%gather3A] in [0] : vector<16xf32>, vector<16xi32> -> vector<16xf32>
        %lt3A_64 = arith.constant 0 : i32
        %lt3A_65 = vector.broadcast %lt3A_64 : i32 to vector<16xi32>
        %lt3A_66 = arith.cmpi slt, %broadcast_in_dim3A, %lt3A_65 : vector<16xi32>
        %add3A_67 = arith.constant 16 : i32
        %add3A_68 = vector.broadcast %add3A_67 : i32 to vector<16xi32>
        %add3A_69 = arith.addi %broadcast_in_dim3A, %add3A_68 : vector<16xi32>
        %select_n3A_70 = arith.select %lt3A_66, %add3A_69, %broadcast_in_dim3A : vector<16xi1>, vector<16xi32>
        %reshape3A_71 = vector.shape_cast %select_n3A_70 : vector<16xi32> to vector<16x1xi32>
        %gather3A_72 = vector.shape_cast %reshape3A_71 : vector<16x1xi32> to vector<16xi32>
        %gather3A_73 = tpu.dynamic_gather %get3A_43[%gather3A_72] in [0] : vector<16xf32>, vector<16xi32> -> vector<16xf32>
        %lt3A_74 = arith.constant 0 : i32
        %lt3A_75 = vector.broadcast %lt3A_74 : i32 to vector<16xi32>
        %lt3A_76 = arith.cmpi slt, %broadcast_in_dim3A, %lt3A_75 : vector<16xi32>
        %add3A_77 = arith.constant 16 : i32
        %add3A_78 = vector.broadcast %add3A_77 : i32 to vector<16xi32>
        %add3A_79 = arith.addi %broadcast_in_dim3A, %add3A_78 : vector<16xi32>
        %select_n3A_80 = arith.select %lt3A_76, %add3A_79, %broadcast_in_dim3A : vector<16xi1>, vector<16xi32>
        %reshape3A_81 = vector.shape_cast %select_n3A_80 : vector<16xi32> to vector<16x1xi32>
        %gather3A_82 = vector.shape_cast %reshape3A_81 : vector<16x1xi32> to vector<16xi32>
        %gather3A_83 = tpu.dynamic_gather %get3A_47[%gather3A_82] in [0] : vector<16xf32>, vector<16xi32> -> vector<16xf32>
        %mul3A_84 = arith.mulf %gather3A_63, %gather3A_63 : vector<16xf32>
        %mul3A_85 = arith.mulf %gather3A_73, %gather3A_73 : vector<16xf32>
        %add3A_86 = arith.addf %mul3A_84, %mul3A_85 : vector<16xf32>
        %mul3A_87 = arith.mulf %gather3A_83, %gather3A_83 : vector<16xf32>
        %add3A_88 = arith.addf %add3A_86, %mul3A_87 : vector<16xf32>
        %bitcast3A = vector.bitcast %gather3A_63 : vector<16xf32> to vector<16xi32>
        %add3A_89 = arith.constant 32767 : i32
        %add3A_90 = vector.broadcast %add3A_89 : i32 to vector<16xi32>
        %add3A_91 = arith.addi %bitcast3A, %add3A_90 : vector<16xi32>
        %shift_right_arithmetic3A = arith.constant 16 : i32
        %shift_right_arithmetic3A_92 = vector.broadcast %shift_right_arithmetic3A : i32 to vector<16xi32>
        %shift_right_arithmetic3A_93 = arith.shrsi %bitcast3A, %shift_right_arithmetic3A_92 : vector<16xi32>
        %and3A_94 = arith.constant 1 : i32
        %and3A_95 = vector.broadcast %and3A_94 : i32 to vector<16xi32>
        %and3A_96 = arith.andi %shift_right_arithmetic3A_93, %and3A_95 : vector<16xi32>
        %add3A_97 = arith.addi %add3A_91, %and3A_96 : vector<16xi32>
        %and3A_98 = arith.constant -65536 : i32
        %and3A_99 = vector.broadcast %and3A_98 : i32 to vector<16xi32>
        %and3A_100 = arith.andi %add3A_97, %and3A_99 : vector<16xi32>
        %bitcast3A_101 = vector.bitcast %and3A_100 : vector<16xi32> to vector<16xf32>
        %bitcast3A_102 = vector.bitcast %gather3A_73 : vector<16xf32> to vector<16xi32>
        %add3A_103 = arith.constant 32767 : i32
        %add3A_104 = vector.broadcast %add3A_103 : i32 to vector<16xi32>
        %add3A_105 = arith.addi %bitcast3A_102, %add3A_104 : vector<16xi32>
        %shift_right_arithmetic3A_106 = arith.constant 16 : i32
        %shift_right_arithmetic3A_107 = vector.broadcast %shift_right_arithmetic3A_106 : i32 to vector<16xi32>
        %shift_right_arithmetic3A_108 = arith.shrsi %bitcast3A_102, %shift_right_arithmetic3A_107 : vector<16xi32>
        %and3A_109 = arith.constant 1 : i32
        %and3A_110 = vector.broadcast %and3A_109 : i32 to vector<16xi32>
        %and3A_111 = arith.andi %shift_right_arithmetic3A_108, %and3A_110 : vector<16xi32>
        %add3A_112 = arith.addi %add3A_105, %and3A_111 : vector<16xi32>
        %and3A_113 = arith.constant -65536 : i32
        %and3A_114 = vector.broadcast %and3A_113 : i32 to vector<16xi32>
        %and3A_115 = arith.andi %add3A_112, %and3A_114 : vector<16xi32>
        %bitcast3A_116 = vector.bitcast %and3A_115 : vector<16xi32> to vector<16xf32>
        %bitcast3A_117 = vector.bitcast %gather3A_83 : vector<16xf32> to vector<16xi32>
        %add3A_118 = arith.constant 32767 : i32
        %add3A_119 = vector.broadcast %add3A_118 : i32 to vector<16xi32>
        %add3A_120 = arith.addi %bitcast3A_117, %add3A_119 : vector<16xi32>
        %shift_right_arithmetic3A_121 = arith.constant 16 : i32
        %shift_right_arithmetic3A_122 = vector.broadcast %shift_right_arithmetic3A_121 : i32 to vector<16xi32>
        %shift_right_arithmetic3A_123 = arith.shrsi %bitcast3A_117, %shift_right_arithmetic3A_122 : vector<16xi32>
        %and3A_124 = arith.constant 1 : i32
        %and3A_125 = vector.broadcast %and3A_124 : i32 to vector<16xi32>
        %and3A_126 = arith.andi %shift_right_arithmetic3A_123, %and3A_125 : vector<16xi32>
        %add3A_127 = arith.addi %add3A_120, %and3A_126 : vector<16xi32>
        %and3A_128 = arith.constant -65536 : i32
        %and3A_129 = vector.broadcast %and3A_128 : i32 to vector<16xi32>
        %and3A_130 = arith.andi %add3A_127, %and3A_129 : vector<16xi32>
        %bitcast3A_131 = vector.bitcast %and3A_130 : vector<16xi32> to vector<16xf32>
        %mul3A_132 = arith.constant 32 : i32
        %mul3A_133 = arith.muli %add3A_56, %mul3A_132 : i32
        %scan3A_134 = arith.constant 0 : i32
        %scan3A_135 = arith.constant 0 : i32
        %scan3A_136 = arith.constant 128 : i32
        %scan3A_137 = arith.addi %scan3A_135, %scan3A_136 : i32
        %scan3A_138 = arith.constant 1 : i32
        %scan3A_139 = scf.for %scan3A_189 = %scan3A_135 to %scan3A_137 step %scan3A_138 iter_args(%scan3A_190 = %scan3A_134) -> (i32)  : i32 {
          %mul3A_191 = arith.constant 16 : i32
          %mul3A_192 = arith.muli %scan3A_189, %mul3A_191 : i32
          %get3A_193 = arith.index_cast %mul3A_192 : i32 to index
          %get3A_194 = tpu.vector_load %arg10[%get3A_193] {strides = array<i32>} : memref<2048xf32, #tpu.memory_space<vmem>>, vector<16xf32>,
          %get3A_195 = arith.index_cast %mul3A_192 : i32 to index
          %get3A_196 = tpu.vector_load %arg11[%get3A_195] {strides = array<i32>} : memref<2048xf32, #tpu.memory_space<vmem>>, vector<16xf32>,
          %get3A_197 = arith.index_cast %mul3A_192 : i32 to index
          %get3A_198 = tpu.vector_load %arg12[%get3A_197] {strides = array<i32>} : memref<2048xf32, #tpu.memory_space<vmem>>, vector<16xf32>,
          %get3A_199 = arith.index_cast %mul3A_192 : i32 to index
          %get3A_200 = tpu.vector_load %arg13[%get3A_199] {strides = array<i32>} : memref<2048xf32, #tpu.memory_space<vmem>>, vector<16xf32>,
          %mul3A_201 = arith.mulf %bitcast3A_101, %get3A_194 : vector<16xf32>
          %mul3A_202 = arith.mulf %bitcast3A_116, %get3A_196 : vector<16xf32>
          %add3A_203 = arith.addf %mul3A_201, %mul3A_202 : vector<16xf32>
          %mul3A_204 = arith.mulf %bitcast3A_131, %get3A_198 : vector<16xf32>
          %add3A_205 = arith.addf %add3A_203, %mul3A_204 : vector<16xf32>
          %add3A_206 = arith.addf %add3A_88, %get3A_200 : vector<16xf32>
          %mul3A_207 = arith.constant 2.000000e+00 : f32
          %mul3A_208 = vector.broadcast %mul3A_207 : f32 to vector<16xf32>
          %mul3A_209 = arith.mulf %mul3A_208, %add3A_205 : vector<16xf32>
          %sub3A_210 = arith.subf %add3A_206, %mul3A_209 : vector<16xf32>
          %le3A = vector.broadcast %squeeze3A : f32 to vector<16xf32>
          %le3A_211 = arith.cmpf ole, %sub3A_210, %le3A : vector<16xf32>
          %lt3A_212 = arith.constant 32 : i32
          %lt3A_213 = arith.cmpi slt, %scan3A_190, %lt3A_212 : i32
          %and3A_214 = vector.broadcast %lt3A_213 : i1 to vector<16xi1>
          %and3A_215 = arith.andi %le3A_211, %and3A_214 : vector<16xi1>
          %add3A_216 = arith.addi %mul3A_192, %mul3A_21 : i32
          %add3A_217 = vector.broadcast %add3A_216 : i32 to vector<16xi32>
          %add3A_218 = arith.addi %iota3A, %add3A_217 : vector<16xi32>
          %add3A_219 = arith.addi %mul3A_133, %scan3A_190 : i32
          %swap3A_220 = arith.index_cast %add3A_219 : i32 to index
          %swap3A_221 = tpu.vector_load %arg17[%swap3A_220] masked %and3A_215 {strides = array<i32>} : memref<2064xi32, #tpu.memory_space<vmem>>, vector<16xi32>, vector<16xi1>
          tpu.vector_store %arg17[%swap3A_220], %add3A_218 masked %and3A_215 {strides = array<i32>} : memref<2064xi32, #tpu.memory_space<vmem>>, vector<16xi32>, vector<16xi1>
          %convert_element_type3A = arith.extui %and3A_215 : vector<16xi1> to vector<16xi32>
          %reduce_sum3A = arith.constant true
          %reduce_sum3A_222 = vector.broadcast %reduce_sum3A : i1 to vector<16xi1>
          %reduce_sum3A_223 = tpu.scan <sum>, %convert_element_type3A masked %reduce_sum3A_222 : vector<16xi32>, vector<16xi1> -> vector<16xi32>
          %reduce_sum3A_224 = vector.extract %reduce_sum3A_223[15] : i32 from vector<16xi32>
          %add3A_225 = arith.addi %scan3A_190, %reduce_sum3A_224 : i32
          scf.yield %add3A_225 : i32
        }
        %scan3A_140 = arith.constant 128 : i32
        %get3A_141 = arith.index_cast %mul3A_133 : i32 to index
        %get3A_142 = tpu.vector_load %arg17[%get3A_141] {strides = array<i32>} : memref<2064xi32, #tpu.memory_space<vmem>>, vector<16xi32>,
        %broadcast_in_dim3A_143 = arith.constant 0 : i32
        %broadcast_in_dim3A_144 = vector.broadcast %broadcast_in_dim3A_143 : i32 to vector<16xi32>
        %lt3A_145 = arith.constant 0 : i32
        %lt3A_146 = vector.broadcast %lt3A_145 : i32 to vector<16xi32>
        %lt3A_147 = arith.cmpi slt, %broadcast_in_dim3A_144, %lt3A_146 : vector<16xi32>
        %add3A_148 = arith.constant 16 : i32
        %add3A_149 = vector.broadcast %add3A_148 : i32 to vector<16xi32>
        %add3A_150 = arith.addi %broadcast_in_dim3A_144, %add3A_149 : vector<16xi32>
        %select_n3A_151 = arith.select %lt3A_147, %add3A_150, %broadcast_in_dim3A_144 : vector<16xi1>, vector<16xi32>
        %reshape3A_152 = vector.shape_cast %select_n3A_151 : vector<16xi32> to vector<16x1xi32>
        %gather3A_153 = vector.shape_cast %reshape3A_152 : vector<16x1xi32> to vector<16xi32>
        %gather3A_154 = tpu.dynamic_gather %get3A_142[%gather3A_153] in [0] : vector<16xi32>, vector<16xi32> -> vector<16xi32>
        %gt3A = arith.constant 0 : i32
        %gt3A_155 = arith.cmpi sgt, %scan3A_139, %gt3A : i32
        %add3A_156 = arith.constant 2048 : i32
        %add3A_157 = arith.addi %mul3A_21, %add3A_156 : i32
        %sub3A_158 = arith.constant 1 : i32
        %sub3A_159 = arith.subi %add3A_157, %sub3A_158 : i32
        %broadcast_in_dim3A_160 = vector.broadcast %sub3A_159 : i32 to vector<16xi32>
        %select_n3A_161 = arith.select %gt3A_155, %gather3A_154, %broadcast_in_dim3A_160 : vector<16xi32>
        %add3A_162 = arith.constant 0 : i32
        %add3A_163 = vector.broadcast %add3A_162 : i32 to vector<16xi32>
        %add3A_164 = arith.addi %iota3A, %add3A_163 : vector<16xi32>
        %add3A_165 = arith.constant 0 : i32
        %add3A_166 = arith.addi %mul3A_133, %add3A_165 : i32
        %get3A_167 = arith.index_cast %add3A_166 : i32 to index
        %get3A_168 = tpu.vector_load %arg17[%get3A_167] {strides = array<i32>} : memref<2064xi32, #tpu.memory_space<vmem>>, vector<16xi32>,
        %lt3A_169 = vector.broadcast %scan3A_139 : i32 to vector<16xi32>
        %lt3A_170 = arith.cmpi slt, %add3A_164, %lt3A_169 : vector<16xi32>
        %select_n3A_171 = arith.select %lt3A_170, %get3A_168, %select_n3A_161 : vector<16xi1>, vector<16xi32>
        %add3A_172 = arith.constant 0 : i32
        %add3A_173 = arith.addi %mul3A_133, %add3A_172 : i32
        %swap3A = arith.index_cast %add3A_173 : i32 to index
        %swap3A_174 = tpu.vector_load %arg17[%swap3A] {strides = array<i32>} : memref<2064xi32, #tpu.memory_space<vmem>>, vector<16xi32>,
        tpu.vector_store %arg17[%swap3A], %select_n3A_171 {strides = array<i32>} : memref<2064xi32, #tpu.memory_space<vmem>>, vector<16xi32>,
        %add3A_175 = arith.constant 16 : i32
        %add3A_176 = vector.broadcast %add3A_175 : i32 to vector<16xi32>
        %add3A_177 = arith.addi %iota3A, %add3A_176 : vector<16xi32>
        %add3A_178 = arith.constant 16 : i32
        %add3A_179 = arith.addi %mul3A_133, %add3A_178 : i32
        %get3A_180 = arith.index_cast %add3A_179 : i32 to index
        %get3A_181 = tpu.vector_load %arg17[%get3A_180] {strides = array<i32>} : memref<2064xi32, #tpu.memory_space<vmem>>, vector<16xi32>,
        %lt3A_182 = vector.broadcast %scan3A_139 : i32 to vector<16xi32>
        %lt3A_183 = arith.cmpi slt, %add3A_177, %lt3A_182 : vector<16xi32>
        %select_n3A_184 = arith.select %lt3A_183, %get3A_181, %select_n3A_161 : vector<16xi1>, vector<16xi32>
        %add3A_185 = arith.constant 16 : i32
        %add3A_186 = arith.addi %mul3A_133, %add3A_185 : i32
        %swap3A_187 = arith.index_cast %add3A_186 : i32 to index
        %swap3A_188 = tpu.vector_load %arg17[%swap3A_187] {strides = array<i32>} : memref<2064xi32, #tpu.memory_space<vmem>>, vector<16xi32>,
        tpu.vector_store %arg17[%swap3A_187], %select_n3A_184 {strides = array<i32>} : memref<2064xi32, #tpu.memory_space<vmem>>, vector<16xi32>,
      }
      %scan3A_52 = arith.constant 16 : i32
    }
    %scan3A_32 = arith.constant 4 : i32
    %mul3A_33 = arith.constant 32 : i32
    %mul3A_34 = arith.muli %mul3A_3, %mul3A_33 : i32
    "tpu.region"() ({
      %run_scoped3A = tpu.sem_alloc : memref<!tpu.dma_semaphore, #tpu.memory_space<semaphore_mem>>
      %dma_start3A = arith.constant 0 : i32
      %dma_start3A_35 = tpu.memref_slice %arg17[%dma_start3A] : memref<2064xi32, #tpu.memory_space<vmem>> -> memref<2048xi32, #tpu.memory_space<vmem>>
      %dma_start3A_36 = tpu.memref_slice %arg9[%mul3A_34] : memref<65536xi32, #tpu.memory_space<hbm>> -> memref<2048xi32, #tpu.memory_space<hbm>>
      %dma_start3A_37 = tpu.memref_slice %arg9[%mul3A_34] : memref<65536xi32, #tpu.memory_space<hbm>> -> memref<2048xi32, #tpu.memory_space<hbm>>
      %dma_start3A_38 = arith.constant 0 : i32
      %dma_start3A_39 = tpu.memref_slice %arg17[%dma_start3A_38] : memref<2064xi32, #tpu.memory_space<vmem>> -> memref<2048xi32, #tpu.memory_space<vmem>>
      tpu.enqueue_dma source(%dma_start3A_39 : memref<2048xi32, #tpu.memory_space<vmem>>) target(%dma_start3A_37 : memref<2048xi32, #tpu.memory_space<hbm>>) target_semaphore(%run_scoped3A : memref<!tpu.dma_semaphore, #tpu.memory_space<semaphore_mem>>)
      %dma_wait3A = arith.constant 0 : i32
      %dma_wait3A_40 = tpu.memref_slice %arg17[%dma_wait3A] : memref<2064xi32, #tpu.memory_space<vmem>> -> memref<2048xi32, #tpu.memory_space<vmem>>
      %dma_wait3A_41 = tpu.memref_slice %arg9[%mul3A_34] : memref<65536xi32, #tpu.memory_space<hbm>> -> memref<2048xi32, #tpu.memory_space<hbm>>
      %dma_wait3A_42 = tpu.memref_slice %arg9[%mul3A_34] : memref<65536xi32, #tpu.memory_space<hbm>> -> memref<2048xi32, #tpu.memory_space<hbm>>
      %dma_wait3A_43 = arith.constant 0 : i32
      %dma_wait3A_44 = tpu.memref_slice %arg17[%dma_wait3A_43] : memref<2064xi32, #tpu.memory_space<vmem>> -> memref<2048xi32, #tpu.memory_space<vmem>>
      tpu.wait_dma2 semaphore(%run_scoped3A : memref<!tpu.dma_semaphore, #tpu.memory_space<semaphore_mem>>) src(%dma_wait3A_44 : memref<2048xi32, #tpu.memory_space<vmem>>) dst(%dma_wait3A_42 : memref<2048xi32, #tpu.memory_space<hbm>>)
      tpu.yield
    }) : () -> ()
    return
  }
}

#map = affine_map<(d0, d1) -> (0, 0)>
module attributes {stable_mosaic.version = 14 : i64} {
  func.func @gk(%arg0: i32, %arg1: i32, %arg2: memref<32768x64xf32, #tpu.memory_space<hbm>>, %arg3: memref<2048x128xi32, #tpu.memory_space<hbm>>, %arg4: memref<262144x64xf32, #tpu.memory_space<hbm>>, %arg5: memref<64x128xi32, #tpu.memory_space<vmem>>, %arg6: memref<128x64xf32, #tpu.memory_space<vmem>>, %arg7: memref<!tpu.dma_semaphore, #tpu.memory_space<semaphore_mem>>) attributes {dimension_semantics = [#tpu.dimension_semantics<core_parallel>, #tpu.dimension_semantics<subcore_parallel>], iteration_bounds = array<i64: 2, 16>, scalar_prefetch = 0 : i64, scratch_operands = 3 : i64, tpu.core_type = #tpu.core_type<sc_vector_subcore>, window_params = [{transform_indices = #map}, {transform_indices = #map}, {transform_indices = #map}]} {
    %mul3A = arith.constant 2 : i32
    %mul3A_0 = arith.muli %arg1, %mul3A : i32
    %add3A = arith.addi %mul3A_0, %arg0 : i32
    %mul3A_1 = arith.constant 64 : i32
    %mul3A_2 = arith.muli %add3A, %mul3A_1 : i32
    "tpu.region"() ({
      %run_scoped3A = tpu.sem_alloc : memref<!tpu.dma_semaphore, #tpu.memory_space<semaphore_mem>>
      %dma_start3A = arith.constant 0 : i32
      %dma_start3A_8 = tpu.memref_slice %arg3[%mul3A_2, %dma_start3A] : memref<2048x128xi32, #tpu.memory_space<hbm>> -> memref<64x128xi32, #tpu.memory_space<hbm>>
      %dma_start3A_9 = arith.constant 0 : i32
      %dma_start3A_10 = tpu.memref_slice %arg3[%mul3A_2, %dma_start3A_9] : memref<2048x128xi32, #tpu.memory_space<hbm>> -> memref<64x128xi32, #tpu.memory_space<hbm>>
      tpu.enqueue_dma source(%dma_start3A_10 : memref<64x128xi32, #tpu.memory_space<hbm>>) target(%arg5 : memref<64x128xi32, #tpu.memory_space<vmem>>) target_semaphore(%run_scoped3A : memref<!tpu.dma_semaphore, #tpu.memory_space<semaphore_mem>>)
      %dma_wait3A = arith.constant 0 : i32
      %dma_wait3A_11 = tpu.memref_slice %arg3[%mul3A_2, %dma_wait3A] : memref<2048x128xi32, #tpu.memory_space<hbm>> -> memref<64x128xi32, #tpu.memory_space<hbm>>
      %dma_wait3A_12 = arith.constant 0 : i32
      %dma_wait3A_13 = tpu.memref_slice %arg3[%mul3A_2, %dma_wait3A_12] : memref<2048x128xi32, #tpu.memory_space<hbm>> -> memref<64x128xi32, #tpu.memory_space<hbm>>
      tpu.wait_dma2 semaphore(%run_scoped3A : memref<!tpu.dma_semaphore, #tpu.memory_space<semaphore_mem>>) src(%dma_wait3A_13 : memref<64x128xi32, #tpu.memory_space<hbm>>) dst(%arg5 : memref<64x128xi32, #tpu.memory_space<vmem>>)
      tpu.yield
    }) : () -> ()
    %scan3A = arith.constant 0 : i32
    %scan3A_3 = arith.constant 0 : i32
    %scan3A_4 = arith.constant 64 : i32
    %scan3A_5 = arith.addi %scan3A_3, %scan3A_4 : i32
    %scan3A_6 = arith.constant 1 : i32
    scf.for %scan3A_8 = %scan3A_3 to %scan3A_5 step %scan3A_6  : i32 {
      %dma_start3A = arith.constant 0 : i32
      %dma_start3A_9 = tpu.memref_slice %arg5[%scan3A_8, %dma_start3A] : memref<64x128xi32, #tpu.memory_space<vmem>> -> memref<1x128xi32, #tpu.memory_space<vmem>>
      %dma_start3A_10 = tpu.memref_squeeze %dma_start3A_9 : memref<1x128xi32, #tpu.memory_space<vmem>> -> memref<128xi32, #tpu.memory_space<vmem>>
      %dma_start3A_11 = arith.constant 0 : i32
      %dma_start3A_12 = arith.constant 0 : i32
      %dma_start3A_13 = tpu.memref_slice %arg2[%dma_start3A_11, %dma_start3A_12] : memref<32768x64xf32, #tpu.memory_space<hbm>> -> memref<32768x64xf32, #tpu.memory_space<hbm>>
      tpu.enqueue_indirect_dma source(%dma_start3A_13 : memref<32768x64xf32, #tpu.memory_space<hbm>>) target(%arg6 : memref<128x64xf32, #tpu.memory_space<vmem>>) offsets(%dma_start3A_10 : memref<128xi32, #tpu.memory_space<vmem>>) semaphore(%arg7 : memref<!tpu.dma_semaphore, #tpu.memory_space<semaphore_mem>>)
      %dma_wait3A = arith.constant 0 : i32
      %dma_wait3A_14 = tpu.memref_slice %arg5[%scan3A_8, %dma_wait3A] : memref<64x128xi32, #tpu.memory_space<vmem>> -> memref<1x128xi32, #tpu.memory_space<vmem>>
      %dma_wait3A_15 = tpu.memref_squeeze %dma_wait3A_14 : memref<1x128xi32, #tpu.memory_space<vmem>> -> memref<128xi32, #tpu.memory_space<vmem>>
      %dma_wait3A_16 = arith.constant 0 : i32
      %dma_wait3A_17 = arith.constant 0 : i32
      %dma_wait3A_18 = tpu.memref_slice %arg2[%dma_wait3A_16, %dma_wait3A_17] : memref<32768x64xf32, #tpu.memory_space<hbm>> -> memref<32768x64xf32, #tpu.memory_space<hbm>>
      tpu.wait_indirect_dma semaphore(%arg7 : memref<!tpu.dma_semaphore, #tpu.memory_space<semaphore_mem>>) src(%dma_wait3A_18 : memref<32768x64xf32, #tpu.memory_space<hbm>>) dst(%arg6 : memref<128x64xf32, #tpu.memory_space<vmem>>)
      %mul3A_19 = arith.constant 8192 : i32
      %mul3A_20 = arith.muli %add3A, %mul3A_19 : i32
      %mul3A_21 = arith.constant 128 : i32
      %mul3A_22 = arith.muli %scan3A_8, %mul3A_21 : i32
      %add3A_23 = arith.addi %mul3A_20, %mul3A_22 : i32
      "tpu.region"() ({
        %run_scoped3A = tpu.sem_alloc : memref<!tpu.dma_semaphore, #tpu.memory_space<semaphore_mem>>
        %dma_start3A_24 = arith.constant 0 : i32
        %dma_start3A_25 = tpu.memref_slice %arg4[%add3A_23, %dma_start3A_24] : memref<262144x64xf32, #tpu.memory_space<hbm>> -> memref<128x64xf32, #tpu.memory_space<hbm>>
        %dma_start3A_26 = arith.constant 0 : i32
        %dma_start3A_27 = tpu.memref_slice %arg4[%add3A_23, %dma_start3A_26] : memref<262144x64xf32, #tpu.memory_space<hbm>> -> memref<128x64xf32, #tpu.memory_space<hbm>>
        tpu.enqueue_dma source(%arg6 : memref<128x64xf32, #tpu.memory_space<vmem>>) target(%dma_start3A_27 : memref<128x64xf32, #tpu.memory_space<hbm>>) target_semaphore(%run_scoped3A : memref<!tpu.dma_semaphore, #tpu.memory_space<semaphore_mem>>)
        %dma_wait3A_28 = arith.constant 0 : i32
        %dma_wait3A_29 = tpu.memref_slice %arg4[%add3A_23, %dma_wait3A_28] : memref<262144x64xf32, #tpu.memory_space<hbm>> -> memref<128x64xf32, #tpu.memory_space<hbm>>
        %dma_wait3A_30 = arith.constant 0 : i32
        %dma_wait3A_31 = tpu.memref_slice %arg4[%add3A_23, %dma_wait3A_30] : memref<262144x64xf32, #tpu.memory_space<hbm>> -> memref<128x64xf32, #tpu.memory_space<hbm>>
        tpu.wait_dma2 semaphore(%run_scoped3A : memref<!tpu.dma_semaphore, #tpu.memory_space<semaphore_mem>>) src(%arg6 : memref<128x64xf32, #tpu.memory_space<vmem>>) dst(%dma_wait3A_31 : memref<128x64xf32, #tpu.memory_space<hbm>>)
        tpu.yield
      }) : () -> ()
    }
    %scan3A_7 = arith.constant 64 : i32
    return
  }
}

#map = affine_map<(d0, d1) -> (0)>
module attributes {stable_mosaic.version = 14 : i64} {
  func.func @_rewritten_body(%arg0: i32, %arg1: i32, %arg2: memref<2048xf32, #tpu.memory_space<hbm>>, %arg3: memref<2048xf32, #tpu.memory_space<hbm>>, %arg4: memref<2048xf32, #tpu.memory_space<hbm>>, %arg5: memref<1024xf32, #tpu.memory_space<hbm>>, %arg6: memref<1024xf32, #tpu.memory_space<hbm>>, %arg7: memref<1024xf32, #tpu.memory_space<hbm>>, %arg8: memref<1xf32, #tpu.memory_space<hbm>>, %arg9: memref<16384xi32, #tpu.memory_space<hbm>>, %arg10: memref<1024xf32, #tpu.memory_space<vmem>>, %arg11: memref<1024xf32, #tpu.memory_space<vmem>>, %arg12: memref<1024xf32, #tpu.memory_space<vmem>>, %arg13: memref<1024xf32, #tpu.memory_space<vmem>>, %arg14: memref<32xf32, #tpu.memory_space<vmem>>, %arg15: memref<32xf32, #tpu.memory_space<vmem>>, %arg16: memref<32xf32, #tpu.memory_space<vmem>>, %arg17: memref<528xi32, #tpu.memory_space<vmem>>) attributes {dimension_semantics = [#tpu.dimension_semantics<core_parallel>, #tpu.dimension_semantics<subcore_parallel>], iteration_bounds = array<i64: 2, 16>, scalar_prefetch = 0 : i64, scratch_operands = 8 : i64, tpu.core_type = #tpu.core_type<sc_vector_subcore>, window_params = [{transform_indices = #map}, {transform_indices = #map}, {transform_indices = #map}, {transform_indices = #map}, {transform_indices = #map}, {transform_indices = #map}, {transform_indices = #map}, {transform_indices = #map}]} {
    %empty_ref3A = memref.alloca() : memref<16xf32, #tpu.memory_space<vmem>>
    "tpu.region"() ({
      %run_scoped3A = tpu.sem_alloc : memref<!tpu.dma_semaphore, #tpu.memory_space<semaphore_mem>>
      %dma_start3A = arith.constant 0 : i32
      %dma_start3A_35 = tpu.memref_slice %empty_ref3A[%dma_start3A] : memref<16xf32, #tpu.memory_space<vmem>> -> memref<1xf32, #tpu.memory_space<vmem>>
      %dma_start3A_36 = arith.constant 0 : i32
      %dma_start3A_37 = tpu.memref_slice %empty_ref3A[%dma_start3A_36] : memref<16xf32, #tpu.memory_space<vmem>> -> memref<1xf32, #tpu.memory_space<vmem>>
      tpu.enqueue_dma source(%arg8 : memref<1xf32, #tpu.memory_space<hbm>>) target(%dma_start3A_37 : memref<1xf32, #tpu.memory_space<vmem>>) target_semaphore(%run_scoped3A : memref<!tpu.dma_semaphore, #tpu.memory_space<semaphore_mem>>)
      %dma_wait3A = arith.constant 0 : i32
      %dma_wait3A_38 = tpu.memref_slice %empty_ref3A[%dma_wait3A] : memref<16xf32, #tpu.memory_space<vmem>> -> memref<1xf32, #tpu.memory_space<vmem>>
      %dma_wait3A_39 = arith.constant 0 : i32
      %dma_wait3A_40 = tpu.memref_slice %empty_ref3A[%dma_wait3A_39] : memref<16xf32, #tpu.memory_space<vmem>> -> memref<1xf32, #tpu.memory_space<vmem>>
      tpu.wait_dma2 semaphore(%run_scoped3A : memref<!tpu.dma_semaphore, #tpu.memory_space<semaphore_mem>>) src(%arg8 : memref<1xf32, #tpu.memory_space<hbm>>) dst(%dma_wait3A_40 : memref<1xf32, #tpu.memory_space<vmem>>)
      tpu.yield
    }) : () -> ()
    %get3A = arith.constant 0 : index
    %get3A_0 = tpu.vector_load %empty_ref3A[%get3A] {strides = array<i32>} : memref<16xf32, #tpu.memory_space<vmem>>, vector<16xf32>,
    %slice3A = vector.extract_strided_slice %get3A_0 {offsets = [0], sizes = [1], strides = [1]} : vector<16xf32> to vector<1xf32>
    %squeeze3A = vector.extract %slice3A[0] : f32 from vector<1xf32>
    %mul3A = arith.constant 2 : i32
    %mul3A_1 = arith.muli %arg1, %mul3A : i32
    %add3A = arith.addi %mul3A_1, %arg0 : i32
    %mul3A_2 = arith.constant 32 : i32
    %mul3A_3 = arith.muli %add3A, %mul3A_2 : i32
    %jit3A = arith.constant 512 : i32
    %div3A = arith.divsi %mul3A_3, %jit3A : i32
    %sign3A = arith.constant 0 : i32
    %sign3A_4 = arith.cmpi sgt, %mul3A_3, %sign3A : i32
    %sign3A_5 = arith.extui %sign3A_4 : i1 to i32
    %sign3A_6 = arith.constant 0 : i32
    %sign3A_7 = arith.cmpi slt, %mul3A_3, %sign3A_6 : i32
    %sign3A_8 = arith.extui %sign3A_7 : i1 to i32
    %sign3A_9 = arith.subi %sign3A_5, %sign3A_8 : i32
    %sign3A_10 = arith.constant 0 : i32
    %sign3A_11 = arith.cmpi sgt, %jit3A, %sign3A_10 : i32
    %sign3A_12 = arith.extui %sign3A_11 : i1 to i32
    %sign3A_13 = arith.constant 0 : i32
    %sign3A_14 = arith.cmpi slt, %jit3A, %sign3A_13 : i32
    %sign3A_15 = arith.extui %sign3A_14 : i1 to i32
    %sign3A_16 = arith.subi %sign3A_12, %sign3A_15 : i32
    %ne3A = arith.cmpi ne, %sign3A_9, %sign3A_16 : i32
    %rem3A = arith.remsi %mul3A_3, %jit3A : i32
    %ne3A_17 = arith.constant 0 : i32
    %ne3A_18 = arith.cmpi ne, %rem3A, %ne3A_17 : i32
    %and3A = arith.andi %ne3A, %ne3A_18 : i1
    %sub3A = arith.constant 1 : i32
    %sub3A_19 = arith.subi %div3A, %sub3A : i32
    %select_n3A = arith.select %and3A, %sub3A_19, %div3A : i32
    %mul3A_20 = arith.constant 1024 : i32
    %mul3A_21 = arith.muli %select_n3A, %mul3A_20 : i32
    "tpu.region"() ({
      %run_scoped3A = tpu.sem_alloc : memref<!tpu.dma_semaphore, #tpu.memory_space<semaphore_mem>>
      %dma_start3A = tpu.memref_slice %arg2[%mul3A_21] : memref<2048xf32, #tpu.memory_space<hbm>> -> memref<1024xf32, #tpu.memory_space<hbm>>
      %dma_start3A_35 = tpu.memref_slice %arg2[%mul3A_21] : memref<2048xf32, #tpu.memory_space<hbm>> -> memref<1024xf32, #tpu.memory_space<hbm>>
      tpu.enqueue_dma source(%dma_start3A_35 : memref<1024xf32, #tpu.memory_space<hbm>>) target(%arg10 : memref<1024xf32, #tpu.memory_space<vmem>>) target_semaphore(%run_scoped3A : memref<!tpu.dma_semaphore, #tpu.memory_space<semaphore_mem>>)
      %dma_wait3A = tpu.memref_slice %arg2[%mul3A_21] : memref<2048xf32, #tpu.memory_space<hbm>> -> memref<1024xf32, #tpu.memory_space<hbm>>
      %dma_wait3A_36 = tpu.memref_slice %arg2[%mul3A_21] : memref<2048xf32, #tpu.memory_space<hbm>> -> memref<1024xf32, #tpu.memory_space<hbm>>
      tpu.wait_dma2 semaphore(%run_scoped3A : memref<!tpu.dma_semaphore, #tpu.memory_space<semaphore_mem>>) src(%dma_wait3A_36 : memref<1024xf32, #tpu.memory_space<hbm>>) dst(%arg10 : memref<1024xf32, #tpu.memory_space<vmem>>)
      tpu.yield
    }) : () -> ()
    "tpu.region"() ({
      %run_scoped3A = tpu.sem_alloc : memref<!tpu.dma_semaphore, #tpu.memory_space<semaphore_mem>>
      %dma_start3A = tpu.memref_slice %arg3[%mul3A_21] : memref<2048xf32, #tpu.memory_space<hbm>> -> memref<1024xf32, #tpu.memory_space<hbm>>
      %dma_start3A_35 = tpu.memref_slice %arg3[%mul3A_21] : memref<2048xf32, #tpu.memory_space<hbm>> -> memref<1024xf32, #tpu.memory_space<hbm>>
      tpu.enqueue_dma source(%dma_start3A_35 : memref<1024xf32, #tpu.memory_space<hbm>>) target(%arg11 : memref<1024xf32, #tpu.memory_space<vmem>>) target_semaphore(%run_scoped3A : memref<!tpu.dma_semaphore, #tpu.memory_space<semaphore_mem>>)
      %dma_wait3A = tpu.memref_slice %arg3[%mul3A_21] : memref<2048xf32, #tpu.memory_space<hbm>> -> memref<1024xf32, #tpu.memory_space<hbm>>
      %dma_wait3A_36 = tpu.memref_slice %arg3[%mul3A_21] : memref<2048xf32, #tpu.memory_space<hbm>> -> memref<1024xf32, #tpu.memory_space<hbm>>
      tpu.wait_dma2 semaphore(%run_scoped3A : memref<!tpu.dma_semaphore, #tpu.memory_space<semaphore_mem>>) src(%dma_wait3A_36 : memref<1024xf32, #tpu.memory_space<hbm>>) dst(%arg11 : memref<1024xf32, #tpu.memory_space<vmem>>)
      tpu.yield
    }) : () -> ()
    "tpu.region"() ({
      %run_scoped3A = tpu.sem_alloc : memref<!tpu.dma_semaphore, #tpu.memory_space<semaphore_mem>>
      %dma_start3A = tpu.memref_slice %arg4[%mul3A_21] : memref<2048xf32, #tpu.memory_space<hbm>> -> memref<1024xf32, #tpu.memory_space<hbm>>
      %dma_start3A_35 = tpu.memref_slice %arg4[%mul3A_21] : memref<2048xf32, #tpu.memory_space<hbm>> -> memref<1024xf32, #tpu.memory_space<hbm>>
      tpu.enqueue_dma source(%dma_start3A_35 : memref<1024xf32, #tpu.memory_space<hbm>>) target(%arg12 : memref<1024xf32, #tpu.memory_space<vmem>>) target_semaphore(%run_scoped3A : memref<!tpu.dma_semaphore, #tpu.memory_space<semaphore_mem>>)
      %dma_wait3A = tpu.memref_slice %arg4[%mul3A_21] : memref<2048xf32, #tpu.memory_space<hbm>> -> memref<1024xf32, #tpu.memory_space<hbm>>
      %dma_wait3A_36 = tpu.memref_slice %arg4[%mul3A_21] : memref<2048xf32, #tpu.memory_space<hbm>> -> memref<1024xf32, #tpu.memory_space<hbm>>
      tpu.wait_dma2 semaphore(%run_scoped3A : memref<!tpu.dma_semaphore, #tpu.memory_space<semaphore_mem>>) src(%dma_wait3A_36 : memref<1024xf32, #tpu.memory_space<hbm>>) dst(%arg12 : memref<1024xf32, #tpu.memory_space<vmem>>)
      tpu.yield
    }) : () -> ()
    "tpu.region"() ({
      %run_scoped3A = tpu.sem_alloc : memref<!tpu.dma_semaphore, #tpu.memory_space<semaphore_mem>>
      %dma_start3A = tpu.memref_slice %arg5[%mul3A_3] : memref<1024xf32, #tpu.memory_space<hbm>> -> memref<32xf32, #tpu.memory_space<hbm>>
      %dma_start3A_35 = tpu.memref_slice %arg5[%mul3A_3] : memref<1024xf32, #tpu.memory_space<hbm>> -> memref<32xf32, #tpu.memory_space<hbm>>
      tpu.enqueue_dma source(%dma_start3A_35 : memref<32xf32, #tpu.memory_space<hbm>>) target(%arg14 : memref<32xf32, #tpu.memory_space<vmem>>) target_semaphore(%run_scoped3A : memref<!tpu.dma_semaphore, #tpu.memory_space<semaphore_mem>>)
      %dma_wait3A = tpu.memref_slice %arg5[%mul3A_3] : memref<1024xf32, #tpu.memory_space<hbm>> -> memref<32xf32, #tpu.memory_space<hbm>>
      %dma_wait3A_36 = tpu.memref_slice %arg5[%mul3A_3] : memref<1024xf32, #tpu.memory_space<hbm>> -> memref<32xf32, #tpu.memory_space<hbm>>
      tpu.wait_dma2 semaphore(%run_scoped3A : memref<!tpu.dma_semaphore, #tpu.memory_space<semaphore_mem>>) src(%dma_wait3A_36 : memref<32xf32, #tpu.memory_space<hbm>>) dst(%arg14 : memref<32xf32, #tpu.memory_space<vmem>>)
      tpu.yield
    }) : () -> ()
    "tpu.region"() ({
      %run_scoped3A = tpu.sem_alloc : memref<!tpu.dma_semaphore, #tpu.memory_space<semaphore_mem>>
      %dma_start3A = tpu.memref_slice %arg6[%mul3A_3] : memref<1024xf32, #tpu.memory_space<hbm>> -> memref<32xf32, #tpu.memory_space<hbm>>
      %dma_start3A_35 = tpu.memref_slice %arg6[%mul3A_3] : memref<1024xf32, #tpu.memory_space<hbm>> -> memref<32xf32, #tpu.memory_space<hbm>>
      tpu.enqueue_dma source(%dma_start3A_35 : memref<32xf32, #tpu.memory_space<hbm>>) target(%arg15 : memref<32xf32, #tpu.memory_space<vmem>>) target_semaphore(%run_scoped3A : memref<!tpu.dma_semaphore, #tpu.memory_space<semaphore_mem>>)
      %dma_wait3A = tpu.memref_slice %arg6[%mul3A_3] : memref<1024xf32, #tpu.memory_space<hbm>> -> memref<32xf32, #tpu.memory_space<hbm>>
      %dma_wait3A_36 = tpu.memref_slice %arg6[%mul3A_3] : memref<1024xf32, #tpu.memory_space<hbm>> -> memref<32xf32, #tpu.memory_space<hbm>>
      tpu.wait_dma2 semaphore(%run_scoped3A : memref<!tpu.dma_semaphore, #tpu.memory_space<semaphore_mem>>) src(%dma_wait3A_36 : memref<32xf32, #tpu.memory_space<hbm>>) dst(%arg15 : memref<32xf32, #tpu.memory_space<vmem>>)
      tpu.yield
    }) : () -> ()
    "tpu.region"() ({
      %run_scoped3A = tpu.sem_alloc : memref<!tpu.dma_semaphore, #tpu.memory_space<semaphore_mem>>
      %dma_start3A = tpu.memref_slice %arg7[%mul3A_3] : memref<1024xf32, #tpu.memory_space<hbm>> -> memref<32xf32, #tpu.memory_space<hbm>>
      %dma_start3A_35 = tpu.memref_slice %arg7[%mul3A_3] : memref<1024xf32, #tpu.memory_space<hbm>> -> memref<32xf32, #tpu.memory_space<hbm>>
      tpu.enqueue_dma source(%dma_start3A_35 : memref<32xf32, #tpu.memory_space<hbm>>) target(%arg16 : memref<32xf32, #tpu.memory_space<vmem>>) target_semaphore(%run_scoped3A : memref<!tpu.dma_semaphore, #tpu.memory_space<semaphore_mem>>)
      %dma_wait3A = tpu.memref_slice %arg7[%mul3A_3] : memref<1024xf32, #tpu.memory_space<hbm>> -> memref<32xf32, #tpu.memory_space<hbm>>
      %dma_wait3A_36 = tpu.memref_slice %arg7[%mul3A_3] : memref<1024xf32, #tpu.memory_space<hbm>> -> memref<32xf32, #tpu.memory_space<hbm>>
      tpu.wait_dma2 semaphore(%run_scoped3A : memref<!tpu.dma_semaphore, #tpu.memory_space<semaphore_mem>>) src(%dma_wait3A_36 : memref<32xf32, #tpu.memory_space<hbm>>) dst(%arg16 : memref<32xf32, #tpu.memory_space<vmem>>)
      tpu.yield
    }) : () -> ()
    %iota3A = tpu.iota {dimensions = array<i32: 0>} : vector<16xi32>
    %scan3A = arith.constant 0 : i32
    %scan3A_22 = arith.constant 0 : i32
    %scan3A_23 = arith.constant 64 : i32
    %scan3A_24 = arith.addi %scan3A_22, %scan3A_23 : i32
    %scan3A_25 = arith.constant 1 : i32
    scf.for %scan3A_35 = %scan3A_22 to %scan3A_24 step %scan3A_25  : i32 {
      %mul3A_36 = arith.constant 16 : i32
      %mul3A_37 = arith.muli %scan3A_35, %mul3A_36 : i32
      %get3A_38 = arith.index_cast %mul3A_37 : i32 to index
      %get3A_39 = tpu.vector_load %arg10[%get3A_38] {strides = array<i32>} : memref<1024xf32, #tpu.memory_space<vmem>>, vector<16xf32>,
      %get3A_40 = arith.index_cast %mul3A_37 : i32 to index
      %get3A_41 = tpu.vector_load %arg11[%get3A_40] {strides = array<i32>} : memref<1024xf32, #tpu.memory_space<vmem>>, vector<16xf32>,
      %get3A_42 = arith.index_cast %mul3A_37 : i32 to index
      %get3A_43 = tpu.vector_load %arg12[%get3A_42] {strides = array<i32>} : memref<1024xf32, #tpu.memory_space<vmem>>, vector<16xf32>,
      %mul3A_44 = arith.mulf %get3A_39, %get3A_39 : vector<16xf32>
      %mul3A_45 = arith.mulf %get3A_41, %get3A_41 : vector<16xf32>
      %add3A_46 = arith.addf %mul3A_44, %mul3A_45 : vector<16xf32>
      %mul3A_47 = arith.mulf %get3A_43, %get3A_43 : vector<16xf32>
      %add3A_48 = arith.addf %add3A_46, %mul3A_47 : vector<16xf32>
      %swap3A = arith.index_cast %mul3A_37 : i32 to index
      %swap3A_49 = tpu.vector_load %arg13[%swap3A] {strides = array<i32>} : memref<1024xf32, #tpu.memory_space<vmem>>, vector<16xf32>,
      tpu.vector_store %arg13[%swap3A], %add3A_48 {strides = array<i32>} : memref<1024xf32, #tpu.memory_space<vmem>>, vector<16xf32>,
      %bitcast3A = vector.bitcast %get3A_39 : vector<16xf32> to vector<16xi32>
      %add3A_50 = arith.constant 32767 : i32
      %add3A_51 = vector.broadcast %add3A_50 : i32 to vector<16xi32>
      %add3A_52 = arith.addi %bitcast3A, %add3A_51 : vector<16xi32>
      %shift_right_arithmetic3A = arith.constant 16 : i32
      %shift_right_arithmetic3A_53 = vector.broadcast %shift_right_arithmetic3A : i32 to vector<16xi32>
      %shift_right_arithmetic3A_54 = arith.shrsi %bitcast3A, %shift_right_arithmetic3A_53 : vector<16xi32>
      %and3A_55 = arith.constant 1 : i32
      %and3A_56 = vector.broadcast %and3A_55 : i32 to vector<16xi32>
      %and3A_57 = arith.andi %shift_right_arithmetic3A_54, %and3A_56 : vector<16xi32>
      %add3A_58 = arith.addi %add3A_52, %and3A_57 : vector<16xi32>
      %and3A_59 = arith.constant -65536 : i32
      %and3A_60 = vector.broadcast %and3A_59 : i32 to vector<16xi32>
      %and3A_61 = arith.andi %add3A_58, %and3A_60 : vector<16xi32>
      %bitcast3A_62 = vector.bitcast %and3A_61 : vector<16xi32> to vector<16xf32>
      %swap3A_63 = arith.index_cast %mul3A_37 : i32 to index
      %swap3A_64 = tpu.vector_load %arg10[%swap3A_63] {strides = array<i32>} : memref<1024xf32, #tpu.memory_space<vmem>>, vector<16xf32>,
      tpu.vector_store %arg10[%swap3A_63], %bitcast3A_62 {strides = array<i32>} : memref<1024xf32, #tpu.memory_space<vmem>>, vector<16xf32>,
      %bitcast3A_65 = vector.bitcast %get3A_41 : vector<16xf32> to vector<16xi32>
      %add3A_66 = arith.constant 32767 : i32
      %add3A_67 = vector.broadcast %add3A_66 : i32 to vector<16xi32>
      %add3A_68 = arith.addi %bitcast3A_65, %add3A_67 : vector<16xi32>
      %shift_right_arithmetic3A_69 = arith.constant 16 : i32
      %shift_right_arithmetic3A_70 = vector.broadcast %shift_right_arithmetic3A_69 : i32 to vector<16xi32>
      %shift_right_arithmetic3A_71 = arith.shrsi %bitcast3A_65, %shift_right_arithmetic3A_70 : vector<16xi32>
      %and3A_72 = arith.constant 1 : i32
      %and3A_73 = vector.broadcast %and3A_72 : i32 to vector<16xi32>
      %and3A_74 = arith.andi %shift_right_arithmetic3A_71, %and3A_73 : vector<16xi32>
      %add3A_75 = arith.addi %add3A_68, %and3A_74 : vector<16xi32>
      %and3A_76 = arith.constant -65536 : i32
      %and3A_77 = vector.broadcast %and3A_76 : i32 to vector<16xi32>
      %and3A_78 = arith.andi %add3A_75, %and3A_77 : vector<16xi32>
      %bitcast3A_79 = vector.bitcast %and3A_78 : vector<16xi32> to vector<16xf32>
      %swap3A_80 = arith.index_cast %mul3A_37 : i32 to index
      %swap3A_81 = tpu.vector_load %arg11[%swap3A_80] {strides = array<i32>} : memref<1024xf32, #tpu.memory_space<vmem>>, vector<16xf32>,
      tpu.vector_store %arg11[%swap3A_80], %bitcast3A_79 {strides = array<i32>} : memref<1024xf32, #tpu.memory_space<vmem>>, vector<16xf32>,
      %bitcast3A_82 = vector.bitcast %get3A_43 : vector<16xf32> to vector<16xi32>
      %add3A_83 = arith.constant 32767 : i32
      %add3A_84 = vector.broadcast %add3A_83 : i32 to vector<16xi32>
      %add3A_85 = arith.addi %bitcast3A_82, %add3A_84 : vector<16xi32>
      %shift_right_arithmetic3A_86 = arith.constant 16 : i32
      %shift_right_arithmetic3A_87 = vector.broadcast %shift_right_arithmetic3A_86 : i32 to vector<16xi32>
      %shift_right_arithmetic3A_88 = arith.shrsi %bitcast3A_82, %shift_right_arithmetic3A_87 : vector<16xi32>
      %and3A_89 = arith.constant 1 : i32
      %and3A_90 = vector.broadcast %and3A_89 : i32 to vector<16xi32>
      %and3A_91 = arith.andi %shift_right_arithmetic3A_88, %and3A_90 : vector<16xi32>
      %add3A_92 = arith.addi %add3A_85, %and3A_91 : vector<16xi32>
      %and3A_93 = arith.constant -65536 : i32
      %and3A_94 = vector.broadcast %and3A_93 : i32 to vector<16xi32>
      %and3A_95 = arith.andi %add3A_92, %and3A_94 : vector<16xi32>
      %bitcast3A_96 = vector.bitcast %and3A_95 : vector<16xi32> to vector<16xf32>
      %swap3A_97 = arith.index_cast %mul3A_37 : i32 to index
      %swap3A_98 = tpu.vector_load %arg12[%swap3A_97] {strides = array<i32>} : memref<1024xf32, #tpu.memory_space<vmem>>, vector<16xf32>,
      tpu.vector_store %arg12[%swap3A_97], %bitcast3A_96 {strides = array<i32>} : memref<1024xf32, #tpu.memory_space<vmem>>, vector<16xf32>,
    }
    %scan3A_26 = arith.constant 64 : i32
    %scan3A_27 = arith.constant 0 : i32
    %scan3A_28 = arith.constant 0 : i32
    %scan3A_29 = arith.constant 2 : i32
    %scan3A_30 = arith.addi %scan3A_28, %scan3A_29 : i32
    %scan3A_31 = arith.constant 1 : i32
    scf.for %scan3A_35 = %scan3A_28 to %scan3A_30 step %scan3A_31  : i32 {
      %mul3A_36 = arith.constant 16 : i32
      %mul3A_37 = arith.muli %scan3A_35, %mul3A_36 : i32
      %get3A_38 = arith.index_cast %mul3A_37 : i32 to index
      %get3A_39 = tpu.vector_load %arg14[%get3A_38] {strides = array<i32>} : memref<32xf32, #tpu.memory_space<vmem>>, vector<16xf32>,
      %mul3A_40 = arith.constant 16 : i32
      %mul3A_41 = arith.muli %scan3A_35, %mul3A_40 : i32
      %get3A_42 = arith.index_cast %mul3A_41 : i32 to index
      %get3A_43 = tpu.vector_load %arg15[%get3A_42] {strides = array<i32>} : memref<32xf32, #tpu.memory_space<vmem>>, vector<16xf32>,
      %mul3A_44 = arith.constant 16 : i32
      %mul3A_45 = arith.muli %scan3A_35, %mul3A_44 : i32
      %get3A_46 = arith.index_cast %mul3A_45 : i32 to index
      %get3A_47 = tpu.vector_load %arg16[%get3A_46] {strides = array<i32>} : memref<32xf32, #tpu.memory_space<vmem>>, vector<16xf32>,
      %scan3A_48 = arith.constant 0 : i32
      %scan3A_49 = arith.constant 16 : i32
      %scan3A_50 = arith.addi %scan3A_48, %scan3A_49 : i32
      %scan3A_51 = arith.constant 1 : i32
      scf.for %scan3A_53 = %scan3A_48 to %scan3A_50 step %scan3A_51  : i32 {
        %mul3A_54 = arith.constant 16 : i32
        %mul3A_55 = arith.muli %scan3A_35, %mul3A_54 : i32
        %add3A_56 = arith.addi %mul3A_55, %scan3A_53 : i32
        %broadcast_in_dim3A = vector.broadcast %scan3A_53 : i32 to vector<16xi32>
        %lt3A = arith.constant 0 : i32
        %lt3A_57 = vector.broadcast %lt3A : i32 to vector<16xi32>
        %lt3A_58 = arith.cmpi slt, %broadcast_in_dim3A, %lt3A_57 : vector<16xi32>
        %add3A_59 = arith.constant 16 : i32
        %add3A_60 = vector.broadcast %add3A_59 : i32 to vector<16xi32>
        %add3A_61 = arith.addi %broadcast_in_dim3A, %add3A_60 : vector<16xi32>
        %select_n3A_62 = arith.select %lt3A_58, %add3A_61, %broadcast_in_dim3A : vector<16xi1>, vector<16xi32>
        %reshape3A = vector.shape_cast %select_n3A_62 : vector<16xi32> to vector<16x1xi32>
        %gather3A = vector.shape_cast %reshape3A : vector<16x1xi32> to vector<16xi32>
        %gather3A_63 = tpu.dynamic_gather %get3A_39[%gather3A] in [0] : vector<16xf32>, vector<16xi32> -> vector<16xf32>
        %lt3A_64 = arith.constant 0 : i32
        %lt3A_65 = vector.broadcast %lt3A_64 : i32 to vector<16xi32>
        %lt3A_66 = arith.cmpi slt, %broadcast_in_dim3A, %lt3A_65 : vector<16xi32>
        %add3A_67 = arith.constant 16 : i32
        %add3A_68 = vector.broadcast %add3A_67 : i32 to vector<16xi32>
        %add3A_69 = arith.addi %broadcast_in_dim3A, %add3A_68 : vector<16xi32>
        %select_n3A_70 = arith.select %lt3A_66, %add3A_69, %broadcast_in_dim3A : vector<16xi1>, vector<16xi32>
        %reshape3A_71 = vector.shape_cast %select_n3A_70 : vector<16xi32> to vector<16x1xi32>
        %gather3A_72 = vector.shape_cast %reshape3A_71 : vector<16x1xi32> to vector<16xi32>
        %gather3A_73 = tpu.dynamic_gather %get3A_43[%gather3A_72] in [0] : vector<16xf32>, vector<16xi32> -> vector<16xf32>
        %lt3A_74 = arith.constant 0 : i32
        %lt3A_75 = vector.broadcast %lt3A_74 : i32 to vector<16xi32>
        %lt3A_76 = arith.cmpi slt, %broadcast_in_dim3A, %lt3A_75 : vector<16xi32>
        %add3A_77 = arith.constant 16 : i32
        %add3A_78 = vector.broadcast %add3A_77 : i32 to vector<16xi32>
        %add3A_79 = arith.addi %broadcast_in_dim3A, %add3A_78 : vector<16xi32>
        %select_n3A_80 = arith.select %lt3A_76, %add3A_79, %broadcast_in_dim3A : vector<16xi1>, vector<16xi32>
        %reshape3A_81 = vector.shape_cast %select_n3A_80 : vector<16xi32> to vector<16x1xi32>
        %gather3A_82 = vector.shape_cast %reshape3A_81 : vector<16x1xi32> to vector<16xi32>
        %gather3A_83 = tpu.dynamic_gather %get3A_47[%gather3A_82] in [0] : vector<16xf32>, vector<16xi32> -> vector<16xf32>
        %mul3A_84 = arith.mulf %gather3A_63, %gather3A_63 : vector<16xf32>
        %mul3A_85 = arith.mulf %gather3A_73, %gather3A_73 : vector<16xf32>
        %add3A_86 = arith.addf %mul3A_84, %mul3A_85 : vector<16xf32>
        %mul3A_87 = arith.mulf %gather3A_83, %gather3A_83 : vector<16xf32>
        %add3A_88 = arith.addf %add3A_86, %mul3A_87 : vector<16xf32>
        %bitcast3A = vector.bitcast %gather3A_63 : vector<16xf32> to vector<16xi32>
        %add3A_89 = arith.constant 32767 : i32
        %add3A_90 = vector.broadcast %add3A_89 : i32 to vector<16xi32>
        %add3A_91 = arith.addi %bitcast3A, %add3A_90 : vector<16xi32>
        %shift_right_arithmetic3A = arith.constant 16 : i32
        %shift_right_arithmetic3A_92 = vector.broadcast %shift_right_arithmetic3A : i32 to vector<16xi32>
        %shift_right_arithmetic3A_93 = arith.shrsi %bitcast3A, %shift_right_arithmetic3A_92 : vector<16xi32>
        %and3A_94 = arith.constant 1 : i32
        %and3A_95 = vector.broadcast %and3A_94 : i32 to vector<16xi32>
        %and3A_96 = arith.andi %shift_right_arithmetic3A_93, %and3A_95 : vector<16xi32>
        %add3A_97 = arith.addi %add3A_91, %and3A_96 : vector<16xi32>
        %and3A_98 = arith.constant -65536 : i32
        %and3A_99 = vector.broadcast %and3A_98 : i32 to vector<16xi32>
        %and3A_100 = arith.andi %add3A_97, %and3A_99 : vector<16xi32>
        %bitcast3A_101 = vector.bitcast %and3A_100 : vector<16xi32> to vector<16xf32>
        %bitcast3A_102 = vector.bitcast %gather3A_73 : vector<16xf32> to vector<16xi32>
        %add3A_103 = arith.constant 32767 : i32
        %add3A_104 = vector.broadcast %add3A_103 : i32 to vector<16xi32>
        %add3A_105 = arith.addi %bitcast3A_102, %add3A_104 : vector<16xi32>
        %shift_right_arithmetic3A_106 = arith.constant 16 : i32
        %shift_right_arithmetic3A_107 = vector.broadcast %shift_right_arithmetic3A_106 : i32 to vector<16xi32>
        %shift_right_arithmetic3A_108 = arith.shrsi %bitcast3A_102, %shift_right_arithmetic3A_107 : vector<16xi32>
        %and3A_109 = arith.constant 1 : i32
        %and3A_110 = vector.broadcast %and3A_109 : i32 to vector<16xi32>
        %and3A_111 = arith.andi %shift_right_arithmetic3A_108, %and3A_110 : vector<16xi32>
        %add3A_112 = arith.addi %add3A_105, %and3A_111 : vector<16xi32>
        %and3A_113 = arith.constant -65536 : i32
        %and3A_114 = vector.broadcast %and3A_113 : i32 to vector<16xi32>
        %and3A_115 = arith.andi %add3A_112, %and3A_114 : vector<16xi32>
        %bitcast3A_116 = vector.bitcast %and3A_115 : vector<16xi32> to vector<16xf32>
        %bitcast3A_117 = vector.bitcast %gather3A_83 : vector<16xf32> to vector<16xi32>
        %add3A_118 = arith.constant 32767 : i32
        %add3A_119 = vector.broadcast %add3A_118 : i32 to vector<16xi32>
        %add3A_120 = arith.addi %bitcast3A_117, %add3A_119 : vector<16xi32>
        %shift_right_arithmetic3A_121 = arith.constant 16 : i32
        %shift_right_arithmetic3A_122 = vector.broadcast %shift_right_arithmetic3A_121 : i32 to vector<16xi32>
        %shift_right_arithmetic3A_123 = arith.shrsi %bitcast3A_117, %shift_right_arithmetic3A_122 : vector<16xi32>
        %and3A_124 = arith.constant 1 : i32
        %and3A_125 = vector.broadcast %and3A_124 : i32 to vector<16xi32>
        %and3A_126 = arith.andi %shift_right_arithmetic3A_123, %and3A_125 : vector<16xi32>
        %add3A_127 = arith.addi %add3A_120, %and3A_126 : vector<16xi32>
        %and3A_128 = arith.constant -65536 : i32
        %and3A_129 = vector.broadcast %and3A_128 : i32 to vector<16xi32>
        %and3A_130 = arith.andi %add3A_127, %and3A_129 : vector<16xi32>
        %bitcast3A_131 = vector.bitcast %and3A_130 : vector<16xi32> to vector<16xf32>
        %mul3A_132 = arith.constant 16 : i32
        %mul3A_133 = arith.muli %add3A_56, %mul3A_132 : i32
        %scan3A_134 = arith.constant 0 : i32
        %scan3A_135 = arith.constant 0 : i32
        %scan3A_136 = arith.constant 64 : i32
        %scan3A_137 = arith.addi %scan3A_135, %scan3A_136 : i32
        %scan3A_138 = arith.constant 1 : i32
        %scan3A_139 = scf.for %scan3A_175 = %scan3A_135 to %scan3A_137 step %scan3A_138 iter_args(%scan3A_176 = %scan3A_134) -> (i32)  : i32 {
          %mul3A_177 = arith.constant 16 : i32
          %mul3A_178 = arith.muli %scan3A_175, %mul3A_177 : i32
          %get3A_179 = arith.index_cast %mul3A_178 : i32 to index
          %get3A_180 = tpu.vector_load %arg10[%get3A_179] {strides = array<i32>} : memref<1024xf32, #tpu.memory_space<vmem>>, vector<16xf32>,
          %get3A_181 = arith.index_cast %mul3A_178 : i32 to index
          %get3A_182 = tpu.vector_load %arg11[%get3A_181] {strides = array<i32>} : memref<1024xf32, #tpu.memory_space<vmem>>, vector<16xf32>,
          %get3A_183 = arith.index_cast %mul3A_178 : i32 to index
          %get3A_184 = tpu.vector_load %arg12[%get3A_183] {strides = array<i32>} : memref<1024xf32, #tpu.memory_space<vmem>>, vector<16xf32>,
          %get3A_185 = arith.index_cast %mul3A_178 : i32 to index
          %get3A_186 = tpu.vector_load %arg13[%get3A_185] {strides = array<i32>} : memref<1024xf32, #tpu.memory_space<vmem>>, vector<16xf32>,
          %mul3A_187 = arith.mulf %bitcast3A_101, %get3A_180 : vector<16xf32>
          %mul3A_188 = arith.mulf %bitcast3A_116, %get3A_182 : vector<16xf32>
          %add3A_189 = arith.addf %mul3A_187, %mul3A_188 : vector<16xf32>
          %mul3A_190 = arith.mulf %bitcast3A_131, %get3A_184 : vector<16xf32>
          %add3A_191 = arith.addf %add3A_189, %mul3A_190 : vector<16xf32>
          %add3A_192 = arith.addf %add3A_88, %get3A_186 : vector<16xf32>
          %mul3A_193 = arith.constant 2.000000e+00 : f32
          %mul3A_194 = vector.broadcast %mul3A_193 : f32 to vector<16xf32>
          %mul3A_195 = arith.mulf %mul3A_194, %add3A_191 : vector<16xf32>
          %sub3A_196 = arith.subf %add3A_192, %mul3A_195 : vector<16xf32>
          %le3A = vector.broadcast %squeeze3A : f32 to vector<16xf32>
          %le3A_197 = arith.cmpf ole, %sub3A_196, %le3A : vector<16xf32>
          %lt3A_198 = arith.constant 16 : i32
          %lt3A_199 = arith.cmpi slt, %scan3A_176, %lt3A_198 : i32
          %and3A_200 = vector.broadcast %lt3A_199 : i1 to vector<16xi1>
          %and3A_201 = arith.andi %le3A_197, %and3A_200 : vector<16xi1>
          %add3A_202 = arith.addi %mul3A_178, %mul3A_21 : i32
          %add3A_203 = vector.broadcast %add3A_202 : i32 to vector<16xi32>
          %add3A_204 = arith.addi %iota3A, %add3A_203 : vector<16xi32>
          %add3A_205 = arith.addi %mul3A_133, %scan3A_176 : i32
          %swap3A_206 = arith.index_cast %add3A_205 : i32 to index
          %swap3A_207 = tpu.vector_load %arg17[%swap3A_206] masked %and3A_201 {strides = array<i32>} : memref<528xi32, #tpu.memory_space<vmem>>, vector<16xi32>, vector<16xi1>
          tpu.vector_store %arg17[%swap3A_206], %add3A_204 masked %and3A_201 {strides = array<i32>} : memref<528xi32, #tpu.memory_space<vmem>>, vector<16xi32>, vector<16xi1>
          %convert_element_type3A = arith.extui %and3A_201 : vector<16xi1> to vector<16xi32>
          %reduce_sum3A = arith.constant true
          %reduce_sum3A_208 = vector.broadcast %reduce_sum3A : i1 to vector<16xi1>
          %reduce_sum3A_209 = tpu.scan <sum>, %convert_element_type3A masked %reduce_sum3A_208 : vector<16xi32>, vector<16xi1> -> vector<16xi32>
          %reduce_sum3A_210 = vector.extract %reduce_sum3A_209[15] : i32 from vector<16xi32>
          %add3A_211 = arith.addi %scan3A_176, %reduce_sum3A_210 : i32
          scf.yield %add3A_211 : i32
        }
        %scan3A_140 = arith.constant 64 : i32
        %get3A_141 = arith.index_cast %mul3A_133 : i32 to index
        %get3A_142 = tpu.vector_load %arg17[%get3A_141] {strides = array<i32>} : memref<528xi32, #tpu.memory_space<vmem>>, vector<16xi32>,
        %broadcast_in_dim3A_143 = arith.constant 0 : i32
        %broadcast_in_dim3A_144 = vector.broadcast %broadcast_in_dim3A_143 : i32 to vector<16xi32>
        %lt3A_145 = arith.constant 0 : i32
        %lt3A_146 = vector.broadcast %lt3A_145 : i32 to vector<16xi32>
        %lt3A_147 = arith.cmpi slt, %broadcast_in_dim3A_144, %lt3A_146 : vector<16xi32>
        %add3A_148 = arith.constant 16 : i32
        %add3A_149 = vector.broadcast %add3A_148 : i32 to vector<16xi32>
        %add3A_150 = arith.addi %broadcast_in_dim3A_144, %add3A_149 : vector<16xi32>
        %select_n3A_151 = arith.select %lt3A_147, %add3A_150, %broadcast_in_dim3A_144 : vector<16xi1>, vector<16xi32>
        %reshape3A_152 = vector.shape_cast %select_n3A_151 : vector<16xi32> to vector<16x1xi32>
        %gather3A_153 = vector.shape_cast %reshape3A_152 : vector<16x1xi32> to vector<16xi32>
        %gather3A_154 = tpu.dynamic_gather %get3A_142[%gather3A_153] in [0] : vector<16xi32>, vector<16xi32> -> vector<16xi32>
        %gt3A = arith.constant 0 : i32
        %gt3A_155 = arith.cmpi sgt, %scan3A_139, %gt3A : i32
        %add3A_156 = arith.constant 1024 : i32
        %add3A_157 = arith.addi %mul3A_21, %add3A_156 : i32
        %sub3A_158 = arith.constant 1 : i32
        %sub3A_159 = arith.subi %add3A_157, %sub3A_158 : i32
        %broadcast_in_dim3A_160 = vector.broadcast %sub3A_159 : i32 to vector<16xi32>
        %select_n3A_161 = arith.select %gt3A_155, %gather3A_154, %broadcast_in_dim3A_160 : vector<16xi32>
        %add3A_162 = arith.constant 0 : i32
        %add3A_163 = vector.broadcast %add3A_162 : i32 to vector<16xi32>
        %add3A_164 = arith.addi %iota3A, %add3A_163 : vector<16xi32>
        %add3A_165 = arith.constant 0 : i32
        %add3A_166 = arith.addi %mul3A_133, %add3A_165 : i32
        %get3A_167 = arith.index_cast %add3A_166 : i32 to index
        %get3A_168 = tpu.vector_load %arg17[%get3A_167] {strides = array<i32>} : memref<528xi32, #tpu.memory_space<vmem>>, vector<16xi32>,
        %lt3A_169 = vector.broadcast %scan3A_139 : i32 to vector<16xi32>
        %lt3A_170 = arith.cmpi slt, %add3A_164, %lt3A_169 : vector<16xi32>
        %select_n3A_171 = arith.select %lt3A_170, %get3A_168, %select_n3A_161 : vector<16xi1>, vector<16xi32>
        %add3A_172 = arith.constant 0 : i32
        %add3A_173 = arith.addi %mul3A_133, %add3A_172 : i32
        %swap3A = arith.index_cast %add3A_173 : i32 to index
        %swap3A_174 = tpu.vector_load %arg17[%swap3A] {strides = array<i32>} : memref<528xi32, #tpu.memory_space<vmem>>, vector<16xi32>,
        tpu.vector_store %arg17[%swap3A], %select_n3A_171 {strides = array<i32>} : memref<528xi32, #tpu.memory_space<vmem>>, vector<16xi32>,
      }
      %scan3A_52 = arith.constant 16 : i32
    }
    %scan3A_32 = arith.constant 2 : i32
    %mul3A_33 = arith.constant 16 : i32
    %mul3A_34 = arith.muli %mul3A_3, %mul3A_33 : i32
    "tpu.region"() ({
      %run_scoped3A = tpu.sem_alloc : memref<!tpu.dma_semaphore, #tpu.memory_space<semaphore_mem>>
      %dma_start3A = arith.constant 0 : i32
      %dma_start3A_35 = tpu.memref_slice %arg17[%dma_start3A] : memref<528xi32, #tpu.memory_space<vmem>> -> memref<512xi32, #tpu.memory_space<vmem>>
      %dma_start3A_36 = tpu.memref_slice %arg9[%mul3A_34] : memref<16384xi32, #tpu.memory_space<hbm>> -> memref<512xi32, #tpu.memory_space<hbm>>
      %dma_start3A_37 = tpu.memref_slice %arg9[%mul3A_34] : memref<16384xi32, #tpu.memory_space<hbm>> -> memref<512xi32, #tpu.memory_space<hbm>>
      %dma_start3A_38 = arith.constant 0 : i32
      %dma_start3A_39 = tpu.memref_slice %arg17[%dma_start3A_38] : memref<528xi32, #tpu.memory_space<vmem>> -> memref<512xi32, #tpu.memory_space<vmem>>
      tpu.enqueue_dma source(%dma_start3A_39 : memref<512xi32, #tpu.memory_space<vmem>>) target(%dma_start3A_37 : memref<512xi32, #tpu.memory_space<hbm>>) target_semaphore(%run_scoped3A : memref<!tpu.dma_semaphore, #tpu.memory_space<semaphore_mem>>)
      %dma_wait3A = arith.constant 0 : i32
      %dma_wait3A_40 = tpu.memref_slice %arg17[%dma_wait3A] : memref<528xi32, #tpu.memory_space<vmem>> -> memref<512xi32, #tpu.memory_space<vmem>>
      %dma_wait3A_41 = tpu.memref_slice %arg9[%mul3A_34] : memref<16384xi32, #tpu.memory_space<hbm>> -> memref<512xi32, #tpu.memory_space<hbm>>
      %dma_wait3A_42 = tpu.memref_slice %arg9[%mul3A_34] : memref<16384xi32, #tpu.memory_space<hbm>> -> memref<512xi32, #tpu.memory_space<hbm>>
      %dma_wait3A_43 = arith.constant 0 : i32
      %dma_wait3A_44 = tpu.memref_slice %arg17[%dma_wait3A_43] : memref<528xi32, #tpu.memory_space<vmem>> -> memref<512xi32, #tpu.memory_space<vmem>>
      tpu.wait_dma2 semaphore(%run_scoped3A : memref<!tpu.dma_semaphore, #tpu.memory_space<semaphore_mem>>) src(%dma_wait3A_44 : memref<512xi32, #tpu.memory_space<vmem>>) dst(%dma_wait3A_42 : memref<512xi32, #tpu.memory_space<hbm>>)
      tpu.yield
    }) : () -> ()
    return
  }
}

#map = affine_map<(d0, d1) -> (0, 0)>
module attributes {stable_mosaic.version = 14 : i64} {
  func.func @gk(%arg0: i32, %arg1: i32, %arg2: memref<2048x128xf32, #tpu.memory_space<hbm>>, %arg3: memref<128x128xi32, #tpu.memory_space<hbm>>, %arg4: memref<16384x128xf32, #tpu.memory_space<hbm>>, %arg5: memref<4x128xi32, #tpu.memory_space<vmem>>, %arg6: memref<128x128xf32, #tpu.memory_space<vmem>>, %arg7: memref<!tpu.dma_semaphore, #tpu.memory_space<semaphore_mem>>) attributes {dimension_semantics = [#tpu.dimension_semantics<core_parallel>, #tpu.dimension_semantics<subcore_parallel>], iteration_bounds = array<i64: 2, 16>, scalar_prefetch = 0 : i64, scratch_operands = 3 : i64, tpu.core_type = #tpu.core_type<sc_vector_subcore>, window_params = [{transform_indices = #map}, {transform_indices = #map}, {transform_indices = #map}]} {
    %mul3A = arith.constant 2 : i32
    %mul3A_0 = arith.muli %arg1, %mul3A : i32
    %add3A = arith.addi %mul3A_0, %arg0 : i32
    %mul3A_1 = arith.constant 4 : i32
    %mul3A_2 = arith.muli %add3A, %mul3A_1 : i32
    "tpu.region"() ({
      %run_scoped3A = tpu.sem_alloc : memref<!tpu.dma_semaphore, #tpu.memory_space<semaphore_mem>>
      %dma_start3A = arith.constant 0 : i32
      %dma_start3A_8 = tpu.memref_slice %arg3[%mul3A_2, %dma_start3A] : memref<128x128xi32, #tpu.memory_space<hbm>> -> memref<4x128xi32, #tpu.memory_space<hbm>>
      %dma_start3A_9 = arith.constant 0 : i32
      %dma_start3A_10 = tpu.memref_slice %arg3[%mul3A_2, %dma_start3A_9] : memref<128x128xi32, #tpu.memory_space<hbm>> -> memref<4x128xi32, #tpu.memory_space<hbm>>
      tpu.enqueue_dma source(%dma_start3A_10 : memref<4x128xi32, #tpu.memory_space<hbm>>) target(%arg5 : memref<4x128xi32, #tpu.memory_space<vmem>>) target_semaphore(%run_scoped3A : memref<!tpu.dma_semaphore, #tpu.memory_space<semaphore_mem>>)
      %dma_wait3A = arith.constant 0 : i32
      %dma_wait3A_11 = tpu.memref_slice %arg3[%mul3A_2, %dma_wait3A] : memref<128x128xi32, #tpu.memory_space<hbm>> -> memref<4x128xi32, #tpu.memory_space<hbm>>
      %dma_wait3A_12 = arith.constant 0 : i32
      %dma_wait3A_13 = tpu.memref_slice %arg3[%mul3A_2, %dma_wait3A_12] : memref<128x128xi32, #tpu.memory_space<hbm>> -> memref<4x128xi32, #tpu.memory_space<hbm>>
      tpu.wait_dma2 semaphore(%run_scoped3A : memref<!tpu.dma_semaphore, #tpu.memory_space<semaphore_mem>>) src(%dma_wait3A_13 : memref<4x128xi32, #tpu.memory_space<hbm>>) dst(%arg5 : memref<4x128xi32, #tpu.memory_space<vmem>>)
      tpu.yield
    }) : () -> ()
    %scan3A = arith.constant 0 : i32
    %scan3A_3 = arith.constant 0 : i32
    %scan3A_4 = arith.constant 4 : i32
    %scan3A_5 = arith.addi %scan3A_3, %scan3A_4 : i32
    %scan3A_6 = arith.constant 1 : i32
    scf.for %scan3A_8 = %scan3A_3 to %scan3A_5 step %scan3A_6  : i32 {
      %dma_start3A = arith.constant 0 : i32
      %dma_start3A_9 = tpu.memref_slice %arg5[%scan3A_8, %dma_start3A] : memref<4x128xi32, #tpu.memory_space<vmem>> -> memref<1x128xi32, #tpu.memory_space<vmem>>
      %dma_start3A_10 = tpu.memref_squeeze %dma_start3A_9 : memref<1x128xi32, #tpu.memory_space<vmem>> -> memref<128xi32, #tpu.memory_space<vmem>>
      %dma_start3A_11 = arith.constant 0 : i32
      %dma_start3A_12 = arith.constant 0 : i32
      %dma_start3A_13 = tpu.memref_slice %arg2[%dma_start3A_11, %dma_start3A_12] : memref<2048x128xf32, #tpu.memory_space<hbm>> -> memref<2048x128xf32, #tpu.memory_space<hbm>>
      tpu.enqueue_indirect_dma source(%dma_start3A_13 : memref<2048x128xf32, #tpu.memory_space<hbm>>) target(%arg6 : memref<128x128xf32, #tpu.memory_space<vmem>>) offsets(%dma_start3A_10 : memref<128xi32, #tpu.memory_space<vmem>>) semaphore(%arg7 : memref<!tpu.dma_semaphore, #tpu.memory_space<semaphore_mem>>)
      %dma_wait3A = arith.constant 0 : i32
      %dma_wait3A_14 = tpu.memref_slice %arg5[%scan3A_8, %dma_wait3A] : memref<4x128xi32, #tpu.memory_space<vmem>> -> memref<1x128xi32, #tpu.memory_space<vmem>>
      %dma_wait3A_15 = tpu.memref_squeeze %dma_wait3A_14 : memref<1x128xi32, #tpu.memory_space<vmem>> -> memref<128xi32, #tpu.memory_space<vmem>>
      %dma_wait3A_16 = arith.constant 0 : i32
      %dma_wait3A_17 = arith.constant 0 : i32
      %dma_wait3A_18 = tpu.memref_slice %arg2[%dma_wait3A_16, %dma_wait3A_17] : memref<2048x128xf32, #tpu.memory_space<hbm>> -> memref<2048x128xf32, #tpu.memory_space<hbm>>
      tpu.wait_indirect_dma semaphore(%arg7 : memref<!tpu.dma_semaphore, #tpu.memory_space<semaphore_mem>>) src(%dma_wait3A_18 : memref<2048x128xf32, #tpu.memory_space<hbm>>) dst(%arg6 : memref<128x128xf32, #tpu.memory_space<vmem>>)
      %mul3A_19 = arith.constant 512 : i32
      %mul3A_20 = arith.muli %add3A, %mul3A_19 : i32
      %mul3A_21 = arith.constant 128 : i32
      %mul3A_22 = arith.muli %scan3A_8, %mul3A_21 : i32
      %add3A_23 = arith.addi %mul3A_20, %mul3A_22 : i32
      "tpu.region"() ({
        %run_scoped3A = tpu.sem_alloc : memref<!tpu.dma_semaphore, #tpu.memory_space<semaphore_mem>>
        %dma_start3A_24 = arith.constant 0 : i32
        %dma_start3A_25 = tpu.memref_slice %arg4[%add3A_23, %dma_start3A_24] : memref<16384x128xf32, #tpu.memory_space<hbm>> -> memref<128x128xf32, #tpu.memory_space<hbm>>
        %dma_start3A_26 = arith.constant 0 : i32
        %dma_start3A_27 = tpu.memref_slice %arg4[%add3A_23, %dma_start3A_26] : memref<16384x128xf32, #tpu.memory_space<hbm>> -> memref<128x128xf32, #tpu.memory_space<hbm>>
        tpu.enqueue_dma source(%arg6 : memref<128x128xf32, #tpu.memory_space<vmem>>) target(%dma_start3A_27 : memref<128x128xf32, #tpu.memory_space<hbm>>) target_semaphore(%run_scoped3A : memref<!tpu.dma_semaphore, #tpu.memory_space<semaphore_mem>>)
        %dma_wait3A_28 = arith.constant 0 : i32
        %dma_wait3A_29 = tpu.memref_slice %arg4[%add3A_23, %dma_wait3A_28] : memref<16384x128xf32, #tpu.memory_space<hbm>> -> memref<128x128xf32, #tpu.memory_space<hbm>>
        %dma_wait3A_30 = arith.constant 0 : i32
        %dma_wait3A_31 = tpu.memref_slice %arg4[%add3A_23, %dma_wait3A_30] : memref<16384x128xf32, #tpu.memory_space<hbm>> -> memref<128x128xf32, #tpu.memory_space<hbm>>
        tpu.wait_dma2 semaphore(%run_scoped3A : memref<!tpu.dma_semaphore, #tpu.memory_space<semaphore_mem>>) src(%arg6 : memref<128x128xf32, #tpu.memory_space<vmem>>) dst(%dma_wait3A_31 : memref<128x128xf32, #tpu.memory_space<hbm>>)
        tpu.yield
      }) : () -> ()
    }
    %scan3A_7 = arith.constant 4 : i32
    return
  }
}

#map = affine_map<(d0, d1) -> (0)>
module attributes {stable_mosaic.version = 14 : i64} {
  func.func @_rewritten_body(%arg0: i32, %arg1: i32, %arg2: memref<1024xf32, #tpu.memory_space<hbm>>, %arg3: memref<1024xf32, #tpu.memory_space<hbm>>, %arg4: memref<1024xf32, #tpu.memory_space<hbm>>, %arg5: memref<512xf32, #tpu.memory_space<hbm>>, %arg6: memref<512xf32, #tpu.memory_space<hbm>>, %arg7: memref<512xf32, #tpu.memory_space<hbm>>, %arg8: memref<1xf32, #tpu.memory_space<hbm>>, %arg9: memref<8192xi32, #tpu.memory_space<hbm>>, %arg10: memref<512xf32, #tpu.memory_space<vmem>>, %arg11: memref<512xf32, #tpu.memory_space<vmem>>, %arg12: memref<512xf32, #tpu.memory_space<vmem>>, %arg13: memref<512xf32, #tpu.memory_space<vmem>>, %arg14: memref<16xf32, #tpu.memory_space<vmem>>, %arg15: memref<16xf32, #tpu.memory_space<vmem>>, %arg16: memref<16xf32, #tpu.memory_space<vmem>>, %arg17: memref<272xi32, #tpu.memory_space<vmem>>) attributes {dimension_semantics = [#tpu.dimension_semantics<core_parallel>, #tpu.dimension_semantics<subcore_parallel>], iteration_bounds = array<i64: 2, 16>, scalar_prefetch = 0 : i64, scratch_operands = 8 : i64, tpu.core_type = #tpu.core_type<sc_vector_subcore>, window_params = [{transform_indices = #map}, {transform_indices = #map}, {transform_indices = #map}, {transform_indices = #map}, {transform_indices = #map}, {transform_indices = #map}, {transform_indices = #map}, {transform_indices = #map}]} {
    %empty_ref3A = memref.alloca() : memref<16xf32, #tpu.memory_space<vmem>>
    "tpu.region"() ({
      %run_scoped3A = tpu.sem_alloc : memref<!tpu.dma_semaphore, #tpu.memory_space<semaphore_mem>>
      %dma_start3A = arith.constant 0 : i32
      %dma_start3A_49 = tpu.memref_slice %empty_ref3A[%dma_start3A] : memref<16xf32, #tpu.memory_space<vmem>> -> memref<1xf32, #tpu.memory_space<vmem>>
      %dma_start3A_50 = arith.constant 0 : i32
      %dma_start3A_51 = tpu.memref_slice %empty_ref3A[%dma_start3A_50] : memref<16xf32, #tpu.memory_space<vmem>> -> memref<1xf32, #tpu.memory_space<vmem>>
      tpu.enqueue_dma source(%arg8 : memref<1xf32, #tpu.memory_space<hbm>>) target(%dma_start3A_51 : memref<1xf32, #tpu.memory_space<vmem>>) target_semaphore(%run_scoped3A : memref<!tpu.dma_semaphore, #tpu.memory_space<semaphore_mem>>)
      %dma_wait3A = arith.constant 0 : i32
      %dma_wait3A_52 = tpu.memref_slice %empty_ref3A[%dma_wait3A] : memref<16xf32, #tpu.memory_space<vmem>> -> memref<1xf32, #tpu.memory_space<vmem>>
      %dma_wait3A_53 = arith.constant 0 : i32
      %dma_wait3A_54 = tpu.memref_slice %empty_ref3A[%dma_wait3A_53] : memref<16xf32, #tpu.memory_space<vmem>> -> memref<1xf32, #tpu.memory_space<vmem>>
      tpu.wait_dma2 semaphore(%run_scoped3A : memref<!tpu.dma_semaphore, #tpu.memory_space<semaphore_mem>>) src(%arg8 : memref<1xf32, #tpu.memory_space<hbm>>) dst(%dma_wait3A_54 : memref<1xf32, #tpu.memory_space<vmem>>)
      tpu.yield
    }) : () -> ()
    %get3A = arith.constant 0 : index
    %get3A_0 = tpu.vector_load %empty_ref3A[%get3A] {strides = array<i32>} : memref<16xf32, #tpu.memory_space<vmem>>, vector<16xf32>,
    %slice3A = vector.extract_strided_slice %get3A_0 {offsets = [0], sizes = [1], strides = [1]} : vector<16xf32> to vector<1xf32>
    %squeeze3A = vector.extract %slice3A[0] : f32 from vector<1xf32>
    %mul3A = arith.constant 2 : i32
    %mul3A_1 = arith.muli %arg1, %mul3A : i32
    %add3A = arith.addi %mul3A_1, %arg0 : i32
    %mul3A_2 = arith.constant 16 : i32
    %mul3A_3 = arith.muli %add3A, %mul3A_2 : i32
    %jit3A = arith.constant 256 : i32
    %div3A = arith.divsi %mul3A_3, %jit3A : i32
    %sign3A = arith.constant 0 : i32
    %sign3A_4 = arith.cmpi sgt, %mul3A_3, %sign3A : i32
    %sign3A_5 = arith.extui %sign3A_4 : i1 to i32
    %sign3A_6 = arith.constant 0 : i32
    %sign3A_7 = arith.cmpi slt, %mul3A_3, %sign3A_6 : i32
    %sign3A_8 = arith.extui %sign3A_7 : i1 to i32
    %sign3A_9 = arith.subi %sign3A_5, %sign3A_8 : i32
    %sign3A_10 = arith.constant 0 : i32
    %sign3A_11 = arith.cmpi sgt, %jit3A, %sign3A_10 : i32
    %sign3A_12 = arith.extui %sign3A_11 : i1 to i32
    %sign3A_13 = arith.constant 0 : i32
    %sign3A_14 = arith.cmpi slt, %jit3A, %sign3A_13 : i32
    %sign3A_15 = arith.extui %sign3A_14 : i1 to i32
    %sign3A_16 = arith.subi %sign3A_12, %sign3A_15 : i32
    %ne3A = arith.cmpi ne, %sign3A_9, %sign3A_16 : i32
    %rem3A = arith.remsi %mul3A_3, %jit3A : i32
    %ne3A_17 = arith.constant 0 : i32
    %ne3A_18 = arith.cmpi ne, %rem3A, %ne3A_17 : i32
    %and3A = arith.andi %ne3A, %ne3A_18 : i1
    %sub3A = arith.constant 1 : i32
    %sub3A_19 = arith.subi %div3A, %sub3A : i32
    %select_n3A = arith.select %and3A, %sub3A_19, %div3A : i32
    %mul3A_20 = arith.constant 512 : i32
    %mul3A_21 = arith.muli %select_n3A, %mul3A_20 : i32
    "tpu.region"() ({
      %run_scoped3A = tpu.sem_alloc : memref<!tpu.dma_semaphore, #tpu.memory_space<semaphore_mem>>
      %dma_start3A = tpu.memref_slice %arg2[%mul3A_21] : memref<1024xf32, #tpu.memory_space<hbm>> -> memref<512xf32, #tpu.memory_space<hbm>>
      %dma_start3A_49 = tpu.memref_slice %arg2[%mul3A_21] : memref<1024xf32, #tpu.memory_space<hbm>> -> memref<512xf32, #tpu.memory_space<hbm>>
      tpu.enqueue_dma source(%dma_start3A_49 : memref<512xf32, #tpu.memory_space<hbm>>) target(%arg10 : memref<512xf32, #tpu.memory_space<vmem>>) target_semaphore(%run_scoped3A : memref<!tpu.dma_semaphore, #tpu.memory_space<semaphore_mem>>)
      %dma_wait3A = tpu.memref_slice %arg2[%mul3A_21] : memref<1024xf32, #tpu.memory_space<hbm>> -> memref<512xf32, #tpu.memory_space<hbm>>
      %dma_wait3A_50 = tpu.memref_slice %arg2[%mul3A_21] : memref<1024xf32, #tpu.memory_space<hbm>> -> memref<512xf32, #tpu.memory_space<hbm>>
      tpu.wait_dma2 semaphore(%run_scoped3A : memref<!tpu.dma_semaphore, #tpu.memory_space<semaphore_mem>>) src(%dma_wait3A_50 : memref<512xf32, #tpu.memory_space<hbm>>) dst(%arg10 : memref<512xf32, #tpu.memory_space<vmem>>)
      tpu.yield
    }) : () -> ()
    "tpu.region"() ({
      %run_scoped3A = tpu.sem_alloc : memref<!tpu.dma_semaphore, #tpu.memory_space<semaphore_mem>>
      %dma_start3A = tpu.memref_slice %arg3[%mul3A_21] : memref<1024xf32, #tpu.memory_space<hbm>> -> memref<512xf32, #tpu.memory_space<hbm>>
      %dma_start3A_49 = tpu.memref_slice %arg3[%mul3A_21] : memref<1024xf32, #tpu.memory_space<hbm>> -> memref<512xf32, #tpu.memory_space<hbm>>
      tpu.enqueue_dma source(%dma_start3A_49 : memref<512xf32, #tpu.memory_space<hbm>>) target(%arg11 : memref<512xf32, #tpu.memory_space<vmem>>) target_semaphore(%run_scoped3A : memref<!tpu.dma_semaphore, #tpu.memory_space<semaphore_mem>>)
      %dma_wait3A = tpu.memref_slice %arg3[%mul3A_21] : memref<1024xf32, #tpu.memory_space<hbm>> -> memref<512xf32, #tpu.memory_space<hbm>>
      %dma_wait3A_50 = tpu.memref_slice %arg3[%mul3A_21] : memref<1024xf32, #tpu.memory_space<hbm>> -> memref<512xf32, #tpu.memory_space<hbm>>
      tpu.wait_dma2 semaphore(%run_scoped3A : memref<!tpu.dma_semaphore, #tpu.memory_space<semaphore_mem>>) src(%dma_wait3A_50 : memref<512xf32, #tpu.memory_space<hbm>>) dst(%arg11 : memref<512xf32, #tpu.memory_space<vmem>>)
      tpu.yield
    }) : () -> ()
    "tpu.region"() ({
      %run_scoped3A = tpu.sem_alloc : memref<!tpu.dma_semaphore, #tpu.memory_space<semaphore_mem>>
      %dma_start3A = tpu.memref_slice %arg4[%mul3A_21] : memref<1024xf32, #tpu.memory_space<hbm>> -> memref<512xf32, #tpu.memory_space<hbm>>
      %dma_start3A_49 = tpu.memref_slice %arg4[%mul3A_21] : memref<1024xf32, #tpu.memory_space<hbm>> -> memref<512xf32, #tpu.memory_space<hbm>>
      tpu.enqueue_dma source(%dma_start3A_49 : memref<512xf32, #tpu.memory_space<hbm>>) target(%arg12 : memref<512xf32, #tpu.memory_space<vmem>>) target_semaphore(%run_scoped3A : memref<!tpu.dma_semaphore, #tpu.memory_space<semaphore_mem>>)
      %dma_wait3A = tpu.memref_slice %arg4[%mul3A_21] : memref<1024xf32, #tpu.memory_space<hbm>> -> memref<512xf32, #tpu.memory_space<hbm>>
      %dma_wait3A_50 = tpu.memref_slice %arg4[%mul3A_21] : memref<1024xf32, #tpu.memory_space<hbm>> -> memref<512xf32, #tpu.memory_space<hbm>>
      tpu.wait_dma2 semaphore(%run_scoped3A : memref<!tpu.dma_semaphore, #tpu.memory_space<semaphore_mem>>) src(%dma_wait3A_50 : memref<512xf32, #tpu.memory_space<hbm>>) dst(%arg12 : memref<512xf32, #tpu.memory_space<vmem>>)
      tpu.yield
    }) : () -> ()
    "tpu.region"() ({
      %run_scoped3A = tpu.sem_alloc : memref<!tpu.dma_semaphore, #tpu.memory_space<semaphore_mem>>
      %dma_start3A = tpu.memref_slice %arg5[%mul3A_3] : memref<512xf32, #tpu.memory_space<hbm>> -> memref<16xf32, #tpu.memory_space<hbm>>
      %dma_start3A_49 = tpu.memref_slice %arg5[%mul3A_3] : memref<512xf32, #tpu.memory_space<hbm>> -> memref<16xf32, #tpu.memory_space<hbm>>
      tpu.enqueue_dma source(%dma_start3A_49 : memref<16xf32, #tpu.memory_space<hbm>>) target(%arg14 : memref<16xf32, #tpu.memory_space<vmem>>) target_semaphore(%run_scoped3A : memref<!tpu.dma_semaphore, #tpu.memory_space<semaphore_mem>>)
      %dma_wait3A = tpu.memref_slice %arg5[%mul3A_3] : memref<512xf32, #tpu.memory_space<hbm>> -> memref<16xf32, #tpu.memory_space<hbm>>
      %dma_wait3A_50 = tpu.memref_slice %arg5[%mul3A_3] : memref<512xf32, #tpu.memory_space<hbm>> -> memref<16xf32, #tpu.memory_space<hbm>>
      tpu.wait_dma2 semaphore(%run_scoped3A : memref<!tpu.dma_semaphore, #tpu.memory_space<semaphore_mem>>) src(%dma_wait3A_50 : memref<16xf32, #tpu.memory_space<hbm>>) dst(%arg14 : memref<16xf32, #tpu.memory_space<vmem>>)
      tpu.yield
    }) : () -> ()
    "tpu.region"() ({
      %run_scoped3A = tpu.sem_alloc : memref<!tpu.dma_semaphore, #tpu.memory_space<semaphore_mem>>
      %dma_start3A = tpu.memref_slice %arg6[%mul3A_3] : memref<512xf32, #tpu.memory_space<hbm>> -> memref<16xf32, #tpu.memory_space<hbm>>
      %dma_start3A_49 = tpu.memref_slice %arg6[%mul3A_3] : memref<512xf32, #tpu.memory_space<hbm>> -> memref<16xf32, #tpu.memory_space<hbm>>
      tpu.enqueue_dma source(%dma_start3A_49 : memref<16xf32, #tpu.memory_space<hbm>>) target(%arg15 : memref<16xf32, #tpu.memory_space<vmem>>) target_semaphore(%run_scoped3A : memref<!tpu.dma_semaphore, #tpu.memory_space<semaphore_mem>>)
      %dma_wait3A = tpu.memref_slice %arg6[%mul3A_3] : memref<512xf32, #tpu.memory_space<hbm>> -> memref<16xf32, #tpu.memory_space<hbm>>
      %dma_wait3A_50 = tpu.memref_slice %arg6[%mul3A_3] : memref<512xf32, #tpu.memory_space<hbm>> -> memref<16xf32, #tpu.memory_space<hbm>>
      tpu.wait_dma2 semaphore(%run_scoped3A : memref<!tpu.dma_semaphore, #tpu.memory_space<semaphore_mem>>) src(%dma_wait3A_50 : memref<16xf32, #tpu.memory_space<hbm>>) dst(%arg15 : memref<16xf32, #tpu.memory_space<vmem>>)
      tpu.yield
    }) : () -> ()
    "tpu.region"() ({
      %run_scoped3A = tpu.sem_alloc : memref<!tpu.dma_semaphore, #tpu.memory_space<semaphore_mem>>
      %dma_start3A = tpu.memref_slice %arg7[%mul3A_3] : memref<512xf32, #tpu.memory_space<hbm>> -> memref<16xf32, #tpu.memory_space<hbm>>
      %dma_start3A_49 = tpu.memref_slice %arg7[%mul3A_3] : memref<512xf32, #tpu.memory_space<hbm>> -> memref<16xf32, #tpu.memory_space<hbm>>
      tpu.enqueue_dma source(%dma_start3A_49 : memref<16xf32, #tpu.memory_space<hbm>>) target(%arg16 : memref<16xf32, #tpu.memory_space<vmem>>) target_semaphore(%run_scoped3A : memref<!tpu.dma_semaphore, #tpu.memory_space<semaphore_mem>>)
      %dma_wait3A = tpu.memref_slice %arg7[%mul3A_3] : memref<512xf32, #tpu.memory_space<hbm>> -> memref<16xf32, #tpu.memory_space<hbm>>
      %dma_wait3A_50 = tpu.memref_slice %arg7[%mul3A_3] : memref<512xf32, #tpu.memory_space<hbm>> -> memref<16xf32, #tpu.memory_space<hbm>>
      tpu.wait_dma2 semaphore(%run_scoped3A : memref<!tpu.dma_semaphore, #tpu.memory_space<semaphore_mem>>) src(%dma_wait3A_50 : memref<16xf32, #tpu.memory_space<hbm>>) dst(%arg16 : memref<16xf32, #tpu.memory_space<vmem>>)
      tpu.yield
    }) : () -> ()
    %iota3A = tpu.iota {dimensions = array<i32: 0>} : vector<16xi32>
    %scan3A = arith.constant 0 : i32
    %scan3A_22 = arith.constant 0 : i32
    %scan3A_23 = arith.constant 32 : i32
    %scan3A_24 = arith.addi %scan3A_22, %scan3A_23 : i32
    %scan3A_25 = arith.constant 1 : i32
    scf.for %scan3A_49 = %scan3A_22 to %scan3A_24 step %scan3A_25  : i32 {
      %mul3A_50 = arith.constant 16 : i32
      %mul3A_51 = arith.muli %scan3A_49, %mul3A_50 : i32
      %get3A_52 = arith.index_cast %mul3A_51 : i32 to index
      %get3A_53 = tpu.vector_load %arg10[%get3A_52] {strides = array<i32>} : memref<512xf32, #tpu.memory_space<vmem>>, vector<16xf32>,
      %get3A_54 = arith.index_cast %mul3A_51 : i32 to index
      %get3A_55 = tpu.vector_load %arg11[%get3A_54] {strides = array<i32>} : memref<512xf32, #tpu.memory_space<vmem>>, vector<16xf32>,
      %get3A_56 = arith.index_cast %mul3A_51 : i32 to index
      %get3A_57 = tpu.vector_load %arg12[%get3A_56] {strides = array<i32>} : memref<512xf32, #tpu.memory_space<vmem>>, vector<16xf32>,
      %mul3A_58 = arith.mulf %get3A_53, %get3A_53 : vector<16xf32>
      %mul3A_59 = arith.mulf %get3A_55, %get3A_55 : vector<16xf32>
      %add3A_60 = arith.addf %mul3A_58, %mul3A_59 : vector<16xf32>
      %mul3A_61 = arith.mulf %get3A_57, %get3A_57 : vector<16xf32>
      %add3A_62 = arith.addf %add3A_60, %mul3A_61 : vector<16xf32>
      %swap3A = arith.index_cast %mul3A_51 : i32 to index
      %swap3A_63 = tpu.vector_load %arg13[%swap3A] {strides = array<i32>} : memref<512xf32, #tpu.memory_space<vmem>>, vector<16xf32>,
      tpu.vector_store %arg13[%swap3A], %add3A_62 {strides = array<i32>} : memref<512xf32, #tpu.memory_space<vmem>>, vector<16xf32>,
      %bitcast3A = vector.bitcast %get3A_53 : vector<16xf32> to vector<16xi32>
      %add3A_64 = arith.constant 32767 : i32
      %add3A_65 = vector.broadcast %add3A_64 : i32 to vector<16xi32>
      %add3A_66 = arith.addi %bitcast3A, %add3A_65 : vector<16xi32>
      %shift_right_arithmetic3A = arith.constant 16 : i32
      %shift_right_arithmetic3A_67 = vector.broadcast %shift_right_arithmetic3A : i32 to vector<16xi32>
      %shift_right_arithmetic3A_68 = arith.shrsi %bitcast3A, %shift_right_arithmetic3A_67 : vector<16xi32>
      %and3A_69 = arith.constant 1 : i32
      %and3A_70 = vector.broadcast %and3A_69 : i32 to vector<16xi32>
      %and3A_71 = arith.andi %shift_right_arithmetic3A_68, %and3A_70 : vector<16xi32>
      %add3A_72 = arith.addi %add3A_66, %and3A_71 : vector<16xi32>
      %and3A_73 = arith.constant -65536 : i32
      %and3A_74 = vector.broadcast %and3A_73 : i32 to vector<16xi32>
      %and3A_75 = arith.andi %add3A_72, %and3A_74 : vector<16xi32>
      %bitcast3A_76 = vector.bitcast %and3A_75 : vector<16xi32> to vector<16xf32>
      %swap3A_77 = arith.index_cast %mul3A_51 : i32 to index
      %swap3A_78 = tpu.vector_load %arg10[%swap3A_77] {strides = array<i32>} : memref<512xf32, #tpu.memory_space<vmem>>, vector<16xf32>,
      tpu.vector_store %arg10[%swap3A_77], %bitcast3A_76 {strides = array<i32>} : memref<512xf32, #tpu.memory_space<vmem>>, vector<16xf32>,
      %bitcast3A_79 = vector.bitcast %get3A_55 : vector<16xf32> to vector<16xi32>
      %add3A_80 = arith.constant 32767 : i32
      %add3A_81 = vector.broadcast %add3A_80 : i32 to vector<16xi32>
      %add3A_82 = arith.addi %bitcast3A_79, %add3A_81 : vector<16xi32>
      %shift_right_arithmetic3A_83 = arith.constant 16 : i32
      %shift_right_arithmetic3A_84 = vector.broadcast %shift_right_arithmetic3A_83 : i32 to vector<16xi32>
      %shift_right_arithmetic3A_85 = arith.shrsi %bitcast3A_79, %shift_right_arithmetic3A_84 : vector<16xi32>
      %and3A_86 = arith.constant 1 : i32
      %and3A_87 = vector.broadcast %and3A_86 : i32 to vector<16xi32>
      %and3A_88 = arith.andi %shift_right_arithmetic3A_85, %and3A_87 : vector<16xi32>
      %add3A_89 = arith.addi %add3A_82, %and3A_88 : vector<16xi32>
      %and3A_90 = arith.constant -65536 : i32
      %and3A_91 = vector.broadcast %and3A_90 : i32 to vector<16xi32>
      %and3A_92 = arith.andi %add3A_89, %and3A_91 : vector<16xi32>
      %bitcast3A_93 = vector.bitcast %and3A_92 : vector<16xi32> to vector<16xf32>
      %swap3A_94 = arith.index_cast %mul3A_51 : i32 to index
      %swap3A_95 = tpu.vector_load %arg11[%swap3A_94] {strides = array<i32>} : memref<512xf32, #tpu.memory_space<vmem>>, vector<16xf32>,
      tpu.vector_store %arg11[%swap3A_94], %bitcast3A_93 {strides = array<i32>} : memref<512xf32, #tpu.memory_space<vmem>>, vector<16xf32>,
      %bitcast3A_96 = vector.bitcast %get3A_57 : vector<16xf32> to vector<16xi32>
      %add3A_97 = arith.constant 32767 : i32
      %add3A_98 = vector.broadcast %add3A_97 : i32 to vector<16xi32>
      %add3A_99 = arith.addi %bitcast3A_96, %add3A_98 : vector<16xi32>
      %shift_right_arithmetic3A_100 = arith.constant 16 : i32
      %shift_right_arithmetic3A_101 = vector.broadcast %shift_right_arithmetic3A_100 : i32 to vector<16xi32>
      %shift_right_arithmetic3A_102 = arith.shrsi %bitcast3A_96, %shift_right_arithmetic3A_101 : vector<16xi32>
      %and3A_103 = arith.constant 1 : i32
      %and3A_104 = vector.broadcast %and3A_103 : i32 to vector<16xi32>
      %and3A_105 = arith.andi %shift_right_arithmetic3A_102, %and3A_104 : vector<16xi32>
      %add3A_106 = arith.addi %add3A_99, %and3A_105 : vector<16xi32>
      %and3A_107 = arith.constant -65536 : i32
      %and3A_108 = vector.broadcast %and3A_107 : i32 to vector<16xi32>
      %and3A_109 = arith.andi %add3A_106, %and3A_108 : vector<16xi32>
      %bitcast3A_110 = vector.bitcast %and3A_109 : vector<16xi32> to vector<16xf32>
      %swap3A_111 = arith.index_cast %mul3A_51 : i32 to index
      %swap3A_112 = tpu.vector_load %arg12[%swap3A_111] {strides = array<i32>} : memref<512xf32, #tpu.memory_space<vmem>>, vector<16xf32>,
      tpu.vector_store %arg12[%swap3A_111], %bitcast3A_110 {strides = array<i32>} : memref<512xf32, #tpu.memory_space<vmem>>, vector<16xf32>,
    }
    %scan3A_26 = arith.constant 32 : i32
    %scan3A_27 = arith.constant 0 : i32
    %scan3A_28 = arith.constant 0 : i32
    %mul3A_29 = arith.constant 16 : i32
    %mul3A_30 = arith.muli %scan3A_28, %mul3A_29 : i32
    %get3A_31 = arith.index_cast %mul3A_30 : i32 to index
    %get3A_32 = tpu.vector_load %arg14[%get3A_31] {strides = array<i32>} : memref<16xf32, #tpu.memory_space<vmem>>, vector<16xf32>,
    %mul3A_33 = arith.constant 16 : i32
    %mul3A_34 = arith.muli %scan3A_28, %mul3A_33 : i32
    %get3A_35 = arith.index_cast %mul3A_34 : i32 to index
    %get3A_36 = tpu.vector_load %arg15[%get3A_35] {strides = array<i32>} : memref<16xf32, #tpu.memory_space<vmem>>, vector<16xf32>,
    %mul3A_37 = arith.constant 16 : i32
    %mul3A_38 = arith.muli %scan3A_28, %mul3A_37 : i32
    %get3A_39 = arith.index_cast %mul3A_38 : i32 to index
    %get3A_40 = tpu.vector_load %arg16[%get3A_39] {strides = array<i32>} : memref<16xf32, #tpu.memory_space<vmem>>, vector<16xf32>,
    %scan3A_41 = arith.constant 0 : i32
    %scan3A_42 = arith.constant 16 : i32
    %scan3A_43 = arith.addi %scan3A_41, %scan3A_42 : i32
    %scan3A_44 = arith.constant 1 : i32
    scf.for %scan3A_49 = %scan3A_41 to %scan3A_43 step %scan3A_44  : i32 {
      %mul3A_50 = arith.constant 16 : i32
      %mul3A_51 = arith.muli %scan3A_28, %mul3A_50 : i32
      %add3A_52 = arith.addi %mul3A_51, %scan3A_49 : i32
      %broadcast_in_dim3A = vector.broadcast %scan3A_49 : i32 to vector<16xi32>
      %lt3A = arith.constant 0 : i32
      %lt3A_53 = vector.broadcast %lt3A : i32 to vector<16xi32>
      %lt3A_54 = arith.cmpi slt, %broadcast_in_dim3A, %lt3A_53 : vector<16xi32>
      %add3A_55 = arith.constant 16 : i32
      %add3A_56 = vector.broadcast %add3A_55 : i32 to vector<16xi32>
      %add3A_57 = arith.addi %broadcast_in_dim3A, %add3A_56 : vector<16xi32>
      %select_n3A_58 = arith.select %lt3A_54, %add3A_57, %broadcast_in_dim3A : vector<16xi1>, vector<16xi32>
      %reshape3A = vector.shape_cast %select_n3A_58 : vector<16xi32> to vector<16x1xi32>
      %gather3A = vector.shape_cast %reshape3A : vector<16x1xi32> to vector<16xi32>
      %gather3A_59 = tpu.dynamic_gather %get3A_32[%gather3A] in [0] : vector<16xf32>, vector<16xi32> -> vector<16xf32>
      %lt3A_60 = arith.constant 0 : i32
      %lt3A_61 = vector.broadcast %lt3A_60 : i32 to vector<16xi32>
      %lt3A_62 = arith.cmpi slt, %broadcast_in_dim3A, %lt3A_61 : vector<16xi32>
      %add3A_63 = arith.constant 16 : i32
      %add3A_64 = vector.broadcast %add3A_63 : i32 to vector<16xi32>
      %add3A_65 = arith.addi %broadcast_in_dim3A, %add3A_64 : vector<16xi32>
      %select_n3A_66 = arith.select %lt3A_62, %add3A_65, %broadcast_in_dim3A : vector<16xi1>, vector<16xi32>
      %reshape3A_67 = vector.shape_cast %select_n3A_66 : vector<16xi32> to vector<16x1xi32>
      %gather3A_68 = vector.shape_cast %reshape3A_67 : vector<16x1xi32> to vector<16xi32>
      %gather3A_69 = tpu.dynamic_gather %get3A_36[%gather3A_68] in [0] : vector<16xf32>, vector<16xi32> -> vector<16xf32>
      %lt3A_70 = arith.constant 0 : i32
      %lt3A_71 = vector.broadcast %lt3A_70 : i32 to vector<16xi32>
      %lt3A_72 = arith.cmpi slt, %broadcast_in_dim3A, %lt3A_71 : vector<16xi32>
      %add3A_73 = arith.constant 16 : i32
      %add3A_74 = vector.broadcast %add3A_73 : i32 to vector<16xi32>
      %add3A_75 = arith.addi %broadcast_in_dim3A, %add3A_74 : vector<16xi32>
      %select_n3A_76 = arith.select %lt3A_72, %add3A_75, %broadcast_in_dim3A : vector<16xi1>, vector<16xi32>
      %reshape3A_77 = vector.shape_cast %select_n3A_76 : vector<16xi32> to vector<16x1xi32>
      %gather3A_78 = vector.shape_cast %reshape3A_77 : vector<16x1xi32> to vector<16xi32>
      %gather3A_79 = tpu.dynamic_gather %get3A_40[%gather3A_78] in [0] : vector<16xf32>, vector<16xi32> -> vector<16xf32>
      %mul3A_80 = arith.mulf %gather3A_59, %gather3A_59 : vector<16xf32>
      %mul3A_81 = arith.mulf %gather3A_69, %gather3A_69 : vector<16xf32>
      %add3A_82 = arith.addf %mul3A_80, %mul3A_81 : vector<16xf32>
      %mul3A_83 = arith.mulf %gather3A_79, %gather3A_79 : vector<16xf32>
      %add3A_84 = arith.addf %add3A_82, %mul3A_83 : vector<16xf32>
      %bitcast3A = vector.bitcast %gather3A_59 : vector<16xf32> to vector<16xi32>
      %add3A_85 = arith.constant 32767 : i32
      %add3A_86 = vector.broadcast %add3A_85 : i32 to vector<16xi32>
      %add3A_87 = arith.addi %bitcast3A, %add3A_86 : vector<16xi32>
      %shift_right_arithmetic3A = arith.constant 16 : i32
      %shift_right_arithmetic3A_88 = vector.broadcast %shift_right_arithmetic3A : i32 to vector<16xi32>
      %shift_right_arithmetic3A_89 = arith.shrsi %bitcast3A, %shift_right_arithmetic3A_88 : vector<16xi32>
      %and3A_90 = arith.constant 1 : i32
      %and3A_91 = vector.broadcast %and3A_90 : i32 to vector<16xi32>
      %and3A_92 = arith.andi %shift_right_arithmetic3A_89, %and3A_91 : vector<16xi32>
      %add3A_93 = arith.addi %add3A_87, %and3A_92 : vector<16xi32>
      %and3A_94 = arith.constant -65536 : i32
      %and3A_95 = vector.broadcast %and3A_94 : i32 to vector<16xi32>
      %and3A_96 = arith.andi %add3A_93, %and3A_95 : vector<16xi32>
      %bitcast3A_97 = vector.bitcast %and3A_96 : vector<16xi32> to vector<16xf32>
      %bitcast3A_98 = vector.bitcast %gather3A_69 : vector<16xf32> to vector<16xi32>
      %add3A_99 = arith.constant 32767 : i32
      %add3A_100 = vector.broadcast %add3A_99 : i32 to vector<16xi32>
      %add3A_101 = arith.addi %bitcast3A_98, %add3A_100 : vector<16xi32>
      %shift_right_arithmetic3A_102 = arith.constant 16 : i32
      %shift_right_arithmetic3A_103 = vector.broadcast %shift_right_arithmetic3A_102 : i32 to vector<16xi32>
      %shift_right_arithmetic3A_104 = arith.shrsi %bitcast3A_98, %shift_right_arithmetic3A_103 : vector<16xi32>
      %and3A_105 = arith.constant 1 : i32
      %and3A_106 = vector.broadcast %and3A_105 : i32 to vector<16xi32>
      %and3A_107 = arith.andi %shift_right_arithmetic3A_104, %and3A_106 : vector<16xi32>
      %add3A_108 = arith.addi %add3A_101, %and3A_107 : vector<16xi32>
      %and3A_109 = arith.constant -65536 : i32
      %and3A_110 = vector.broadcast %and3A_109 : i32 to vector<16xi32>
      %and3A_111 = arith.andi %add3A_108, %and3A_110 : vector<16xi32>
      %bitcast3A_112 = vector.bitcast %and3A_111 : vector<16xi32> to vector<16xf32>
      %bitcast3A_113 = vector.bitcast %gather3A_79 : vector<16xf32> to vector<16xi32>
      %add3A_114 = arith.constant 32767 : i32
      %add3A_115 = vector.broadcast %add3A_114 : i32 to vector<16xi32>
      %add3A_116 = arith.addi %bitcast3A_113, %add3A_115 : vector<16xi32>
      %shift_right_arithmetic3A_117 = arith.constant 16 : i32
      %shift_right_arithmetic3A_118 = vector.broadcast %shift_right_arithmetic3A_117 : i32 to vector<16xi32>
      %shift_right_arithmetic3A_119 = arith.shrsi %bitcast3A_113, %shift_right_arithmetic3A_118 : vector<16xi32>
      %and3A_120 = arith.constant 1 : i32
      %and3A_121 = vector.broadcast %and3A_120 : i32 to vector<16xi32>
      %and3A_122 = arith.andi %shift_right_arithmetic3A_119, %and3A_121 : vector<16xi32>
      %add3A_123 = arith.addi %add3A_116, %and3A_122 : vector<16xi32>
      %and3A_124 = arith.constant -65536 : i32
      %and3A_125 = vector.broadcast %and3A_124 : i32 to vector<16xi32>
      %and3A_126 = arith.andi %add3A_123, %and3A_125 : vector<16xi32>
      %bitcast3A_127 = vector.bitcast %and3A_126 : vector<16xi32> to vector<16xf32>
      %mul3A_128 = arith.constant 16 : i32
      %mul3A_129 = arith.muli %add3A_52, %mul3A_128 : i32
      %scan3A_130 = arith.constant 0 : i32
      %scan3A_131 = arith.constant 0 : i32
      %scan3A_132 = arith.constant 32 : i32
      %scan3A_133 = arith.addi %scan3A_131, %scan3A_132 : i32
      %scan3A_134 = arith.constant 1 : i32
      %scan3A_135 = scf.for %scan3A_171 = %scan3A_131 to %scan3A_133 step %scan3A_134 iter_args(%scan3A_172 = %scan3A_130) -> (i32)  : i32 {
        %mul3A_173 = arith.constant 16 : i32
        %mul3A_174 = arith.muli %scan3A_171, %mul3A_173 : i32
        %get3A_175 = arith.index_cast %mul3A_174 : i32 to index
        %get3A_176 = tpu.vector_load %arg10[%get3A_175] {strides = array<i32>} : memref<512xf32, #tpu.memory_space<vmem>>, vector<16xf32>,
        %get3A_177 = arith.index_cast %mul3A_174 : i32 to index
        %get3A_178 = tpu.vector_load %arg11[%get3A_177] {strides = array<i32>} : memref<512xf32, #tpu.memory_space<vmem>>, vector<16xf32>,
        %get3A_179 = arith.index_cast %mul3A_174 : i32 to index
        %get3A_180 = tpu.vector_load %arg12[%get3A_179] {strides = array<i32>} : memref<512xf32, #tpu.memory_space<vmem>>, vector<16xf32>,
        %get3A_181 = arith.index_cast %mul3A_174 : i32 to index
        %get3A_182 = tpu.vector_load %arg13[%get3A_181] {strides = array<i32>} : memref<512xf32, #tpu.memory_space<vmem>>, vector<16xf32>,
        %mul3A_183 = arith.mulf %bitcast3A_97, %get3A_176 : vector<16xf32>
        %mul3A_184 = arith.mulf %bitcast3A_112, %get3A_178 : vector<16xf32>
        %add3A_185 = arith.addf %mul3A_183, %mul3A_184 : vector<16xf32>
        %mul3A_186 = arith.mulf %bitcast3A_127, %get3A_180 : vector<16xf32>
        %add3A_187 = arith.addf %add3A_185, %mul3A_186 : vector<16xf32>
        %add3A_188 = arith.addf %add3A_84, %get3A_182 : vector<16xf32>
        %mul3A_189 = arith.constant 2.000000e+00 : f32
        %mul3A_190 = vector.broadcast %mul3A_189 : f32 to vector<16xf32>
        %mul3A_191 = arith.mulf %mul3A_190, %add3A_187 : vector<16xf32>
        %sub3A_192 = arith.subf %add3A_188, %mul3A_191 : vector<16xf32>
        %le3A = vector.broadcast %squeeze3A : f32 to vector<16xf32>
        %le3A_193 = arith.cmpf ole, %sub3A_192, %le3A : vector<16xf32>
        %lt3A_194 = arith.constant 16 : i32
        %lt3A_195 = arith.cmpi slt, %scan3A_172, %lt3A_194 : i32
        %and3A_196 = vector.broadcast %lt3A_195 : i1 to vector<16xi1>
        %and3A_197 = arith.andi %le3A_193, %and3A_196 : vector<16xi1>
        %add3A_198 = arith.addi %mul3A_174, %mul3A_21 : i32
        %add3A_199 = vector.broadcast %add3A_198 : i32 to vector<16xi32>
        %add3A_200 = arith.addi %iota3A, %add3A_199 : vector<16xi32>
        %add3A_201 = arith.addi %mul3A_129, %scan3A_172 : i32
        %swap3A_202 = arith.index_cast %add3A_201 : i32 to index
        %swap3A_203 = tpu.vector_load %arg17[%swap3A_202] masked %and3A_197 {strides = array<i32>} : memref<272xi32, #tpu.memory_space<vmem>>, vector<16xi32>, vector<16xi1>
        tpu.vector_store %arg17[%swap3A_202], %add3A_200 masked %and3A_197 {strides = array<i32>} : memref<272xi32, #tpu.memory_space<vmem>>, vector<16xi32>, vector<16xi1>
        %convert_element_type3A = arith.extui %and3A_197 : vector<16xi1> to vector<16xi32>
        %reduce_sum3A = arith.constant true
        %reduce_sum3A_204 = vector.broadcast %reduce_sum3A : i1 to vector<16xi1>
        %reduce_sum3A_205 = tpu.scan <sum>, %convert_element_type3A masked %reduce_sum3A_204 : vector<16xi32>, vector<16xi1> -> vector<16xi32>
        %reduce_sum3A_206 = vector.extract %reduce_sum3A_205[15] : i32 from vector<16xi32>
        %add3A_207 = arith.addi %scan3A_172, %reduce_sum3A_206 : i32
        scf.yield %add3A_207 : i32
      }
      %scan3A_136 = arith.constant 32 : i32
      %get3A_137 = arith.index_cast %mul3A_129 : i32 to index
      %get3A_138 = tpu.vector_load %arg17[%get3A_137] {strides = array<i32>} : memref<272xi32, #tpu.memory_space<vmem>>, vector<16xi32>,
      %broadcast_in_dim3A_139 = arith.constant 0 : i32
      %broadcast_in_dim3A_140 = vector.broadcast %broadcast_in_dim3A_139 : i32 to vector<16xi32>
      %lt3A_141 = arith.constant 0 : i32
      %lt3A_142 = vector.broadcast %lt3A_141 : i32 to vector<16xi32>
      %lt3A_143 = arith.cmpi slt, %broadcast_in_dim3A_140, %lt3A_142 : vector<16xi32>
      %add3A_144 = arith.constant 16 : i32
      %add3A_145 = vector.broadcast %add3A_144 : i32 to vector<16xi32>
      %add3A_146 = arith.addi %broadcast_in_dim3A_140, %add3A_145 : vector<16xi32>
      %select_n3A_147 = arith.select %lt3A_143, %add3A_146, %broadcast_in_dim3A_140 : vector<16xi1>, vector<16xi32>
      %reshape3A_148 = vector.shape_cast %select_n3A_147 : vector<16xi32> to vector<16x1xi32>
      %gather3A_149 = vector.shape_cast %reshape3A_148 : vector<16x1xi32> to vector<16xi32>
      %gather3A_150 = tpu.dynamic_gather %get3A_138[%gather3A_149] in [0] : vector<16xi32>, vector<16xi32> -> vector<16xi32>
      %gt3A = arith.constant 0 : i32
      %gt3A_151 = arith.cmpi sgt, %scan3A_135, %gt3A : i32
      %add3A_152 = arith.constant 512 : i32
      %add3A_153 = arith.addi %mul3A_21, %add3A_152 : i32
      %sub3A_154 = arith.constant 1 : i32
      %sub3A_155 = arith.subi %add3A_153, %sub3A_154 : i32
      %broadcast_in_dim3A_156 = vector.broadcast %sub3A_155 : i32 to vector<16xi32>
      %select_n3A_157 = arith.select %gt3A_151, %gather3A_150, %broadcast_in_dim3A_156 : vector<16xi32>
      %add3A_158 = arith.constant 0 : i32
      %add3A_159 = vector.broadcast %add3A_158 : i32 to vector<16xi32>
      %add3A_160 = arith.addi %iota3A, %add3A_159 : vector<16xi32>
      %add3A_161 = arith.constant 0 : i32
      %add3A_162 = arith.addi %mul3A_129, %add3A_161 : i32
      %get3A_163 = arith.index_cast %add3A_162 : i32 to index
      %get3A_164 = tpu.vector_load %arg17[%get3A_163] {strides = array<i32>} : memref<272xi32, #tpu.memory_space<vmem>>, vector<16xi32>,
      %lt3A_165 = vector.broadcast %scan3A_135 : i32 to vector<16xi32>
      %lt3A_166 = arith.cmpi slt, %add3A_160, %lt3A_165 : vector<16xi32>
      %select_n3A_167 = arith.select %lt3A_166, %get3A_164, %select_n3A_157 : vector<16xi1>, vector<16xi32>
      %add3A_168 = arith.constant 0 : i32
      %add3A_169 = arith.addi %mul3A_129, %add3A_168 : i32
      %swap3A = arith.index_cast %add3A_169 : i32 to index
      %swap3A_170 = tpu.vector_load %arg17[%swap3A] {strides = array<i32>} : memref<272xi32, #tpu.memory_space<vmem>>, vector<16xi32>,
      tpu.vector_store %arg17[%swap3A], %select_n3A_167 {strides = array<i32>} : memref<272xi32, #tpu.memory_space<vmem>>, vector<16xi32>,
    }
    %scan3A_45 = arith.constant 16 : i32
    %scan3A_46 = arith.constant 1 : i32
    %mul3A_47 = arith.constant 16 : i32
    %mul3A_48 = arith.muli %mul3A_3, %mul3A_47 : i32
    "tpu.region"() ({
      %run_scoped3A = tpu.sem_alloc : memref<!tpu.dma_semaphore, #tpu.memory_space<semaphore_mem>>
      %dma_start3A = arith.constant 0 : i32
      %dma_start3A_49 = tpu.memref_slice %arg17[%dma_start3A] : memref<272xi32, #tpu.memory_space<vmem>> -> memref<256xi32, #tpu.memory_space<vmem>>
      %dma_start3A_50 = tpu.memref_slice %arg9[%mul3A_48] : memref<8192xi32, #tpu.memory_space<hbm>> -> memref<256xi32, #tpu.memory_space<hbm>>
      %dma_start3A_51 = tpu.memref_slice %arg9[%mul3A_48] : memref<8192xi32, #tpu.memory_space<hbm>> -> memref<256xi32, #tpu.memory_space<hbm>>
      %dma_start3A_52 = arith.constant 0 : i32
      %dma_start3A_53 = tpu.memref_slice %arg17[%dma_start3A_52] : memref<272xi32, #tpu.memory_space<vmem>> -> memref<256xi32, #tpu.memory_space<vmem>>
      tpu.enqueue_dma source(%dma_start3A_53 : memref<256xi32, #tpu.memory_space<vmem>>) target(%dma_start3A_51 : memref<256xi32, #tpu.memory_space<hbm>>) target_semaphore(%run_scoped3A : memref<!tpu.dma_semaphore, #tpu.memory_space<semaphore_mem>>)
      %dma_wait3A = arith.constant 0 : i32
      %dma_wait3A_54 = tpu.memref_slice %arg17[%dma_wait3A] : memref<272xi32, #tpu.memory_space<vmem>> -> memref<256xi32, #tpu.memory_space<vmem>>
      %dma_wait3A_55 = tpu.memref_slice %arg9[%mul3A_48] : memref<8192xi32, #tpu.memory_space<hbm>> -> memref<256xi32, #tpu.memory_space<hbm>>
      %dma_wait3A_56 = tpu.memref_slice %arg9[%mul3A_48] : memref<8192xi32, #tpu.memory_space<hbm>> -> memref<256xi32, #tpu.memory_space<hbm>>
      %dma_wait3A_57 = arith.constant 0 : i32
      %dma_wait3A_58 = tpu.memref_slice %arg17[%dma_wait3A_57] : memref<272xi32, #tpu.memory_space<vmem>> -> memref<256xi32, #tpu.memory_space<vmem>>
      tpu.wait_dma2 semaphore(%run_scoped3A : memref<!tpu.dma_semaphore, #tpu.memory_space<semaphore_mem>>) src(%dma_wait3A_58 : memref<256xi32, #tpu.memory_space<vmem>>) dst(%dma_wait3A_56 : memref<256xi32, #tpu.memory_space<hbm>>)
      tpu.yield
    }) : () -> ()
    return
  }
}

#map = affine_map<(d0, d1) -> (0, 0)>
module attributes {stable_mosaic.version = 14 : i64} {
  func.func @gk(%arg0: i32, %arg1: i32, %arg2: memref<1024x128xf32, #tpu.memory_space<hbm>>, %arg3: memref<64x128xi32, #tpu.memory_space<hbm>>, %arg4: memref<8192x128xf32, #tpu.memory_space<hbm>>, %arg5: memref<2x128xi32, #tpu.memory_space<vmem>>, %arg6: memref<128x128xf32, #tpu.memory_space<vmem>>, %arg7: memref<!tpu.dma_semaphore, #tpu.memory_space<semaphore_mem>>) attributes {dimension_semantics = [#tpu.dimension_semantics<core_parallel>, #tpu.dimension_semantics<subcore_parallel>], iteration_bounds = array<i64: 2, 16>, scalar_prefetch = 0 : i64, scratch_operands = 3 : i64, tpu.core_type = #tpu.core_type<sc_vector_subcore>, window_params = [{transform_indices = #map}, {transform_indices = #map}, {transform_indices = #map}]} {
    %mul3A = arith.constant 2 : i32
    %mul3A_0 = arith.muli %arg1, %mul3A : i32
    %add3A = arith.addi %mul3A_0, %arg0 : i32
    %mul3A_1 = arith.constant 2 : i32
    %mul3A_2 = arith.muli %add3A, %mul3A_1 : i32
    "tpu.region"() ({
      %run_scoped3A = tpu.sem_alloc : memref<!tpu.dma_semaphore, #tpu.memory_space<semaphore_mem>>
      %dma_start3A = arith.constant 0 : i32
      %dma_start3A_8 = tpu.memref_slice %arg3[%mul3A_2, %dma_start3A] : memref<64x128xi32, #tpu.memory_space<hbm>> -> memref<2x128xi32, #tpu.memory_space<hbm>>
      %dma_start3A_9 = arith.constant 0 : i32
      %dma_start3A_10 = tpu.memref_slice %arg3[%mul3A_2, %dma_start3A_9] : memref<64x128xi32, #tpu.memory_space<hbm>> -> memref<2x128xi32, #tpu.memory_space<hbm>>
      tpu.enqueue_dma source(%dma_start3A_10 : memref<2x128xi32, #tpu.memory_space<hbm>>) target(%arg5 : memref<2x128xi32, #tpu.memory_space<vmem>>) target_semaphore(%run_scoped3A : memref<!tpu.dma_semaphore, #tpu.memory_space<semaphore_mem>>)
      %dma_wait3A = arith.constant 0 : i32
      %dma_wait3A_11 = tpu.memref_slice %arg3[%mul3A_2, %dma_wait3A] : memref<64x128xi32, #tpu.memory_space<hbm>> -> memref<2x128xi32, #tpu.memory_space<hbm>>
      %dma_wait3A_12 = arith.constant 0 : i32
      %dma_wait3A_13 = tpu.memref_slice %arg3[%mul3A_2, %dma_wait3A_12] : memref<64x128xi32, #tpu.memory_space<hbm>> -> memref<2x128xi32, #tpu.memory_space<hbm>>
      tpu.wait_dma2 semaphore(%run_scoped3A : memref<!tpu.dma_semaphore, #tpu.memory_space<semaphore_mem>>) src(%dma_wait3A_13 : memref<2x128xi32, #tpu.memory_space<hbm>>) dst(%arg5 : memref<2x128xi32, #tpu.memory_space<vmem>>)
      tpu.yield
    }) : () -> ()
    %scan3A = arith.constant 0 : i32
    %scan3A_3 = arith.constant 0 : i32
    %scan3A_4 = arith.constant 2 : i32
    %scan3A_5 = arith.addi %scan3A_3, %scan3A_4 : i32
    %scan3A_6 = arith.constant 1 : i32
    scf.for %scan3A_8 = %scan3A_3 to %scan3A_5 step %scan3A_6  : i32 {
      %dma_start3A = arith.constant 0 : i32
      %dma_start3A_9 = tpu.memref_slice %arg5[%scan3A_8, %dma_start3A] : memref<2x128xi32, #tpu.memory_space<vmem>> -> memref<1x128xi32, #tpu.memory_space<vmem>>
      %dma_start3A_10 = tpu.memref_squeeze %dma_start3A_9 : memref<1x128xi32, #tpu.memory_space<vmem>> -> memref<128xi32, #tpu.memory_space<vmem>>
      %dma_start3A_11 = arith.constant 0 : i32
      %dma_start3A_12 = arith.constant 0 : i32
      %dma_start3A_13 = tpu.memref_slice %arg2[%dma_start3A_11, %dma_start3A_12] : memref<1024x128xf32, #tpu.memory_space<hbm>> -> memref<1024x128xf32, #tpu.memory_space<hbm>>
      tpu.enqueue_indirect_dma source(%dma_start3A_13 : memref<1024x128xf32, #tpu.memory_space<hbm>>) target(%arg6 : memref<128x128xf32, #tpu.memory_space<vmem>>) offsets(%dma_start3A_10 : memref<128xi32, #tpu.memory_space<vmem>>) semaphore(%arg7 : memref<!tpu.dma_semaphore, #tpu.memory_space<semaphore_mem>>)
      %dma_wait3A = arith.constant 0 : i32
      %dma_wait3A_14 = tpu.memref_slice %arg5[%scan3A_8, %dma_wait3A] : memref<2x128xi32, #tpu.memory_space<vmem>> -> memref<1x128xi32, #tpu.memory_space<vmem>>
      %dma_wait3A_15 = tpu.memref_squeeze %dma_wait3A_14 : memref<1x128xi32, #tpu.memory_space<vmem>> -> memref<128xi32, #tpu.memory_space<vmem>>
      %dma_wait3A_16 = arith.constant 0 : i32
      %dma_wait3A_17 = arith.constant 0 : i32
      %dma_wait3A_18 = tpu.memref_slice %arg2[%dma_wait3A_16, %dma_wait3A_17] : memref<1024x128xf32, #tpu.memory_space<hbm>> -> memref<1024x128xf32, #tpu.memory_space<hbm>>
      tpu.wait_indirect_dma semaphore(%arg7 : memref<!tpu.dma_semaphore, #tpu.memory_space<semaphore_mem>>) src(%dma_wait3A_18 : memref<1024x128xf32, #tpu.memory_space<hbm>>) dst(%arg6 : memref<128x128xf32, #tpu.memory_space<vmem>>)
      %mul3A_19 = arith.constant 256 : i32
      %mul3A_20 = arith.muli %add3A, %mul3A_19 : i32
      %mul3A_21 = arith.constant 128 : i32
      %mul3A_22 = arith.muli %scan3A_8, %mul3A_21 : i32
      %add3A_23 = arith.addi %mul3A_20, %mul3A_22 : i32
      "tpu.region"() ({
        %run_scoped3A = tpu.sem_alloc : memref<!tpu.dma_semaphore, #tpu.memory_space<semaphore_mem>>
        %dma_start3A_24 = arith.constant 0 : i32
        %dma_start3A_25 = tpu.memref_slice %arg4[%add3A_23, %dma_start3A_24] : memref<8192x128xf32, #tpu.memory_space<hbm>> -> memref<128x128xf32, #tpu.memory_space<hbm>>
        %dma_start3A_26 = arith.constant 0 : i32
        %dma_start3A_27 = tpu.memref_slice %arg4[%add3A_23, %dma_start3A_26] : memref<8192x128xf32, #tpu.memory_space<hbm>> -> memref<128x128xf32, #tpu.memory_space<hbm>>
        tpu.enqueue_dma source(%arg6 : memref<128x128xf32, #tpu.memory_space<vmem>>) target(%dma_start3A_27 : memref<128x128xf32, #tpu.memory_space<hbm>>) target_semaphore(%run_scoped3A : memref<!tpu.dma_semaphore, #tpu.memory_space<semaphore_mem>>)
        %dma_wait3A_28 = arith.constant 0 : i32
        %dma_wait3A_29 = tpu.memref_slice %arg4[%add3A_23, %dma_wait3A_28] : memref<8192x128xf32, #tpu.memory_space<hbm>> -> memref<128x128xf32, #tpu.memory_space<hbm>>
        %dma_wait3A_30 = arith.constant 0 : i32
        %dma_wait3A_31 = tpu.memref_slice %arg4[%add3A_23, %dma_wait3A_30] : memref<8192x128xf32, #tpu.memory_space<hbm>> -> memref<128x128xf32, #tpu.memory_space<hbm>>
        tpu.wait_dma2 semaphore(%run_scoped3A : memref<!tpu.dma_semaphore, #tpu.memory_space<semaphore_mem>>) src(%arg6 : memref<128x128xf32, #tpu.memory_space<vmem>>) dst(%dma_wait3A_31 : memref<128x128xf32, #tpu.memory_space<hbm>>)
        tpu.yield
      }) : () -> ()
    }
    %scan3A_7 = arith.constant 2 : i32
    return
  }
}

module attributes {stable_mosaic.version = 14 : i64} {
  func.func @_fps_kernel(%arg0: i32, %arg1: memref<1x128x128xf32, #tpu.memory_space<vmem>>, %arg2: memref<1x128x128xf32, #tpu.memory_space<vmem>>, %arg3: memref<1x128x128xf32, #tpu.memory_space<vmem>>, %arg4: memref<1x16x128xi32, #tpu.memory_space<vmem>>, %arg5: memref<1x16x128xf32, #tpu.memory_space<vmem>>, %arg6: memref<1x16x128xf32, #tpu.memory_space<vmem>>, %arg7: memref<1x16x128xf32, #tpu.memory_space<vmem>>) attributes {dimension_semantics = [#tpu.dimension_semantics<arbitrary>], iteration_bounds = array<i64: 2>, scalar_prefetch = 0 : i64, scratch_operands = 0 : i64, tpu.core_type = #tpu.core_type<tc>, window_params = [{transform_indices = @transform_0, window_bounds = array<i64: 1, 128, 128>}, {transform_indices = @transform_1, window_bounds = array<i64: 1, 128, 128>}, {transform_indices = @transform_2, window_bounds = array<i64: 1, 128, 128>}, {transform_indices = @transform_3, window_bounds = array<i64: 1, 16, 128>}, {transform_indices = @transform_4, window_bounds = array<i64: 1, 16, 128>}, {transform_indices = @transform_5, window_bounds = array<i64: 1, 16, 128>}, {transform_indices = @transform_6, window_bounds = array<i64: 1, 16, 128>}]} {
    %get3A = arith.constant 0 : index
    %get3A_0 = arith.constant 0 : index
    %get3A_1 = arith.constant 0 : index
    %get3A_2 = vector.load %arg1[%get3A, %get3A_0, %get3A_1] : memref<1x128x128xf32, #tpu.memory_space<vmem>>, vector<1x128x128xf32>
    %get3A_3 = vector.shape_cast %get3A_2 : vector<1x128x128xf32> to vector<128x128xf32>
    %get3A_4 = arith.constant 0 : index
    %get3A_5 = arith.constant 0 : index
    %get3A_6 = arith.constant 0 : index
    %get3A_7 = vector.load %arg2[%get3A_4, %get3A_5, %get3A_6] : memref<1x128x128xf32, #tpu.memory_space<vmem>>, vector<1x128x128xf32>
    %get3A_8 = vector.shape_cast %get3A_7 : vector<1x128x128xf32> to vector<128x128xf32>
    %get3A_9 = arith.constant 0 : index
    %get3A_10 = arith.constant 0 : index
    %get3A_11 = arith.constant 0 : index
    %get3A_12 = vector.load %arg3[%get3A_9, %get3A_10, %get3A_11] : memref<1x128x128xf32, #tpu.memory_space<vmem>>, vector<1x128x128xf32>
    %get3A_13 = vector.shape_cast %get3A_12 : vector<1x128x128xf32> to vector<128x128xf32>
    %iota3A = tpu.iota {dimensions = array<i32: 0>} : vector<128x128xi32>
    %mul3A = arith.constant 128 : i32
    %mul3A_14 = vector.broadcast %mul3A : i32 to vector<128x128xi32>
    %mul3A_15 = arith.muli %iota3A, %mul3A_14 : vector<128x128xi32>
    %iota3A_16 = tpu.iota {dimensions = array<i32: 1>} : vector<128x128xi32>
    %add3A = arith.addi %mul3A_15, %iota3A_16 : vector<128x128xi32>
    %iota3A_17 = tpu.iota {dimensions = array<i32: 0>} : vector<16x128xi32>
    %mul3A_18 = arith.constant 128 : i32
    %mul3A_19 = vector.broadcast %mul3A_18 : i32 to vector<16x128xi32>
    %mul3A_20 = arith.muli %iota3A_17, %mul3A_19 : vector<16x128xi32>
    %iota3A_21 = tpu.iota {dimensions = array<i32: 1>} : vector<16x128xi32>
    %add3A_22 = arith.addi %mul3A_20, %iota3A_21 : vector<16x128xi32>
    %broadcast_in_dim3A = arith.constant 1.000000e+10 : f32
    %broadcast_in_dim3A_23 = vector.broadcast %broadcast_in_dim3A : f32 to vector<128x128xf32>
    %broadcast_in_dim3A_24 = arith.constant 0 : i32
    %broadcast_in_dim3A_25 = vector.broadcast %broadcast_in_dim3A_24 : i32 to vector<16x128xi32>
    %broadcast_in_dim3A_26 = arith.constant 0.000000e+00 : f32
    %broadcast_in_dim3A_27 = vector.broadcast %broadcast_in_dim3A_26 : f32 to vector<16x128xf32>
    %broadcast_in_dim3A_28 = arith.constant 0.000000e+00 : f32
    %broadcast_in_dim3A_29 = vector.broadcast %broadcast_in_dim3A_28 : f32 to vector<16x128xf32>
    %broadcast_in_dim3A_30 = arith.constant 0.000000e+00 : f32
    %broadcast_in_dim3A_31 = vector.broadcast %broadcast_in_dim3A_30 : f32 to vector<16x128xf32>
    %scan3A = arith.constant 0 : i32
    %scan3A_32 = arith.constant 0 : i32
    %scan3A_33 = arith.constant 2048 : i32
    %scan3A_34 = arith.addi %scan3A_32, %scan3A_33 : i32
    %scan3A_35 = arith.constant 1 : i32
    %scan3A_36:6 = scf.for %scan3A_61 = %scan3A_32 to %scan3A_34 step %scan3A_35 iter_args(%scan3A_62 = %broadcast_in_dim3A_23, %scan3A_63 = %scan3A, %scan3A_64 = %broadcast_in_dim3A_25, %scan3A_65 = %broadcast_in_dim3A_27, %scan3A_66 = %broadcast_in_dim3A_29, %scan3A_67 = %broadcast_in_dim3A_31) -> (vector<128x128xf32>, i32, vector<16x128xi32>, vector<16x128xf32>, vector<16x128xf32>, vector<16x128xf32>)  : i32 {
      %eq3A = vector.broadcast %scan3A_63 : i32 to vector<128x128xi32>
      %eq3A_68 = arith.cmpi eq, %add3A, %eq3A : vector<128x128xi32>
      %jit3A = arith.constant 0.000000e+00 : f32
      %broadcast_in_dim3A_69 = vector.broadcast %jit3A : f32 to vector<128x128xf32>
      %select_n3A = arith.select %eq3A_68, %get3A_3, %broadcast_in_dim3A_69 : vector<128x128xi1>, vector<128x128xf32>
      %reduce_sum3A = vector.shape_cast %select_n3A : vector<128x128xf32> to vector<1x128x128xf32>
      %reduce_sum3A_70 = arith.constant dense<0.000000e+00> : vector<1xf32>
      %reduce_sum3A_71 = vector.multi_reduction <add>, %reduce_sum3A, %reduce_sum3A_70 [1, 2] : vector<1x128x128xf32> to vector<1xf32>
      %reduce_sum3A_72 = vector.shape_cast %reduce_sum3A_71 : vector<1xf32> to vector<1x1x1xf32>
      %reduce_sum3A_73 = vector.extract %reduce_sum3A_72[0, 0, 0] : f32 from vector<1x1x1xf32>
      %jit3A_74 = arith.constant 0.000000e+00 : f32
      %broadcast_in_dim3A_75 = vector.broadcast %jit3A_74 : f32 to vector<128x128xf32>
      %select_n3A_76 = arith.select %eq3A_68, %get3A_8, %broadcast_in_dim3A_75 : vector<128x128xi1>, vector<128x128xf32>
      %reduce_sum3A_77 = vector.shape_cast %select_n3A_76 : vector<128x128xf32> to vector<1x128x128xf32>
      %reduce_sum3A_78 = arith.constant dense<0.000000e+00> : vector<1xf32>
      %reduce_sum3A_79 = vector.multi_reduction <add>, %reduce_sum3A_77, %reduce_sum3A_78 [1, 2] : vector<1x128x128xf32> to vector<1xf32>
      %reduce_sum3A_80 = vector.shape_cast %reduce_sum3A_79 : vector<1xf32> to vector<1x1x1xf32>
      %reduce_sum3A_81 = vector.extract %reduce_sum3A_80[0, 0, 0] : f32 from vector<1x1x1xf32>
      %jit3A_82 = arith.constant 0.000000e+00 : f32
      %broadcast_in_dim3A_83 = vector.broadcast %jit3A_82 : f32 to vector<128x128xf32>
      %select_n3A_84 = arith.select %eq3A_68, %get3A_13, %broadcast_in_dim3A_83 : vector<128x128xi1>, vector<128x128xf32>
      %reduce_sum3A_85 = vector.shape_cast %select_n3A_84 : vector<128x128xf32> to vector<1x128x128xf32>
      %reduce_sum3A_86 = arith.constant dense<0.000000e+00> : vector<1xf32>
      %reduce_sum3A_87 = vector.multi_reduction <add>, %reduce_sum3A_85, %reduce_sum3A_86 [1, 2] : vector<1x128x128xf32> to vector<1xf32>
      %reduce_sum3A_88 = vector.shape_cast %reduce_sum3A_87 : vector<1xf32> to vector<1x1x1xf32>
      %reduce_sum3A_89 = vector.extract %reduce_sum3A_88[0, 0, 0] : f32 from vector<1x1x1xf32>
      %eq3A_90 = vector.broadcast %scan3A_61 : i32 to vector<16x128xi32>
      %eq3A_91 = arith.cmpi eq, %add3A_22, %eq3A_90 : vector<16x128xi32>
      %broadcast_in_dim3A_92 = vector.broadcast %scan3A_63 : i32 to vector<16x128xi32>
      %select_n3A_93 = arith.select %eq3A_91, %broadcast_in_dim3A_92, %scan3A_64 : vector<16x128xi1>, vector<16x128xi32>
      %broadcast_in_dim3A_94 = vector.broadcast %reduce_sum3A_73 : f32 to vector<16x128xf32>
      %select_n3A_95 = arith.select %eq3A_91, %broadcast_in_dim3A_94, %scan3A_65 : vector<16x128xi1>, vector<16x128xf32>
      %broadcast_in_dim3A_96 = vector.broadcast %reduce_sum3A_81 : f32 to vector<16x128xf32>
      %select_n3A_97 = arith.select %eq3A_91, %broadcast_in_dim3A_96, %scan3A_66 : vector<16x128xi1>, vector<16x128xf32>
      %broadcast_in_dim3A_98 = vector.broadcast %reduce_sum3A_89 : f32 to vector<16x128xf32>
      %select_n3A_99 = arith.select %eq3A_91, %broadcast_in_dim3A_98, %scan3A_67 : vector<16x128xi1>, vector<16x128xf32>
      %sub3A = vector.broadcast %reduce_sum3A_73 : f32 to vector<128x128xf32>
      %sub3A_100 = arith.subf %get3A_3, %sub3A : vector<128x128xf32>
      %sub3A_101 = vector.broadcast %reduce_sum3A_81 : f32 to vector<128x128xf32>
      %sub3A_102 = arith.subf %get3A_8, %sub3A_101 : vector<128x128xf32>
      %sub3A_103 = vector.broadcast %reduce_sum3A_89 : f32 to vector<128x128xf32>
      %sub3A_104 = arith.subf %get3A_13, %sub3A_103 : vector<128x128xf32>
      %mul3A_105 = arith.mulf %sub3A_100, %sub3A_100 : vector<128x128xf32>
      %mul3A_106 = arith.mulf %sub3A_102, %sub3A_102 : vector<128x128xf32>
      %add3A_107 = arith.addf %mul3A_105, %mul3A_106 : vector<128x128xf32>
      %mul3A_108 = arith.mulf %sub3A_104, %sub3A_104 : vector<128x128xf32>
      %add3A_109 = arith.addf %add3A_107, %mul3A_108 : vector<128x128xf32>
      %min3A = arith.minimumf %scan3A_62, %add3A_109 : vector<128x128xf32>
      %reduce_max3A = vector.shape_cast %min3A : vector<128x128xf32> to vector<1x128x128xf32>
      %reduce_max3A_110 = arith.constant dense<0xFF800000> : vector<1xf32>
      %reduce_max3A_111 = vector.multi_reduction <maximumf>, %reduce_max3A, %reduce_max3A_110 [1, 2] : vector<1x128x128xf32> to vector<1xf32>
      %reduce_max3A_112 = vector.shape_cast %reduce_max3A_111 : vector<1xf32> to vector<1x1x1xf32>
      %reduce_max3A_113 = vector.extract %reduce_max3A_112[0, 0, 0] : f32 from vector<1x1x1xf32>
      %eq3A_114 = vector.broadcast %reduce_max3A_113 : f32 to vector<128x128xf32>
      %eq3A_115 = arith.cmpf oeq, %min3A, %eq3A_114 : vector<128x128xf32>
      %jit3A_116 = arith.constant 16384 : i32
      %broadcast_in_dim3A_117 = vector.broadcast %jit3A_116 : i32 to vector<128x128xi32>
      %select_n3A_118 = arith.select %eq3A_115, %add3A, %broadcast_in_dim3A_117 : vector<128x128xi1>, vector<128x128xi32>
      %reduce_min3A = vector.shape_cast %select_n3A_118 : vector<128x128xi32> to vector<1x128x128xi32>
      %reduce_min3A_119 = arith.constant dense<2147483647> : vector<1xi32>
      %reduce_min3A_120 = vector.multi_reduction <minsi>, %reduce_min3A, %reduce_min3A_119 [1, 2] : vector<1x128x128xi32> to vector<1xi32>
      %reduce_min3A_121 = vector.shape_cast %reduce_min3A_120 : vector<1xi32> to vector<1x1x1xi32>
      %reduce_min3A_122 = vector.extract %reduce_min3A_121[0, 0, 0] : i32 from vector<1x1x1xi32>
      scf.yield %min3A, %reduce_min3A_122, %select_n3A_93, %select_n3A_95, %select_n3A_97, %select_n3A_99 : vector<128x128xf32>, i32, vector<16x128xi32>, vector<16x128xf32>, vector<16x128xf32>, vector<16x128xf32>
    }
    %scan3A_37 = arith.constant 2048 : i32
    %swap3A = arith.constant 0 : index
    %swap3A_38 = arith.constant 0 : index
    %swap3A_39 = arith.constant 0 : index
    %swap3A_40 = vector.load %arg4[%swap3A, %swap3A_38, %swap3A_39] : memref<1x16x128xi32, #tpu.memory_space<vmem>>, vector<1x16x128xi32>
    %swap3A_41 = vector.shape_cast %swap3A_40 : vector<1x16x128xi32> to vector<16x128xi32>
    %swap3A_42 = vector.shape_cast %scan3A_36#2 : vector<16x128xi32> to vector<1x16x128xi32>
    tpu.vector_store %arg4[%swap3A, %swap3A_38, %swap3A_39], %swap3A_42 {strides = array<i32>} : memref<1x16x128xi32, #tpu.memory_space<vmem>>, vector<1x16x128xi32>,
    %swap3A_43 = arith.constant 0 : index
    %swap3A_44 = arith.constant 0 : index
    %swap3A_45 = arith.constant 0 : index
    %swap3A_46 = vector.load %arg5[%swap3A_43, %swap3A_44, %swap3A_45] : memref<1x16x128xf32, #tpu.memory_space<vmem>>, vector<1x16x128xf32>
    %swap3A_47 = vector.shape_cast %swap3A_46 : vector<1x16x128xf32> to vector<16x128xf32>
    %swap3A_48 = vector.shape_cast %scan3A_36#3 : vector<16x128xf32> to vector<1x16x128xf32>
    tpu.vector_store %arg5[%swap3A_43, %swap3A_44, %swap3A_45], %swap3A_48 {strides = array<i32>} : memref<1x16x128xf32, #tpu.memory_space<vmem>>, vector<1x16x128xf32>,
    %swap3A_49 = arith.constant 0 : index
    %swap3A_50 = arith.constant 0 : index
    %swap3A_51 = arith.constant 0 : index
    %swap3A_52 = vector.load %arg6[%swap3A_49, %swap3A_50, %swap3A_51] : memref<1x16x128xf32, #tpu.memory_space<vmem>>, vector<1x16x128xf32>
    %swap3A_53 = vector.shape_cast %swap3A_52 : vector<1x16x128xf32> to vector<16x128xf32>
    %swap3A_54 = vector.shape_cast %scan3A_36#4 : vector<16x128xf32> to vector<1x16x128xf32>
    tpu.vector_store %arg6[%swap3A_49, %swap3A_50, %swap3A_51], %swap3A_54 {strides = array<i32>} : memref<1x16x128xf32, #tpu.memory_space<vmem>>, vector<1x16x128xf32>,
    %swap3A_55 = arith.constant 0 : index
    %swap3A_56 = arith.constant 0 : index
    %swap3A_57 = arith.constant 0 : index
    %swap3A_58 = vector.load %arg7[%swap3A_55, %swap3A_56, %swap3A_57] : memref<1x16x128xf32, #tpu.memory_space<vmem>>, vector<1x16x128xf32>
    %swap3A_59 = vector.shape_cast %swap3A_58 : vector<1x16x128xf32> to vector<16x128xf32>
    %swap3A_60 = vector.shape_cast %scan3A_36#5 : vector<16x128xf32> to vector<1x16x128xf32>
    tpu.vector_store %arg7[%swap3A_55, %swap3A_56, %swap3A_57], %swap3A_60 {strides = array<i32>} : memref<1x16x128xf32, #tpu.memory_space<vmem>>, vector<1x16x128xf32>,
    return
  }
  func.func @transform_0(%arg0: i32) -> (i32, i32, i32) {
    %c0_i32 = arith.constant 0 : i32
    %c0_i32_0 = arith.constant 0 : i32
    %c0_i32_1 = arith.constant 0 : i32
    return %arg0, %c0_i32, %c0_i32_0 : i32, i32, i32
  }
  func.func @transform_1(%arg0: i32) -> (i32, i32, i32) {
    %c0_i32 = arith.constant 0 : i32
    %c0_i32_0 = arith.constant 0 : i32
    %c0_i32_1 = arith.constant 0 : i32
    return %arg0, %c0_i32, %c0_i32_0 : i32, i32, i32
  }
  func.func @transform_2(%arg0: i32) -> (i32, i32, i32) {
    %c0_i32 = arith.constant 0 : i32
    %c0_i32_0 = arith.constant 0 : i32
    %c0_i32_1 = arith.constant 0 : i32
    return %arg0, %c0_i32, %c0_i32_0 : i32, i32, i32
  }
  func.func @transform_3(%arg0: i32) -> (i32, i32, i32) {
    %c0_i32 = arith.constant 0 : i32
    %c0_i32_0 = arith.constant 0 : i32
    %c0_i32_1 = arith.constant 0 : i32
    return %arg0, %c0_i32, %c0_i32_0 : i32, i32, i32
  }
  func.func @transform_4(%arg0: i32) -> (i32, i32, i32) {
    %c0_i32 = arith.constant 0 : i32
    %c0_i32_0 = arith.constant 0 : i32
    %c0_i32_1 = arith.constant 0 : i32
    return %arg0, %c0_i32, %c0_i32_0 : i32, i32, i32
  }
  func.func @transform_5(%arg0: i32) -> (i32, i32, i32) {
    %c0_i32 = arith.constant 0 : i32
    %c0_i32_0 = arith.constant 0 : i32
    %c0_i32_1 = arith.constant 0 : i32
    return %arg0, %c0_i32, %c0_i32_0 : i32, i32, i32
  }
  func.func @transform_6(%arg0: i32) -> (i32, i32, i32) {
    %c0_i32 = arith.constant 0 : i32
    %c0_i32_0 = arith.constant 0 : i32
    %c0_i32_1 = arith.constant 0 : i32
    return %arg0, %c0_i32, %c0_i32_0 : i32, i32, i32
  }
}

module attributes {stable_mosaic.version = 14 : i64} {
  func.func @_lambda_(%arg0: i32, %arg1: memref<1x16384x3xf32, #tpu.memory_space<vmem>>, %arg2: memref<3x64xf32, #tpu.memory_space<vmem>>, %arg3: memref<1x16384x64xf32, #tpu.memory_space<vmem>>) attributes {dimension_semantics = [#tpu.dimension_semantics<arbitrary>], iteration_bounds = array<i64: 2>, scalar_prefetch = 0 : i64, scratch_operands = 0 : i64, tpu.core_type = #tpu.core_type<tc>, window_params = [{transform_indices = @transform_0, window_bounds = array<i64: 1, 16384, 3>}, {pipeline_mode = #tpu.pipeline_mode<synchronous>, transform_indices = @transform_1, window_bounds = array<i64: 3, 64>}, {transform_indices = @transform_2, window_bounds = array<i64: 1, 16384, 64>}]} {
    %get3A = arith.constant 0 : index
    %get3A_0 = arith.constant 0 : index
    %get3A_1 = arith.constant 0 : index
    %get3A_2 = vector.load %arg1[%get3A, %get3A_0, %get3A_1] : memref<1x16384x3xf32, #tpu.memory_space<vmem>>, vector<1x16384x3xf32>
    %get3A_3 = vector.shape_cast %get3A_2 : vector<1x16384x3xf32> to vector<16384x3xf32>
    %get3A_4 = arith.constant 0 : index
    %get3A_5 = arith.constant 0 : index
    %get3A_6 = vector.load %arg2[%get3A_4, %get3A_5] : memref<3x64xf32, #tpu.memory_space<vmem>>, vector<3x64xf32>
    %dot_general3A = arith.constant dense<0.000000e+00> : vector<16384x64xf32>
    %dot_general3A_7 = tpu.matmul %get3A_3, %get3A_6, %dot_general3A {dimension_numbers = #tpu.dot_dimension_numbers<[1], [0], [0], [1], [0, 0, 1, 1], [], []>, transpose_lhs_hint = false} : vector<16384x3xf32>, vector<3x64xf32>, vector<16384x64xf32> -> vector<16384x64xf32>
    %mul3A = arith.constant 5.000000e+00 : f32
    %mul3A_8 = vector.broadcast %mul3A : f32 to vector<16384x64xf32>
    %mul3A_9 = arith.mulf %dot_general3A_7, %mul3A_8 : vector<16384x64xf32>
    %swap3A = arith.constant 0 : index
    %swap3A_10 = arith.constant 0 : index
    %swap3A_11 = arith.constant 0 : index
    %swap3A_12 = vector.load %arg3[%swap3A, %swap3A_10, %swap3A_11] : memref<1x16384x64xf32, #tpu.memory_space<vmem>>, vector<1x16384x64xf32>
    %swap3A_13 = vector.shape_cast %swap3A_12 : vector<1x16384x64xf32> to vector<16384x64xf32>
    %swap3A_14 = vector.shape_cast %mul3A_9 : vector<16384x64xf32> to vector<1x16384x64xf32>
    tpu.vector_store %arg3[%swap3A, %swap3A_10, %swap3A_11], %swap3A_14 {strides = array<i32>} : memref<1x16384x64xf32, #tpu.memory_space<vmem>>, vector<1x16384x64xf32>,
    return
  }
  func.func @transform_0(%arg0: i32) -> (i32, i32, i32) {
    %c0_i32 = arith.constant 0 : i32
    %c0_i32_0 = arith.constant 0 : i32
    %c0_i32_1 = arith.constant 0 : i32
    return %arg0, %c0_i32, %c0_i32_0 : i32, i32, i32
  }
  func.func @transform_1(%arg0: i32) -> (i32, i32) {
    %c0_i32 = arith.constant 0 : i32
    %c0_i32_0 = arith.constant 0 : i32
    %c0_i32_1 = arith.constant 0 : i32
    return %c0_i32, %c0_i32_0 : i32, i32
  }
  func.func @transform_2(%arg0: i32) -> (i32, i32, i32) {
    %c0_i32 = arith.constant 0 : i32
    %c0_i32_0 = arith.constant 0 : i32
    %c0_i32_1 = arith.constant 0 : i32
    return %arg0, %c0_i32, %c0_i32_0 : i32, i32, i32
  }
}

module attributes {stable_mosaic.version = 14 : i64} {
  func.func @_fps_kernel(%arg0: i32, %arg1: memref<1x16x128xf32, #tpu.memory_space<vmem>>, %arg2: memref<1x16x128xf32, #tpu.memory_space<vmem>>, %arg3: memref<1x16x128xf32, #tpu.memory_space<vmem>>, %arg4: memref<1x8x128xi32, #tpu.memory_space<vmem>>, %arg5: memref<1x8x128xf32, #tpu.memory_space<vmem>>, %arg6: memref<1x8x128xf32, #tpu.memory_space<vmem>>, %arg7: memref<1x8x128xf32, #tpu.memory_space<vmem>>) attributes {dimension_semantics = [#tpu.dimension_semantics<arbitrary>], iteration_bounds = array<i64: 2>, scalar_prefetch = 0 : i64, scratch_operands = 0 : i64, tpu.core_type = #tpu.core_type<tc>, window_params = [{transform_indices = @transform_0, window_bounds = array<i64: 1, 16, 128>}, {transform_indices = @transform_1, window_bounds = array<i64: 1, 16, 128>}, {transform_indices = @transform_2, window_bounds = array<i64: 1, 16, 128>}, {transform_indices = @transform_3, window_bounds = array<i64: 1, 8, 128>}, {transform_indices = @transform_4, window_bounds = array<i64: 1, 8, 128>}, {transform_indices = @transform_5, window_bounds = array<i64: 1, 8, 128>}, {transform_indices = @transform_6, window_bounds = array<i64: 1, 8, 128>}]} {
    %get3A = arith.constant 0 : index
    %get3A_0 = arith.constant 0 : index
    %get3A_1 = arith.constant 0 : index
    %get3A_2 = vector.load %arg1[%get3A, %get3A_0, %get3A_1] : memref<1x16x128xf32, #tpu.memory_space<vmem>>, vector<1x16x128xf32>
    %get3A_3 = vector.shape_cast %get3A_2 : vector<1x16x128xf32> to vector<16x128xf32>
    %get3A_4 = arith.constant 0 : index
    %get3A_5 = arith.constant 0 : index
    %get3A_6 = arith.constant 0 : index
    %get3A_7 = vector.load %arg2[%get3A_4, %get3A_5, %get3A_6] : memref<1x16x128xf32, #tpu.memory_space<vmem>>, vector<1x16x128xf32>
    %get3A_8 = vector.shape_cast %get3A_7 : vector<1x16x128xf32> to vector<16x128xf32>
    %get3A_9 = arith.constant 0 : index
    %get3A_10 = arith.constant 0 : index
    %get3A_11 = arith.constant 0 : index
    %get3A_12 = vector.load %arg3[%get3A_9, %get3A_10, %get3A_11] : memref<1x16x128xf32, #tpu.memory_space<vmem>>, vector<1x16x128xf32>
    %get3A_13 = vector.shape_cast %get3A_12 : vector<1x16x128xf32> to vector<16x128xf32>
    %iota3A = tpu.iota {dimensions = array<i32: 0>} : vector<16x128xi32>
    %mul3A = arith.constant 128 : i32
    %mul3A_14 = vector.broadcast %mul3A : i32 to vector<16x128xi32>
    %mul3A_15 = arith.muli %iota3A, %mul3A_14 : vector<16x128xi32>
    %iota3A_16 = tpu.iota {dimensions = array<i32: 1>} : vector<16x128xi32>
    %add3A = arith.addi %mul3A_15, %iota3A_16 : vector<16x128xi32>
    %iota3A_17 = tpu.iota {dimensions = array<i32: 0>} : vector<8x128xi32>
    %mul3A_18 = arith.constant 128 : i32
    %mul3A_19 = vector.broadcast %mul3A_18 : i32 to vector<8x128xi32>
    %mul3A_20 = arith.muli %iota3A_17, %mul3A_19 : vector<8x128xi32>
    %iota3A_21 = tpu.iota {dimensions = array<i32: 1>} : vector<8x128xi32>
    %add3A_22 = arith.addi %mul3A_20, %iota3A_21 : vector<8x128xi32>
    %broadcast_in_dim3A = arith.constant 1.000000e+10 : f32
    %broadcast_in_dim3A_23 = vector.broadcast %broadcast_in_dim3A : f32 to vector<16x128xf32>
    %broadcast_in_dim3A_24 = arith.constant 0 : i32
    %broadcast_in_dim3A_25 = vector.broadcast %broadcast_in_dim3A_24 : i32 to vector<8x128xi32>
    %broadcast_in_dim3A_26 = arith.constant 0.000000e+00 : f32
    %broadcast_in_dim3A_27 = vector.broadcast %broadcast_in_dim3A_26 : f32 to vector<8x128xf32>
    %broadcast_in_dim3A_28 = arith.constant 0.000000e+00 : f32
    %broadcast_in_dim3A_29 = vector.broadcast %broadcast_in_dim3A_28 : f32 to vector<8x128xf32>
    %broadcast_in_dim3A_30 = arith.constant 0.000000e+00 : f32
    %broadcast_in_dim3A_31 = vector.broadcast %broadcast_in_dim3A_30 : f32 to vector<8x128xf32>
    %scan3A = arith.constant 0 : i32
    %scan3A_32 = arith.constant 0 : i32
    %scan3A_33 = arith.constant 1024 : i32
    %scan3A_34 = arith.addi %scan3A_32, %scan3A_33 : i32
    %scan3A_35 = arith.constant 1 : i32
    %scan3A_36:6 = scf.for %scan3A_61 = %scan3A_32 to %scan3A_34 step %scan3A_35 iter_args(%scan3A_62 = %broadcast_in_dim3A_23, %scan3A_63 = %scan3A, %scan3A_64 = %broadcast_in_dim3A_25, %scan3A_65 = %broadcast_in_dim3A_27, %scan3A_66 = %broadcast_in_dim3A_29, %scan3A_67 = %broadcast_in_dim3A_31) -> (vector<16x128xf32>, i32, vector<8x128xi32>, vector<8x128xf32>, vector<8x128xf32>, vector<8x128xf32>)  : i32 {
      %eq3A = vector.broadcast %scan3A_63 : i32 to vector<16x128xi32>
      %eq3A_68 = arith.cmpi eq, %add3A, %eq3A : vector<16x128xi32>
      %jit3A = arith.constant 0.000000e+00 : f32
      %broadcast_in_dim3A_69 = vector.broadcast %jit3A : f32 to vector<16x128xf32>
      %select_n3A = arith.select %eq3A_68, %get3A_3, %broadcast_in_dim3A_69 : vector<16x128xi1>, vector<16x128xf32>
      %reduce_sum3A = vector.shape_cast %select_n3A : vector<16x128xf32> to vector<1x16x128xf32>
      %reduce_sum3A_70 = arith.constant dense<0.000000e+00> : vector<1xf32>
      %reduce_sum3A_71 = vector.multi_reduction <add>, %reduce_sum3A, %reduce_sum3A_70 [1, 2] : vector<1x16x128xf32> to vector<1xf32>
      %reduce_sum3A_72 = vector.shape_cast %reduce_sum3A_71 : vector<1xf32> to vector<1x1x1xf32>
      %reduce_sum3A_73 = vector.extract %reduce_sum3A_72[0, 0, 0] : f32 from vector<1x1x1xf32>
      %jit3A_74 = arith.constant 0.000000e+00 : f32
      %broadcast_in_dim3A_75 = vector.broadcast %jit3A_74 : f32 to vector<16x128xf32>
      %select_n3A_76 = arith.select %eq3A_68, %get3A_8, %broadcast_in_dim3A_75 : vector<16x128xi1>, vector<16x128xf32>
      %reduce_sum3A_77 = vector.shape_cast %select_n3A_76 : vector<16x128xf32> to vector<1x16x128xf32>
      %reduce_sum3A_78 = arith.constant dense<0.000000e+00> : vector<1xf32>
      %reduce_sum3A_79 = vector.multi_reduction <add>, %reduce_sum3A_77, %reduce_sum3A_78 [1, 2] : vector<1x16x128xf32> to vector<1xf32>
      %reduce_sum3A_80 = vector.shape_cast %reduce_sum3A_79 : vector<1xf32> to vector<1x1x1xf32>
      %reduce_sum3A_81 = vector.extract %reduce_sum3A_80[0, 0, 0] : f32 from vector<1x1x1xf32>
      %jit3A_82 = arith.constant 0.000000e+00 : f32
      %broadcast_in_dim3A_83 = vector.broadcast %jit3A_82 : f32 to vector<16x128xf32>
      %select_n3A_84 = arith.select %eq3A_68, %get3A_13, %broadcast_in_dim3A_83 : vector<16x128xi1>, vector<16x128xf32>
      %reduce_sum3A_85 = vector.shape_cast %select_n3A_84 : vector<16x128xf32> to vector<1x16x128xf32>
      %reduce_sum3A_86 = arith.constant dense<0.000000e+00> : vector<1xf32>
      %reduce_sum3A_87 = vector.multi_reduction <add>, %reduce_sum3A_85, %reduce_sum3A_86 [1, 2] : vector<1x16x128xf32> to vector<1xf32>
      %reduce_sum3A_88 = vector.shape_cast %reduce_sum3A_87 : vector<1xf32> to vector<1x1x1xf32>
      %reduce_sum3A_89 = vector.extract %reduce_sum3A_88[0, 0, 0] : f32 from vector<1x1x1xf32>
      %eq3A_90 = vector.broadcast %scan3A_61 : i32 to vector<8x128xi32>
      %eq3A_91 = arith.cmpi eq, %add3A_22, %eq3A_90 : vector<8x128xi32>
      %broadcast_in_dim3A_92 = vector.broadcast %scan3A_63 : i32 to vector<8x128xi32>
      %select_n3A_93 = arith.select %eq3A_91, %broadcast_in_dim3A_92, %scan3A_64 : vector<8x128xi1>, vector<8x128xi32>
      %broadcast_in_dim3A_94 = vector.broadcast %reduce_sum3A_73 : f32 to vector<8x128xf32>
      %select_n3A_95 = arith.select %eq3A_91, %broadcast_in_dim3A_94, %scan3A_65 : vector<8x128xi1>, vector<8x128xf32>
      %broadcast_in_dim3A_96 = vector.broadcast %reduce_sum3A_81 : f32 to vector<8x128xf32>
      %select_n3A_97 = arith.select %eq3A_91, %broadcast_in_dim3A_96, %scan3A_66 : vector<8x128xi1>, vector<8x128xf32>
      %broadcast_in_dim3A_98 = vector.broadcast %reduce_sum3A_89 : f32 to vector<8x128xf32>
      %select_n3A_99 = arith.select %eq3A_91, %broadcast_in_dim3A_98, %scan3A_67 : vector<8x128xi1>, vector<8x128xf32>
      %sub3A = vector.broadcast %reduce_sum3A_73 : f32 to vector<16x128xf32>
      %sub3A_100 = arith.subf %get3A_3, %sub3A : vector<16x128xf32>
      %sub3A_101 = vector.broadcast %reduce_sum3A_81 : f32 to vector<16x128xf32>
      %sub3A_102 = arith.subf %get3A_8, %sub3A_101 : vector<16x128xf32>
      %sub3A_103 = vector.broadcast %reduce_sum3A_89 : f32 to vector<16x128xf32>
      %sub3A_104 = arith.subf %get3A_13, %sub3A_103 : vector<16x128xf32>
      %mul3A_105 = arith.mulf %sub3A_100, %sub3A_100 : vector<16x128xf32>
      %mul3A_106 = arith.mulf %sub3A_102, %sub3A_102 : vector<16x128xf32>
      %add3A_107 = arith.addf %mul3A_105, %mul3A_106 : vector<16x128xf32>
      %mul3A_108 = arith.mulf %sub3A_104, %sub3A_104 : vector<16x128xf32>
      %add3A_109 = arith.addf %add3A_107, %mul3A_108 : vector<16x128xf32>
      %min3A = arith.minimumf %scan3A_62, %add3A_109 : vector<16x128xf32>
      %reduce_max3A = vector.shape_cast %min3A : vector<16x128xf32> to vector<1x16x128xf32>
      %reduce_max3A_110 = arith.constant dense<0xFF800000> : vector<1xf32>
      %reduce_max3A_111 = vector.multi_reduction <maximumf>, %reduce_max3A, %reduce_max3A_110 [1, 2] : vector<1x16x128xf32> to vector<1xf32>
      %reduce_max3A_112 = vector.shape_cast %reduce_max3A_111 : vector<1xf32> to vector<1x1x1xf32>
      %reduce_max3A_113 = vector.extract %reduce_max3A_112[0, 0, 0] : f32 from vector<1x1x1xf32>
      %eq3A_114 = vector.broadcast %reduce_max3A_113 : f32 to vector<16x128xf32>
      %eq3A_115 = arith.cmpf oeq, %min3A, %eq3A_114 : vector<16x128xf32>
      %jit3A_116 = arith.constant 2048 : i32
      %broadcast_in_dim3A_117 = vector.broadcast %jit3A_116 : i32 to vector<16x128xi32>
      %select_n3A_118 = arith.select %eq3A_115, %add3A, %broadcast_in_dim3A_117 : vector<16x128xi1>, vector<16x128xi32>
      %reduce_min3A = vector.shape_cast %select_n3A_118 : vector<16x128xi32> to vector<1x16x128xi32>
      %reduce_min3A_119 = arith.constant dense<2147483647> : vector<1xi32>
      %reduce_min3A_120 = vector.multi_reduction <minsi>, %reduce_min3A, %reduce_min3A_119 [1, 2] : vector<1x16x128xi32> to vector<1xi32>
      %reduce_min3A_121 = vector.shape_cast %reduce_min3A_120 : vector<1xi32> to vector<1x1x1xi32>
      %reduce_min3A_122 = vector.extract %reduce_min3A_121[0, 0, 0] : i32 from vector<1x1x1xi32>
      scf.yield %min3A, %reduce_min3A_122, %select_n3A_93, %select_n3A_95, %select_n3A_97, %select_n3A_99 : vector<16x128xf32>, i32, vector<8x128xi32>, vector<8x128xf32>, vector<8x128xf32>, vector<8x128xf32>
    }
    %scan3A_37 = arith.constant 1024 : i32
    %swap3A = arith.constant 0 : index
    %swap3A_38 = arith.constant 0 : index
    %swap3A_39 = arith.constant 0 : index
    %swap3A_40 = vector.load %arg4[%swap3A, %swap3A_38, %swap3A_39] : memref<1x8x128xi32, #tpu.memory_space<vmem>>, vector<1x8x128xi32>
    %swap3A_41 = vector.shape_cast %swap3A_40 : vector<1x8x128xi32> to vector<8x128xi32>
    %swap3A_42 = vector.shape_cast %scan3A_36#2 : vector<8x128xi32> to vector<1x8x128xi32>
    tpu.vector_store %arg4[%swap3A, %swap3A_38, %swap3A_39], %swap3A_42 {strides = array<i32>} : memref<1x8x128xi32, #tpu.memory_space<vmem>>, vector<1x8x128xi32>,
    %swap3A_43 = arith.constant 0 : index
    %swap3A_44 = arith.constant 0 : index
    %swap3A_45 = arith.constant 0 : index
    %swap3A_46 = vector.load %arg5[%swap3A_43, %swap3A_44, %swap3A_45] : memref<1x8x128xf32, #tpu.memory_space<vmem>>, vector<1x8x128xf32>
    %swap3A_47 = vector.shape_cast %swap3A_46 : vector<1x8x128xf32> to vector<8x128xf32>
    %swap3A_48 = vector.shape_cast %scan3A_36#3 : vector<8x128xf32> to vector<1x8x128xf32>
    tpu.vector_store %arg5[%swap3A_43, %swap3A_44, %swap3A_45], %swap3A_48 {strides = array<i32>} : memref<1x8x128xf32, #tpu.memory_space<vmem>>, vector<1x8x128xf32>,
    %swap3A_49 = arith.constant 0 : index
    %swap3A_50 = arith.constant 0 : index
    %swap3A_51 = arith.constant 0 : index
    %swap3A_52 = vector.load %arg6[%swap3A_49, %swap3A_50, %swap3A_51] : memref<1x8x128xf32, #tpu.memory_space<vmem>>, vector<1x8x128xf32>
    %swap3A_53 = vector.shape_cast %swap3A_52 : vector<1x8x128xf32> to vector<8x128xf32>
    %swap3A_54 = vector.shape_cast %scan3A_36#4 : vector<8x128xf32> to vector<1x8x128xf32>
    tpu.vector_store %arg6[%swap3A_49, %swap3A_50, %swap3A_51], %swap3A_54 {strides = array<i32>} : memref<1x8x128xf32, #tpu.memory_space<vmem>>, vector<1x8x128xf32>,
    %swap3A_55 = arith.constant 0 : index
    %swap3A_56 = arith.constant 0 : index
    %swap3A_57 = arith.constant 0 : index
    %swap3A_58 = vector.load %arg7[%swap3A_55, %swap3A_56, %swap3A_57] : memref<1x8x128xf32, #tpu.memory_space<vmem>>, vector<1x8x128xf32>
    %swap3A_59 = vector.shape_cast %swap3A_58 : vector<1x8x128xf32> to vector<8x128xf32>
    %swap3A_60 = vector.shape_cast %scan3A_36#5 : vector<8x128xf32> to vector<1x8x128xf32>
    tpu.vector_store %arg7[%swap3A_55, %swap3A_56, %swap3A_57], %swap3A_60 {strides = array<i32>} : memref<1x8x128xf32, #tpu.memory_space<vmem>>, vector<1x8x128xf32>,
    return
  }
  func.func @transform_0(%arg0: i32) -> (i32, i32, i32) {
    %c0_i32 = arith.constant 0 : i32
    %c0_i32_0 = arith.constant 0 : i32
    %c0_i32_1 = arith.constant 0 : i32
    return %arg0, %c0_i32, %c0_i32_0 : i32, i32, i32
  }
  func.func @transform_1(%arg0: i32) -> (i32, i32, i32) {
    %c0_i32 = arith.constant 0 : i32
    %c0_i32_0 = arith.constant 0 : i32
    %c0_i32_1 = arith.constant 0 : i32
    return %arg0, %c0_i32, %c0_i32_0 : i32, i32, i32
  }
  func.func @transform_2(%arg0: i32) -> (i32, i32, i32) {
    %c0_i32 = arith.constant 0 : i32
    %c0_i32_0 = arith.constant 0 : i32
    %c0_i32_1 = arith.constant 0 : i32
    return %arg0, %c0_i32, %c0_i32_0 : i32, i32, i32
  }
  func.func @transform_3(%arg0: i32) -> (i32, i32, i32) {
    %c0_i32 = arith.constant 0 : i32
    %c0_i32_0 = arith.constant 0 : i32
    %c0_i32_1 = arith.constant 0 : i32
    return %arg0, %c0_i32, %c0_i32_0 : i32, i32, i32
  }
  func.func @transform_4(%arg0: i32) -> (i32, i32, i32) {
    %c0_i32 = arith.constant 0 : i32
    %c0_i32_0 = arith.constant 0 : i32
    %c0_i32_1 = arith.constant 0 : i32
    return %arg0, %c0_i32, %c0_i32_0 : i32, i32, i32
  }
  func.func @transform_5(%arg0: i32) -> (i32, i32, i32) {
    %c0_i32 = arith.constant 0 : i32
    %c0_i32_0 = arith.constant 0 : i32
    %c0_i32_1 = arith.constant 0 : i32
    return %arg0, %c0_i32, %c0_i32_0 : i32, i32, i32
  }
  func.func @transform_6(%arg0: i32) -> (i32, i32, i32) {
    %c0_i32 = arith.constant 0 : i32
    %c0_i32_0 = arith.constant 0 : i32
    %c0_i32_1 = arith.constant 0 : i32
    return %arg0, %c0_i32, %c0_i32_0 : i32, i32, i32
  }
}

module attributes {stable_mosaic.version = 14 : i64} {
  func.func @_mlp_kernel(%arg0: i32, %arg1: memref<2048x64xf32, #tpu.memory_space<vmem>>, %arg2: memref<32x3xf32, #tpu.memory_space<vmem>>, %arg3: memref<3x64xf32, #tpu.memory_space<vmem>>, %arg4: memref<1x64xf32, #tpu.memory_space<vmem>>, %arg5: memref<64x64xf32, #tpu.memory_space<vmem>>, %arg6: memref<1x64xf32, #tpu.memory_space<vmem>>, %arg7: memref<64x128xf32, #tpu.memory_space<vmem>>, %arg8: memref<1x128xf32, #tpu.memory_space<vmem>>, %arg9: memref<32x128xf32, #tpu.memory_space<vmem>>) attributes {dimension_semantics = [#tpu.dimension_semantics<arbitrary>], iteration_bounds = array<i64: 128>, scalar_prefetch = 0 : i64, scratch_operands = 0 : i64, tpu.core_type = #tpu.core_type<tc>, window_params = [{transform_indices = @transform_0, window_bounds = array<i64: 2048, 64>}, {transform_indices = @transform_1, window_bounds = array<i64: 32, 3>}, {pipeline_mode = #tpu.pipeline_mode<synchronous>, transform_indices = @transform_2, window_bounds = array<i64: 3, 64>}, {pipeline_mode = #tpu.pipeline_mode<synchronous>, transform_indices = @transform_3, window_bounds = array<i64: 1, 64>}, {pipeline_mode = #tpu.pipeline_mode<synchronous>, transform_indices = @transform_4, window_bounds = array<i64: 64, 64>}, {pipeline_mode = #tpu.pipeline_mode<synchronous>, transform_indices = @transform_5, window_bounds = array<i64: 1, 64>}, {pipeline_mode = #tpu.pipeline_mode<synchronous>, transform_indices = @transform_6, window_bounds = array<i64: 64, 128>}, {pipeline_mode = #tpu.pipeline_mode<synchronous>, transform_indices = @transform_7, window_bounds = array<i64: 1, 128>}, {transform_indices = @transform_8, window_bounds = array<i64: 32, 128>}]} {
    %get3A = arith.constant 0 : index
    %get3A_0 = arith.constant 0 : index
    %get3A_1 = vector.load %arg2[%get3A, %get3A_0] : memref<32x3xf32, #tpu.memory_space<vmem>>, vector<32x3xf32>
    %get3A_2 = arith.constant 0 : index
    %get3A_3 = arith.constant 0 : index
    %get3A_4 = vector.load %arg3[%get3A_2, %get3A_3] : memref<3x64xf32, #tpu.memory_space<vmem>>, vector<3x64xf32>
    %dot_general3A = arith.constant dense<0.000000e+00> : vector<32x64xf32>
    %dot_general3A_5 = tpu.matmul %get3A_1, %get3A_4, %dot_general3A {dimension_numbers = #tpu.dot_dimension_numbers<[1], [0], [0], [1], [0, 0, 1, 1], [], []>, transpose_lhs_hint = false} : vector<32x3xf32>, vector<3x64xf32>, vector<32x64xf32> -> vector<32x64xf32>
    %mul3A = arith.constant 5.000000e+00 : f32
    %mul3A_6 = vector.broadcast %mul3A : f32 to vector<32x64xf32>
    %mul3A_7 = arith.mulf %dot_general3A_5, %mul3A_6 : vector<32x64xf32>
    %broadcast_in_dim3A = vector.shape_cast %mul3A_7 : vector<32x64xf32> to vector<32x1x64xf32>
    %broadcast_in_dim3A_8 = vector.shape_cast %broadcast_in_dim3A : vector<32x1x64xf32> to vector<32x1x64xf32>
    %broadcast_in_dim3A_9 = vector.broadcast %broadcast_in_dim3A_8 : vector<32x1x64xf32> to vector<32x64x64xf32>
    %reshape3A = vector.shape_cast %broadcast_in_dim3A_9 : vector<32x64x64xf32> to vector<2048x64xf32>
    %get3A_10 = arith.constant 0 : index
    %get3A_11 = arith.constant 0 : index
    %get3A_12 = vector.load %arg1[%get3A_10, %get3A_11] : memref<2048x64xf32, #tpu.memory_space<vmem>>, vector<2048x64xf32>
    %sub3A = arith.subf %get3A_12, %reshape3A : vector<2048x64xf32>
    %get3A_13 = arith.constant 0 : index
    %get3A_14 = arith.constant 0 : index
    %get3A_15 = vector.load %arg4[%get3A_13, %get3A_14] : memref<1x64xf32, #tpu.memory_space<vmem>>, vector<1x64xf32>
    %add3A = vector.broadcast %get3A_15 : vector<1x64xf32> to vector<2048x64xf32>
    %add3A_16 = arith.addf %sub3A, %add3A : vector<2048x64xf32>
    %max3A = arith.constant 0.000000e+00 : f32
    %max3A_17 = vector.broadcast %max3A : f32 to vector<2048x64xf32>
    %max3A_18 = arith.maximumf %add3A_16, %max3A_17 : vector<2048x64xf32>
    %get3A_19 = arith.constant 0 : index
    %get3A_20 = arith.constant 0 : index
    %get3A_21 = vector.load %arg5[%get3A_19, %get3A_20] : memref<64x64xf32, #tpu.memory_space<vmem>>, vector<64x64xf32>
    %dot_general3A_22 = arith.constant dense<0.000000e+00> : vector<2048x64xf32>
    %dot_general3A_23 = tpu.matmul %max3A_18, %get3A_21, %dot_general3A_22 {dimension_numbers = #tpu.dot_dimension_numbers<[1], [0], [0], [1], [0, 0, 1, 1], [], []>, transpose_lhs_hint = false} : vector<2048x64xf32>, vector<64x64xf32>, vector<2048x64xf32> -> vector<2048x64xf32>
    %get3A_24 = arith.constant 0 : index
    %get3A_25 = arith.constant 0 : index
    %get3A_26 = vector.load %arg6[%get3A_24, %get3A_25] : memref<1x64xf32, #tpu.memory_space<vmem>>, vector<1x64xf32>
    %add3A_27 = vector.broadcast %get3A_26 : vector<1x64xf32> to vector<2048x64xf32>
    %add3A_28 = arith.addf %dot_general3A_23, %add3A_27 : vector<2048x64xf32>
    %max3A_29 = arith.constant 0.000000e+00 : f32
    %max3A_30 = vector.broadcast %max3A_29 : f32 to vector<2048x64xf32>
    %max3A_31 = arith.maximumf %add3A_28, %max3A_30 : vector<2048x64xf32>
    %get3A_32 = arith.constant 0 : index
    %get3A_33 = arith.constant 0 : index
    %get3A_34 = vector.load %arg7[%get3A_32, %get3A_33] : memref<64x128xf32, #tpu.memory_space<vmem>>, vector<64x128xf32>
    %dot_general3A_35 = arith.constant dense<0.000000e+00> : vector<2048x128xf32>
    %dot_general3A_36 = tpu.matmul %max3A_31, %get3A_34, %dot_general3A_35 {dimension_numbers = #tpu.dot_dimension_numbers<[1], [0], [0], [1], [0, 0, 1, 1], [], []>, transpose_lhs_hint = false} : vector<2048x64xf32>, vector<64x128xf32>, vector<2048x128xf32> -> vector<2048x128xf32>
    %get3A_37 = arith.constant 0 : index
    %get3A_38 = arith.constant 0 : index
    %get3A_39 = vector.load %arg8[%get3A_37, %get3A_38] : memref<1x128xf32, #tpu.memory_space<vmem>>, vector<1x128xf32>
    %add3A_40 = vector.broadcast %get3A_39 : vector<1x128xf32> to vector<2048x128xf32>
    %add3A_41 = arith.addf %dot_general3A_36, %add3A_40 : vector<2048x128xf32>
    %max3A_42 = arith.constant 0.000000e+00 : f32
    %max3A_43 = vector.broadcast %max3A_42 : f32 to vector<2048x128xf32>
    %max3A_44 = arith.maximumf %add3A_41, %max3A_43 : vector<2048x128xf32>
    %reshape3A_45 = vector.shape_cast %max3A_44 : vector<2048x128xf32> to vector<32x64x128xf32>
    %reduce_max3A = arith.constant dense<0xFF800000> : vector<32x128xf32>
    %reduce_max3A_46 = vector.multi_reduction <maximumf>, %reshape3A_45, %reduce_max3A [1] : vector<32x64x128xf32> to vector<32x128xf32>
    %swap3A = arith.constant 0 : index
    %swap3A_47 = arith.constant 0 : index
    %swap3A_48 = vector.load %arg9[%swap3A, %swap3A_47] : memref<32x128xf32, #tpu.memory_space<vmem>>, vector<32x128xf32>
    tpu.vector_store %arg9[%swap3A, %swap3A_47], %reduce_max3A_46 {strides = array<i32>} : memref<32x128xf32, #tpu.memory_space<vmem>>, vector<32x128xf32>,
    return
  }
  func.func @transform_0(%arg0: i32) -> (i32, i32) {
    %c0_i32 = arith.constant 0 : i32
    %c0_i32_0 = arith.constant 0 : i32
    return %arg0, %c0_i32 : i32, i32
  }
  func.func @transform_1(%arg0: i32) -> (i32, i32) {
    %c0_i32 = arith.constant 0 : i32
    %c0_i32_0 = arith.constant 0 : i32
    return %arg0, %c0_i32 : i32, i32
  }
  func.func @transform_2(%arg0: i32) -> (i32, i32) {
    %c0_i32 = arith.constant 0 : i32
    %c0_i32_0 = arith.constant 0 : i32
    %c0_i32_1 = arith.constant 0 : i32
    return %c0_i32, %c0_i32_0 : i32, i32
  }
  func.func @transform_3(%arg0: i32) -> (i32, i32) {
    %c0_i32 = arith.constant 0 : i32
    %c0_i32_0 = arith.constant 0 : i32
    %c0_i32_1 = arith.constant 0 : i32
    return %c0_i32, %c0_i32_0 : i32, i32
  }
  func.func @transform_4(%arg0: i32) -> (i32, i32) {
    %c0_i32 = arith.constant 0 : i32
    %c0_i32_0 = arith.constant 0 : i32
    %c0_i32_1 = arith.constant 0 : i32
    return %c0_i32, %c0_i32_0 : i32, i32
  }
  func.func @transform_5(%arg0: i32) -> (i32, i32) {
    %c0_i32 = arith.constant 0 : i32
    %c0_i32_0 = arith.constant 0 : i32
    %c0_i32_1 = arith.constant 0 : i32
    return %c0_i32, %c0_i32_0 : i32, i32
  }
  func.func @transform_6(%arg0: i32) -> (i32, i32) {
    %c0_i32 = arith.constant 0 : i32
    %c0_i32_0 = arith.constant 0 : i32
    %c0_i32_1 = arith.constant 0 : i32
    return %c0_i32, %c0_i32_0 : i32, i32
  }
  func.func @transform_7(%arg0: i32) -> (i32, i32) {
    %c0_i32 = arith.constant 0 : i32
    %c0_i32_0 = arith.constant 0 : i32
    %c0_i32_1 = arith.constant 0 : i32
    return %c0_i32, %c0_i32_0 : i32, i32
  }
  func.func @transform_8(%arg0: i32) -> (i32, i32) {
    %c0_i32 = arith.constant 0 : i32
    %c0_i32_0 = arith.constant 0 : i32
    return %arg0, %c0_i32 : i32, i32
  }
}

module attributes {stable_mosaic.version = 14 : i64} {
  func.func @_table_kernel(%arg0: i32, %arg1: memref<1x2048x3xf32, #tpu.memory_space<vmem>>, %arg2: memref<3x128xf32, #tpu.memory_space<vmem>>, %arg3: memref<1x2048x128xf32, #tpu.memory_space<vmem>>, %arg4: memref<128x128xf32, #tpu.memory_space<vmem>>, %arg5: memref<1x2048x128xf32, #tpu.memory_space<vmem>>) attributes {dimension_semantics = [#tpu.dimension_semantics<arbitrary>], iteration_bounds = array<i64: 2>, scalar_prefetch = 0 : i64, scratch_operands = 0 : i64, tpu.core_type = #tpu.core_type<tc>, window_params = [{transform_indices = @transform_0, window_bounds = array<i64: 1, 2048, 3>}, {pipeline_mode = #tpu.pipeline_mode<synchronous>, transform_indices = @transform_1, window_bounds = array<i64: 3, 128>}, {transform_indices = @transform_2, window_bounds = array<i64: 1, 2048, 128>}, {pipeline_mode = #tpu.pipeline_mode<synchronous>, transform_indices = @transform_3, window_bounds = array<i64: 128, 128>}, {transform_indices = @transform_4, window_bounds = array<i64: 1, 2048, 128>}]} {
    %get3A = arith.constant 0 : index
    %get3A_0 = arith.constant 0 : index
    %get3A_1 = arith.constant 0 : index
    %get3A_2 = vector.load %arg1[%get3A, %get3A_0, %get3A_1] : memref<1x2048x3xf32, #tpu.memory_space<vmem>>, vector<1x2048x3xf32>
    %get3A_3 = vector.shape_cast %get3A_2 : vector<1x2048x3xf32> to vector<2048x3xf32>
    %get3A_4 = arith.constant 0 : index
    %get3A_5 = arith.constant 0 : index
    %get3A_6 = vector.load %arg2[%get3A_4, %get3A_5] : memref<3x128xf32, #tpu.memory_space<vmem>>, vector<3x128xf32>
    %dot_general3A = arith.constant dense<0.000000e+00> : vector<2048x128xf32>
    %dot_general3A_7 = tpu.matmul %get3A_3, %get3A_6, %dot_general3A {dimension_numbers = #tpu.dot_dimension_numbers<[1], [0], [0], [1], [0, 0, 1, 1], [], []>, transpose_lhs_hint = false} : vector<2048x3xf32>, vector<3x128xf32>, vector<2048x128xf32> -> vector<2048x128xf32>
    %mul3A = arith.constant 2.500000e+00 : f32
    %mul3A_8 = vector.broadcast %mul3A : f32 to vector<2048x128xf32>
    %mul3A_9 = arith.mulf %dot_general3A_7, %mul3A_8 : vector<2048x128xf32>
    %get3A_10 = arith.constant 0 : index
    %get3A_11 = arith.constant 0 : index
    %get3A_12 = arith.constant 0 : index
    %get3A_13 = vector.load %arg3[%get3A_10, %get3A_11, %get3A_12] : memref<1x2048x128xf32, #tpu.memory_space<vmem>>, vector<1x2048x128xf32>
    %get3A_14 = vector.shape_cast %get3A_13 : vector<1x2048x128xf32> to vector<2048x128xf32>
    %get3A_15 = arith.constant 0 : index
    %get3A_16 = arith.constant 0 : index
    %get3A_17 = vector.load %arg4[%get3A_15, %get3A_16] : memref<128x128xf32, #tpu.memory_space<vmem>>, vector<128x128xf32>
    %dot_general3A_18 = arith.constant dense<0.000000e+00> : vector<2048x128xf32>
    %dot_general3A_19 = tpu.matmul %get3A_14, %get3A_17, %dot_general3A_18 {dimension_numbers = #tpu.dot_dimension_numbers<[1], [0], [0], [1], [0, 0, 1, 1], [], []>, transpose_lhs_hint = false} : vector<2048x128xf32>, vector<128x128xf32>, vector<2048x128xf32> -> vector<2048x128xf32>
    %add3A = arith.addf %mul3A_9, %dot_general3A_19 : vector<2048x128xf32>
    %swap3A = arith.constant 0 : index
    %swap3A_20 = arith.constant 0 : index
    %swap3A_21 = arith.constant 0 : index
    %swap3A_22 = vector.load %arg5[%swap3A, %swap3A_20, %swap3A_21] : memref<1x2048x128xf32, #tpu.memory_space<vmem>>, vector<1x2048x128xf32>
    %swap3A_23 = vector.shape_cast %swap3A_22 : vector<1x2048x128xf32> to vector<2048x128xf32>
    %swap3A_24 = vector.shape_cast %add3A : vector<2048x128xf32> to vector<1x2048x128xf32>
    tpu.vector_store %arg5[%swap3A, %swap3A_20, %swap3A_21], %swap3A_24 {strides = array<i32>} : memref<1x2048x128xf32, #tpu.memory_space<vmem>>, vector<1x2048x128xf32>,
    return
  }
  func.func @transform_0(%arg0: i32) -> (i32, i32, i32) {
    %c0_i32 = arith.constant 0 : i32
    %c0_i32_0 = arith.constant 0 : i32
    %c0_i32_1 = arith.constant 0 : i32
    return %arg0, %c0_i32, %c0_i32_0 : i32, i32, i32
  }
  func.func @transform_1(%arg0: i32) -> (i32, i32) {
    %c0_i32 = arith.constant 0 : i32
    %c0_i32_0 = arith.constant 0 : i32
    %c0_i32_1 = arith.constant 0 : i32
    return %c0_i32, %c0_i32_0 : i32, i32
  }
  func.func @transform_2(%arg0: i32) -> (i32, i32, i32) {
    %c0_i32 = arith.constant 0 : i32
    %c0_i32_0 = arith.constant 0 : i32
    %c0_i32_1 = arith.constant 0 : i32
    return %arg0, %c0_i32, %c0_i32_0 : i32, i32, i32
  }
  func.func @transform_3(%arg0: i32) -> (i32, i32) {
    %c0_i32 = arith.constant 0 : i32
    %c0_i32_0 = arith.constant 0 : i32
    %c0_i32_1 = arith.constant 0 : i32
    return %c0_i32, %c0_i32_0 : i32, i32
  }
  func.func @transform_4(%arg0: i32) -> (i32, i32, i32) {
    %c0_i32 = arith.constant 0 : i32
    %c0_i32_0 = arith.constant 0 : i32
    %c0_i32_1 = arith.constant 0 : i32
    return %arg0, %c0_i32, %c0_i32_0 : i32, i32, i32
  }
}

module attributes {stable_mosaic.version = 14 : i64} {
  func.func @_fps_kernel(%arg0: i32, %arg1: memref<1x8x128xf32, #tpu.memory_space<vmem>>, %arg2: memref<1x8x128xf32, #tpu.memory_space<vmem>>, %arg3: memref<1x8x128xf32, #tpu.memory_space<vmem>>, %arg4: memref<1x4x128xi32, #tpu.memory_space<vmem>>, %arg5: memref<1x4x128xf32, #tpu.memory_space<vmem>>, %arg6: memref<1x4x128xf32, #tpu.memory_space<vmem>>, %arg7: memref<1x4x128xf32, #tpu.memory_space<vmem>>) attributes {dimension_semantics = [#tpu.dimension_semantics<arbitrary>], iteration_bounds = array<i64: 2>, scalar_prefetch = 0 : i64, scratch_operands = 0 : i64, tpu.core_type = #tpu.core_type<tc>, window_params = [{transform_indices = @transform_0, window_bounds = array<i64: 1, 8, 128>}, {transform_indices = @transform_1, window_bounds = array<i64: 1, 8, 128>}, {transform_indices = @transform_2, window_bounds = array<i64: 1, 8, 128>}, {transform_indices = @transform_3, window_bounds = array<i64: 1, 4, 128>}, {transform_indices = @transform_4, window_bounds = array<i64: 1, 4, 128>}, {transform_indices = @transform_5, window_bounds = array<i64: 1, 4, 128>}, {transform_indices = @transform_6, window_bounds = array<i64: 1, 4, 128>}]} {
    %get3A = arith.constant 0 : index
    %get3A_0 = arith.constant 0 : index
    %get3A_1 = arith.constant 0 : index
    %get3A_2 = vector.load %arg1[%get3A, %get3A_0, %get3A_1] : memref<1x8x128xf32, #tpu.memory_space<vmem>>, vector<1x8x128xf32>
    %get3A_3 = vector.shape_cast %get3A_2 : vector<1x8x128xf32> to vector<8x128xf32>
    %get3A_4 = arith.constant 0 : index
    %get3A_5 = arith.constant 0 : index
    %get3A_6 = arith.constant 0 : index
    %get3A_7 = vector.load %arg2[%get3A_4, %get3A_5, %get3A_6] : memref<1x8x128xf32, #tpu.memory_space<vmem>>, vector<1x8x128xf32>
    %get3A_8 = vector.shape_cast %get3A_7 : vector<1x8x128xf32> to vector<8x128xf32>
    %get3A_9 = arith.constant 0 : index
    %get3A_10 = arith.constant 0 : index
    %get3A_11 = arith.constant 0 : index
    %get3A_12 = vector.load %arg3[%get3A_9, %get3A_10, %get3A_11] : memref<1x8x128xf32, #tpu.memory_space<vmem>>, vector<1x8x128xf32>
    %get3A_13 = vector.shape_cast %get3A_12 : vector<1x8x128xf32> to vector<8x128xf32>
    %iota3A = tpu.iota {dimensions = array<i32: 0>} : vector<8x128xi32>
    %mul3A = arith.constant 128 : i32
    %mul3A_14 = vector.broadcast %mul3A : i32 to vector<8x128xi32>
    %mul3A_15 = arith.muli %iota3A, %mul3A_14 : vector<8x128xi32>
    %iota3A_16 = tpu.iota {dimensions = array<i32: 1>} : vector<8x128xi32>
    %add3A = arith.addi %mul3A_15, %iota3A_16 : vector<8x128xi32>
    %iota3A_17 = tpu.iota {dimensions = array<i32: 0>} : vector<4x128xi32>
    %mul3A_18 = arith.constant 128 : i32
    %mul3A_19 = vector.broadcast %mul3A_18 : i32 to vector<4x128xi32>
    %mul3A_20 = arith.muli %iota3A_17, %mul3A_19 : vector<4x128xi32>
    %iota3A_21 = tpu.iota {dimensions = array<i32: 1>} : vector<4x128xi32>
    %add3A_22 = arith.addi %mul3A_20, %iota3A_21 : vector<4x128xi32>
    %broadcast_in_dim3A = arith.constant 1.000000e+10 : f32
    %broadcast_in_dim3A_23 = vector.broadcast %broadcast_in_dim3A : f32 to vector<8x128xf32>
    %broadcast_in_dim3A_24 = arith.constant 0 : i32
    %broadcast_in_dim3A_25 = vector.broadcast %broadcast_in_dim3A_24 : i32 to vector<4x128xi32>
    %broadcast_in_dim3A_26 = arith.constant 0.000000e+00 : f32
    %broadcast_in_dim3A_27 = vector.broadcast %broadcast_in_dim3A_26 : f32 to vector<4x128xf32>
    %broadcast_in_dim3A_28 = arith.constant 0.000000e+00 : f32
    %broadcast_in_dim3A_29 = vector.broadcast %broadcast_in_dim3A_28 : f32 to vector<4x128xf32>
    %broadcast_in_dim3A_30 = arith.constant 0.000000e+00 : f32
    %broadcast_in_dim3A_31 = vector.broadcast %broadcast_in_dim3A_30 : f32 to vector<4x128xf32>
    %scan3A = arith.constant 0 : i32
    %scan3A_32 = arith.constant 0 : i32
    %scan3A_33 = arith.constant 512 : i32
    %scan3A_34 = arith.addi %scan3A_32, %scan3A_33 : i32
    %scan3A_35 = arith.constant 1 : i32
    %scan3A_36:6 = scf.for %scan3A_61 = %scan3A_32 to %scan3A_34 step %scan3A_35 iter_args(%scan3A_62 = %broadcast_in_dim3A_23, %scan3A_63 = %scan3A, %scan3A_64 = %broadcast_in_dim3A_25, %scan3A_65 = %broadcast_in_dim3A_27, %scan3A_66 = %broadcast_in_dim3A_29, %scan3A_67 = %broadcast_in_dim3A_31) -> (vector<8x128xf32>, i32, vector<4x128xi32>, vector<4x128xf32>, vector<4x128xf32>, vector<4x128xf32>)  : i32 {
      %eq3A = vector.broadcast %scan3A_63 : i32 to vector<8x128xi32>
      %eq3A_68 = arith.cmpi eq, %add3A, %eq3A : vector<8x128xi32>
      %jit3A = arith.constant 0.000000e+00 : f32
      %broadcast_in_dim3A_69 = vector.broadcast %jit3A : f32 to vector<8x128xf32>
      %select_n3A = arith.select %eq3A_68, %get3A_3, %broadcast_in_dim3A_69 : vector<8x128xi1>, vector<8x128xf32>
      %reduce_sum3A = vector.shape_cast %select_n3A : vector<8x128xf32> to vector<1x8x128xf32>
      %reduce_sum3A_70 = arith.constant dense<0.000000e+00> : vector<1xf32>
      %reduce_sum3A_71 = vector.multi_reduction <add>, %reduce_sum3A, %reduce_sum3A_70 [1, 2] : vector<1x8x128xf32> to vector<1xf32>
      %reduce_sum3A_72 = vector.shape_cast %reduce_sum3A_71 : vector<1xf32> to vector<1x1x1xf32>
      %reduce_sum3A_73 = vector.extract %reduce_sum3A_72[0, 0, 0] : f32 from vector<1x1x1xf32>
      %jit3A_74 = arith.constant 0.000000e+00 : f32
      %broadcast_in_dim3A_75 = vector.broadcast %jit3A_74 : f32 to vector<8x128xf32>
      %select_n3A_76 = arith.select %eq3A_68, %get3A_8, %broadcast_in_dim3A_75 : vector<8x128xi1>, vector<8x128xf32>
      %reduce_sum3A_77 = vector.shape_cast %select_n3A_76 : vector<8x128xf32> to vector<1x8x128xf32>
      %reduce_sum3A_78 = arith.constant dense<0.000000e+00> : vector<1xf32>
      %reduce_sum3A_79 = vector.multi_reduction <add>, %reduce_sum3A_77, %reduce_sum3A_78 [1, 2] : vector<1x8x128xf32> to vector<1xf32>
      %reduce_sum3A_80 = vector.shape_cast %reduce_sum3A_79 : vector<1xf32> to vector<1x1x1xf32>
      %reduce_sum3A_81 = vector.extract %reduce_sum3A_80[0, 0, 0] : f32 from vector<1x1x1xf32>
      %jit3A_82 = arith.constant 0.000000e+00 : f32
      %broadcast_in_dim3A_83 = vector.broadcast %jit3A_82 : f32 to vector<8x128xf32>
      %select_n3A_84 = arith.select %eq3A_68, %get3A_13, %broadcast_in_dim3A_83 : vector<8x128xi1>, vector<8x128xf32>
      %reduce_sum3A_85 = vector.shape_cast %select_n3A_84 : vector<8x128xf32> to vector<1x8x128xf32>
      %reduce_sum3A_86 = arith.constant dense<0.000000e+00> : vector<1xf32>
      %reduce_sum3A_87 = vector.multi_reduction <add>, %reduce_sum3A_85, %reduce_sum3A_86 [1, 2] : vector<1x8x128xf32> to vector<1xf32>
      %reduce_sum3A_88 = vector.shape_cast %reduce_sum3A_87 : vector<1xf32> to vector<1x1x1xf32>
      %reduce_sum3A_89 = vector.extract %reduce_sum3A_88[0, 0, 0] : f32 from vector<1x1x1xf32>
      %eq3A_90 = vector.broadcast %scan3A_61 : i32 to vector<4x128xi32>
      %eq3A_91 = arith.cmpi eq, %add3A_22, %eq3A_90 : vector<4x128xi32>
      %broadcast_in_dim3A_92 = vector.broadcast %scan3A_63 : i32 to vector<4x128xi32>
      %select_n3A_93 = arith.select %eq3A_91, %broadcast_in_dim3A_92, %scan3A_64 : vector<4x128xi1>, vector<4x128xi32>
      %broadcast_in_dim3A_94 = vector.broadcast %reduce_sum3A_73 : f32 to vector<4x128xf32>
      %select_n3A_95 = arith.select %eq3A_91, %broadcast_in_dim3A_94, %scan3A_65 : vector<4x128xi1>, vector<4x128xf32>
      %broadcast_in_dim3A_96 = vector.broadcast %reduce_sum3A_81 : f32 to vector<4x128xf32>
      %select_n3A_97 = arith.select %eq3A_91, %broadcast_in_dim3A_96, %scan3A_66 : vector<4x128xi1>, vector<4x128xf32>
      %broadcast_in_dim3A_98 = vector.broadcast %reduce_sum3A_89 : f32 to vector<4x128xf32>
      %select_n3A_99 = arith.select %eq3A_91, %broadcast_in_dim3A_98, %scan3A_67 : vector<4x128xi1>, vector<4x128xf32>
      %sub3A = vector.broadcast %reduce_sum3A_73 : f32 to vector<8x128xf32>
      %sub3A_100 = arith.subf %get3A_3, %sub3A : vector<8x128xf32>
      %sub3A_101 = vector.broadcast %reduce_sum3A_81 : f32 to vector<8x128xf32>
      %sub3A_102 = arith.subf %get3A_8, %sub3A_101 : vector<8x128xf32>
      %sub3A_103 = vector.broadcast %reduce_sum3A_89 : f32 to vector<8x128xf32>
      %sub3A_104 = arith.subf %get3A_13, %sub3A_103 : vector<8x128xf32>
      %mul3A_105 = arith.mulf %sub3A_100, %sub3A_100 : vector<8x128xf32>
      %mul3A_106 = arith.mulf %sub3A_102, %sub3A_102 : vector<8x128xf32>
      %add3A_107 = arith.addf %mul3A_105, %mul3A_106 : vector<8x128xf32>
      %mul3A_108 = arith.mulf %sub3A_104, %sub3A_104 : vector<8x128xf32>
      %add3A_109 = arith.addf %add3A_107, %mul3A_108 : vector<8x128xf32>
      %min3A = arith.minimumf %scan3A_62, %add3A_109 : vector<8x128xf32>
      %reduce_max3A = vector.shape_cast %min3A : vector<8x128xf32> to vector<1x8x128xf32>
      %reduce_max3A_110 = arith.constant dense<0xFF800000> : vector<1xf32>
      %reduce_max3A_111 = vector.multi_reduction <maximumf>, %reduce_max3A, %reduce_max3A_110 [1, 2] : vector<1x8x128xf32> to vector<1xf32>
      %reduce_max3A_112 = vector.shape_cast %reduce_max3A_111 : vector<1xf32> to vector<1x1x1xf32>
      %reduce_max3A_113 = vector.extract %reduce_max3A_112[0, 0, 0] : f32 from vector<1x1x1xf32>
      %eq3A_114 = vector.broadcast %reduce_max3A_113 : f32 to vector<8x128xf32>
      %eq3A_115 = arith.cmpf oeq, %min3A, %eq3A_114 : vector<8x128xf32>
      %jit3A_116 = arith.constant 1024 : i32
      %broadcast_in_dim3A_117 = vector.broadcast %jit3A_116 : i32 to vector<8x128xi32>
      %select_n3A_118 = arith.select %eq3A_115, %add3A, %broadcast_in_dim3A_117 : vector<8x128xi1>, vector<8x128xi32>
      %reduce_min3A = vector.shape_cast %select_n3A_118 : vector<8x128xi32> to vector<1x8x128xi32>
      %reduce_min3A_119 = arith.constant dense<2147483647> : vector<1xi32>
      %reduce_min3A_120 = vector.multi_reduction <minsi>, %reduce_min3A, %reduce_min3A_119 [1, 2] : vector<1x8x128xi32> to vector<1xi32>
      %reduce_min3A_121 = vector.shape_cast %reduce_min3A_120 : vector<1xi32> to vector<1x1x1xi32>
      %reduce_min3A_122 = vector.extract %reduce_min3A_121[0, 0, 0] : i32 from vector<1x1x1xi32>
      scf.yield %min3A, %reduce_min3A_122, %select_n3A_93, %select_n3A_95, %select_n3A_97, %select_n3A_99 : vector<8x128xf32>, i32, vector<4x128xi32>, vector<4x128xf32>, vector<4x128xf32>, vector<4x128xf32>
    }
    %scan3A_37 = arith.constant 512 : i32
    %swap3A = arith.constant 0 : index
    %swap3A_38 = arith.constant 0 : index
    %swap3A_39 = arith.constant 0 : index
    %swap3A_40 = vector.load %arg4[%swap3A, %swap3A_38, %swap3A_39] : memref<1x4x128xi32, #tpu.memory_space<vmem>>, vector<1x4x128xi32>
    %swap3A_41 = vector.shape_cast %swap3A_40 : vector<1x4x128xi32> to vector<4x128xi32>
    %swap3A_42 = vector.shape_cast %scan3A_36#2 : vector<4x128xi32> to vector<1x4x128xi32>
    tpu.vector_store %arg4[%swap3A, %swap3A_38, %swap3A_39], %swap3A_42 {strides = array<i32>} : memref<1x4x128xi32, #tpu.memory_space<vmem>>, vector<1x4x128xi32>,
    %swap3A_43 = arith.constant 0 : index
    %swap3A_44 = arith.constant 0 : index
    %swap3A_45 = arith.constant 0 : index
    %swap3A_46 = vector.load %arg5[%swap3A_43, %swap3A_44, %swap3A_45] : memref<1x4x128xf32, #tpu.memory_space<vmem>>, vector<1x4x128xf32>
    %swap3A_47 = vector.shape_cast %swap3A_46 : vector<1x4x128xf32> to vector<4x128xf32>
    %swap3A_48 = vector.shape_cast %scan3A_36#3 : vector<4x128xf32> to vector<1x4x128xf32>
    tpu.vector_store %arg5[%swap3A_43, %swap3A_44, %swap3A_45], %swap3A_48 {strides = array<i32>} : memref<1x4x128xf32, #tpu.memory_space<vmem>>, vector<1x4x128xf32>,
    %swap3A_49 = arith.constant 0 : index
    %swap3A_50 = arith.constant 0 : index
    %swap3A_51 = arith.constant 0 : index
    %swap3A_52 = vector.load %arg6[%swap3A_49, %swap3A_50, %swap3A_51] : memref<1x4x128xf32, #tpu.memory_space<vmem>>, vector<1x4x128xf32>
    %swap3A_53 = vector.shape_cast %swap3A_52 : vector<1x4x128xf32> to vector<4x128xf32>
    %swap3A_54 = vector.shape_cast %scan3A_36#4 : vector<4x128xf32> to vector<1x4x128xf32>
    tpu.vector_store %arg6[%swap3A_49, %swap3A_50, %swap3A_51], %swap3A_54 {strides = array<i32>} : memref<1x4x128xf32, #tpu.memory_space<vmem>>, vector<1x4x128xf32>,
    %swap3A_55 = arith.constant 0 : index
    %swap3A_56 = arith.constant 0 : index
    %swap3A_57 = arith.constant 0 : index
    %swap3A_58 = vector.load %arg7[%swap3A_55, %swap3A_56, %swap3A_57] : memref<1x4x128xf32, #tpu.memory_space<vmem>>, vector<1x4x128xf32>
    %swap3A_59 = vector.shape_cast %swap3A_58 : vector<1x4x128xf32> to vector<4x128xf32>
    %swap3A_60 = vector.shape_cast %scan3A_36#5 : vector<4x128xf32> to vector<1x4x128xf32>
    tpu.vector_store %arg7[%swap3A_55, %swap3A_56, %swap3A_57], %swap3A_60 {strides = array<i32>} : memref<1x4x128xf32, #tpu.memory_space<vmem>>, vector<1x4x128xf32>,
    return
  }
  func.func @transform_0(%arg0: i32) -> (i32, i32, i32) {
    %c0_i32 = arith.constant 0 : i32
    %c0_i32_0 = arith.constant 0 : i32
    %c0_i32_1 = arith.constant 0 : i32
    return %arg0, %c0_i32, %c0_i32_0 : i32, i32, i32
  }
  func.func @transform_1(%arg0: i32) -> (i32, i32, i32) {
    %c0_i32 = arith.constant 0 : i32
    %c0_i32_0 = arith.constant 0 : i32
    %c0_i32_1 = arith.constant 0 : i32
    return %arg0, %c0_i32, %c0_i32_0 : i32, i32, i32
  }
  func.func @transform_2(%arg0: i32) -> (i32, i32, i32) {
    %c0_i32 = arith.constant 0 : i32
    %c0_i32_0 = arith.constant 0 : i32
    %c0_i32_1 = arith.constant 0 : i32
    return %arg0, %c0_i32, %c0_i32_0 : i32, i32, i32
  }
  func.func @transform_3(%arg0: i32) -> (i32, i32, i32) {
    %c0_i32 = arith.constant 0 : i32
    %c0_i32_0 = arith.constant 0 : i32
    %c0_i32_1 = arith.constant 0 : i32
    return %arg0, %c0_i32, %c0_i32_0 : i32, i32, i32
  }
  func.func @transform_4(%arg0: i32) -> (i32, i32, i32) {
    %c0_i32 = arith.constant 0 : i32
    %c0_i32_0 = arith.constant 0 : i32
    %c0_i32_1 = arith.constant 0 : i32
    return %arg0, %c0_i32, %c0_i32_0 : i32, i32, i32
  }
  func.func @transform_5(%arg0: i32) -> (i32, i32, i32) {
    %c0_i32 = arith.constant 0 : i32
    %c0_i32_0 = arith.constant 0 : i32
    %c0_i32_1 = arith.constant 0 : i32
    return %arg0, %c0_i32, %c0_i32_0 : i32, i32, i32
  }
  func.func @transform_6(%arg0: i32) -> (i32, i32, i32) {
    %c0_i32 = arith.constant 0 : i32
    %c0_i32_0 = arith.constant 0 : i32
    %c0_i32_1 = arith.constant 0 : i32
    return %arg0, %c0_i32, %c0_i32_0 : i32, i32, i32
  }
}

module attributes {stable_mosaic.version = 14 : i64} {
  func.func @_mlp_kernel(%arg0: i32, %arg1: memref<1024x128xf32, #tpu.memory_space<vmem>>, %arg2: memref<32x3xf32, #tpu.memory_space<vmem>>, %arg3: memref<3x128xf32, #tpu.memory_space<vmem>>, %arg4: memref<1x128xf32, #tpu.memory_space<vmem>>, %arg5: memref<128x128xf32, #tpu.memory_space<vmem>>, %arg6: memref<1x128xf32, #tpu.memory_space<vmem>>, %arg7: memref<128x256xf32, #tpu.memory_space<vmem>>, %arg8: memref<1x256xf32, #tpu.memory_space<vmem>>, %arg9: memref<32x256xf32, #tpu.memory_space<vmem>>) attributes {dimension_semantics = [#tpu.dimension_semantics<arbitrary>], iteration_bounds = array<i64: 64>, scalar_prefetch = 0 : i64, scratch_operands = 0 : i64, tpu.core_type = #tpu.core_type<tc>, window_params = [{transform_indices = @transform_0, window_bounds = array<i64: 1024, 128>}, {transform_indices = @transform_1, window_bounds = array<i64: 32, 3>}, {pipeline_mode = #tpu.pipeline_mode<synchronous>, transform_indices = @transform_2, window_bounds = array<i64: 3, 128>}, {pipeline_mode = #tpu.pipeline_mode<synchronous>, transform_indices = @transform_3, window_bounds = array<i64: 1, 128>}, {pipeline_mode = #tpu.pipeline_mode<synchronous>, transform_indices = @transform_4, window_bounds = array<i64: 128, 128>}, {pipeline_mode = #tpu.pipeline_mode<synchronous>, transform_indices = @transform_5, window_bounds = array<i64: 1, 128>}, {pipeline_mode = #tpu.pipeline_mode<synchronous>, transform_indices = @transform_6, window_bounds = array<i64: 128, 256>}, {pipeline_mode = #tpu.pipeline_mode<synchronous>, transform_indices = @transform_7, window_bounds = array<i64: 1, 256>}, {transform_indices = @transform_8, window_bounds = array<i64: 32, 256>}]} {
    %get3A = arith.constant 0 : index
    %get3A_0 = arith.constant 0 : index
    %get3A_1 = vector.load %arg2[%get3A, %get3A_0] : memref<32x3xf32, #tpu.memory_space<vmem>>, vector<32x3xf32>
    %get3A_2 = arith.constant 0 : index
    %get3A_3 = arith.constant 0 : index
    %get3A_4 = vector.load %arg3[%get3A_2, %get3A_3] : memref<3x128xf32, #tpu.memory_space<vmem>>, vector<3x128xf32>
    %dot_general3A = arith.constant dense<0.000000e+00> : vector<32x128xf32>
    %dot_general3A_5 = tpu.matmul %get3A_1, %get3A_4, %dot_general3A {dimension_numbers = #tpu.dot_dimension_numbers<[1], [0], [0], [1], [0, 0, 1, 1], [], []>, transpose_lhs_hint = false} : vector<32x3xf32>, vector<3x128xf32>, vector<32x128xf32> -> vector<32x128xf32>
    %mul3A = arith.constant 2.500000e+00 : f32
    %mul3A_6 = vector.broadcast %mul3A : f32 to vector<32x128xf32>
    %mul3A_7 = arith.mulf %dot_general3A_5, %mul3A_6 : vector<32x128xf32>
    %broadcast_in_dim3A = vector.shape_cast %mul3A_7 : vector<32x128xf32> to vector<32x1x128xf32>
    %broadcast_in_dim3A_8 = vector.shape_cast %broadcast_in_dim3A : vector<32x1x128xf32> to vector<32x1x128xf32>
    %broadcast_in_dim3A_9 = vector.broadcast %broadcast_in_dim3A_8 : vector<32x1x128xf32> to vector<32x32x128xf32>
    %reshape3A = vector.shape_cast %broadcast_in_dim3A_9 : vector<32x32x128xf32> to vector<1024x128xf32>
    %get3A_10 = arith.constant 0 : index
    %get3A_11 = arith.constant 0 : index
    %get3A_12 = vector.load %arg1[%get3A_10, %get3A_11] : memref<1024x128xf32, #tpu.memory_space<vmem>>, vector<1024x128xf32>
    %sub3A = arith.subf %get3A_12, %reshape3A : vector<1024x128xf32>
    %get3A_13 = arith.constant 0 : index
    %get3A_14 = arith.constant 0 : index
    %get3A_15 = vector.load %arg4[%get3A_13, %get3A_14] : memref<1x128xf32, #tpu.memory_space<vmem>>, vector<1x128xf32>
    %add3A = vector.broadcast %get3A_15 : vector<1x128xf32> to vector<1024x128xf32>
    %add3A_16 = arith.addf %sub3A, %add3A : vector<1024x128xf32>
    %max3A = arith.constant 0.000000e+00 : f32
    %max3A_17 = vector.broadcast %max3A : f32 to vector<1024x128xf32>
    %max3A_18 = arith.maximumf %add3A_16, %max3A_17 : vector<1024x128xf32>
    %get3A_19 = arith.constant 0 : index
    %get3A_20 = arith.constant 0 : index
    %get3A_21 = vector.load %arg5[%get3A_19, %get3A_20] : memref<128x128xf32, #tpu.memory_space<vmem>>, vector<128x128xf32>
    %dot_general3A_22 = arith.constant dense<0.000000e+00> : vector<1024x128xf32>
    %dot_general3A_23 = tpu.matmul %max3A_18, %get3A_21, %dot_general3A_22 {dimension_numbers = #tpu.dot_dimension_numbers<[1], [0], [0], [1], [0, 0, 1, 1], [], []>, transpose_lhs_hint = false} : vector<1024x128xf32>, vector<128x128xf32>, vector<1024x128xf32> -> vector<1024x128xf32>
    %get3A_24 = arith.constant 0 : index
    %get3A_25 = arith.constant 0 : index
    %get3A_26 = vector.load %arg6[%get3A_24, %get3A_25] : memref<1x128xf32, #tpu.memory_space<vmem>>, vector<1x128xf32>
    %add3A_27 = vector.broadcast %get3A_26 : vector<1x128xf32> to vector<1024x128xf32>
    %add3A_28 = arith.addf %dot_general3A_23, %add3A_27 : vector<1024x128xf32>
    %max3A_29 = arith.constant 0.000000e+00 : f32
    %max3A_30 = vector.broadcast %max3A_29 : f32 to vector<1024x128xf32>
    %max3A_31 = arith.maximumf %add3A_28, %max3A_30 : vector<1024x128xf32>
    %get3A_32 = arith.constant 0 : index
    %get3A_33 = arith.constant 0 : index
    %get3A_34 = vector.load %arg7[%get3A_32, %get3A_33] : memref<128x256xf32, #tpu.memory_space<vmem>>, vector<128x256xf32>
    %dot_general3A_35 = arith.constant dense<0.000000e+00> : vector<1024x256xf32>
    %dot_general3A_36 = tpu.matmul %max3A_31, %get3A_34, %dot_general3A_35 {dimension_numbers = #tpu.dot_dimension_numbers<[1], [0], [0], [1], [0, 0, 1, 1], [], []>, transpose_lhs_hint = false} : vector<1024x128xf32>, vector<128x256xf32>, vector<1024x256xf32> -> vector<1024x256xf32>
    %get3A_37 = arith.constant 0 : index
    %get3A_38 = arith.constant 0 : index
    %get3A_39 = vector.load %arg8[%get3A_37, %get3A_38] : memref<1x256xf32, #tpu.memory_space<vmem>>, vector<1x256xf32>
    %add3A_40 = vector.broadcast %get3A_39 : vector<1x256xf32> to vector<1024x256xf32>
    %add3A_41 = arith.addf %dot_general3A_36, %add3A_40 : vector<1024x256xf32>
    %max3A_42 = arith.constant 0.000000e+00 : f32
    %max3A_43 = vector.broadcast %max3A_42 : f32 to vector<1024x256xf32>
    %max3A_44 = arith.maximumf %add3A_41, %max3A_43 : vector<1024x256xf32>
    %reshape3A_45 = vector.shape_cast %max3A_44 : vector<1024x256xf32> to vector<32x32x256xf32>
    %reduce_max3A = arith.constant dense<0xFF800000> : vector<32x256xf32>
    %reduce_max3A_46 = vector.multi_reduction <maximumf>, %reshape3A_45, %reduce_max3A [1] : vector<32x32x256xf32> to vector<32x256xf32>
    %swap3A = arith.constant 0 : index
    %swap3A_47 = arith.constant 0 : index
    %swap3A_48 = vector.load %arg9[%swap3A, %swap3A_47] : memref<32x256xf32, #tpu.memory_space<vmem>>, vector<32x256xf32>
    tpu.vector_store %arg9[%swap3A, %swap3A_47], %reduce_max3A_46 {strides = array<i32>} : memref<32x256xf32, #tpu.memory_space<vmem>>, vector<32x256xf32>,
    return
  }
  func.func @transform_0(%arg0: i32) -> (i32, i32) {
    %c0_i32 = arith.constant 0 : i32
    %c0_i32_0 = arith.constant 0 : i32
    return %arg0, %c0_i32 : i32, i32
  }
  func.func @transform_1(%arg0: i32) -> (i32, i32) {
    %c0_i32 = arith.constant 0 : i32
    %c0_i32_0 = arith.constant 0 : i32
    return %arg0, %c0_i32 : i32, i32
  }
  func.func @transform_2(%arg0: i32) -> (i32, i32) {
    %c0_i32 = arith.constant 0 : i32
    %c0_i32_0 = arith.constant 0 : i32
    %c0_i32_1 = arith.constant 0 : i32
    return %c0_i32, %c0_i32_0 : i32, i32
  }
  func.func @transform_3(%arg0: i32) -> (i32, i32) {
    %c0_i32 = arith.constant 0 : i32
    %c0_i32_0 = arith.constant 0 : i32
    %c0_i32_1 = arith.constant 0 : i32
    return %c0_i32, %c0_i32_0 : i32, i32
  }
  func.func @transform_4(%arg0: i32) -> (i32, i32) {
    %c0_i32 = arith.constant 0 : i32
    %c0_i32_0 = arith.constant 0 : i32
    %c0_i32_1 = arith.constant 0 : i32
    return %c0_i32, %c0_i32_0 : i32, i32
  }
  func.func @transform_5(%arg0: i32) -> (i32, i32) {
    %c0_i32 = arith.constant 0 : i32
    %c0_i32_0 = arith.constant 0 : i32
    %c0_i32_1 = arith.constant 0 : i32
    return %c0_i32, %c0_i32_0 : i32, i32
  }
  func.func @transform_6(%arg0: i32) -> (i32, i32) {
    %c0_i32 = arith.constant 0 : i32
    %c0_i32_0 = arith.constant 0 : i32
    %c0_i32_1 = arith.constant 0 : i32
    return %c0_i32, %c0_i32_0 : i32, i32
  }
  func.func @transform_7(%arg0: i32) -> (i32, i32) {
    %c0_i32 = arith.constant 0 : i32
    %c0_i32_0 = arith.constant 0 : i32
    %c0_i32_1 = arith.constant 0 : i32
    return %c0_i32, %c0_i32_0 : i32, i32
  }
  func.func @transform_8(%arg0: i32) -> (i32, i32) {
    %c0_i32 = arith.constant 0 : i32
    %c0_i32_0 = arith.constant 0 : i32
    return %arg0, %c0_i32 : i32, i32
  }
}

module attributes {stable_mosaic.version = 14 : i64} {
  func.func @_table_kernel(%arg0: i32, %arg1: memref<1x1024x3xf32, #tpu.memory_space<vmem>>, %arg2: memref<3x128xf32, #tpu.memory_space<vmem>>, %arg3: memref<1x1024x256xf32, #tpu.memory_space<vmem>>, %arg4: memref<256x128xf32, #tpu.memory_space<vmem>>, %arg5: memref<1x1024x128xf32, #tpu.memory_space<vmem>>) attributes {dimension_semantics = [#tpu.dimension_semantics<arbitrary>], iteration_bounds = array<i64: 2>, scalar_prefetch = 0 : i64, scratch_operands = 0 : i64, tpu.core_type = #tpu.core_type<tc>, window_params = [{transform_indices = @transform_0, window_bounds = array<i64: 1, 1024, 3>}, {pipeline_mode = #tpu.pipeline_mode<synchronous>, transform_indices = @transform_1, window_bounds = array<i64: 3, 128>}, {transform_indices = @transform_2, window_bounds = array<i64: 1, 1024, 256>}, {pipeline_mode = #tpu.pipeline_mode<synchronous>, transform_indices = @transform_3, window_bounds = array<i64: 256, 128>}, {transform_indices = @transform_4, window_bounds = array<i64: 1, 1024, 128>}]} {
    %get3A = arith.constant 0 : index
    %get3A_0 = arith.constant 0 : index
    %get3A_1 = arith.constant 0 : index
    %get3A_2 = vector.load %arg1[%get3A, %get3A_0, %get3A_1] : memref<1x1024x3xf32, #tpu.memory_space<vmem>>, vector<1x1024x3xf32>
    %get3A_3 = vector.shape_cast %get3A_2 : vector<1x1024x3xf32> to vector<1024x3xf32>
    %get3A_4 = arith.constant 0 : index
    %get3A_5 = arith.constant 0 : index
    %get3A_6 = vector.load %arg2[%get3A_4, %get3A_5] : memref<3x128xf32, #tpu.memory_space<vmem>>, vector<3x128xf32>
    %dot_general3A = arith.constant dense<0.000000e+00> : vector<1024x128xf32>
    %dot_general3A_7 = tpu.matmul %get3A_3, %get3A_6, %dot_general3A {dimension_numbers = #tpu.dot_dimension_numbers<[1], [0], [0], [1], [0, 0, 1, 1], [], []>, transpose_lhs_hint = false} : vector<1024x3xf32>, vector<3x128xf32>, vector<1024x128xf32> -> vector<1024x128xf32>
    %mul3A = arith.constant 1.250000e+00 : f32
    %mul3A_8 = vector.broadcast %mul3A : f32 to vector<1024x128xf32>
    %mul3A_9 = arith.mulf %dot_general3A_7, %mul3A_8 : vector<1024x128xf32>
    %get3A_10 = arith.constant 0 : index
    %get3A_11 = arith.constant 0 : index
    %get3A_12 = arith.constant 0 : index
    %get3A_13 = vector.load %arg3[%get3A_10, %get3A_11, %get3A_12] : memref<1x1024x256xf32, #tpu.memory_space<vmem>>, vector<1x1024x256xf32>
    %get3A_14 = vector.shape_cast %get3A_13 : vector<1x1024x256xf32> to vector<1024x256xf32>
    %get3A_15 = arith.constant 0 : index
    %get3A_16 = arith.constant 0 : index
    %get3A_17 = vector.load %arg4[%get3A_15, %get3A_16] : memref<256x128xf32, #tpu.memory_space<vmem>>, vector<256x128xf32>
    %dot_general3A_18 = arith.constant dense<0.000000e+00> : vector<1024x128xf32>
    %dot_general3A_19 = tpu.matmul %get3A_14, %get3A_17, %dot_general3A_18 {dimension_numbers = #tpu.dot_dimension_numbers<[1], [0], [0], [1], [0, 0, 1, 1], [], []>, transpose_lhs_hint = false} : vector<1024x256xf32>, vector<256x128xf32>, vector<1024x128xf32> -> vector<1024x128xf32>
    %add3A = arith.addf %mul3A_9, %dot_general3A_19 : vector<1024x128xf32>
    %swap3A = arith.constant 0 : index
    %swap3A_20 = arith.constant 0 : index
    %swap3A_21 = arith.constant 0 : index
    %swap3A_22 = vector.load %arg5[%swap3A, %swap3A_20, %swap3A_21] : memref<1x1024x128xf32, #tpu.memory_space<vmem>>, vector<1x1024x128xf32>
    %swap3A_23 = vector.shape_cast %swap3A_22 : vector<1x1024x128xf32> to vector<1024x128xf32>
    %swap3A_24 = vector.shape_cast %add3A : vector<1024x128xf32> to vector<1x1024x128xf32>
    tpu.vector_store %arg5[%swap3A, %swap3A_20, %swap3A_21], %swap3A_24 {strides = array<i32>} : memref<1x1024x128xf32, #tpu.memory_space<vmem>>, vector<1x1024x128xf32>,
    return
  }
  func.func @transform_0(%arg0: i32) -> (i32, i32, i32) {
    %c0_i32 = arith.constant 0 : i32
    %c0_i32_0 = arith.constant 0 : i32
    %c0_i32_1 = arith.constant 0 : i32
    return %arg0, %c0_i32, %c0_i32_0 : i32, i32, i32
  }
  func.func @transform_1(%arg0: i32) -> (i32, i32) {
    %c0_i32 = arith.constant 0 : i32
    %c0_i32_0 = arith.constant 0 : i32
    %c0_i32_1 = arith.constant 0 : i32
    return %c0_i32, %c0_i32_0 : i32, i32
  }
  func.func @transform_2(%arg0: i32) -> (i32, i32, i32) {
    %c0_i32 = arith.constant 0 : i32
    %c0_i32_0 = arith.constant 0 : i32
    %c0_i32_1 = arith.constant 0 : i32
    return %arg0, %c0_i32, %c0_i32_0 : i32, i32, i32
  }
  func.func @transform_3(%arg0: i32) -> (i32, i32) {
    %c0_i32 = arith.constant 0 : i32
    %c0_i32_0 = arith.constant 0 : i32
    %c0_i32_1 = arith.constant 0 : i32
    return %c0_i32, %c0_i32_0 : i32, i32
  }
  func.func @transform_4(%arg0: i32) -> (i32, i32, i32) {
    %c0_i32 = arith.constant 0 : i32
    %c0_i32_0 = arith.constant 0 : i32
    %c0_i32_1 = arith.constant 0 : i32
    return %arg0, %c0_i32, %c0_i32_0 : i32, i32, i32
  }
}

module attributes {stable_mosaic.version = 14 : i64} {
  func.func @_fps_kernel(%arg0: i32, %arg1: memref<1x4x128xf32, #tpu.memory_space<vmem>>, %arg2: memref<1x4x128xf32, #tpu.memory_space<vmem>>, %arg3: memref<1x4x128xf32, #tpu.memory_space<vmem>>, %arg4: memref<1x2x128xi32, #tpu.memory_space<vmem>>, %arg5: memref<1x2x128xf32, #tpu.memory_space<vmem>>, %arg6: memref<1x2x128xf32, #tpu.memory_space<vmem>>, %arg7: memref<1x2x128xf32, #tpu.memory_space<vmem>>) attributes {dimension_semantics = [#tpu.dimension_semantics<arbitrary>], iteration_bounds = array<i64: 2>, scalar_prefetch = 0 : i64, scratch_operands = 0 : i64, tpu.core_type = #tpu.core_type<tc>, window_params = [{transform_indices = @transform_0, window_bounds = array<i64: 1, 4, 128>}, {transform_indices = @transform_1, window_bounds = array<i64: 1, 4, 128>}, {transform_indices = @transform_2, window_bounds = array<i64: 1, 4, 128>}, {transform_indices = @transform_3, window_bounds = array<i64: 1, 2, 128>}, {transform_indices = @transform_4, window_bounds = array<i64: 1, 2, 128>}, {transform_indices = @transform_5, window_bounds = array<i64: 1, 2, 128>}, {transform_indices = @transform_6, window_bounds = array<i64: 1, 2, 128>}]} {
    %get3A = arith.constant 0 : index
    %get3A_0 = arith.constant 0 : index
    %get3A_1 = arith.constant 0 : index
    %get3A_2 = vector.load %arg1[%get3A, %get3A_0, %get3A_1] : memref<1x4x128xf32, #tpu.memory_space<vmem>>, vector<1x4x128xf32>
    %get3A_3 = vector.shape_cast %get3A_2 : vector<1x4x128xf32> to vector<4x128xf32>
    %get3A_4 = arith.constant 0 : index
    %get3A_5 = arith.constant 0 : index
    %get3A_6 = arith.constant 0 : index
    %get3A_7 = vector.load %arg2[%get3A_4, %get3A_5, %get3A_6] : memref<1x4x128xf32, #tpu.memory_space<vmem>>, vector<1x4x128xf32>
    %get3A_8 = vector.shape_cast %get3A_7 : vector<1x4x128xf32> to vector<4x128xf32>
    %get3A_9 = arith.constant 0 : index
    %get3A_10 = arith.constant 0 : index
    %get3A_11 = arith.constant 0 : index
    %get3A_12 = vector.load %arg3[%get3A_9, %get3A_10, %get3A_11] : memref<1x4x128xf32, #tpu.memory_space<vmem>>, vector<1x4x128xf32>
    %get3A_13 = vector.shape_cast %get3A_12 : vector<1x4x128xf32> to vector<4x128xf32>
    %iota3A = tpu.iota {dimensions = array<i32: 0>} : vector<4x128xi32>
    %mul3A = arith.constant 128 : i32
    %mul3A_14 = vector.broadcast %mul3A : i32 to vector<4x128xi32>
    %mul3A_15 = arith.muli %iota3A, %mul3A_14 : vector<4x128xi32>
    %iota3A_16 = tpu.iota {dimensions = array<i32: 1>} : vector<4x128xi32>
    %add3A = arith.addi %mul3A_15, %iota3A_16 : vector<4x128xi32>
    %iota3A_17 = tpu.iota {dimensions = array<i32: 0>} : vector<2x128xi32>
    %mul3A_18 = arith.constant 128 : i32
    %mul3A_19 = vector.broadcast %mul3A_18 : i32 to vector<2x128xi32>
    %mul3A_20 = arith.muli %iota3A_17, %mul3A_19 : vector<2x128xi32>
    %iota3A_21 = tpu.iota {dimensions = array<i32: 1>} : vector<2x128xi32>
    %add3A_22 = arith.addi %mul3A_20, %iota3A_21 : vector<2x128xi32>
    %broadcast_in_dim3A = arith.constant 1.000000e+10 : f32
    %broadcast_in_dim3A_23 = vector.broadcast %broadcast_in_dim3A : f32 to vector<4x128xf32>
    %broadcast_in_dim3A_24 = arith.constant 0 : i32
    %broadcast_in_dim3A_25 = vector.broadcast %broadcast_in_dim3A_24 : i32 to vector<2x128xi32>
    %broadcast_in_dim3A_26 = arith.constant 0.000000e+00 : f32
    %broadcast_in_dim3A_27 = vector.broadcast %broadcast_in_dim3A_26 : f32 to vector<2x128xf32>
    %broadcast_in_dim3A_28 = arith.constant 0.000000e+00 : f32
    %broadcast_in_dim3A_29 = vector.broadcast %broadcast_in_dim3A_28 : f32 to vector<2x128xf32>
    %broadcast_in_dim3A_30 = arith.constant 0.000000e+00 : f32
    %broadcast_in_dim3A_31 = vector.broadcast %broadcast_in_dim3A_30 : f32 to vector<2x128xf32>
    %scan3A = arith.constant 0 : i32
    %scan3A_32 = arith.constant 0 : i32
    %scan3A_33 = arith.constant 256 : i32
    %scan3A_34 = arith.addi %scan3A_32, %scan3A_33 : i32
    %scan3A_35 = arith.constant 1 : i32
    %scan3A_36:6 = scf.for %scan3A_61 = %scan3A_32 to %scan3A_34 step %scan3A_35 iter_args(%scan3A_62 = %broadcast_in_dim3A_23, %scan3A_63 = %scan3A, %scan3A_64 = %broadcast_in_dim3A_25, %scan3A_65 = %broadcast_in_dim3A_27, %scan3A_66 = %broadcast_in_dim3A_29, %scan3A_67 = %broadcast_in_dim3A_31) -> (vector<4x128xf32>, i32, vector<2x128xi32>, vector<2x128xf32>, vector<2x128xf32>, vector<2x128xf32>)  : i32 {
      %eq3A = vector.broadcast %scan3A_63 : i32 to vector<4x128xi32>
      %eq3A_68 = arith.cmpi eq, %add3A, %eq3A : vector<4x128xi32>
      %jit3A = arith.constant 0.000000e+00 : f32
      %broadcast_in_dim3A_69 = vector.broadcast %jit3A : f32 to vector<4x128xf32>
      %select_n3A = arith.select %eq3A_68, %get3A_3, %broadcast_in_dim3A_69 : vector<4x128xi1>, vector<4x128xf32>
      %reduce_sum3A = vector.shape_cast %select_n3A : vector<4x128xf32> to vector<1x4x128xf32>
      %reduce_sum3A_70 = arith.constant dense<0.000000e+00> : vector<1xf32>
      %reduce_sum3A_71 = vector.multi_reduction <add>, %reduce_sum3A, %reduce_sum3A_70 [1, 2] : vector<1x4x128xf32> to vector<1xf32>
      %reduce_sum3A_72 = vector.shape_cast %reduce_sum3A_71 : vector<1xf32> to vector<1x1x1xf32>
      %reduce_sum3A_73 = vector.extract %reduce_sum3A_72[0, 0, 0] : f32 from vector<1x1x1xf32>
      %jit3A_74 = arith.constant 0.000000e+00 : f32
      %broadcast_in_dim3A_75 = vector.broadcast %jit3A_74 : f32 to vector<4x128xf32>
      %select_n3A_76 = arith.select %eq3A_68, %get3A_8, %broadcast_in_dim3A_75 : vector<4x128xi1>, vector<4x128xf32>
      %reduce_sum3A_77 = vector.shape_cast %select_n3A_76 : vector<4x128xf32> to vector<1x4x128xf32>
      %reduce_sum3A_78 = arith.constant dense<0.000000e+00> : vector<1xf32>
      %reduce_sum3A_79 = vector.multi_reduction <add>, %reduce_sum3A_77, %reduce_sum3A_78 [1, 2] : vector<1x4x128xf32> to vector<1xf32>
      %reduce_sum3A_80 = vector.shape_cast %reduce_sum3A_79 : vector<1xf32> to vector<1x1x1xf32>
      %reduce_sum3A_81 = vector.extract %reduce_sum3A_80[0, 0, 0] : f32 from vector<1x1x1xf32>
      %jit3A_82 = arith.constant 0.000000e+00 : f32
      %broadcast_in_dim3A_83 = vector.broadcast %jit3A_82 : f32 to vector<4x128xf32>
      %select_n3A_84 = arith.select %eq3A_68, %get3A_13, %broadcast_in_dim3A_83 : vector<4x128xi1>, vector<4x128xf32>
      %reduce_sum3A_85 = vector.shape_cast %select_n3A_84 : vector<4x128xf32> to vector<1x4x128xf32>
      %reduce_sum3A_86 = arith.constant dense<0.000000e+00> : vector<1xf32>
      %reduce_sum3A_87 = vector.multi_reduction <add>, %reduce_sum3A_85, %reduce_sum3A_86 [1, 2] : vector<1x4x128xf32> to vector<1xf32>
      %reduce_sum3A_88 = vector.shape_cast %reduce_sum3A_87 : vector<1xf32> to vector<1x1x1xf32>
      %reduce_sum3A_89 = vector.extract %reduce_sum3A_88[0, 0, 0] : f32 from vector<1x1x1xf32>
      %eq3A_90 = vector.broadcast %scan3A_61 : i32 to vector<2x128xi32>
      %eq3A_91 = arith.cmpi eq, %add3A_22, %eq3A_90 : vector<2x128xi32>
      %broadcast_in_dim3A_92 = vector.broadcast %scan3A_63 : i32 to vector<2x128xi32>
      %select_n3A_93 = arith.select %eq3A_91, %broadcast_in_dim3A_92, %scan3A_64 : vector<2x128xi1>, vector<2x128xi32>
      %broadcast_in_dim3A_94 = vector.broadcast %reduce_sum3A_73 : f32 to vector<2x128xf32>
      %select_n3A_95 = arith.select %eq3A_91, %broadcast_in_dim3A_94, %scan3A_65 : vector<2x128xi1>, vector<2x128xf32>
      %broadcast_in_dim3A_96 = vector.broadcast %reduce_sum3A_81 : f32 to vector<2x128xf32>
      %select_n3A_97 = arith.select %eq3A_91, %broadcast_in_dim3A_96, %scan3A_66 : vector<2x128xi1>, vector<2x128xf32>
      %broadcast_in_dim3A_98 = vector.broadcast %reduce_sum3A_89 : f32 to vector<2x128xf32>
      %select_n3A_99 = arith.select %eq3A_91, %broadcast_in_dim3A_98, %scan3A_67 : vector<2x128xi1>, vector<2x128xf32>
      %sub3A = vector.broadcast %reduce_sum3A_73 : f32 to vector<4x128xf32>
      %sub3A_100 = arith.subf %get3A_3, %sub3A : vector<4x128xf32>
      %sub3A_101 = vector.broadcast %reduce_sum3A_81 : f32 to vector<4x128xf32>
      %sub3A_102 = arith.subf %get3A_8, %sub3A_101 : vector<4x128xf32>
      %sub3A_103 = vector.broadcast %reduce_sum3A_89 : f32 to vector<4x128xf32>
      %sub3A_104 = arith.subf %get3A_13, %sub3A_103 : vector<4x128xf32>
      %mul3A_105 = arith.mulf %sub3A_100, %sub3A_100 : vector<4x128xf32>
      %mul3A_106 = arith.mulf %sub3A_102, %sub3A_102 : vector<4x128xf32>
      %add3A_107 = arith.addf %mul3A_105, %mul3A_106 : vector<4x128xf32>
      %mul3A_108 = arith.mulf %sub3A_104, %sub3A_104 : vector<4x128xf32>
      %add3A_109 = arith.addf %add3A_107, %mul3A_108 : vector<4x128xf32>
      %min3A = arith.minimumf %scan3A_62, %add3A_109 : vector<4x128xf32>
      %reduce_max3A = vector.shape_cast %min3A : vector<4x128xf32> to vector<1x4x128xf32>
      %reduce_max3A_110 = arith.constant dense<0xFF800000> : vector<1xf32>
      %reduce_max3A_111 = vector.multi_reduction <maximumf>, %reduce_max3A, %reduce_max3A_110 [1, 2] : vector<1x4x128xf32> to vector<1xf32>
      %reduce_max3A_112 = vector.shape_cast %reduce_max3A_111 : vector<1xf32> to vector<1x1x1xf32>
      %reduce_max3A_113 = vector.extract %reduce_max3A_112[0, 0, 0] : f32 from vector<1x1x1xf32>
      %eq3A_114 = vector.broadcast %reduce_max3A_113 : f32 to vector<4x128xf32>
      %eq3A_115 = arith.cmpf oeq, %min3A, %eq3A_114 : vector<4x128xf32>
      %jit3A_116 = arith.constant 512 : i32
      %broadcast_in_dim3A_117 = vector.broadcast %jit3A_116 : i32 to vector<4x128xi32>
      %select_n3A_118 = arith.select %eq3A_115, %add3A, %broadcast_in_dim3A_117 : vector<4x128xi1>, vector<4x128xi32>
      %reduce_min3A = vector.shape_cast %select_n3A_118 : vector<4x128xi32> to vector<1x4x128xi32>
      %reduce_min3A_119 = arith.constant dense<2147483647> : vector<1xi32>
      %reduce_min3A_120 = vector.multi_reduction <minsi>, %reduce_min3A, %reduce_min3A_119 [1, 2] : vector<1x4x128xi32> to vector<1xi32>
      %reduce_min3A_121 = vector.shape_cast %reduce_min3A_120 : vector<1xi32> to vector<1x1x1xi32>
      %reduce_min3A_122 = vector.extract %reduce_min3A_121[0, 0, 0] : i32 from vector<1x1x1xi32>
      scf.yield %min3A, %reduce_min3A_122, %select_n3A_93, %select_n3A_95, %select_n3A_97, %select_n3A_99 : vector<4x128xf32>, i32, vector<2x128xi32>, vector<2x128xf32>, vector<2x128xf32>, vector<2x128xf32>
    }
    %scan3A_37 = arith.constant 256 : i32
    %swap3A = arith.constant 0 : index
    %swap3A_38 = arith.constant 0 : index
    %swap3A_39 = arith.constant 0 : index
    %swap3A_40 = vector.load %arg4[%swap3A, %swap3A_38, %swap3A_39] : memref<1x2x128xi32, #tpu.memory_space<vmem>>, vector<1x2x128xi32>
    %swap3A_41 = vector.shape_cast %swap3A_40 : vector<1x2x128xi32> to vector<2x128xi32>
    %swap3A_42 = vector.shape_cast %scan3A_36#2 : vector<2x128xi32> to vector<1x2x128xi32>
    tpu.vector_store %arg4[%swap3A, %swap3A_38, %swap3A_39], %swap3A_42 {strides = array<i32>} : memref<1x2x128xi32, #tpu.memory_space<vmem>>, vector<1x2x128xi32>,
    %swap3A_43 = arith.constant 0 : index
    %swap3A_44 = arith.constant 0 : index
    %swap3A_45 = arith.constant 0 : index
    %swap3A_46 = vector.load %arg5[%swap3A_43, %swap3A_44, %swap3A_45] : memref<1x2x128xf32, #tpu.memory_space<vmem>>, vector<1x2x128xf32>
    %swap3A_47 = vector.shape_cast %swap3A_46 : vector<1x2x128xf32> to vector<2x128xf32>
    %swap3A_48 = vector.shape_cast %scan3A_36#3 : vector<2x128xf32> to vector<1x2x128xf32>
    tpu.vector_store %arg5[%swap3A_43, %swap3A_44, %swap3A_45], %swap3A_48 {strides = array<i32>} : memref<1x2x128xf32, #tpu.memory_space<vmem>>, vector<1x2x128xf32>,
    %swap3A_49 = arith.constant 0 : index
    %swap3A_50 = arith.constant 0 : index
    %swap3A_51 = arith.constant 0 : index
    %swap3A_52 = vector.load %arg6[%swap3A_49, %swap3A_50, %swap3A_51] : memref<1x2x128xf32, #tpu.memory_space<vmem>>, vector<1x2x128xf32>
    %swap3A_53 = vector.shape_cast %swap3A_52 : vector<1x2x128xf32> to vector<2x128xf32>
    %swap3A_54 = vector.shape_cast %scan3A_36#4 : vector<2x128xf32> to vector<1x2x128xf32>
    tpu.vector_store %arg6[%swap3A_49, %swap3A_50, %swap3A_51], %swap3A_54 {strides = array<i32>} : memref<1x2x128xf32, #tpu.memory_space<vmem>>, vector<1x2x128xf32>,
    %swap3A_55 = arith.constant 0 : index
    %swap3A_56 = arith.constant 0 : index
    %swap3A_57 = arith.constant 0 : index
    %swap3A_58 = vector.load %arg7[%swap3A_55, %swap3A_56, %swap3A_57] : memref<1x2x128xf32, #tpu.memory_space<vmem>>, vector<1x2x128xf32>
    %swap3A_59 = vector.shape_cast %swap3A_58 : vector<1x2x128xf32> to vector<2x128xf32>
    %swap3A_60 = vector.shape_cast %scan3A_36#5 : vector<2x128xf32> to vector<1x2x128xf32>
    tpu.vector_store %arg7[%swap3A_55, %swap3A_56, %swap3A_57], %swap3A_60 {strides = array<i32>} : memref<1x2x128xf32, #tpu.memory_space<vmem>>, vector<1x2x128xf32>,
    return
  }
  func.func @transform_0(%arg0: i32) -> (i32, i32, i32) {
    %c0_i32 = arith.constant 0 : i32
    %c0_i32_0 = arith.constant 0 : i32
    %c0_i32_1 = arith.constant 0 : i32
    return %arg0, %c0_i32, %c0_i32_0 : i32, i32, i32
  }
  func.func @transform_1(%arg0: i32) -> (i32, i32, i32) {
    %c0_i32 = arith.constant 0 : i32
    %c0_i32_0 = arith.constant 0 : i32
    %c0_i32_1 = arith.constant 0 : i32
    return %arg0, %c0_i32, %c0_i32_0 : i32, i32, i32
  }
  func.func @transform_2(%arg0: i32) -> (i32, i32, i32) {
    %c0_i32 = arith.constant 0 : i32
    %c0_i32_0 = arith.constant 0 : i32
    %c0_i32_1 = arith.constant 0 : i32
    return %arg0, %c0_i32, %c0_i32_0 : i32, i32, i32
  }
  func.func @transform_3(%arg0: i32) -> (i32, i32, i32) {
    %c0_i32 = arith.constant 0 : i32
    %c0_i32_0 = arith.constant 0 : i32
    %c0_i32_1 = arith.constant 0 : i32
    return %arg0, %c0_i32, %c0_i32_0 : i32, i32, i32
  }
  func.func @transform_4(%arg0: i32) -> (i32, i32, i32) {
    %c0_i32 = arith.constant 0 : i32
    %c0_i32_0 = arith.constant 0 : i32
    %c0_i32_1 = arith.constant 0 : i32
    return %arg0, %c0_i32, %c0_i32_0 : i32, i32, i32
  }
  func.func @transform_5(%arg0: i32) -> (i32, i32, i32) {
    %c0_i32 = arith.constant 0 : i32
    %c0_i32_0 = arith.constant 0 : i32
    %c0_i32_1 = arith.constant 0 : i32
    return %arg0, %c0_i32, %c0_i32_0 : i32, i32, i32
  }
  func.func @transform_6(%arg0: i32) -> (i32, i32, i32) {
    %c0_i32 = arith.constant 0 : i32
    %c0_i32_0 = arith.constant 0 : i32
    %c0_i32_1 = arith.constant 0 : i32
    return %arg0, %c0_i32, %c0_i32_0 : i32, i32, i32
  }
}

module attributes {stable_mosaic.version = 14 : i64} {
  func.func @_mlp_kernel(%arg0: i32, %arg1: memref<512x128xf32, #tpu.memory_space<vmem>>, %arg2: memref<32x3xf32, #tpu.memory_space<vmem>>, %arg3: memref<3x128xf32, #tpu.memory_space<vmem>>, %arg4: memref<1x128xf32, #tpu.memory_space<vmem>>, %arg5: memref<128x128xf32, #tpu.memory_space<vmem>>, %arg6: memref<1x128xf32, #tpu.memory_space<vmem>>, %arg7: memref<128x256xf32, #tpu.memory_space<vmem>>, %arg8: memref<1x256xf32, #tpu.memory_space<vmem>>, %arg9: memref<32x256xf32, #tpu.memory_space<vmem>>) attributes {dimension_semantics = [#tpu.dimension_semantics<arbitrary>], iteration_bounds = array<i64: 32>, scalar_prefetch = 0 : i64, scratch_operands = 0 : i64, tpu.core_type = #tpu.core_type<tc>, window_params = [{transform_indices = @transform_0, window_bounds = array<i64: 512, 128>}, {transform_indices = @transform_1, window_bounds = array<i64: 32, 3>}, {pipeline_mode = #tpu.pipeline_mode<synchronous>, transform_indices = @transform_2, window_bounds = array<i64: 3, 128>}, {pipeline_mode = #tpu.pipeline_mode<synchronous>, transform_indices = @transform_3, window_bounds = array<i64: 1, 128>}, {pipeline_mode = #tpu.pipeline_mode<synchronous>, transform_indices = @transform_4, window_bounds = array<i64: 128, 128>}, {pipeline_mode = #tpu.pipeline_mode<synchronous>, transform_indices = @transform_5, window_bounds = array<i64: 1, 128>}, {pipeline_mode = #tpu.pipeline_mode<synchronous>, transform_indices = @transform_6, window_bounds = array<i64: 128, 256>}, {pipeline_mode = #tpu.pipeline_mode<synchronous>, transform_indices = @transform_7, window_bounds = array<i64: 1, 256>}, {transform_indices = @transform_8, window_bounds = array<i64: 32, 256>}]} {
    %get3A = arith.constant 0 : index
    %get3A_0 = arith.constant 0 : index
    %get3A_1 = vector.load %arg2[%get3A, %get3A_0] : memref<32x3xf32, #tpu.memory_space<vmem>>, vector<32x3xf32>
    %get3A_2 = arith.constant 0 : index
    %get3A_3 = arith.constant 0 : index
    %get3A_4 = vector.load %arg3[%get3A_2, %get3A_3] : memref<3x128xf32, #tpu.memory_space<vmem>>, vector<3x128xf32>
    %dot_general3A = arith.constant dense<0.000000e+00> : vector<32x128xf32>
    %dot_general3A_5 = tpu.matmul %get3A_1, %get3A_4, %dot_general3A {dimension_numbers = #tpu.dot_dimension_numbers<[1], [0], [0], [1], [0, 0, 1, 1], [], []>, transpose_lhs_hint = false} : vector<32x3xf32>, vector<3x128xf32>, vector<32x128xf32> -> vector<32x128xf32>
    %mul3A = arith.constant 1.250000e+00 : f32
    %mul3A_6 = vector.broadcast %mul3A : f32 to vector<32x128xf32>
    %mul3A_7 = arith.mulf %dot_general3A_5, %mul3A_6 : vector<32x128xf32>
    %broadcast_in_dim3A = vector.shape_cast %mul3A_7 : vector<32x128xf32> to vector<32x1x128xf32>
    %broadcast_in_dim3A_8 = vector.shape_cast %broadcast_in_dim3A : vector<32x1x128xf32> to vector<32x1x128xf32>
    %broadcast_in_dim3A_9 = vector.broadcast %broadcast_in_dim3A_8 : vector<32x1x128xf32> to vector<32x16x128xf32>
    %reshape3A = vector.shape_cast %broadcast_in_dim3A_9 : vector<32x16x128xf32> to vector<512x128xf32>
    %get3A_10 = arith.constant 0 : index
    %get3A_11 = arith.constant 0 : index
    %get3A_12 = vector.load %arg1[%get3A_10, %get3A_11] : memref<512x128xf32, #tpu.memory_space<vmem>>, vector<512x128xf32>
    %sub3A = arith.subf %get3A_12, %reshape3A : vector<512x128xf32>
    %get3A_13 = arith.constant 0 : index
    %get3A_14 = arith.constant 0 : index
    %get3A_15 = vector.load %arg4[%get3A_13, %get3A_14] : memref<1x128xf32, #tpu.memory_space<vmem>>, vector<1x128xf32>
    %add3A = vector.broadcast %get3A_15 : vector<1x128xf32> to vector<512x128xf32>
    %add3A_16 = arith.addf %sub3A, %add3A : vector<512x128xf32>
    %max3A = arith.constant 0.000000e+00 : f32
    %max3A_17 = vector.broadcast %max3A : f32 to vector<512x128xf32>
    %max3A_18 = arith.maximumf %add3A_16, %max3A_17 : vector<512x128xf32>
    %get3A_19 = arith.constant 0 : index
    %get3A_20 = arith.constant 0 : index
    %get3A_21 = vector.load %arg5[%get3A_19, %get3A_20] : memref<128x128xf32, #tpu.memory_space<vmem>>, vector<128x128xf32>
    %dot_general3A_22 = arith.constant dense<0.000000e+00> : vector<512x128xf32>
    %dot_general3A_23 = tpu.matmul %max3A_18, %get3A_21, %dot_general3A_22 {dimension_numbers = #tpu.dot_dimension_numbers<[1], [0], [0], [1], [0, 0, 1, 1], [], []>, transpose_lhs_hint = false} : vector<512x128xf32>, vector<128x128xf32>, vector<512x128xf32> -> vector<512x128xf32>
    %get3A_24 = arith.constant 0 : index
    %get3A_25 = arith.constant 0 : index
    %get3A_26 = vector.load %arg6[%get3A_24, %get3A_25] : memref<1x128xf32, #tpu.memory_space<vmem>>, vector<1x128xf32>
    %add3A_27 = vector.broadcast %get3A_26 : vector<1x128xf32> to vector<512x128xf32>
    %add3A_28 = arith.addf %dot_general3A_23, %add3A_27 : vector<512x128xf32>
    %max3A_29 = arith.constant 0.000000e+00 : f32
    %max3A_30 = vector.broadcast %max3A_29 : f32 to vector<512x128xf32>
    %max3A_31 = arith.maximumf %add3A_28, %max3A_30 : vector<512x128xf32>
    %get3A_32 = arith.constant 0 : index
    %get3A_33 = arith.constant 0 : index
    %get3A_34 = vector.load %arg7[%get3A_32, %get3A_33] : memref<128x256xf32, #tpu.memory_space<vmem>>, vector<128x256xf32>
    %dot_general3A_35 = arith.constant dense<0.000000e+00> : vector<512x256xf32>
    %dot_general3A_36 = tpu.matmul %max3A_31, %get3A_34, %dot_general3A_35 {dimension_numbers = #tpu.dot_dimension_numbers<[1], [0], [0], [1], [0, 0, 1, 1], [], []>, transpose_lhs_hint = false} : vector<512x128xf32>, vector<128x256xf32>, vector<512x256xf32> -> vector<512x256xf32>
    %get3A_37 = arith.constant 0 : index
    %get3A_38 = arith.constant 0 : index
    %get3A_39 = vector.load %arg8[%get3A_37, %get3A_38] : memref<1x256xf32, #tpu.memory_space<vmem>>, vector<1x256xf32>
    %add3A_40 = vector.broadcast %get3A_39 : vector<1x256xf32> to vector<512x256xf32>
    %add3A_41 = arith.addf %dot_general3A_36, %add3A_40 : vector<512x256xf32>
    %max3A_42 = arith.constant 0.000000e+00 : f32
    %max3A_43 = vector.broadcast %max3A_42 : f32 to vector<512x256xf32>
    %max3A_44 = arith.maximumf %add3A_41, %max3A_43 : vector<512x256xf32>
    %reshape3A_45 = vector.shape_cast %max3A_44 : vector<512x256xf32> to vector<32x16x256xf32>
    %reduce_max3A = arith.constant dense<0xFF800000> : vector<32x256xf32>
    %reduce_max3A_46 = vector.multi_reduction <maximumf>, %reshape3A_45, %reduce_max3A [1] : vector<32x16x256xf32> to vector<32x256xf32>
    %swap3A = arith.constant 0 : index
    %swap3A_47 = arith.constant 0 : index
    %swap3A_48 = vector.load %arg9[%swap3A, %swap3A_47] : memref<32x256xf32, #tpu.memory_space<vmem>>, vector<32x256xf32>
    tpu.vector_store %arg9[%swap3A, %swap3A_47], %reduce_max3A_46 {strides = array<i32>} : memref<32x256xf32, #tpu.memory_space<vmem>>, vector<32x256xf32>,
    return
  }
  func.func @transform_0(%arg0: i32) -> (i32, i32) {
    %c0_i32 = arith.constant 0 : i32
    %c0_i32_0 = arith.constant 0 : i32
    return %arg0, %c0_i32 : i32, i32
  }
  func.func @transform_1(%arg0: i32) -> (i32, i32) {
    %c0_i32 = arith.constant 0 : i32
    %c0_i32_0 = arith.constant 0 : i32
    return %arg0, %c0_i32 : i32, i32
  }
  func.func @transform_2(%arg0: i32) -> (i32, i32) {
    %c0_i32 = arith.constant 0 : i32
    %c0_i32_0 = arith.constant 0 : i32
    %c0_i32_1 = arith.constant 0 : i32
    return %c0_i32, %c0_i32_0 : i32, i32
  }
  func.func @transform_3(%arg0: i32) -> (i32, i32) {
    %c0_i32 = arith.constant 0 : i32
    %c0_i32_0 = arith.constant 0 : i32
    %c0_i32_1 = arith.constant 0 : i32
    return %c0_i32, %c0_i32_0 : i32, i32
  }
  func.func @transform_4(%arg0: i32) -> (i32, i32) {
    %c0_i32 = arith.constant 0 : i32
    %c0_i32_0 = arith.constant 0 : i32
    %c0_i32_1 = arith.constant 0 : i32
    return %c0_i32, %c0_i32_0 : i32, i32
  }
  func.func @transform_5(%arg0: i32) -> (i32, i32) {
    %c0_i32 = arith.constant 0 : i32
    %c0_i32_0 = arith.constant 0 : i32
    %c0_i32_1 = arith.constant 0 : i32
    return %c0_i32, %c0_i32_0 : i32, i32
  }
  func.func @transform_6(%arg0: i32) -> (i32, i32) {
    %c0_i32 = arith.constant 0 : i32
    %c0_i32_0 = arith.constant 0 : i32
    %c0_i32_1 = arith.constant 0 : i32
    return %c0_i32, %c0_i32_0 : i32, i32
  }
  func.func @transform_7(%arg0: i32) -> (i32, i32) {
    %c0_i32 = arith.constant 0 : i32
    %c0_i32_0 = arith.constant 0 : i32
    %c0_i32_1 = arith.constant 0 : i32
    return %c0_i32, %c0_i32_0 : i32, i32
  }
  func.func @transform_8(%arg0: i32) -> (i32, i32) {
    %c0_i32 = arith.constant 0 : i32
    %c0_i32_0 = arith.constant 0 : i32
    return %arg0, %c0_i32 : i32, i32
  }
}

module attributes {stable_mosaic.version = 14 : i64} {
  func.func @_table_kernel(%arg0: i32, %arg1: memref<1x512x3xf32, #tpu.memory_space<vmem>>, %arg2: memref<3x128xf32, #tpu.memory_space<vmem>>, %arg3: memref<1x512x256xf32, #tpu.memory_space<vmem>>, %arg4: memref<256x128xf32, #tpu.memory_space<vmem>>, %arg5: memref<1x512x128xf32, #tpu.memory_space<vmem>>) attributes {dimension_semantics = [#tpu.dimension_semantics<arbitrary>], iteration_bounds = array<i64: 2>, scalar_prefetch = 0 : i64, scratch_operands = 0 : i64, tpu.core_type = #tpu.core_type<tc>, window_params = [{transform_indices = @transform_0, window_bounds = array<i64: 1, 512, 3>}, {pipeline_mode = #tpu.pipeline_mode<synchronous>, transform_indices = @transform_1, window_bounds = array<i64: 3, 128>}, {transform_indices = @transform_2, window_bounds = array<i64: 1, 512, 256>}, {pipeline_mode = #tpu.pipeline_mode<synchronous>, transform_indices = @transform_3, window_bounds = array<i64: 256, 128>}, {transform_indices = @transform_4, window_bounds = array<i64: 1, 512, 128>}]} {
    %get3A = arith.constant 0 : index
    %get3A_0 = arith.constant 0 : index
    %get3A_1 = arith.constant 0 : index
    %get3A_2 = vector.load %arg1[%get3A, %get3A_0, %get3A_1] : memref<1x512x3xf32, #tpu.memory_space<vmem>>, vector<1x512x3xf32>
    %get3A_3 = vector.shape_cast %get3A_2 : vector<1x512x3xf32> to vector<512x3xf32>
    %get3A_4 = arith.constant 0 : index
    %get3A_5 = arith.constant 0 : index
    %get3A_6 = vector.load %arg2[%get3A_4, %get3A_5] : memref<3x128xf32, #tpu.memory_space<vmem>>, vector<3x128xf32>
    %dot_general3A = arith.constant dense<0.000000e+00> : vector<512x128xf32>
    %dot_general3A_7 = tpu.matmul %get3A_3, %get3A_6, %dot_general3A {dimension_numbers = #tpu.dot_dimension_numbers<[1], [0], [0], [1], [0, 0, 1, 1], [], []>, transpose_lhs_hint = false} : vector<512x3xf32>, vector<3x128xf32>, vector<512x128xf32> -> vector<512x128xf32>
    %mul3A = arith.constant 0.833333313 : f32
    %mul3A_8 = vector.broadcast %mul3A : f32 to vector<512x128xf32>
    %mul3A_9 = arith.mulf %dot_general3A_7, %mul3A_8 : vector<512x128xf32>
    %get3A_10 = arith.constant 0 : index
    %get3A_11 = arith.constant 0 : index
    %get3A_12 = arith.constant 0 : index
    %get3A_13 = vector.load %arg3[%get3A_10, %get3A_11, %get3A_12] : memref<1x512x256xf32, #tpu.memory_space<vmem>>, vector<1x512x256xf32>
    %get3A_14 = vector.shape_cast %get3A_13 : vector<1x512x256xf32> to vector<512x256xf32>
    %get3A_15 = arith.constant 0 : index
    %get3A_16 = arith.constant 0 : index
    %get3A_17 = vector.load %arg4[%get3A_15, %get3A_16] : memref<256x128xf32, #tpu.memory_space<vmem>>, vector<256x128xf32>
    %dot_general3A_18 = arith.constant dense<0.000000e+00> : vector<512x128xf32>
    %dot_general3A_19 = tpu.matmul %get3A_14, %get3A_17, %dot_general3A_18 {dimension_numbers = #tpu.dot_dimension_numbers<[1], [0], [0], [1], [0, 0, 1, 1], [], []>, transpose_lhs_hint = false} : vector<512x256xf32>, vector<256x128xf32>, vector<512x128xf32> -> vector<512x128xf32>
    %add3A = arith.addf %mul3A_9, %dot_general3A_19 : vector<512x128xf32>
    %swap3A = arith.constant 0 : index
    %swap3A_20 = arith.constant 0 : index
    %swap3A_21 = arith.constant 0 : index
    %swap3A_22 = vector.load %arg5[%swap3A, %swap3A_20, %swap3A_21] : memref<1x512x128xf32, #tpu.memory_space<vmem>>, vector<1x512x128xf32>
    %swap3A_23 = vector.shape_cast %swap3A_22 : vector<1x512x128xf32> to vector<512x128xf32>
    %swap3A_24 = vector.shape_cast %add3A : vector<512x128xf32> to vector<1x512x128xf32>
    tpu.vector_store %arg5[%swap3A, %swap3A_20, %swap3A_21], %swap3A_24 {strides = array<i32>} : memref<1x512x128xf32, #tpu.memory_space<vmem>>, vector<1x512x128xf32>,
    return
  }
  func.func @transform_0(%arg0: i32) -> (i32, i32, i32) {
    %c0_i32 = arith.constant 0 : i32
    %c0_i32_0 = arith.constant 0 : i32
    %c0_i32_1 = arith.constant 0 : i32
    return %arg0, %c0_i32, %c0_i32_0 : i32, i32, i32
  }
  func.func @transform_1(%arg0: i32) -> (i32, i32) {
    %c0_i32 = arith.constant 0 : i32
    %c0_i32_0 = arith.constant 0 : i32
    %c0_i32_1 = arith.constant 0 : i32
    return %c0_i32, %c0_i32_0 : i32, i32
  }
  func.func @transform_2(%arg0: i32) -> (i32, i32, i32) {
    %c0_i32 = arith.constant 0 : i32
    %c0_i32_0 = arith.constant 0 : i32
    %c0_i32_1 = arith.constant 0 : i32
    return %arg0, %c0_i32, %c0_i32_0 : i32, i32, i32
  }
  func.func @transform_3(%arg0: i32) -> (i32, i32) {
    %c0_i32 = arith.constant 0 : i32
    %c0_i32_0 = arith.constant 0 : i32
    %c0_i32_1 = arith.constant 0 : i32
    return %c0_i32, %c0_i32_0 : i32, i32
  }
  func.func @transform_4(%arg0: i32) -> (i32, i32, i32) {
    %c0_i32 = arith.constant 0 : i32
    %c0_i32_0 = arith.constant 0 : i32
    %c0_i32_1 = arith.constant 0 : i32
    return %arg0, %c0_i32, %c0_i32_0 : i32, i32, i32
  }
}

module attributes {stable_mosaic.version = 14 : i64} {
  func.func @_mlp_kernel(%arg0: i32, %arg1: memref<512x128xf32, #tpu.memory_space<vmem>>, %arg2: memref<32x3xf32, #tpu.memory_space<vmem>>, %arg3: memref<3x128xf32, #tpu.memory_space<vmem>>, %arg4: memref<1x128xf32, #tpu.memory_space<vmem>>, %arg5: memref<128x128xf32, #tpu.memory_space<vmem>>, %arg6: memref<1x128xf32, #tpu.memory_space<vmem>>, %arg7: memref<128x256xf32, #tpu.memory_space<vmem>>, %arg8: memref<1x256xf32, #tpu.memory_space<vmem>>, %arg9: memref<32x256xf32, #tpu.memory_space<vmem>>) attributes {dimension_semantics = [#tpu.dimension_semantics<arbitrary>], iteration_bounds = array<i64: 16>, scalar_prefetch = 0 : i64, scratch_operands = 0 : i64, tpu.core_type = #tpu.core_type<tc>, window_params = [{transform_indices = @transform_0, window_bounds = array<i64: 512, 128>}, {transform_indices = @transform_1, window_bounds = array<i64: 32, 3>}, {pipeline_mode = #tpu.pipeline_mode<synchronous>, transform_indices = @transform_2, window_bounds = array<i64: 3, 128>}, {pipeline_mode = #tpu.pipeline_mode<synchronous>, transform_indices = @transform_3, window_bounds = array<i64: 1, 128>}, {pipeline_mode = #tpu.pipeline_mode<synchronous>, transform_indices = @transform_4, window_bounds = array<i64: 128, 128>}, {pipeline_mode = #tpu.pipeline_mode<synchronous>, transform_indices = @transform_5, window_bounds = array<i64: 1, 128>}, {pipeline_mode = #tpu.pipeline_mode<synchronous>, transform_indices = @transform_6, window_bounds = array<i64: 128, 256>}, {pipeline_mode = #tpu.pipeline_mode<synchronous>, transform_indices = @transform_7, window_bounds = array<i64: 1, 256>}, {transform_indices = @transform_8, window_bounds = array<i64: 32, 256>}]} {
    %get3A = arith.constant 0 : index
    %get3A_0 = arith.constant 0 : index
    %get3A_1 = vector.load %arg2[%get3A, %get3A_0] : memref<32x3xf32, #tpu.memory_space<vmem>>, vector<32x3xf32>
    %get3A_2 = arith.constant 0 : index
    %get3A_3 = arith.constant 0 : index
    %get3A_4 = vector.load %arg3[%get3A_2, %get3A_3] : memref<3x128xf32, #tpu.memory_space<vmem>>, vector<3x128xf32>
    %dot_general3A = arith.constant dense<0.000000e+00> : vector<32x128xf32>
    %dot_general3A_5 = tpu.matmul %get3A_1, %get3A_4, %dot_general3A {dimension_numbers = #tpu.dot_dimension_numbers<[1], [0], [0], [1], [0, 0, 1, 1], [], []>, transpose_lhs_hint = false} : vector<32x3xf32>, vector<3x128xf32>, vector<32x128xf32> -> vector<32x128xf32>
    %mul3A = arith.constant 0.833333313 : f32
    %mul3A_6 = vector.broadcast %mul3A : f32 to vector<32x128xf32>
    %mul3A_7 = arith.mulf %dot_general3A_5, %mul3A_6 : vector<32x128xf32>
    %broadcast_in_dim3A = vector.shape_cast %mul3A_7 : vector<32x128xf32> to vector<32x1x128xf32>
    %broadcast_in_dim3A_8 = vector.shape_cast %broadcast_in_dim3A : vector<32x1x128xf32> to vector<32x1x128xf32>
    %broadcast_in_dim3A_9 = vector.broadcast %broadcast_in_dim3A_8 : vector<32x1x128xf32> to vector<32x16x128xf32>
    %reshape3A = vector.shape_cast %broadcast_in_dim3A_9 : vector<32x16x128xf32> to vector<512x128xf32>
    %get3A_10 = arith.constant 0 : index
    %get3A_11 = arith.constant 0 : index
    %get3A_12 = vector.load %arg1[%get3A_10, %get3A_11] : memref<512x128xf32, #tpu.memory_space<vmem>>, vector<512x128xf32>
    %sub3A = arith.subf %get3A_12, %reshape3A : vector<512x128xf32>
    %get3A_13 = arith.constant 0 : index
    %get3A_14 = arith.constant 0 : index
    %get3A_15 = vector.load %arg4[%get3A_13, %get3A_14] : memref<1x128xf32, #tpu.memory_space<vmem>>, vector<1x128xf32>
    %add3A = vector.broadcast %get3A_15 : vector<1x128xf32> to vector<512x128xf32>
    %add3A_16 = arith.addf %sub3A, %add3A : vector<512x128xf32>
    %max3A = arith.constant 0.000000e+00 : f32
    %max3A_17 = vector.broadcast %max3A : f32 to vector<512x128xf32>
    %max3A_18 = arith.maximumf %add3A_16, %max3A_17 : vector<512x128xf32>
    %get3A_19 = arith.constant 0 : index
    %get3A_20 = arith.constant 0 : index
    %get3A_21 = vector.load %arg5[%get3A_19, %get3A_20] : memref<128x128xf32, #tpu.memory_space<vmem>>, vector<128x128xf32>
    %dot_general3A_22 = arith.constant dense<0.000000e+00> : vector<512x128xf32>
    %dot_general3A_23 = tpu.matmul %max3A_18, %get3A_21, %dot_general3A_22 {dimension_numbers = #tpu.dot_dimension_numbers<[1], [0], [0], [1], [0, 0, 1, 1], [], []>, transpose_lhs_hint = false} : vector<512x128xf32>, vector<128x128xf32>, vector<512x128xf32> -> vector<512x128xf32>
    %get3A_24 = arith.constant 0 : index
    %get3A_25 = arith.constant 0 : index
    %get3A_26 = vector.load %arg6[%get3A_24, %get3A_25] : memref<1x128xf32, #tpu.memory_space<vmem>>, vector<1x128xf32>
    %add3A_27 = vector.broadcast %get3A_26 : vector<1x128xf32> to vector<512x128xf32>
    %add3A_28 = arith.addf %dot_general3A_23, %add3A_27 : vector<512x128xf32>
    %max3A_29 = arith.constant 0.000000e+00 : f32
    %max3A_30 = vector.broadcast %max3A_29 : f32 to vector<512x128xf32>
    %max3A_31 = arith.maximumf %add3A_28, %max3A_30 : vector<512x128xf32>
    %get3A_32 = arith.constant 0 : index
    %get3A_33 = arith.constant 0 : index
    %get3A_34 = vector.load %arg7[%get3A_32, %get3A_33] : memref<128x256xf32, #tpu.memory_space<vmem>>, vector<128x256xf32>
    %dot_general3A_35 = arith.constant dense<0.000000e+00> : vector<512x256xf32>
    %dot_general3A_36 = tpu.matmul %max3A_31, %get3A_34, %dot_general3A_35 {dimension_numbers = #tpu.dot_dimension_numbers<[1], [0], [0], [1], [0, 0, 1, 1], [], []>, transpose_lhs_hint = false} : vector<512x128xf32>, vector<128x256xf32>, vector<512x256xf32> -> vector<512x256xf32>
    %get3A_37 = arith.constant 0 : index
    %get3A_38 = arith.constant 0 : index
    %get3A_39 = vector.load %arg8[%get3A_37, %get3A_38] : memref<1x256xf32, #tpu.memory_space<vmem>>, vector<1x256xf32>
    %add3A_40 = vector.broadcast %get3A_39 : vector<1x256xf32> to vector<512x256xf32>
    %add3A_41 = arith.addf %dot_general3A_36, %add3A_40 : vector<512x256xf32>
    %max3A_42 = arith.constant 0.000000e+00 : f32
    %max3A_43 = vector.broadcast %max3A_42 : f32 to vector<512x256xf32>
    %max3A_44 = arith.maximumf %add3A_41, %max3A_43 : vector<512x256xf32>
    %reshape3A_45 = vector.shape_cast %max3A_44 : vector<512x256xf32> to vector<32x16x256xf32>
    %reduce_max3A = arith.constant dense<0xFF800000> : vector<32x256xf32>
    %reduce_max3A_46 = vector.multi_reduction <maximumf>, %reshape3A_45, %reduce_max3A [1] : vector<32x16x256xf32> to vector<32x256xf32>
    %swap3A = arith.constant 0 : index
    %swap3A_47 = arith.constant 0 : index
    %swap3A_48 = vector.load %arg9[%swap3A, %swap3A_47] : memref<32x256xf32, #tpu.memory_space<vmem>>, vector<32x256xf32>
    tpu.vector_store %arg9[%swap3A, %swap3A_47], %reduce_max3A_46 {strides = array<i32>} : memref<32x256xf32, #tpu.memory_space<vmem>>, vector<32x256xf32>,
    return
  }
  func.func @transform_0(%arg0: i32) -> (i32, i32) {
    %c0_i32 = arith.constant 0 : i32
    %c0_i32_0 = arith.constant 0 : i32
    return %arg0, %c0_i32 : i32, i32
  }
  func.func @transform_1(%arg0: i32) -> (i32, i32) {
    %c0_i32 = arith.constant 0 : i32
    %c0_i32_0 = arith.constant 0 : i32
    return %arg0, %c0_i32 : i32, i32
  }
  func.func @transform_2(%arg0: i32) -> (i32, i32) {
    %c0_i32 = arith.constant 0 : i32
    %c0_i32_0 = arith.constant 0 : i32
    %c0_i32_1 = arith.constant 0 : i32
    return %c0_i32, %c0_i32_0 : i32, i32
  }
  func.func @transform_3(%arg0: i32) -> (i32, i32) {
    %c0_i32 = arith.constant 0 : i32
    %c0_i32_0 = arith.constant 0 : i32
    %c0_i32_1 = arith.constant 0 : i32
    return %c0_i32, %c0_i32_0 : i32, i32
  }
  func.func @transform_4(%arg0: i32) -> (i32, i32) {
    %c0_i32 = arith.constant 0 : i32
    %c0_i32_0 = arith.constant 0 : i32
    %c0_i32_1 = arith.constant 0 : i32
    return %c0_i32, %c0_i32_0 : i32, i32
  }
  func.func @transform_5(%arg0: i32) -> (i32, i32) {
    %c0_i32 = arith.constant 0 : i32
    %c0_i32_0 = arith.constant 0 : i32
    %c0_i32_1 = arith.constant 0 : i32
    return %c0_i32, %c0_i32_0 : i32, i32
  }
  func.func @transform_6(%arg0: i32) -> (i32, i32) {
    %c0_i32 = arith.constant 0 : i32
    %c0_i32_0 = arith.constant 0 : i32
    %c0_i32_1 = arith.constant 0 : i32
    return %c0_i32, %c0_i32_0 : i32, i32
  }
  func.func @transform_7(%arg0: i32) -> (i32, i32) {
    %c0_i32 = arith.constant 0 : i32
    %c0_i32_0 = arith.constant 0 : i32
    %c0_i32_1 = arith.constant 0 : i32
    return %c0_i32, %c0_i32_0 : i32, i32
  }
  func.func @transform_8(%arg0: i32) -> (i32, i32) {
    %c0_i32 = arith.constant 0 : i32
    %c0_i32_0 = arith.constant 0 : i32
    return %arg0, %c0_i32 : i32, i32
  }
}

module attributes {stable_mosaic.version = 14 : i64} {
  func.func @_fp_kernel(%arg0: i32, %arg1: memref<1x512x3xf32, #tpu.memory_space<vmem>>, %arg2: memref<1x256x3xf32, #tpu.memory_space<vmem>>, %arg3: memref<1x1x256xf32, #tpu.memory_space<vmem>>, %arg4: memref<1x512x256xf32, #tpu.memory_space<vmem>>, %arg5: memref<1x256x256xf32, #tpu.memory_space<vmem>>, %arg6: memref<256x256xf32, #tpu.memory_space<vmem>>, %arg7: memref<256x256xf32, #tpu.memory_space<vmem>>, %arg8: memref<1x256xf32, #tpu.memory_space<vmem>>, %arg9: memref<256x256xf32, #tpu.memory_space<vmem>>, %arg10: memref<1x256xf32, #tpu.memory_space<vmem>>, %arg11: memref<1x512x256xf32, #tpu.memory_space<vmem>>) attributes {dimension_semantics = [#tpu.dimension_semantics<arbitrary>], iteration_bounds = array<i64: 2>, scalar_prefetch = 0 : i64, scratch_operands = 0 : i64, tpu.core_type = #tpu.core_type<tc>, window_params = [{transform_indices = @transform_0, window_bounds = array<i64: 1, 512, 3>}, {transform_indices = @transform_1, window_bounds = array<i64: 1, 256, 3>}, {transform_indices = @transform_2, window_bounds = array<i64: 1, 1, 256>}, {transform_indices = @transform_3, window_bounds = array<i64: 1, 512, 256>}, {transform_indices = @transform_4, window_bounds = array<i64: 1, 256, 256>}, {pipeline_mode = #tpu.pipeline_mode<synchronous>, transform_indices = @transform_5, window_bounds = array<i64: 256, 256>}, {pipeline_mode = #tpu.pipeline_mode<synchronous>, transform_indices = @transform_6, window_bounds = array<i64: 256, 256>}, {pipeline_mode = #tpu.pipeline_mode<synchronous>, transform_indices = @transform_7, window_bounds = array<i64: 1, 256>}, {pipeline_mode = #tpu.pipeline_mode<synchronous>, transform_indices = @transform_8, window_bounds = array<i64: 256, 256>}, {pipeline_mode = #tpu.pipeline_mode<synchronous>, transform_indices = @transform_9, window_bounds = array<i64: 1, 256>}, {transform_indices = @transform_10, window_bounds = array<i64: 1, 512, 256>}]} {
    %get3A = arith.constant 0 : index
    %get3A_0 = arith.constant 0 : index
    %get3A_1 = arith.constant 0 : index
    %get3A_2 = vector.load %arg1[%get3A, %get3A_0, %get3A_1] : memref<1x512x3xf32, #tpu.memory_space<vmem>>, vector<1x512x3xf32>
    %get3A_3 = vector.shape_cast %get3A_2 : vector<1x512x3xf32> to vector<512x3xf32>
    %get3A_4 = arith.constant 0 : index
    %get3A_5 = arith.constant 0 : index
    %get3A_6 = arith.constant 0 : index
    %get3A_7 = vector.load %arg2[%get3A_4, %get3A_5, %get3A_6] : memref<1x256x3xf32, #tpu.memory_space<vmem>>, vector<1x256x3xf32>
    %get3A_8 = vector.shape_cast %get3A_7 : vector<1x256x3xf32> to vector<256x3xf32>
    %mul3A = arith.mulf %get3A_3, %get3A_3 : vector<512x3xf32>
    %reduce_sum3A = arith.constant dense<0.000000e+00> : vector<512xf32>
    %reduce_sum3A_9 = vector.multi_reduction <add>, %mul3A, %reduce_sum3A [1] : vector<512x3xf32> to vector<512xf32>
    %broadcast_in_dim3A = vector.shape_cast %reduce_sum3A_9 : vector<512xf32> to vector<512x1xf32>
    %get3A_10 = arith.constant 0 : index
    %get3A_11 = arith.constant 0 : index
    %get3A_12 = arith.constant 0 : index
    %get3A_13 = vector.load %arg3[%get3A_10, %get3A_11, %get3A_12] : memref<1x1x256xf32, #tpu.memory_space<vmem>>, vector<1x1x256xf32>
    %get3A_14 = vector.shape_cast %get3A_13 : vector<1x1x256xf32> to vector<1x256xf32>
    %convert_element_type3A = arith.truncf %get3A_3 : vector<512x3xf32> to vector<512x3xbf16>
    %convert_element_type3A_15 = arith.extf %convert_element_type3A : vector<512x3xbf16> to vector<512x3xf32>
    %convert_element_type3A_16 = arith.truncf %get3A_8 : vector<256x3xf32> to vector<256x3xbf16>
    %convert_element_type3A_17 = arith.extf %convert_element_type3A_16 : vector<256x3xbf16> to vector<256x3xf32>
    %dot_general3A = arith.constant dense<0.000000e+00> : vector<512x256xf32>
    %dot_general3A_18 = tpu.matmul %convert_element_type3A_15, %convert_element_type3A_17, %dot_general3A {dimension_numbers = #tpu.dot_dimension_numbers<[1], [1], [0], [0], [0, 0, 1, 0], [], []>, transpose_lhs_hint = false} : vector<512x3xf32>, vector<256x3xf32>, vector<512x256xf32> -> vector<512x256xf32>
    %add3A = vector.broadcast %broadcast_in_dim3A : vector<512x1xf32> to vector<512x256xf32>
    %add3A_19 = vector.broadcast %get3A_14 : vector<1x256xf32> to vector<512x256xf32>
    %add3A_20 = arith.addf %add3A, %add3A_19 : vector<512x256xf32>
    %mul3A_21 = arith.constant 2.000000e+00 : f32
    %mul3A_22 = vector.broadcast %mul3A_21 : f32 to vector<512x256xf32>
    %mul3A_23 = arith.mulf %mul3A_22, %dot_general3A_18 : vector<512x256xf32>
    %sub3A = arith.subf %add3A_20, %mul3A_23 : vector<512x256xf32>
    %max3A = arith.constant 0.000000e+00 : f32
    %max3A_24 = vector.broadcast %max3A : f32 to vector<512x256xf32>
    %max3A_25 = arith.maximumf %sub3A, %max3A_24 : vector<512x256xf32>
    %iota3A = tpu.iota {dimensions = array<i32: 1>} : vector<512x256xi32>
    %reduce_min3A = arith.constant dense<0x7F800000> : vector<512xf32>
    %reduce_min3A_26 = vector.multi_reduction <minimumf>, %max3A_25, %reduce_min3A [1] : vector<512x256xf32> to vector<512xf32>
    %broadcast_in_dim3A_27 = vector.shape_cast %reduce_min3A_26 : vector<512xf32> to vector<512x1xf32>
    %eq3A = vector.broadcast %broadcast_in_dim3A_27 : vector<512x1xf32> to vector<512x256xf32>
    %eq3A_28 = arith.cmpf oeq, %max3A_25, %eq3A : vector<512x256xf32>
    %jit3A = arith.constant 256 : i32
    %broadcast_in_dim3A_29 = vector.broadcast %jit3A : i32 to vector<512x256xi32>
    %select_n3A = arith.select %eq3A_28, %iota3A, %broadcast_in_dim3A_29 : vector<512x256xi1>, vector<512x256xi32>
    %reduce_min3A_30 = arith.constant dense<2147483647> : vector<512xi32>
    %reduce_min3A_31 = vector.multi_reduction <minsi>, %select_n3A, %reduce_min3A_30 [1] : vector<512x256xi32> to vector<512xi32>
    %broadcast_in_dim3A_32 = vector.shape_cast %reduce_min3A_31 : vector<512xi32> to vector<512x1xi32>
    %eq3A_33 = vector.broadcast %broadcast_in_dim3A_32 : vector<512x1xi32> to vector<512x256xi32>
    %eq3A_34 = arith.cmpi eq, %iota3A, %eq3A_33 : vector<512x256xi32>
    %jit3A_35 = arith.constant 3.000000e+38 : f32
    %broadcast_in_dim3A_36 = vector.broadcast %jit3A_35 : f32 to vector<512x256xf32>
    %select_n3A_37 = arith.select %eq3A_34, %broadcast_in_dim3A_36, %max3A_25 : vector<512x256xi1>, vector<512x256xf32>
    %reduce_min3A_38 = arith.constant dense<0x7F800000> : vector<512xf32>
    %reduce_min3A_39 = vector.multi_reduction <minimumf>, %select_n3A_37, %reduce_min3A_38 [1] : vector<512x256xf32> to vector<512xf32>
    %broadcast_in_dim3A_40 = vector.shape_cast %reduce_min3A_39 : vector<512xf32> to vector<512x1xf32>
    %eq3A_41 = vector.broadcast %broadcast_in_dim3A_40 : vector<512x1xf32> to vector<512x256xf32>
    %eq3A_42 = arith.cmpf oeq, %select_n3A_37, %eq3A_41 : vector<512x256xf32>
    %jit3A_43 = arith.constant 256 : i32
    %broadcast_in_dim3A_44 = vector.broadcast %jit3A_43 : i32 to vector<512x256xi32>
    %select_n3A_45 = arith.select %eq3A_42, %iota3A, %broadcast_in_dim3A_44 : vector<512x256xi1>, vector<512x256xi32>
    %reduce_min3A_46 = arith.constant dense<2147483647> : vector<512xi32>
    %reduce_min3A_47 = vector.multi_reduction <minsi>, %select_n3A_45, %reduce_min3A_46 [1] : vector<512x256xi32> to vector<512xi32>
    %broadcast_in_dim3A_48 = vector.shape_cast %reduce_min3A_47 : vector<512xi32> to vector<512x1xi32>
    %eq3A_49 = vector.broadcast %broadcast_in_dim3A_48 : vector<512x1xi32> to vector<512x256xi32>
    %eq3A_50 = arith.cmpi eq, %iota3A, %eq3A_49 : vector<512x256xi32>
    %jit3A_51 = arith.constant 3.000000e+38 : f32
    %broadcast_in_dim3A_52 = vector.broadcast %jit3A_51 : f32 to vector<512x256xf32>
    %select_n3A_53 = arith.select %eq3A_50, %broadcast_in_dim3A_52, %select_n3A_37 : vector<512x256xi1>, vector<512x256xf32>
    %reduce_min3A_54 = arith.constant dense<0x7F800000> : vector<512xf32>
    %reduce_min3A_55 = vector.multi_reduction <minimumf>, %select_n3A_53, %reduce_min3A_54 [1] : vector<512x256xf32> to vector<512xf32>
    %broadcast_in_dim3A_56 = vector.shape_cast %reduce_min3A_55 : vector<512xf32> to vector<512x1xf32>
    %eq3A_57 = vector.broadcast %broadcast_in_dim3A_56 : vector<512x1xf32> to vector<512x256xf32>
    %eq3A_58 = arith.cmpf oeq, %select_n3A_53, %eq3A_57 : vector<512x256xf32>
    %jit3A_59 = arith.constant 256 : i32
    %broadcast_in_dim3A_60 = vector.broadcast %jit3A_59 : i32 to vector<512x256xi32>
    %select_n3A_61 = arith.select %eq3A_58, %iota3A, %broadcast_in_dim3A_60 : vector<512x256xi1>, vector<512x256xi32>
    %reduce_min3A_62 = arith.constant dense<2147483647> : vector<512xi32>
    %reduce_min3A_63 = vector.multi_reduction <minsi>, %select_n3A_61, %reduce_min3A_62 [1] : vector<512x256xi32> to vector<512xi32>
    %broadcast_in_dim3A_64 = vector.shape_cast %reduce_min3A_63 : vector<512xi32> to vector<512x1xi32>
    %add3A_65 = arith.constant 9.99999993E-9 : f32
    %add3A_66 = vector.broadcast %add3A_65 : f32 to vector<512x1xf32>
    %add3A_67 = arith.addf %broadcast_in_dim3A_27, %add3A_66 : vector<512x1xf32>
    %div3A = arith.constant 1.000000e+00 : f32
    %div3A_68 = vector.broadcast %div3A : f32 to vector<512x1xf32>
    %div3A_69 = arith.divf %div3A_68, %add3A_67 : vector<512x1xf32>
    %add3A_70 = arith.constant 9.99999993E-9 : f32
    %add3A_71 = vector.broadcast %add3A_70 : f32 to vector<512x1xf32>
    %add3A_72 = arith.addf %broadcast_in_dim3A_40, %add3A_71 : vector<512x1xf32>
    %div3A_73 = arith.constant 1.000000e+00 : f32
    %div3A_74 = vector.broadcast %div3A_73 : f32 to vector<512x1xf32>
    %div3A_75 = arith.divf %div3A_74, %add3A_72 : vector<512x1xf32>
    %add3A_76 = arith.constant 9.99999993E-9 : f32
    %add3A_77 = vector.broadcast %add3A_76 : f32 to vector<512x1xf32>
    %add3A_78 = arith.addf %broadcast_in_dim3A_56, %add3A_77 : vector<512x1xf32>
    %div3A_79 = arith.constant 1.000000e+00 : f32
    %div3A_80 = vector.broadcast %div3A_79 : f32 to vector<512x1xf32>
    %div3A_81 = arith.divf %div3A_80, %add3A_78 : vector<512x1xf32>
    %add3A_82 = arith.addf %div3A_69, %div3A_75 : vector<512x1xf32>
    %add3A_83 = arith.addf %add3A_82, %div3A_81 : vector<512x1xf32>
    %div3A_84 = arith.divf %div3A_69, %add3A_83 : vector<512x1xf32>
    %div3A_85 = arith.divf %div3A_75, %add3A_83 : vector<512x1xf32>
    %div3A_86 = arith.divf %div3A_81, %add3A_83 : vector<512x1xf32>
    %eq3A_87 = vector.broadcast %broadcast_in_dim3A_32 : vector<512x1xi32> to vector<512x256xi32>
    %eq3A_88 = arith.cmpi eq, %iota3A, %eq3A_87 : vector<512x256xi32>
    %jit3A_89 = arith.constant 0.000000e+00 : f32
    %broadcast_in_dim3A_90 = vector.shape_cast %div3A_84 : vector<512x1xf32> to vector<512x1xf32>
    %broadcast_in_dim3A_91 = vector.broadcast %broadcast_in_dim3A_90 : vector<512x1xf32> to vector<512x256xf32>
    %broadcast_in_dim3A_92 = vector.broadcast %jit3A_89 : f32 to vector<512x256xf32>
    %select_n3A_93 = arith.select %eq3A_88, %broadcast_in_dim3A_91, %broadcast_in_dim3A_92 : vector<512x256xi1>, vector<512x256xf32>
    %eq3A_94 = vector.broadcast %broadcast_in_dim3A_48 : vector<512x1xi32> to vector<512x256xi32>
    %eq3A_95 = arith.cmpi eq, %iota3A, %eq3A_94 : vector<512x256xi32>
    %jit3A_96 = arith.constant 0.000000e+00 : f32
    %broadcast_in_dim3A_97 = vector.shape_cast %div3A_85 : vector<512x1xf32> to vector<512x1xf32>
    %broadcast_in_dim3A_98 = vector.broadcast %broadcast_in_dim3A_97 : vector<512x1xf32> to vector<512x256xf32>
    %broadcast_in_dim3A_99 = vector.broadcast %jit3A_96 : f32 to vector<512x256xf32>
    %select_n3A_100 = arith.select %eq3A_95, %broadcast_in_dim3A_98, %broadcast_in_dim3A_99 : vector<512x256xi1>, vector<512x256xf32>
    %add3A_101 = arith.addf %select_n3A_93, %select_n3A_100 : vector<512x256xf32>
    %eq3A_102 = vector.broadcast %broadcast_in_dim3A_64 : vector<512x1xi32> to vector<512x256xi32>
    %eq3A_103 = arith.cmpi eq, %iota3A, %eq3A_102 : vector<512x256xi32>
    %jit3A_104 = arith.constant 0.000000e+00 : f32
    %broadcast_in_dim3A_105 = vector.shape_cast %div3A_86 : vector<512x1xf32> to vector<512x1xf32>
    %broadcast_in_dim3A_106 = vector.broadcast %broadcast_in_dim3A_105 : vector<512x1xf32> to vector<512x256xf32>
    %broadcast_in_dim3A_107 = vector.broadcast %jit3A_104 : f32 to vector<512x256xf32>
    %select_n3A_108 = arith.select %eq3A_103, %broadcast_in_dim3A_106, %broadcast_in_dim3A_107 : vector<512x256xi1>, vector<512x256xf32>
    %add3A_109 = arith.addf %add3A_101, %select_n3A_108 : vector<512x256xf32>
    %get3A_110 = arith.constant 0 : index
    %get3A_111 = arith.constant 0 : index
    %get3A_112 = arith.constant 0 : index
    %get3A_113 = vector.load %arg5[%get3A_110, %get3A_111, %get3A_112] : memref<1x256x256xf32, #tpu.memory_space<vmem>>, vector<1x256x256xf32>
    %get3A_114 = vector.shape_cast %get3A_113 : vector<1x256x256xf32> to vector<256x256xf32>
    %get3A_115 = arith.constant 0 : index
    %get3A_116 = arith.constant 0 : index
    %get3A_117 = vector.load %arg7[%get3A_115, %get3A_116] : memref<256x256xf32, #tpu.memory_space<vmem>>, vector<256x256xf32>
    %dot_general3A_118 = arith.constant dense<0.000000e+00> : vector<256x256xf32>
    %dot_general3A_119 = tpu.matmul %get3A_114, %get3A_117, %dot_general3A_118 {dimension_numbers = #tpu.dot_dimension_numbers<[1], [0], [0], [1], [0, 0, 1, 1], [], []>, transpose_lhs_hint = false} : vector<256x256xf32>, vector<256x256xf32>, vector<256x256xf32> -> vector<256x256xf32>
    %dot_general3A_120 = arith.constant dense<0.000000e+00> : vector<512x256xf32>
    %dot_general3A_121 = tpu.matmul %add3A_109, %dot_general3A_119, %dot_general3A_120 {dimension_numbers = #tpu.dot_dimension_numbers<[1], [0], [0], [1], [0, 0, 1, 1], [], []>, transpose_lhs_hint = false} : vector<512x256xf32>, vector<256x256xf32>, vector<512x256xf32> -> vector<512x256xf32>
    %get3A_122 = arith.constant 0 : index
    %get3A_123 = arith.constant 0 : index
    %get3A_124 = arith.constant 0 : index
    %get3A_125 = vector.load %arg4[%get3A_122, %get3A_123, %get3A_124] : memref<1x512x256xf32, #tpu.memory_space<vmem>>, vector<1x512x256xf32>
    %get3A_126 = vector.shape_cast %get3A_125 : vector<1x512x256xf32> to vector<512x256xf32>
    %get3A_127 = arith.constant 0 : index
    %get3A_128 = arith.constant 0 : index
    %get3A_129 = vector.load %arg6[%get3A_127, %get3A_128] : memref<256x256xf32, #tpu.memory_space<vmem>>, vector<256x256xf32>
    %dot_general3A_130 = arith.constant dense<0.000000e+00> : vector<512x256xf32>
    %dot_general3A_131 = tpu.matmul %get3A_126, %get3A_129, %dot_general3A_130 {dimension_numbers = #tpu.dot_dimension_numbers<[1], [0], [0], [1], [0, 0, 1, 1], [], []>, transpose_lhs_hint = false} : vector<512x256xf32>, vector<256x256xf32>, vector<512x256xf32> -> vector<512x256xf32>
    %add3A_132 = arith.addf %dot_general3A_131, %dot_general3A_121 : vector<512x256xf32>
    %get3A_133 = arith.constant 0 : index
    %get3A_134 = arith.constant 0 : index
    %get3A_135 = vector.load %arg8[%get3A_133, %get3A_134] : memref<1x256xf32, #tpu.memory_space<vmem>>, vector<1x256xf32>
    %add3A_136 = vector.broadcast %get3A_135 : vector<1x256xf32> to vector<512x256xf32>
    %add3A_137 = arith.addf %add3A_132, %add3A_136 : vector<512x256xf32>
    %max3A_138 = arith.constant 0.000000e+00 : f32
    %max3A_139 = vector.broadcast %max3A_138 : f32 to vector<512x256xf32>
    %max3A_140 = arith.maximumf %add3A_137, %max3A_139 : vector<512x256xf32>
    %get3A_141 = arith.constant 0 : index
    %get3A_142 = arith.constant 0 : index
    %get3A_143 = vector.load %arg9[%get3A_141, %get3A_142] : memref<256x256xf32, #tpu.memory_space<vmem>>, vector<256x256xf32>
    %dot_general3A_144 = arith.constant dense<0.000000e+00> : vector<512x256xf32>
    %dot_general3A_145 = tpu.matmul %max3A_140, %get3A_143, %dot_general3A_144 {dimension_numbers = #tpu.dot_dimension_numbers<[1], [0], [0], [1], [0, 0, 1, 1], [], []>, transpose_lhs_hint = false} : vector<512x256xf32>, vector<256x256xf32>, vector<512x256xf32> -> vector<512x256xf32>
    %get3A_146 = arith.constant 0 : index
    %get3A_147 = arith.constant 0 : index
    %get3A_148 = vector.load %arg10[%get3A_146, %get3A_147] : memref<1x256xf32, #tpu.memory_space<vmem>>, vector<1x256xf32>
    %add3A_149 = vector.broadcast %get3A_148 : vector<1x256xf32> to vector<512x256xf32>
    %add3A_150 = arith.addf %dot_general3A_145, %add3A_149 : vector<512x256xf32>
    %max3A_151 = arith.constant 0.000000e+00 : f32
    %max3A_152 = vector.broadcast %max3A_151 : f32 to vector<512x256xf32>
    %max3A_153 = arith.maximumf %add3A_150, %max3A_152 : vector<512x256xf32>
    %swap3A = arith.constant 0 : index
    %swap3A_154 = arith.constant 0 : index
    %swap3A_155 = arith.constant 0 : index
    %swap3A_156 = vector.load %arg11[%swap3A, %swap3A_154, %swap3A_155] : memref<1x512x256xf32, #tpu.memory_space<vmem>>, vector<1x512x256xf32>
    %swap3A_157 = vector.shape_cast %swap3A_156 : vector<1x512x256xf32> to vector<512x256xf32>
    %swap3A_158 = vector.shape_cast %max3A_153 : vector<512x256xf32> to vector<1x512x256xf32>
    tpu.vector_store %arg11[%swap3A, %swap3A_154, %swap3A_155], %swap3A_158 {strides = array<i32>} : memref<1x512x256xf32, #tpu.memory_space<vmem>>, vector<1x512x256xf32>,
    return
  }
  func.func @transform_0(%arg0: i32) -> (i32, i32, i32) {
    %c0_i32 = arith.constant 0 : i32
    %c0_i32_0 = arith.constant 0 : i32
    %c0_i32_1 = arith.constant 0 : i32
    return %arg0, %c0_i32, %c0_i32_0 : i32, i32, i32
  }
  func.func @transform_1(%arg0: i32) -> (i32, i32, i32) {
    %c0_i32 = arith.constant 0 : i32
    %c0_i32_0 = arith.constant 0 : i32
    %c0_i32_1 = arith.constant 0 : i32
    return %arg0, %c0_i32, %c0_i32_0 : i32, i32, i32
  }
  func.func @transform_2(%arg0: i32) -> (i32, i32, i32) {
    %c0_i32 = arith.constant 0 : i32
    %c0_i32_0 = arith.constant 0 : i32
    %c0_i32_1 = arith.constant 0 : i32
    return %arg0, %c0_i32, %c0_i32_0 : i32, i32, i32
  }
  func.func @transform_3(%arg0: i32) -> (i32, i32, i32) {
    %c0_i32 = arith.constant 0 : i32
    %c0_i32_0 = arith.constant 0 : i32
    %c0_i32_1 = arith.constant 0 : i32
    return %arg0, %c0_i32, %c0_i32_0 : i32, i32, i32
  }
  func.func @transform_4(%arg0: i32) -> (i32, i32, i32) {
    %c0_i32 = arith.constant 0 : i32
    %c0_i32_0 = arith.constant 0 : i32
    %c0_i32_1 = arith.constant 0 : i32
    return %arg0, %c0_i32, %c0_i32_0 : i32, i32, i32
  }
  func.func @transform_5(%arg0: i32) -> (i32, i32) {
    %c0_i32 = arith.constant 0 : i32
    %c0_i32_0 = arith.constant 0 : i32
    %c0_i32_1 = arith.constant 0 : i32
    return %c0_i32, %c0_i32_0 : i32, i32
  }
  func.func @transform_6(%arg0: i32) -> (i32, i32) {
    %c0_i32 = arith.constant 0 : i32
    %c0_i32_0 = arith.constant 0 : i32
    %c0_i32_1 = arith.constant 0 : i32
    return %c0_i32, %c0_i32_0 : i32, i32
  }
  func.func @transform_7(%arg0: i32) -> (i32, i32) {
    %c0_i32 = arith.constant 0 : i32
    %c0_i32_0 = arith.constant 0 : i32
    %c0_i32_1 = arith.constant 0 : i32
    return %c0_i32, %c0_i32_0 : i32, i32
  }
  func.func @transform_8(%arg0: i32) -> (i32, i32) {
    %c0_i32 = arith.constant 0 : i32
    %c0_i32_0 = arith.constant 0 : i32
    %c0_i32_1 = arith.constant 0 : i32
    return %c0_i32, %c0_i32_0 : i32, i32
  }
  func.func @transform_9(%arg0: i32) -> (i32, i32) {
    %c0_i32 = arith.constant 0 : i32
    %c0_i32_0 = arith.constant 0 : i32
    %c0_i32_1 = arith.constant 0 : i32
    return %c0_i32, %c0_i32_0 : i32, i32
  }
  func.func @transform_10(%arg0: i32) -> (i32, i32, i32) {
    %c0_i32 = arith.constant 0 : i32
    %c0_i32_0 = arith.constant 0 : i32
    %c0_i32_1 = arith.constant 0 : i32
    return %arg0, %c0_i32, %c0_i32_0 : i32, i32, i32
  }
}

module attributes {stable_mosaic.version = 14 : i64} {
  func.func @_fp_kernel(%arg0: i32, %arg1: memref<1x1024x3xf32, #tpu.memory_space<vmem>>, %arg2: memref<1x512x3xf32, #tpu.memory_space<vmem>>, %arg3: memref<1x1x512xf32, #tpu.memory_space<vmem>>, %arg4: memref<1x1024x256xf32, #tpu.memory_space<vmem>>, %arg5: memref<1x512x256xf32, #tpu.memory_space<vmem>>, %arg6: memref<256x256xf32, #tpu.memory_space<vmem>>, %arg7: memref<256x256xf32, #tpu.memory_space<vmem>>, %arg8: memref<1x256xf32, #tpu.memory_space<vmem>>, %arg9: memref<256x256xf32, #tpu.memory_space<vmem>>, %arg10: memref<1x256xf32, #tpu.memory_space<vmem>>, %arg11: memref<1x1024x256xf32, #tpu.memory_space<vmem>>) attributes {dimension_semantics = [#tpu.dimension_semantics<arbitrary>], iteration_bounds = array<i64: 2>, scalar_prefetch = 0 : i64, scratch_operands = 0 : i64, tpu.core_type = #tpu.core_type<tc>, window_params = [{transform_indices = @transform_0, window_bounds = array<i64: 1, 1024, 3>}, {transform_indices = @transform_1, window_bounds = array<i64: 1, 512, 3>}, {transform_indices = @transform_2, window_bounds = array<i64: 1, 1, 512>}, {transform_indices = @transform_3, window_bounds = array<i64: 1, 1024, 256>}, {transform_indices = @transform_4, window_bounds = array<i64: 1, 512, 256>}, {pipeline_mode = #tpu.pipeline_mode<synchronous>, transform_indices = @transform_5, window_bounds = array<i64: 256, 256>}, {pipeline_mode = #tpu.pipeline_mode<synchronous>, transform_indices = @transform_6, window_bounds = array<i64: 256, 256>}, {pipeline_mode = #tpu.pipeline_mode<synchronous>, transform_indices = @transform_7, window_bounds = array<i64: 1, 256>}, {pipeline_mode = #tpu.pipeline_mode<synchronous>, transform_indices = @transform_8, window_bounds = array<i64: 256, 256>}, {pipeline_mode = #tpu.pipeline_mode<synchronous>, transform_indices = @transform_9, window_bounds = array<i64: 1, 256>}, {transform_indices = @transform_10, window_bounds = array<i64: 1, 1024, 256>}]} {
    %get3A = arith.constant 0 : index
    %get3A_0 = arith.constant 0 : index
    %get3A_1 = arith.constant 0 : index
    %get3A_2 = vector.load %arg1[%get3A, %get3A_0, %get3A_1] : memref<1x1024x3xf32, #tpu.memory_space<vmem>>, vector<1x1024x3xf32>
    %get3A_3 = vector.shape_cast %get3A_2 : vector<1x1024x3xf32> to vector<1024x3xf32>
    %get3A_4 = arith.constant 0 : index
    %get3A_5 = arith.constant 0 : index
    %get3A_6 = arith.constant 0 : index
    %get3A_7 = vector.load %arg2[%get3A_4, %get3A_5, %get3A_6] : memref<1x512x3xf32, #tpu.memory_space<vmem>>, vector<1x512x3xf32>
    %get3A_8 = vector.shape_cast %get3A_7 : vector<1x512x3xf32> to vector<512x3xf32>
    %mul3A = arith.mulf %get3A_3, %get3A_3 : vector<1024x3xf32>
    %reduce_sum3A = arith.constant dense<0.000000e+00> : vector<1024xf32>
    %reduce_sum3A_9 = vector.multi_reduction <add>, %mul3A, %reduce_sum3A [1] : vector<1024x3xf32> to vector<1024xf32>
    %broadcast_in_dim3A = vector.shape_cast %reduce_sum3A_9 : vector<1024xf32> to vector<1024x1xf32>
    %get3A_10 = arith.constant 0 : index
    %get3A_11 = arith.constant 0 : index
    %get3A_12 = arith.constant 0 : index
    %get3A_13 = vector.load %arg3[%get3A_10, %get3A_11, %get3A_12] : memref<1x1x512xf32, #tpu.memory_space<vmem>>, vector<1x1x512xf32>
    %get3A_14 = vector.shape_cast %get3A_13 : vector<1x1x512xf32> to vector<1x512xf32>
    %convert_element_type3A = arith.truncf %get3A_3 : vector<1024x3xf32> to vector<1024x3xbf16>
    %convert_element_type3A_15 = arith.extf %convert_element_type3A : vector<1024x3xbf16> to vector<1024x3xf32>
    %convert_element_type3A_16 = arith.truncf %get3A_8 : vector<512x3xf32> to vector<512x3xbf16>
    %convert_element_type3A_17 = arith.extf %convert_element_type3A_16 : vector<512x3xbf16> to vector<512x3xf32>
    %dot_general3A = arith.constant dense<0.000000e+00> : vector<1024x512xf32>
    %dot_general3A_18 = tpu.matmul %convert_element_type3A_15, %convert_element_type3A_17, %dot_general3A {dimension_numbers = #tpu.dot_dimension_numbers<[1], [1], [0], [0], [0, 0, 1, 0], [], []>, transpose_lhs_hint = false} : vector<1024x3xf32>, vector<512x3xf32>, vector<1024x512xf32> -> vector<1024x512xf32>
    %add3A = vector.broadcast %broadcast_in_dim3A : vector<1024x1xf32> to vector<1024x512xf32>
    %add3A_19 = vector.broadcast %get3A_14 : vector<1x512xf32> to vector<1024x512xf32>
    %add3A_20 = arith.addf %add3A, %add3A_19 : vector<1024x512xf32>
    %mul3A_21 = arith.constant 2.000000e+00 : f32
    %mul3A_22 = vector.broadcast %mul3A_21 : f32 to vector<1024x512xf32>
    %mul3A_23 = arith.mulf %mul3A_22, %dot_general3A_18 : vector<1024x512xf32>
    %sub3A = arith.subf %add3A_20, %mul3A_23 : vector<1024x512xf32>
    %max3A = arith.constant 0.000000e+00 : f32
    %max3A_24 = vector.broadcast %max3A : f32 to vector<1024x512xf32>
    %max3A_25 = arith.maximumf %sub3A, %max3A_24 : vector<1024x512xf32>
    %iota3A = tpu.iota {dimensions = array<i32: 1>} : vector<1024x512xi32>
    %reduce_min3A = arith.constant dense<0x7F800000> : vector<1024xf32>
    %reduce_min3A_26 = vector.multi_reduction <minimumf>, %max3A_25, %reduce_min3A [1] : vector<1024x512xf32> to vector<1024xf32>
    %broadcast_in_dim3A_27 = vector.shape_cast %reduce_min3A_26 : vector<1024xf32> to vector<1024x1xf32>
    %eq3A = vector.broadcast %broadcast_in_dim3A_27 : vector<1024x1xf32> to vector<1024x512xf32>
    %eq3A_28 = arith.cmpf oeq, %max3A_25, %eq3A : vector<1024x512xf32>
    %jit3A = arith.constant 512 : i32
    %broadcast_in_dim3A_29 = vector.broadcast %jit3A : i32 to vector<1024x512xi32>
    %select_n3A = arith.select %eq3A_28, %iota3A, %broadcast_in_dim3A_29 : vector<1024x512xi1>, vector<1024x512xi32>
    %reduce_min3A_30 = arith.constant dense<2147483647> : vector<1024xi32>
    %reduce_min3A_31 = vector.multi_reduction <minsi>, %select_n3A, %reduce_min3A_30 [1] : vector<1024x512xi32> to vector<1024xi32>
    %broadcast_in_dim3A_32 = vector.shape_cast %reduce_min3A_31 : vector<1024xi32> to vector<1024x1xi32>
    %eq3A_33 = vector.broadcast %broadcast_in_dim3A_32 : vector<1024x1xi32> to vector<1024x512xi32>
    %eq3A_34 = arith.cmpi eq, %iota3A, %eq3A_33 : vector<1024x512xi32>
    %jit3A_35 = arith.constant 3.000000e+38 : f32
    %broadcast_in_dim3A_36 = vector.broadcast %jit3A_35 : f32 to vector<1024x512xf32>
    %select_n3A_37 = arith.select %eq3A_34, %broadcast_in_dim3A_36, %max3A_25 : vector<1024x512xi1>, vector<1024x512xf32>
    %reduce_min3A_38 = arith.constant dense<0x7F800000> : vector<1024xf32>
    %reduce_min3A_39 = vector.multi_reduction <minimumf>, %select_n3A_37, %reduce_min3A_38 [1] : vector<1024x512xf32> to vector<1024xf32>
    %broadcast_in_dim3A_40 = vector.shape_cast %reduce_min3A_39 : vector<1024xf32> to vector<1024x1xf32>
    %eq3A_41 = vector.broadcast %broadcast_in_dim3A_40 : vector<1024x1xf32> to vector<1024x512xf32>
    %eq3A_42 = arith.cmpf oeq, %select_n3A_37, %eq3A_41 : vector<1024x512xf32>
    %jit3A_43 = arith.constant 512 : i32
    %broadcast_in_dim3A_44 = vector.broadcast %jit3A_43 : i32 to vector<1024x512xi32>
    %select_n3A_45 = arith.select %eq3A_42, %iota3A, %broadcast_in_dim3A_44 : vector<1024x512xi1>, vector<1024x512xi32>
    %reduce_min3A_46 = arith.constant dense<2147483647> : vector<1024xi32>
    %reduce_min3A_47 = vector.multi_reduction <minsi>, %select_n3A_45, %reduce_min3A_46 [1] : vector<1024x512xi32> to vector<1024xi32>
    %broadcast_in_dim3A_48 = vector.shape_cast %reduce_min3A_47 : vector<1024xi32> to vector<1024x1xi32>
    %eq3A_49 = vector.broadcast %broadcast_in_dim3A_48 : vector<1024x1xi32> to vector<1024x512xi32>
    %eq3A_50 = arith.cmpi eq, %iota3A, %eq3A_49 : vector<1024x512xi32>
    %jit3A_51 = arith.constant 3.000000e+38 : f32
    %broadcast_in_dim3A_52 = vector.broadcast %jit3A_51 : f32 to vector<1024x512xf32>
    %select_n3A_53 = arith.select %eq3A_50, %broadcast_in_dim3A_52, %select_n3A_37 : vector<1024x512xi1>, vector<1024x512xf32>
    %reduce_min3A_54 = arith.constant dense<0x7F800000> : vector<1024xf32>
    %reduce_min3A_55 = vector.multi_reduction <minimumf>, %select_n3A_53, %reduce_min3A_54 [1] : vector<1024x512xf32> to vector<1024xf32>
    %broadcast_in_dim3A_56 = vector.shape_cast %reduce_min3A_55 : vector<1024xf32> to vector<1024x1xf32>
    %eq3A_57 = vector.broadcast %broadcast_in_dim3A_56 : vector<1024x1xf32> to vector<1024x512xf32>
    %eq3A_58 = arith.cmpf oeq, %select_n3A_53, %eq3A_57 : vector<1024x512xf32>
    %jit3A_59 = arith.constant 512 : i32
    %broadcast_in_dim3A_60 = vector.broadcast %jit3A_59 : i32 to vector<1024x512xi32>
    %select_n3A_61 = arith.select %eq3A_58, %iota3A, %broadcast_in_dim3A_60 : vector<1024x512xi1>, vector<1024x512xi32>
    %reduce_min3A_62 = arith.constant dense<2147483647> : vector<1024xi32>
    %reduce_min3A_63 = vector.multi_reduction <minsi>, %select_n3A_61, %reduce_min3A_62 [1] : vector<1024x512xi32> to vector<1024xi32>
    %broadcast_in_dim3A_64 = vector.shape_cast %reduce_min3A_63 : vector<1024xi32> to vector<1024x1xi32>
    %add3A_65 = arith.constant 9.99999993E-9 : f32
    %add3A_66 = vector.broadcast %add3A_65 : f32 to vector<1024x1xf32>
    %add3A_67 = arith.addf %broadcast_in_dim3A_27, %add3A_66 : vector<1024x1xf32>
    %div3A = arith.constant 1.000000e+00 : f32
    %div3A_68 = vector.broadcast %div3A : f32 to vector<1024x1xf32>
    %div3A_69 = arith.divf %div3A_68, %add3A_67 : vector<1024x1xf32>
    %add3A_70 = arith.constant 9.99999993E-9 : f32
    %add3A_71 = vector.broadcast %add3A_70 : f32 to vector<1024x1xf32>
    %add3A_72 = arith.addf %broadcast_in_dim3A_40, %add3A_71 : vector<1024x1xf32>
    %div3A_73 = arith.constant 1.000000e+00 : f32
    %div3A_74 = vector.broadcast %div3A_73 : f32 to vector<1024x1xf32>
    %div3A_75 = arith.divf %div3A_74, %add3A_72 : vector<1024x1xf32>
    %add3A_76 = arith.constant 9.99999993E-9 : f32
    %add3A_77 = vector.broadcast %add3A_76 : f32 to vector<1024x1xf32>
    %add3A_78 = arith.addf %broadcast_in_dim3A_56, %add3A_77 : vector<1024x1xf32>
    %div3A_79 = arith.constant 1.000000e+00 : f32
    %div3A_80 = vector.broadcast %div3A_79 : f32 to vector<1024x1xf32>
    %div3A_81 = arith.divf %div3A_80, %add3A_78 : vector<1024x1xf32>
    %add3A_82 = arith.addf %div3A_69, %div3A_75 : vector<1024x1xf32>
    %add3A_83 = arith.addf %add3A_82, %div3A_81 : vector<1024x1xf32>
    %div3A_84 = arith.divf %div3A_69, %add3A_83 : vector<1024x1xf32>
    %div3A_85 = arith.divf %div3A_75, %add3A_83 : vector<1024x1xf32>
    %div3A_86 = arith.divf %div3A_81, %add3A_83 : vector<1024x1xf32>
    %eq3A_87 = vector.broadcast %broadcast_in_dim3A_32 : vector<1024x1xi32> to vector<1024x512xi32>
    %eq3A_88 = arith.cmpi eq, %iota3A, %eq3A_87 : vector<1024x512xi32>
    %jit3A_89 = arith.constant 0.000000e+00 : f32
    %broadcast_in_dim3A_90 = vector.shape_cast %div3A_84 : vector<1024x1xf32> to vector<1024x1xf32>
    %broadcast_in_dim3A_91 = vector.broadcast %broadcast_in_dim3A_90 : vector<1024x1xf32> to vector<1024x512xf32>
    %broadcast_in_dim3A_92 = vector.broadcast %jit3A_89 : f32 to vector<1024x512xf32>
    %select_n3A_93 = arith.select %eq3A_88, %broadcast_in_dim3A_91, %broadcast_in_dim3A_92 : vector<1024x512xi1>, vector<1024x512xf32>
    %eq3A_94 = vector.broadcast %broadcast_in_dim3A_48 : vector<1024x1xi32> to vector<1024x512xi32>
    %eq3A_95 = arith.cmpi eq, %iota3A, %eq3A_94 : vector<1024x512xi32>
    %jit3A_96 = arith.constant 0.000000e+00 : f32
    %broadcast_in_dim3A_97 = vector.shape_cast %div3A_85 : vector<1024x1xf32> to vector<1024x1xf32>
    %broadcast_in_dim3A_98 = vector.broadcast %broadcast_in_dim3A_97 : vector<1024x1xf32> to vector<1024x512xf32>
    %broadcast_in_dim3A_99 = vector.broadcast %jit3A_96 : f32 to vector<1024x512xf32>
    %select_n3A_100 = arith.select %eq3A_95, %broadcast_in_dim3A_98, %broadcast_in_dim3A_99 : vector<1024x512xi1>, vector<1024x512xf32>
    %add3A_101 = arith.addf %select_n3A_93, %select_n3A_100 : vector<1024x512xf32>
    %eq3A_102 = vector.broadcast %broadcast_in_dim3A_64 : vector<1024x1xi32> to vector<1024x512xi32>
    %eq3A_103 = arith.cmpi eq, %iota3A, %eq3A_102 : vector<1024x512xi32>
    %jit3A_104 = arith.constant 0.000000e+00 : f32
    %broadcast_in_dim3A_105 = vector.shape_cast %div3A_86 : vector<1024x1xf32> to vector<1024x1xf32>
    %broadcast_in_dim3A_106 = vector.broadcast %broadcast_in_dim3A_105 : vector<1024x1xf32> to vector<1024x512xf32>
    %broadcast_in_dim3A_107 = vector.broadcast %jit3A_104 : f32 to vector<1024x512xf32>
    %select_n3A_108 = arith.select %eq3A_103, %broadcast_in_dim3A_106, %broadcast_in_dim3A_107 : vector<1024x512xi1>, vector<1024x512xf32>
    %add3A_109 = arith.addf %add3A_101, %select_n3A_108 : vector<1024x512xf32>
    %get3A_110 = arith.constant 0 : index
    %get3A_111 = arith.constant 0 : index
    %get3A_112 = arith.constant 0 : index
    %get3A_113 = vector.load %arg5[%get3A_110, %get3A_111, %get3A_112] : memref<1x512x256xf32, #tpu.memory_space<vmem>>, vector<1x512x256xf32>
    %get3A_114 = vector.shape_cast %get3A_113 : vector<1x512x256xf32> to vector<512x256xf32>
    %get3A_115 = arith.constant 0 : index
    %get3A_116 = arith.constant 0 : index
    %get3A_117 = vector.load %arg7[%get3A_115, %get3A_116] : memref<256x256xf32, #tpu.memory_space<vmem>>, vector<256x256xf32>
    %dot_general3A_118 = arith.constant dense<0.000000e+00> : vector<512x256xf32>
    %dot_general3A_119 = tpu.matmul %get3A_114, %get3A_117, %dot_general3A_118 {dimension_numbers = #tpu.dot_dimension_numbers<[1], [0], [0], [1], [0, 0, 1, 1], [], []>, transpose_lhs_hint = false} : vector<512x256xf32>, vector<256x256xf32>, vector<512x256xf32> -> vector<512x256xf32>
    %dot_general3A_120 = arith.constant dense<0.000000e+00> : vector<1024x256xf32>
    %dot_general3A_121 = tpu.matmul %add3A_109, %dot_general3A_119, %dot_general3A_120 {dimension_numbers = #tpu.dot_dimension_numbers<[1], [0], [0], [1], [0, 0, 1, 1], [], []>, transpose_lhs_hint = false} : vector<1024x512xf32>, vector<512x256xf32>, vector<1024x256xf32> -> vector<1024x256xf32>
    %get3A_122 = arith.constant 0 : index
    %get3A_123 = arith.constant 0 : index
    %get3A_124 = arith.constant 0 : index
    %get3A_125 = vector.load %arg4[%get3A_122, %get3A_123, %get3A_124] : memref<1x1024x256xf32, #tpu.memory_space<vmem>>, vector<1x1024x256xf32>
    %get3A_126 = vector.shape_cast %get3A_125 : vector<1x1024x256xf32> to vector<1024x256xf32>
    %get3A_127 = arith.constant 0 : index
    %get3A_128 = arith.constant 0 : index
    %get3A_129 = vector.load %arg6[%get3A_127, %get3A_128] : memref<256x256xf32, #tpu.memory_space<vmem>>, vector<256x256xf32>
    %dot_general3A_130 = arith.constant dense<0.000000e+00> : vector<1024x256xf32>
    %dot_general3A_131 = tpu.matmul %get3A_126, %get3A_129, %dot_general3A_130 {dimension_numbers = #tpu.dot_dimension_numbers<[1], [0], [0], [1], [0, 0, 1, 1], [], []>, transpose_lhs_hint = false} : vector<1024x256xf32>, vector<256x256xf32>, vector<1024x256xf32> -> vector<1024x256xf32>
    %add3A_132 = arith.addf %dot_general3A_131, %dot_general3A_121 : vector<1024x256xf32>
    %get3A_133 = arith.constant 0 : index
    %get3A_134 = arith.constant 0 : index
    %get3A_135 = vector.load %arg8[%get3A_133, %get3A_134] : memref<1x256xf32, #tpu.memory_space<vmem>>, vector<1x256xf32>
    %add3A_136 = vector.broadcast %get3A_135 : vector<1x256xf32> to vector<1024x256xf32>
    %add3A_137 = arith.addf %add3A_132, %add3A_136 : vector<1024x256xf32>
    %max3A_138 = arith.constant 0.000000e+00 : f32
    %max3A_139 = vector.broadcast %max3A_138 : f32 to vector<1024x256xf32>
    %max3A_140 = arith.maximumf %add3A_137, %max3A_139 : vector<1024x256xf32>
    %get3A_141 = arith.constant 0 : index
    %get3A_142 = arith.constant 0 : index
    %get3A_143 = vector.load %arg9[%get3A_141, %get3A_142] : memref<256x256xf32, #tpu.memory_space<vmem>>, vector<256x256xf32>
    %dot_general3A_144 = arith.constant dense<0.000000e+00> : vector<1024x256xf32>
    %dot_general3A_145 = tpu.matmul %max3A_140, %get3A_143, %dot_general3A_144 {dimension_numbers = #tpu.dot_dimension_numbers<[1], [0], [0], [1], [0, 0, 1, 1], [], []>, transpose_lhs_hint = false} : vector<1024x256xf32>, vector<256x256xf32>, vector<1024x256xf32> -> vector<1024x256xf32>
    %get3A_146 = arith.constant 0 : index
    %get3A_147 = arith.constant 0 : index
    %get3A_148 = vector.load %arg10[%get3A_146, %get3A_147] : memref<1x256xf32, #tpu.memory_space<vmem>>, vector<1x256xf32>
    %add3A_149 = vector.broadcast %get3A_148 : vector<1x256xf32> to vector<1024x256xf32>
    %add3A_150 = arith.addf %dot_general3A_145, %add3A_149 : vector<1024x256xf32>
    %max3A_151 = arith.constant 0.000000e+00 : f32
    %max3A_152 = vector.broadcast %max3A_151 : f32 to vector<1024x256xf32>
    %max3A_153 = arith.maximumf %add3A_150, %max3A_152 : vector<1024x256xf32>
    %swap3A = arith.constant 0 : index
    %swap3A_154 = arith.constant 0 : index
    %swap3A_155 = arith.constant 0 : index
    %swap3A_156 = vector.load %arg11[%swap3A, %swap3A_154, %swap3A_155] : memref<1x1024x256xf32, #tpu.memory_space<vmem>>, vector<1x1024x256xf32>
    %swap3A_157 = vector.shape_cast %swap3A_156 : vector<1x1024x256xf32> to vector<1024x256xf32>
    %swap3A_158 = vector.shape_cast %max3A_153 : vector<1024x256xf32> to vector<1x1024x256xf32>
    tpu.vector_store %arg11[%swap3A, %swap3A_154, %swap3A_155], %swap3A_158 {strides = array<i32>} : memref<1x1024x256xf32, #tpu.memory_space<vmem>>, vector<1x1024x256xf32>,
    return
  }
  func.func @transform_0(%arg0: i32) -> (i32, i32, i32) {
    %c0_i32 = arith.constant 0 : i32
    %c0_i32_0 = arith.constant 0 : i32
    %c0_i32_1 = arith.constant 0 : i32
    return %arg0, %c0_i32, %c0_i32_0 : i32, i32, i32
  }
  func.func @transform_1(%arg0: i32) -> (i32, i32, i32) {
    %c0_i32 = arith.constant 0 : i32
    %c0_i32_0 = arith.constant 0 : i32
    %c0_i32_1 = arith.constant 0 : i32
    return %arg0, %c0_i32, %c0_i32_0 : i32, i32, i32
  }
  func.func @transform_2(%arg0: i32) -> (i32, i32, i32) {
    %c0_i32 = arith.constant 0 : i32
    %c0_i32_0 = arith.constant 0 : i32
    %c0_i32_1 = arith.constant 0 : i32
    return %arg0, %c0_i32, %c0_i32_0 : i32, i32, i32
  }
  func.func @transform_3(%arg0: i32) -> (i32, i32, i32) {
    %c0_i32 = arith.constant 0 : i32
    %c0_i32_0 = arith.constant 0 : i32
    %c0_i32_1 = arith.constant 0 : i32
    return %arg0, %c0_i32, %c0_i32_0 : i32, i32, i32
  }
  func.func @transform_4(%arg0: i32) -> (i32, i32, i32) {
    %c0_i32 = arith.constant 0 : i32
    %c0_i32_0 = arith.constant 0 : i32
    %c0_i32_1 = arith.constant 0 : i32
    return %arg0, %c0_i32, %c0_i32_0 : i32, i32, i32
  }
  func.func @transform_5(%arg0: i32) -> (i32, i32) {
    %c0_i32 = arith.constant 0 : i32
    %c0_i32_0 = arith.constant 0 : i32
    %c0_i32_1 = arith.constant 0 : i32
    return %c0_i32, %c0_i32_0 : i32, i32
  }
  func.func @transform_6(%arg0: i32) -> (i32, i32) {
    %c0_i32 = arith.constant 0 : i32
    %c0_i32_0 = arith.constant 0 : i32
    %c0_i32_1 = arith.constant 0 : i32
    return %c0_i32, %c0_i32_0 : i32, i32
  }
  func.func @transform_7(%arg0: i32) -> (i32, i32) {
    %c0_i32 = arith.constant 0 : i32
    %c0_i32_0 = arith.constant 0 : i32
    %c0_i32_1 = arith.constant 0 : i32
    return %c0_i32, %c0_i32_0 : i32, i32
  }
  func.func @transform_8(%arg0: i32) -> (i32, i32) {
    %c0_i32 = arith.constant 0 : i32
    %c0_i32_0 = arith.constant 0 : i32
    %c0_i32_1 = arith.constant 0 : i32
    return %c0_i32, %c0_i32_0 : i32, i32
  }
  func.func @transform_9(%arg0: i32) -> (i32, i32) {
    %c0_i32 = arith.constant 0 : i32
    %c0_i32_0 = arith.constant 0 : i32
    %c0_i32_1 = arith.constant 0 : i32
    return %c0_i32, %c0_i32_0 : i32, i32
  }
  func.func @transform_10(%arg0: i32) -> (i32, i32, i32) {
    %c0_i32 = arith.constant 0 : i32
    %c0_i32_0 = arith.constant 0 : i32
    %c0_i32_1 = arith.constant 0 : i32
    return %arg0, %c0_i32, %c0_i32_0 : i32, i32, i32
  }
}

</mosaic_0001>

<sc_bundles>
// kernel: kernel.24.cloned.1.call-start
scs
__scs_entry_jumppad:
0x0: {  	(pc) =	sbr.rel $0x88, $3  }
0x1: {  	(tag) =	ssettag $0x0;
	lr =	simm.s32 $0x1  }
0x2: {  	[smem:$0x3F80] =	sst lr;
	_ =	strace $0xD0000000  }
0x3: {  	_ = 	snop  }
0x4: {  	_ = 	snop  }
0x5: {  	_ = 	snop  }
0x6: {  	_ = 	snop  }
0x7: {  	_ = 	snop  }
__scs_overlays_trampoline_lowered:
0x8: {  	[smem:$0x3F8F] =	sst s0  }
0x9: {  	[smem:$0x3F90] =	sst s1  }
0xa: {  	[smem:$0x3F91] =	sst s2  }
0xb: {  	[smem:$0x3F92] =	sst s3  }
0xc: {  	[smem:$0x3F93] =	sst s4  }
0xd: {  	[smem:$0x3F94] =	sst s5  }
0xe: {  	[smem:$0x3F95] =	sst s6  }
0xf: {  	[smem:$0x3F96] =	sst s7  }
0x10: {  	[smem:$0x3F97] =	sst s8  }
0x11: {  	[smem:$0x3F98] =	sst s9;
	s0 =	simm.s32 @!p0 $0x0  }
0x12: {  	s1 =	sld [smem:$0x3F7E];
	s0 =	simm.s32 @p0 $0x1  }
0x13: {  	[smem:$0x3F99] =	sst s0;
	s0 =	simm.s32 @!p1 $0x0  }
0x14: {  	s2 =	sld [smem:$0x3F7D];
	s0 =	simm.s32 @p1 $0x1  }
0x15: {  	[smem:$0x3F9A] =	sst s0;
	s0 =	simm.s32 @!p2 $0x0  }
0x16: {  	s3 =	sld [smem:$0x3FDB];
	s0 =	simm.s32 @p2 $0x1  }
0x17: {  	s4 =	simm.s32 $0x1BF5;
	[smem:$0x3F9C] =	sst s0  }
0x18: {  	s0 =	sld [smem:$0x3F7F];
	_ =	swait.ge [sflag:s4], $0x0  }
0x19: {  	s7 =	sld [smem:$0x3F80]  }
0x1a: {  	s8 =	sadd.s32 $0xFFFFE003, lr  }
0x1b: {  	s9 =	sadd.s32 $0xFFFFFEF7, lr;
	s5 =	simm.s32 $0xFFFFFFFF;
	p2 =	slt.u32 s8, $0xFFFFF086  }
0x1c: {  	p1 =	slt.u32 s9, $0xF7A;
	s5 =	simm.s32 @!p2 $0x0  }
0x1d: {  	s5 =	simm.s32 @p1 $0x1;
	p0 =	seq.s32 s7, s2  }
0x1e: {  	s7 =	smul.u32 @!p0 $0xF7A, s2;
	p2 =	seq.s32 @!p0 s5, $0x0  }
0x1f: {  	s9 =	smul.u32 $0xF7A, s1;
	s8 =	simm.s32 @!p0 $0x1BF5;
	p2 =	por !p2, p0  }
0x20: {  	[sflag:s8] =	ssyncset.s32 @!p0 $0xFFFFF086;
	s6 =	sadd.s32 @!p0 s3, s7;
	s7 =	simm.s32 @!p0 $0x108  }
0x21: {  	s3 =	sadd.s32 s3, s9;
	s6 =	sadd.s32 @!p0 $0x88, s6;
	s7 =	simm.s32 @p2 $0x1082  }
0x22: {  	[simem:s7], [sflag:s8] =	dma.local @!p0 [hbm:s6], $0xF7A  }
0x23: {  	s9 =	sor.u32 $0xD0000000, s2;
	s6 =	simm.s32 $0x108;
	_ =	swait.ge @!p0 [sflag:s8], $0x0  }
0x24: {  	s3 =	sadd.s32 $0x88, s3;
	s6 =	simm.s32 @!p1 $0x1082;
	[sflag:s4] =	ssyncset.s32 $0xFFFFF086  }
0x25: {  	[simem:s6], [sflag:s4] =	dma.local [hbm:s3], $0xF7A  }
0x26: {  	[smem:$0x3F80] =	sst s1;
	(tag) =	ssettag s2;
	_ =	strace s9  }
0x27: {  	s1 =	sld [smem:$0x3F90]  }
0x28: {  	s2 =	sld [smem:$0x3F91]  }
0x29: {  	s4 =	sld [smem:$0x3F93]  }
0x2a: {  	p0 =	seq.s32 s5, $0x0;
	s5 =	sld [smem:$0x3F94]  }
0x2b: {  	s6 =	sld [smem:$0x3F95]  }
0x2c: {  	s7 =	sld [smem:$0x3F96]  }
0x2d: {  	s3 =	simm.s32 $0x108;
	s8 =	sld [smem:$0x3F97]  }
0x2e: {  	s3 =	simm.s32 @!p0 $0x1082;
	s9 =	sld [smem:$0x3F98]  }
0x2f: {  	lr =	sadd.s32 s0, s3;
	s0 =	sld [smem:$0x3F8F]  }
0x30: {  	s3 =	sld [smem:$0x3F92]  }
0x31: {  	[smem:$0x3F9B] =	sst s10  }
0x32: {  	s10 =	sld [smem:$0x3F99];
	_ =	sdelay $0x3  }
0x33: {  	p0 =	seq.s32 s10, $0x1;
	s10 =	sld [smem:$0x3F9B];
	_ =	sdelay $0x3  }
0x34: {  	[smem:$0x3F9B] =	sst s10  }
0x35: {  	s10 =	sld [smem:$0x3F9A];
	_ =	sdelay $0x3  }
0x36: {  	p1 =	seq.s32 s10, $0x1;
	s10 =	sld [smem:$0x3F9B];
	_ =	sdelay $0x3  }
0x37: {  	[smem:$0x3F9B] =	sst s10  }
0x38: {  	s10 =	sld [smem:$0x3F9C]  }
0x39: {  	_ = 	snop;
	(pc) =	sbr.ind lr, $3  }
0x3a: {  	_ = 	snop  }
0x3b: {  	_ = 	snop  }
0x3c: {  	p2 =	seq.s32 s10, $0x1;
	s10 =	sld [smem:$0x3F9B]  }
0x3d: {  	_ =	shalt  }
0x3e: {  	_ =	shalt  }
0x3f: {  	_ =	shalt  }
0x40: {  	_ =	shalt  }
0x41: {  	_ =	shalt  }
0x42: {  	_ =	shalt  }
0x43: {  	_ =	shalt  }
0x44: {  	_ =	shalt  }
0x45: {  	_ =	shalt  }
0x46: {  	_ =	shalt  }
0x47: {  	_ =	shalt  }
0x48: {  	_ =	shalt  }
0x49: {  	_ =	shalt  }
0x4a: {  	_ =	shalt  }
0x4b: {  	_ =	shalt  }
0x4c: {  	_ =	shalt  }
0x4d: {  	_ =	shalt  }
0x4e: {  	_ =	shalt  }
0x4f: {  	_ =	shalt  }
0x50: {  	_ =	shalt  }
0x51: {  	_ =	shalt  }
0x52: {  	_ =	shalt  }
0x53: {  	_ =	shalt  }
0x54: {  	_ =	shalt  }
0x55: {  	_ =	shalt  }
0x56: {  	_ =	shalt  }
0x57: {  	_ =	shalt  }
0x58: {  	_ =	shalt  }
0x59: {  	_ =	shalt  }
0x5a: {  	_ =	shalt  }
0x5b: {  	_ =	shalt  }
0x5c: {  	_ =	shalt  }
0x5d: {  	_ =	shalt  }
0x5e: {  	_ =	shalt  }
0x5f: {  	_ =	shalt  }
0x60: {  	_ =	shalt  }
0x61: {  	_ =	shalt  }
0x62: {  	_ =	shalt  }
0x63: {  	_ =	shalt  }
0x64: {  	_ =	shalt  }
0x65: {  	_ =	shalt  }
0x66: {  	_ =	shalt  }
0x67: {  	_ =	shalt  }
0x68: {  	_ =	shalt  }
0x69: {  	_ =	shalt  }
0x6a: {  	_ =	shalt  }
0x6b: {  	_ =	shalt  }
0x6c: {  	_ =	shalt  }
0x6d: {  	_ =	shalt  }
0x6e: {  	_ =	shalt  }
0x6f: {  	_ =	shalt  }
0x70: {  	_ =	shalt  }
0x71: {  	_ =	shalt  }
0x72: {  	_ =	shalt  }
0x73: {  	_ =	shalt  }
0x74: {  	_ =	shalt  }
0x75: {  	_ =	shalt  }
0x76: {  	_ =	shalt  }
0x77: {  	_ =	shalt  }
0x78: {  	_ =	shalt  }
0x79: {  	_ =	shalt  }
0x7a: {  	_ =	shalt  }
0x7b: {  	_ =	shalt  }
0x7c: {  	_ =	shalt  }
0x7d: {  	_ =	shalt  }
0x7e: {  	_ =	shalt  }
0x7f: {  	_ =	shalt  }
0x80: {  	_ =	shalt  }
0x81: {  	_ =	shalt  }
0x82: {  	_ =	shalt  }
0x83: {  	_ =	shalt  }
0x84: {  	_ =	shalt  }
0x85: {  	_ =	shalt  }
0x86: {  	_ =	shalt  }
0x87: {  	_ =	shalt  }
.Lfunc_end0:
.L_simem_size_0:
called_computation_lowered:
.L_overlay_start_0:
0x88: {  	s2 =	sld [smem:$0x3FD9]  }
0x89: {  	s3 =	sld [smem:$0x3FFE];
	_ =	sdelay $0x1  }
0x8a: {  	s1 =	srdreg.scid  }
0x8b: {  	s0 =	sand.u32 $0x1, s1  }
0x8c: {  	s14 =	sshll.u32 s0, $0xA;
	s2 =	sadd.s32 s3, s2  }
0x8d: {  	s2 =	sadd.s32 s2, s14  }
0x8e: {  	[smem:$0x3FA7] =	sst s2  }
0x8f: {  	_ = 	snop  }
0x90: {  	s2 =	sld [smem:$0x3FD0];
	_ =	sdelay $0x2  }
0x91: {  	s15 =	simm.s32 $0xB;
	s4 =	simm.s32 $0x10  }
0x92: {  	[smem:s4], [sflag:s15] =	dma.local [hbm:s2], $0x1  }
0x93: {  	_ =	swait.eq [sflag:s15], $0x1  }
0x94: {  	s16 =	sld [smem:$0x10];
	[sflag:s15] =	ssyncset.done $0x0  }
0x95: {  	s17 =	sld [smem:$0x11];
	[sflag:s15] =	ssyncadd.s32 $0xFFFFFFFF  }
0x96: {  	s18 =	sld [smem:$0x12];
	(tm) =	ssettm $0x1  }
0x97: {  	s5 =	sld [smem:$0x3FFB];
	_ =	sdelay $0x3  }
0x98: {  	_ =	strace s5  }
0x99: {  	s5 =	sld [smem:$0x3FFC];
	_ =	sdelay $0x3  }
0x9a: {  	_ =	strace s5  }
0x9b: {  	s5 =	sld [smem:$0x3FFD];
	_ =	sdelay $0x3  }
0x9c: {  	_ =	strace s5  }
0x9d: {  	_ =	strace $0x8FFFFFFF  }
0x9e: {  	s19 =	sld [smem:$0x3FDB];
	_ =	sdelay $0x1  }
0x9f: {  	s6 =	simm.s32 $_scs_section_size  }
0xa0: {  	s7 =	simm.s32 $_size__tile_overlayer_lowered;
	s8 =	simm.s32 $_tile_overlayer_lowered  }
0xa1: {  	s22 =	simm.s32 $0x1BFF;
	s21 =	sshll.u32 s8, $0x1;
	s5 =	sadd.s32 s6, s19  }
0xa2: {  	s9 =	simm.s32 $0x0;
	s20 =	sshll.u32 s7, $0x1;
	s7 =	sadd.s32 s21, s5  }
0xa3: {  	[timem:s9], [sflag:s22] =	dma.local [hbm:s7], s20  }
0xa4: {  	_ =	swait.ge [sflag:s22], s20  }
0xa5: {  	s6 =	ssub.s32 $0x0, s20;
	[sflag:s22] =	ssyncset.done $0x0  }
0xa6: {  	[sflag:s22] =	ssyncadd.s32 s6;
	_ =	sdelay $0x1  }
0xa7: {  	s23 =	simm.s32 $0x1B8B  }
0xa8: {  	_ =	swait.ge [sflag:s23], $0x1  }
0xa9: {  	[sflag:s23] =	ssyncset.done $0x0  }
0xaa: {  	s25 =	simm.s32 $0x1B8E;
	s24 =	sld [smem:$0x3FFE];
	[sflag:s23] =	ssyncadd.s32 $0xFFFFFFFF  }
0xab: {  	s26 =	simm.s32 $execute0_lowered;
	[smem:$0x3FD2] =	sst s25  }
0xac: {  	s7 =	sshll.u32 s26, $0x1;
	_ =	strace $0x80000046;
	[dreg:$0x1] =	wrdreg $0xFFFFFFFF  }
0xad: {  	s28 =	simm.s32 $_size_execute0_lowered;
	s5 =	sadd.s32 s5, s7;
	[dreg:$0x0] =	wrdreg $0x0  }
0xae: {  	s7 =	sshll.u32 s28, $0x1;
	[dreg:$0x2] =	wrdreg s5  }
0xaf: {  	[dreg:$0x3] =	wrdreg s7  }
0xb0: {  	[dreg:$0x4] =	wrdreg $0xC0  }
0xb1: {  	_ =	task [dreg:s9], $0x5FFFF  }
0xb2: {  	[dreg:$0x1] =	wrdreg $0xFFFFFFFF  }
0xb3: {  	[dreg:$0x0] =	wrdreg $0x60  }
0xb4: {  	[dreg:$0x2] =	wrdreg s24  }
0xb5: {  	[dreg:$0x3] =	wrdreg s17  }
0xb6: {  	[dreg:$0x4] =	wrdreg s18  }
0xb7: {  	[dreg:$0x5] =	wrdreg s16  }
0xb8: {  	[dreg:$0x6] =	wrdreg $0x9  }
0xb9: {  	_ =	task.clear_ibuf [dreg:s9], $0x7FFFF;
	_ =	strace $0x90000046  }
0xba: {  	s29 =	simm.s32 $0x9;
	_ =	strace $0x80000048  }
0xbb: {  	_ =	swait.ge [sflag:s29], $0x1  }
0xbc: {  	[sflag:s29] =	ssyncadd.s32 $0xFFFFFFFF  }
0xbd: {  	_ =	strace $0x90000048  }
0xbe: {  	_ =	sfence  }
0xbf: {  	s30 =	sld [smem:$0x0];
	_ =	sdelay $0x2  }
0xc0: {  	s31 =	sshll.u32 s1, $0xD;
	s1 =	sshrl.u32 s1, $0x2  }
0xc1: {  	s3 =	sand.u32 $0x4000, s31;
	s1 =	sadd.s32 s1, s30  }
0xc2: {  	s0 =	sor.u32 s3, s0;
	s1 =	sshll.u32 s1, $0x11  }
0xc3: {  	s0 =	sor.u32 s1, s0  }
0xc4: {  	s0 =	sadd.s32 $0x8F2B, s0  }
0xc5: {  	[sflag:s0] =	ssyncadd.remote.s32 $0x1  }
0xc6: {  	_ =	sfence.sel $0xFFFF  }
0xc7: {  	[dreg:$0x0] =	wrdreg $0xFFFFFFFF;
	(pc) =	sbr.abs _section_cstart, $3  }
0xc8: {  	[dreg:$0x1] =	wrdreg $0xFFFFFFFF  }
0xc9: {  	_ =	task.clear_ibuf [dreg:s9], $0x2FFFF;
	_ =	strace $0x9FFFFFFF  }
0xca: {  	(tm) =	ssettm $0x7FFFFFFF  }
0xcb: {  	_ =	shalt  }
tec
execute0_lowered:
.L_overlay_start_1:
0x0: {  	(tag) =	ssettag $0x1  }
0x1: {  	s4 =	rddreg [dreg:$0x0]  }
0x2: {  	s7 =	rddreg [dreg:$0x1]  }
0x3: {  	s1 =	rddreg [dreg:$0x2]  }
0x4: {  	s10 =	rddreg [dreg:$0x3]  }
0x5: {  	s0 =	rddreg [dreg:$0x4];
	s3 =	simm.s32 $0x0  }
0x6: {  	s2 =	stileid.u32;
	s5 =	srdreg.scid;
	s15 =	simm.s32 $0x4000  }
0x7: {  	s16 =	simm.s32 $0x8000;
	s17 =	simm.s32 $0x10000;
	s18 =	simm.s32 $0x10080  }
0x8: {  	s19 =	simm.s32 $0x10100;
	s20 =	simm.s32 $0x10180;
	s21 =	simm.s32 $0x0  }
0x9: {  	[smem:$0x7FF] =	sst s3;
	s5 =	sand.u32 $0x1, s5;
	s6 =	sshll.u32 s2, $0x1  }
0xa: {  	s8 =	sshll.u32 s2, $0x8;
	s31 =	sshll.u32 s2, $0xB;
	_ =	strace $0x80000047  }
0xb: {  	s6 =	sor.u32 s5, s6;
	s5 =	ssub.s32 $0x2, s5;
	s8 =	sand.u32 $0x800, s8  }
0xc: {  	s9 =	sshll.u32 s6, $0x4;
	s11 =	sshrl.u32 s5, $0x1;
	s8 =	sadd.s32 s8, s4  }
0xd: {  	s13 =	sshll.u32 s6, $0xA;
	s12 =	sadd.s32 s9, s4;
	s11 =	ssub.s32 s5, s11  }
0xe: {  	s4 =	sadd.s32 $0xB800, s8;
	s5 =	sadd.s32 $0xC800, s8;
	s6 =	sadd.s32 $0xD800, s8  }
0xf: {  	v1 =	vlaneseq.u32;
	s7 =	sadd.s32 s7, s9;
	s14 =	sor.u32 $0x3FFF, s13;
	s10 =	sadd.s32 s10, s13  }
0x10: {  	vm0 =	vmxor vm0, vm0;
	v2 =	vimm.s32 $0x0;
	v3 =	vor.u32 $0x10, v1;
	s13 =	simm.s32 $0x12200;
	s8 =	sadd.s32 $0xE800, s12;
	s9 =	sadd.s32 $0xEA00, s12  }
0x11: {  	v4 =	vor.u32 $0x20, v1;
	v5 =	vor.u32 $0x30, v1;
	s11 =	smax.u32 s11, $0x1;
	s12 =	sand.u32 $0x4000, s31;
	v0 =	vmov s14;
	s14 =	simm.s32 $0x1  }
.LBB2_1:
0x12: {  	[tilespmem:s13], [sflag:$0x1] =	stream.linear.gather [hbm4b:s1+s3], $0x1, $0x38;
	[tilespmem:$0x12280] =	vst v63  }
0x13: {  	_ =	swait.ge [sflag:s14], $0x1  }
0x14: {  	[sflag:s14] =	ssyncset.done $0x0  }
0x15: {  	[sflag:s14] =	ssyncadd.s32 $0xFFFFFFFF  }
0x16: {  	v6 =	vld [tilespmem:$0x12200];
	[tilespmem:s3], [sflag:$0x1] =	stream.linear.gather [hbm4b:s4+s3], $0x4000, $0x38  }
0x17: {  	_ =	swait.ge [sflag:s14], $0x4000  }
0x18: {  	[sflag:s14] =	ssyncset.done $0x0  }
0x19: {  	[sflag:s14] =	ssyncadd.s32 $0xFFFFC000  }
0x1a: {  	[tilespmem:s15], [sflag:$0x1] =	stream.linear.gather [hbm4b:s5+s3], $0x4000, $0x38;
	[tilespmem:$0x12280] =	vst v63  }
0x1b: {  	_ =	swait.ge [sflag:s14], $0x4000  }
0x1c: {  	[sflag:s14] =	ssyncset.done $0x0  }
0x1d: {  	[sflag:s14] =	ssyncadd.s32 $0xFFFFC000  }
0x1e: {  	[tilespmem:s16], [sflag:$0x1] =	stream.linear.gather [hbm4b:s6+s3], $0x4000, $0x38;
	[tilespmem:$0x12280] =	vst v63  }
0x1f: {  	_ =	swait.ge [sflag:s14], $0x4000  }
0x20: {  	[sflag:s14] =	ssyncset.done $0x0  }
0x21: {  	[sflag:s14] =	ssyncadd.s32 $0xFFFFC000  }
0x22: {  	[tilespmem:s17], [sflag:$0x1] =	stream.linear.gather [hbm4b:s7+s3], $0x80, $0x38;
	[tilespmem:$0x12280] =	vst v63  }
0x23: {  	_ =	swait.ge [sflag:s14], $0x80  }
0x24: {  	[sflag:s14] =	ssyncset.done $0x0  }
0x25: {  	[sflag:s14] =	ssyncadd.s32 $0xFFFFFF80  }
0x26: {  	[tilespmem:s18], [sflag:$0x1] =	stream.linear.gather [hbm4b:s8+s3], $0x80, $0x38;
	[tilespmem:$0x12280] =	vst v63  }
0x27: {  	_ =	swait.ge [sflag:s14], $0x80  }
0x28: {  	[sflag:s14] =	ssyncset.done $0x0  }
0x29: {  	[sflag:s14] =	ssyncadd.s32 $0xFFFFFF80  }
0x2a: {  	[tilespmem:s19], [sflag:$0x1] =	stream.linear.gather [hbm4b:s9+s3], $0x80, $0x38;
	[tilespmem:$0x12280] =	vst v63  }
0x2b: {  	_ =	swait.ge [sflag:s14], $0x80  }
0x2c: {  	[sflag:s14] =	ssyncset.done $0x0  }
0x2d: {  	s22 =	simm.s32 $0x0;
	[sflag:s14] =	ssyncadd.s32 $0xFFFFFF80  }
0x2e: {  	v7 =	vld [tilespmem:s22+$0x0]  }
0x2f: {  	v8 =	vld [tilespmem:s22+$0x4000]  }
0x30: {  	v9 =	vld [tilespmem:s22+$0x8000];
	_ =	sdelay $0x3  }
0x31: {  	v10 =	vshrl.u32 v7, $0x10;
	v11 =	vmul.f32 v7, v7  }
0x32: {  	v12 =	vshrl.u32 v8, $0x10;
	v63 =	vshrl.u32 v9, $0x10;
	v10 =	vand.u32 $0x1, v10  }
0x33: {  	v7 =	vadd.s32 v10, v7;
	v10 =	vand.u32 $0x1, v12;
	v12 =	vand.u32 $0x1, v63  }
0x34: {  	v7 =	vadd.s32 $0x7FFF, v7;
	v10 =	vadd.s32 v10, v8;
	v8 =	vmul.f32 v8, v8  }
0x35: {  	v12 =	vadd.s32 v12, v9;
	v7 =	vand.u32 $0xFFFF0000, v7;
	v10 =	vadd.s32 $0x7FFF, v10  }
0x36: {  	s23 =	simm.s32 $0x10;
	v12 =	vadd.s32 $0x7FFF, v12;
	[tilespmem:s22+$0x0] =	vst v7;
	v10 =	vand.u32 $0xFFFF0000, v10  }
0x37: {  	s24 =	simm.s32 $0x80;
	v9 =	vmul.f32 v9, v9;
	v8 =	vadd.f32 v8, v11;
	v7 =	vld [tilespmem:s23+$0x0];
	[tilespmem:s22+$0x4000] =	vst v10;
	v10 =	vand.u32 $0xFFFF0000, v12  }
.LBB2_2:
0x38: {  	p0 =	seq.s32 s24, $0xFFC0;
	v11 =	vld [tilespmem:s23+$0x4000];
	[tilespmem:s22+$0x8000] =	vst v10  }
0x39: {  	v10 =	vld [tilespmem:s23+$0x8000];
	v8 =	vadd.f32 v9, v8;
	_ =	sdelay $0x1  }
0x3a: {  	[tilespmem:s22+$0xC000] =	vst v8;
	s22 =	smov.u32 s23  }
0x3b: {  	v8 =	vmul.f32 v7, v7;
	v9 =	vshrl.u32 v7, $0x10  }
0x3c: {  	v12 =	vmul.f32 v11, v11;
	v9 =	vand.u32 $0x1, v9;
	v13 =	vshrl.u32 v11, $0x10  }
.Ltmp0:
0x3d: {  	v7 =	vadd.s32 v9, v7;
	v9 =	vand.u32 $0x1, v13;
	v13 =	vshrl.u32 v10, $0x10;
	(pc) =	sbr.rel @!p0 .LBB2_2-.Ltmp0, $4  }
0x3e: {  	v7 =	vadd.s32 $0x7FFF, v7;
	v9 =	vadd.s32 v9, v11;
	v11 =	vand.u32 $0x1, v13  }
0x3f: {  	v7 =	vand.u32 $0xFFFF0000, v7;
	v9 =	vadd.s32 $0x7FFF, v9;
	v11 =	vadd.s32 v11, v10  }
0x40: {  	s23 =	sshra.s32 s24, $0x2;
	v8 =	vadd.f32 v12, v8;
	[tilespmem:s22+$0x0] =	vst v7;
	v12 =	vand.u32 $0xFFFF0000, v9;
	v11 =	vadd.s32 $0x7FFF, v11  }
0x41: {  	s24 =	sadd.s32 $0x40, s24;
	v9 =	vmul.f32 v10, v10;
	v7 =	vld [tilespmem:s23+$0x0];
	[tilespmem:s22+$0x4000] =	vst v12;
	v10 =	vand.u32 $0xFFFF0000, v11  }
0x42: {  	v11 =	vld [tilespmem:s23+$0x4000]  }
0x43: {  	[tilespmem:s22+$0x8000] =	vst v10  }
0x44: {  	v10 =	vld [tilespmem:s23+$0x8000];
	_ =	sdelay $0x1  }
0x45: {  	v8 =	vadd.f32 v9, v8;
	v61 =	vshrl.u32 v7, $0x10  }
0x46: {  	v12 =	vmul.f32 v7, v7;
	v9 =	vand.u32 $0x1, v61;
	v13 =	vshrl.u32 v11, $0x10  }
0x47: {  	v62 =	vmul.f32 v11, v11;
	v7 =	vadd.s32 v9, v7;
	v13 =	vand.u32 $0x1, v13  }
0x48: {  	v63 =	vshrl.u32 v10, $0x10;
	v11 =	vadd.s32 v13, v11;
	v7 =	vadd.s32 $0x7FFF, v7  }
0x49: {  	v13 =	vand.u32 $0x1, v63;
	v9 =	vadd.f32 v62, v12;
	v7 =	vand.u32 $0xFFFF0000, v7  }
0x4a: {  	[tilespmem:s22+$0xC000] =	vst v8;
	v11 =	vadd.s32 $0x7FFF, v11;
	v8 =	vadd.s32 v13, v10;
	v10 =	vmul.f32 v10, v10  }
0x4b: {  	[tilespmem:s23+$0x0] =	vst v7;
	v7 =	vand.u32 $0xFFFF0000, v11;
	v8 =	vadd.s32 $0x7FFF, v8  }
0x4c: {  	[tilespmem:s23+$0x4000] =	vst v7;
	v7 =	vand.u32 $0xFFFF0000, v8;
	v8 =	vadd.f32 v10, v9  }
0x4d: {  	[tilespmem:s23+$0x8000] =	vst v7  }
0x4e: {  	v6 =	vbroadcast v6, $0x0;
	s22 =	simm.s32 $0x0;
	[tilespmem:s23+$0xC000] =	vst v8  }
.LBB2_4:
0x4f: {  	s23 =	sshll.u32 s22, $0x4  }
0x50: {  	v7 =	vld [tilespmem:s23+$0x10000]  }
0x51: {  	v8 =	vld [tilespmem:s23+$0x10080]  }
0x52: {  	s24 =	simm.s32 $0x0;
	v9 =	vld [tilespmem:s23+$0x10100]  }
.LBB2_5:
0x53: {  	_ =	sdelay $0x1  }
0x54: {  	v10 =	vmov s24  }
0x55: {  	s25 =	simm.s32 $0x0;
	v11 =	vperm.xlane v7, v10;
	v12 =	vperm.xlane v8, v10  }
0x56: {  	v14 =	vld [tilespmem:s25+$0x0];
	v13 =	vperm.xlane v9, v10  }
0x57: {  	v17 =	vld [tilespmem:s25+$0x4000];
	v15 =	vmul.f32 v11, v11;
	v10 =	vshrl.u32 v11, $0x10;
	v16 =	vshrl.u32 v12, $0x10  }
0x58: {  	v18 =	vmul.f32 v12, v12;
	v10 =	vand.u32 $0x1, v10;
	v16 =	vand.u32 $0x1, v16  }
0x59: {  	v10 =	vadd.s32 v10, v11;
	v11 =	vadd.s32 v16, v12;
	v12 =	vshrl.u32 v13, $0x10;
	v16 =	vld [tilespmem:s25+$0x8000]  }
0x5a: {  	v10 =	vadd.s32 $0x7FFF, v10;
	v11 =	vadd.s32 $0x7FFF, v11;
	v12 =	vand.u32 $0x1, v12  }
0x5b: {  	v10 =	vand.u32 $0xFFFF0000, v10;
	v11 =	vand.u32 $0xFFFF0000, v11;
	v12 =	vadd.s32 v12, v13  }
0x5c: {  	v14 =	vmul.f32 v10, v14;
	v12 =	vadd.s32 $0x7FFF, v12;
	v17 =	vmul.f32 v11, v17  }
0x5d: {  	v15 =	vadd.f32 v18, v15;
	v18 =	vld [tilespmem:s25+$0xC000];
	v12 =	vand.u32 $0xFFFF0000, v12  }
0x5e: {  	v13 =	vmul.f32 v13, v13;
	v17 =	vadd.f32 v17, v14;
	v16 =	vmul.f32 v12, v16;
	_ =	sdelay $0x1  }
0x5f: {  	v14 =	vadd.f32 v13, v15;
	v13 =	vadd.f32 v16, v17;
	_ =	sdelay $0x1  }
0x60: {  	v15 =	vadd.f32 v18, v14;
	v13 =	vadd.f32 v13, v13;
	_ =	sdelay $0x1  }
0x61: {  	s31 =	sor.u32 s23, s24;
	v13 =	vsub.f32 v15, v13  }
0x62: {  	p0 =	por $0x1, $0x1;
	vm1 =	vmmov vm0;
	s25 =	sshll.u32 s31, $0x8  }
0x63: {  	vm1 =	vmneg @p0 vm1;
	s25 =	sshra.s32 s25, $0x2;
	vm2 =	vle.f32 v13, v6  }
0x64: {  	s26 =	sadd.s32 $0x10180, s25;
	vm1 =	vmand vm1, vm2  }
0x65: {  	v13 =	vmov s26;
	_ =	sdelay $0x3  }
0x66: {  	s28 =	simm.s32 $0x0;
	v15 =	vor.u32 s12, v1  }
0x67: {  	[tilespmem:v13+s28+$0x0 ss:$0x1] =	vst.idx.msk vm1, v15;
	v15 =	vsel vm1, $0x1, v2  }
0x68: {  	s29 =	simm.s32 $0x10;
	(xrf0) =	vadd.scan.msk.s32 $0xffff, v15  }
0x69: {  	v15 =	vld [tilespmem:s29+$0x4000];
	_ =	sdelay $0x4  }
0x6a: {  	v18 =	vmul.f32 v11, v15;
	v15, _, _ =	vpop (xrf0)  }
0x6b: {  	(v2sf) =	vpush v15, $0xF;
	_ =	sdelay $0x2  }
0x6c: {  	v16 =	vld [tilespmem:s29+$0x0];
	_ =	sdelay $0x1  }
0x6d: {  	v17 =	vld [tilespmem:s29+$0x8000];
	_ =	sdelay $0x2  }
0x6e: {  	v16 =	vmul.f32 v10, v16  }
0x6f: {  	v15 =	vld [tilespmem:s29+$0xC000]  }
0x70: {  	v17 =	vmul.f32 v12, v17;
	v16 =	vadd.f32 v18, v16  }
0x71: {  	s30 =	simm.s32 $0xC0;
	s26 =	simm.s32 $0x80;
	s29 =	smov.u32 s12  }
.LBB2_6:
0x72: {  	p0 =	sne.s32 s30, $0xFFC0;
	v16 =	vadd.f32 v17, v16;
	_ =	sdelay $0x1  }
0x73: {  	v15 =	vadd.f32 v15, v14;
	v16 =	vadd.f32 v16, v16  }
0x74: {  	s31 =	spop (v2sf)  }
0x75: {  	v15 =	vsub.f32 v15, v16;
	s28 =	sadd.s32 s28, s31  }
0x76: {  	vm2 =	vmmov vm0;
	p1 =	slt.s32 s28, $0x40  }
0x77: {  	vm1 =	vle.f32 v15, v6;
	vm2 =	vmneg @p1 vm2  }
0x78: {  	vm1 =	vmand vm2, vm1  }
0x79: {  	v15 =	vsel vm1, $0x1, v2  }
0x7a: {  	(xrf0) =	vadd.scan.msk.s32 $0xffff, v15;
	_ =	sdelay $0x1  }
0x7b: {  	s29 =	sadd.s32 $0x10, s29  }
0x7c: {  	v15 =	vor.u32 s29, v1  }
0x7d: {  	[tilespmem:v13+s28+$0x0 ss:$0x1] =	vst.idx.msk vm1, v15;
	_ =	sdelay $0x1  }
0x7e: {  	v15, _, _ =	vpop (xrf0)  }
0x7f: {  	(v2sf) =	vpush v15, $0xF  }
0x80: {  	s31 =	sshra.s32 s26, $0x2;
	s26 =	smov.u32 s30  }
0x81: {  	v15 =	vld [tilespmem:s31+$0x0]  }
0x82: {  	v16 =	vld [tilespmem:s31+$0x4000];
	_ =	sdelay $0x1  }
0x83: {  	v17 =	vld [tilespmem:s31+$0x8000];
	_ =	sdelay $0x1  }
.Ltmp1:
0x84: {  	(pc) =	sbr.rel @p0 .LBB2_6-.Ltmp1, $4  }
0x85: {  	v18 =	vmul.f32 v10, v15;
	v16 =	vmul.f32 v11, v16  }
0x86: {  	v15 =	vld [tilespmem:s31+$0xC000]  }
0x87: {  	v16 =	vadd.f32 v16, v18;
	v17 =	vmul.f32 v12, v17  }
0x88: {  	s30 =	sadd.s32 $0x40, s30  }
0x89: {  	v16 =	vadd.f32 v17, v16;
	_ =	sdelay $0x1  }
0x8a: {  	v15 =	vadd.f32 v15, v14;
	v16 =	vadd.f32 v16, v16  }
0x8b: {  	s30 =	spop (v2sf)  }
0x8c: {  	v15 =	vsub.f32 v15, v16;
	s28 =	sadd.s32 s28, s30  }
0x8d: {  	vm1 =	vmmov vm0;
	p0 =	slt.s32 s28, $0x40  }
0x8e: {  	vm2 =	vle.f32 v15, v6;
	vm1 =	vmneg @p0 vm1  }
0x8f: {  	vm1 =	vmand vm1, vm2  }
0x90: {  	v56 =	vsel vm1, $0x1, v2  }
0x91: {  	(xrf0) =	vadd.scan.msk.s32 $0xffff, v56;
	_ =	sdelay $0x5  }
0x92: {  	s29 =	sadd.s32 $0x10, s29;
	v15, _, _ =	vpop (xrf0)  }
0x93: {  	v57 =	vor.u32 s29, v1;
	(v2sf) =	vpush v15, $0xF  }
0x94: {  	s26 =	sshra.s32 s26, $0x2;
	[tilespmem:v13+s28+$0x0 ss:$0x1] =	vst.idx.msk vm1, v57  }
0x95: {  	v58 =	vld [tilespmem:s26+$0x0]  }
0x96: {  	v16 =	vld [tilespmem:s26+$0x4000];
	_ =	sdelay $0x1  }
0x97: {  	v59 =	vld [tilespmem:s26+$0x8000];
	_ =	sdelay $0x2  }
0x98: {  	v10 =	vmul.f32 v10, v58;
	v11 =	vmul.f32 v11, v16  }
0x99: {  	v60 =	vld [tilespmem:s26+$0xC000]  }
0x9a: {  	v10 =	vadd.f32 v11, v10;
	v11 =	vmul.f32 v12, v59;
	_ =	sdelay $0x1  }
0x9b: {  	v10 =	vadd.f32 v11, v10;
	_ =	sdelay $0x1  }
0x9c: {  	v11 =	vadd.f32 v60, v14;
	v10 =	vadd.f32 v10, v10  }
0x9d: {  	s31 =	spop (v2sf)  }
0x9e: {  	v10 =	vsub.f32 v11, v10;
	s26 =	sadd.s32 s28, s31  }
0x9f: {  	vm1 =	vmmov vm0;
	p0 =	slt.s32 s26, $0x40  }
0xa0: {  	vm2 =	vle.f32 v10, v6;
	vm1 =	vmneg @p0 vm1  }
0xa1: {  	vm1 =	vmand vm1, vm2  }
0xa2: {  	v10 =	vsel vm1, $0x1, v2  }
0xa3: {  	(xrf0) =	vadd.scan.msk.s32 $0xffff, v10;
	_ =	sdelay $0x5  }
0xa4: {  	v10, _, _ =	vpop (xrf0)  }
0xa5: {  	(v2sf) =	vpush v10, $0xF;
	_ =	sdelay $0x7  }
0xa6: {  	s30 =	sadd.s32 $0x10, s29  }
0xa7: {  	v10 =	vor.u32 s30, v1  }
0xa8: {  	[tilespmem:v13+s26+$0x0 ss:$0x1] =	vst.idx.msk vm1, v10  }
0xa9: {  	v10 =	vld [tilespmem:s25+$0x10180];
	_ =	sdelay $0x3  }
0xaa: {  	v11 =	vld [tilespmem:s25+$0x10190];
	s31 =	spop (v2sf)  }
0xab: {  	v13 =	vld [tilespmem:s25+$0x101A0];
	v61 =	vperm.xlane v10, v2;
	s26 =	sadd.s32 s26, s31  }
0xac: {  	s24 =	sadd.s32 $0x1, s24;
	v63 =	vld [tilespmem:s25+$0x101B0];
	p6 =	sgt.s32 s26, $0x0;
	v62 =	vmov s26  }
0xad: {  	p0 =	sne.s32 s24, $0x10;
	v12 =	vpsel p6, v61, v0;
	vm1 =	vgt.s32 v62, v1  }
.Ltmp2:
0xae: {  	v10 =	vsel vm1, v10, v12;
	vm1 =	vgt.s32 v62, v3;
	(pc) =	sbr.rel @p0 .LBB2_5-.Ltmp2, $4  }
0xaf: {  	[tilespmem:s25+$0x10180] =	vst v10;
	v10 =	vsel vm1, v11, v12;
	vm1 =	vgt.s32 v62, v4  }
0xb0: {  	[tilespmem:s25+$0x10190] =	vst v10;
	v10 =	vsel vm1, v13, v12;
	vm1 =	vgt.s32 v62, v5  }
0xb1: {  	[tilespmem:s25+$0x101A0] =	vst v10;
	v10 =	vsel vm1, v63, v12  }
0xb2: {  	[tilespmem:s25+$0x101B0] =	vst v10  }
0xb3: {  	s22 =	sadd.s32 $0x1, s22  }
0xb4: {  	p0 =	sne.s32 s22, $0x8  }
.Ltmp3:
0xb5: {  	_ = 	snop;
	(pc) =	sbr.rel @p0 .LBB2_4-.Ltmp3, $1  }
0xb6: {  	_ =	sdelay $0x3  }
0xb7: {  	s21 =	sadd.s32 $0x1, s21  }
0xb8: {  	p0 =	sne.s32 s21, s11  }
.Ltmp4:
0xb9: {  	_ = 	snop;
	(pc) =	sbr.rel @p0 .LBB2_1-.Ltmp4, $4  }
0xba: {  	[hbm4b:s10+s3] =	stream.linear.scatter [tilespmem:s20], [sflag:$0x1], $0x2000, $0x38;
	[tilespmem:$0x12280] =	vst v63  }
0xbb: {  	_ =	swait.ge [sflag:s14], $0x2000  }
0xbc: {  	[sflag:s14] =	ssyncset.done $0x0  }
0xbd: {  	[sflag:s14] =	ssyncadd.s32 $0xFFFFE000  }
0xbe: {  	_ =	sfence.sel $0x180000  }
0xbf: {  	[bflag:$0x0] =	sbarrier.arrive $0xFFFF  }
0xc0: {  	p0 =	sne.s32 s2, $0x0;
	_ =	strace $0x90000047  }
0xc1: {  	s0 =	sadd.s32 @!p0 $0x100000, s0;
	[bflag:$0x2] =	sbarrier.arrive $0xFFFF  }
0xc2: {  	[sflag:s0] =	ssyncadd.tile.s32 @!p0 $0x1;
	_ =	shalt  }
.Lfunc_end2:
_tile_overlayer_lowered:
.L_overlay_start_2:
0xc3: {  	(tag) =	ssettag $0x2  }
0xc4: {  	s0 =	rddreg [dreg:$0x0];
	s2 =	stileid.u32  }
0xc5: {  	s1 =	rddreg [dreg:$0x1];
	p0 =	sne.s32 s2, $0x0  }
0xc6: {  	s3 =	rddreg [dreg:$0x2];
	[bflag:$0x3] =	sbarrier.arrive $0xFFFF;
	s2 =	simm.s32 @!p0 $0x1C01  }
0xc7: {  	[timem:s3], [sflag:s2] =	dma.local @!p0 [hbm:s0], s1  }
0xc8: {  	s0 =	simm.s32 @!p0 $0x1  }
0xc9: {  	_ =	swait.ge @!p0 [sflag:s0], s1  }
0xca: {  	s1 =	ssub.s32 @!p0 $0x0, s1;
	[sflag:s0] =	ssyncset.done @!p0 $0x0  }
0xcb: {  	[sflag:s0] =	ssyncadd.s32 @!p0 s1  }
0xcc: {  	[bflag:$0x3] =	sbarrier.arrive $0xFFFF  }
0xcd: {  	_ =	shalt  }

// kernel: kernel.27.cloned.1.call-start
scs
__scs_entry_jumppad:
0x0: {  	(pc) =	sbr.rel $0x88, $3  }
0x1: {  	(tag) =	ssettag $0x0;
	lr =	simm.s32 $0x1  }
0x2: {  	[smem:$0x3F80] =	sst lr;
	_ =	strace $0xD0000000  }
0x3: {  	_ = 	snop  }
0x4: {  	_ = 	snop  }
0x5: {  	_ = 	snop  }
0x6: {  	_ = 	snop  }
0x7: {  	_ = 	snop  }
__scs_overlays_trampoline_lowered:
0x8: {  	[smem:$0x3F8F] =	sst s0  }
0x9: {  	[smem:$0x3F90] =	sst s1  }
0xa: {  	[smem:$0x3F91] =	sst s2  }
0xb: {  	[smem:$0x3F92] =	sst s3  }
0xc: {  	[smem:$0x3F93] =	sst s4  }
0xd: {  	[smem:$0x3F94] =	sst s5  }
0xe: {  	[smem:$0x3F95] =	sst s6  }
0xf: {  	[smem:$0x3F96] =	sst s7  }
0x10: {  	[smem:$0x3F97] =	sst s8  }
0x11: {  	[smem:$0x3F98] =	sst s9;
	s0 =	simm.s32 @!p0 $0x0  }
0x12: {  	s1 =	sld [smem:$0x3F7E];
	s0 =	simm.s32 @p0 $0x1  }
0x13: {  	[smem:$0x3F99] =	sst s0;
	s0 =	simm.s32 @!p1 $0x0  }
0x14: {  	s2 =	sld [smem:$0x3F7D];
	s0 =	simm.s32 @p1 $0x1  }
0x15: {  	[smem:$0x3F9A] =	sst s0;
	s0 =	simm.s32 @!p2 $0x0  }
0x16: {  	s3 =	sld [smem:$0x3FDB];
	s0 =	simm.s32 @p2 $0x1  }
0x17: {  	s4 =	simm.s32 $0x1BF5;
	[smem:$0x3F9C] =	sst s0  }
0x18: {  	s0 =	sld [smem:$0x3F7F];
	_ =	swait.ge [sflag:s4], $0x0  }
0x19: {  	s7 =	sld [smem:$0x3F80]  }
0x1a: {  	s8 =	sadd.s32 $0xFFFFE003, lr  }
0x1b: {  	s9 =	sadd.s32 $0xFFFFFEF7, lr;
	s5 =	simm.s32 $0xFFFFFFFF;
	p2 =	slt.u32 s8, $0xFFFFF086  }
0x1c: {  	p1 =	slt.u32 s9, $0xF7A;
	s5 =	simm.s32 @!p2 $0x0  }
0x1d: {  	s5 =	simm.s32 @p1 $0x1;
	p0 =	seq.s32 s7, s2  }
0x1e: {  	s7 =	smul.u32 @!p0 $0xF7A, s2;
	p2 =	seq.s32 @!p0 s5, $0x0  }
0x1f: {  	s9 =	smul.u32 $0xF7A, s1;
	s8 =	simm.s32 @!p0 $0x1BF5;
	p2 =	por !p2, p0  }
0x20: {  	[sflag:s8] =	ssyncset.s32 @!p0 $0xFFFFF086;
	s6 =	sadd.s32 @!p0 s3, s7;
	s7 =	simm.s32 @!p0 $0x108  }
0x21: {  	s3 =	sadd.s32 s3, s9;
	s6 =	sadd.s32 @!p0 $0x88, s6;
	s7 =	simm.s32 @p2 $0x1082  }
0x22: {  	[simem:s7], [sflag:s8] =	dma.local @!p0 [hbm:s6], $0xF7A  }
0x23: {  	s9 =	sor.u32 $0xD0000000, s2;
	s6 =	simm.s32 $0x108;
	_ =	swait.ge @!p0 [sflag:s8], $0x0  }
0x24: {  	s3 =	sadd.s32 $0x88, s3;
	s6 =	simm.s32 @!p1 $0x1082;
	[sflag:s4] =	ssyncset.s32 $0xFFFFF086  }
0x25: {  	[simem:s6], [sflag:s4] =	dma.local [hbm:s3], $0xF7A  }
0x26: {  	[smem:$0x3F80] =	sst s1;
	(tag) =	ssettag s2;
	_ =	strace s9  }
0x27: {  	s1 =	sld [smem:$0x3F90]  }
0x28: {  	s2 =	sld [smem:$0x3F91]  }
0x29: {  	s4 =	sld [smem:$0x3F93]  }
0x2a: {  	p0 =	seq.s32 s5, $0x0;
	s5 =	sld [smem:$0x3F94]  }
0x2b: {  	s6 =	sld [smem:$0x3F95]  }
0x2c: {  	s7 =	sld [smem:$0x3F96]  }
0x2d: {  	s3 =	simm.s32 $0x108;
	s8 =	sld [smem:$0x3F97]  }
0x2e: {  	s3 =	simm.s32 @!p0 $0x1082;
	s9 =	sld [smem:$0x3F98]  }
0x2f: {  	lr =	sadd.s32 s0, s3;
	s0 =	sld [smem:$0x3F8F]  }
0x30: {  	s3 =	sld [smem:$0x3F92]  }
0x31: {  	[smem:$0x3F9B] =	sst s10  }
0x32: {  	s10 =	sld [smem:$0x3F99];
	_ =	sdelay $0x3  }
0x33: {  	p0 =	seq.s32 s10, $0x1;
	s10 =	sld [smem:$0x3F9B];
	_ =	sdelay $0x3  }
0x34: {  	[smem:$0x3F9B] =	sst s10  }
0x35: {  	s10 =	sld [smem:$0x3F9A];
	_ =	sdelay $0x3  }
0x36: {  	p1 =	seq.s32 s10, $0x1;
	s10 =	sld [smem:$0x3F9B];
	_ =	sdelay $0x3  }
0x37: {  	[smem:$0x3F9B] =	sst s10  }
0x38: {  	s10 =	sld [smem:$0x3F9C]  }
0x39: {  	_ = 	snop;
	(pc) =	sbr.ind lr, $3  }
0x3a: {  	_ = 	snop  }
0x3b: {  	_ = 	snop  }
0x3c: {  	p2 =	seq.s32 s10, $0x1;
	s10 =	sld [smem:$0x3F9B]  }
0x3d: {  	_ =	shalt  }
0x3e: {  	_ =	shalt  }
0x3f: {  	_ =	shalt  }
0x40: {  	_ =	shalt  }
0x41: {  	_ =	shalt  }
0x42: {  	_ =	shalt  }
0x43: {  	_ =	shalt  }
0x44: {  	_ =	shalt  }
0x45: {  	_ =	shalt  }
0x46: {  	_ =	shalt  }
0x47: {  	_ =	shalt  }
0x48: {  	_ =	shalt  }
0x49: {  	_ =	shalt  }
0x4a: {  	_ =	shalt  }
0x4b: {  	_ =	shalt  }
0x4c: {  	_ =	shalt  }
0x4d: {  	_ =	shalt  }
0x4e: {  	_ =	shalt  }
0x4f: {  	_ =	shalt  }
0x50: {  	_ =	shalt  }
0x51: {  	_ =	shalt  }
0x52: {  	_ =	shalt  }
0x53: {  	_ =	shalt  }
0x54: {  	_ =	shalt  }
0x55: {  	_ =	shalt  }
0x56: {  	_ =	shalt  }
0x57: {  	_ =	shalt  }
0x58: {  	_ =	shalt  }
0x59: {  	_ =	shalt  }
0x5a: {  	_ =	shalt  }
0x5b: {  	_ =	shalt  }
0x5c: {  	_ =	shalt  }
0x5d: {  	_ =	shalt  }
0x5e: {  	_ =	shalt  }
0x5f: {  	_ =	shalt  }
0x60: {  	_ =	shalt  }
0x61: {  	_ =	shalt  }
0x62: {  	_ =	shalt  }
0x63: {  	_ =	shalt  }
0x64: {  	_ =	shalt  }
0x65: {  	_ =	shalt  }
0x66: {  	_ =	shalt  }
0x67: {  	_ =	shalt  }
0x68: {  	_ =	shalt  }
0x69: {  	_ =	shalt  }
0x6a: {  	_ =	shalt  }
0x6b: {  	_ =	shalt  }
0x6c: {  	_ =	shalt  }
0x6d: {  	_ =	shalt  }
0x6e: {  	_ =	shalt  }
0x6f: {  	_ =	shalt  }
0x70: {  	_ =	shalt  }
0x71: {  	_ =	shalt  }
0x72: {  	_ =	shalt  }
0x73: {  	_ =	shalt  }
0x74: {  	_ =	shalt  }
0x75: {  	_ =	shalt  }
0x76: {  	_ =	shalt  }
0x77: {  	_ =	shalt  }
0x78: {  	_ =	shalt  }
0x79: {  	_ =	shalt  }
0x7a: {  	_ =	shalt  }
0x7b: {  	_ =	shalt  }
0x7c: {  	_ =	shalt  }
0x7d: {  	_ =	shalt  }
0x7e: {  	_ =	shalt  }
0x7f: {  	_ =	shalt  }
0x80: {  	_ =	shalt  }
0x81: {  	_ =	shalt  }
0x82: {  	_ =	shalt  }
0x83: {  	_ =	shalt  }
0x84: {  	_ =	shalt  }
0x85: {  	_ =	shalt  }
0x86: {  	_ =	shalt  }
0x87: {  	_ =	shalt  }
.Lfunc_end0:
.L_simem_size_0:
called_computation.1_lowered:
.L_overlay_start_0:
0x88: {  	s2 =	sld [smem:$0x3FD9]  }
0x89: {  	s3 =	sld [smem:$0x3FFE];
	_ =	sdelay $0x1  }
0x8a: {  	s1 =	srdreg.scid  }
0x8b: {  	s0 =	sand.u32 $0x1, s1  }
0x8c: {  	s14 =	sshll.u32 s0, $0xA;
	s2 =	sadd.s32 s3, s2  }
0x8d: {  	s2 =	sadd.s32 s2, s14  }
0x8e: {  	[smem:$0x3FA7] =	sst s2  }
0x8f: {  	_ = 	snop  }
0x90: {  	s2 =	sld [smem:$0x3FD0];
	_ =	sdelay $0x2  }
0x91: {  	s15 =	simm.s32 $0xB;
	s4 =	simm.s32 $0x10  }
0x92: {  	[smem:s4], [sflag:s15] =	dma.local [hbm:s2], $0x1  }
0x93: {  	_ =	swait.eq [sflag:s15], $0x1  }
0x94: {  	[sflag:s15] =	ssyncset.done $0x0  }
0x95: {  	[sflag:s15] =	ssyncadd.s32 $0xFFFFFFFF  }
0x96: {  	s16 =	sld [smem:$0x10];
	(tm) =	ssettm $0x1  }
0x97: {  	s17 =	sld [smem:$0x3FFB];
	_ =	sdelay $0x3  }
0x98: {  	_ =	strace s17  }
0x99: {  	s3 =	sld [smem:$0x3FFC];
	_ =	sdelay $0x3  }
0x9a: {  	_ =	strace s3  }
0x9b: {  	s3 =	sld [smem:$0x3FFD];
	_ =	sdelay $0x3  }
0x9c: {  	_ =	strace s3  }
0x9d: {  	_ =	strace $0x8FFFFFFF  }
0x9e: {  	s18 =	sld [smem:$0x3FDB];
	_ =	sdelay $0x1  }
0x9f: {  	s19 =	simm.s32 $_scs_section_size  }
0xa0: {  	s5 =	simm.s32 $_size__tile_overlayer_lowered;
	s6 =	simm.s32 $_tile_overlayer_lowered  }
0xa1: {  	s22 =	simm.s32 $0x1BFF;
	s21 =	sshll.u32 s6, $0x1;
	s3 =	sadd.s32 s19, s18  }
0xa2: {  	s7 =	simm.s32 $0x0;
	s20 =	sshll.u32 s5, $0x1;
	s5 =	sadd.s32 s21, s3  }
0xa3: {  	[timem:s7], [sflag:s22] =	dma.local [hbm:s5], s20  }
0xa4: {  	_ =	swait.ge [sflag:s22], s20  }
0xa5: {  	s4 =	ssub.s32 $0x0, s20;
	[sflag:s22] =	ssyncset.done $0x0  }
0xa6: {  	[sflag:s22] =	ssyncadd.s32 s4;
	_ =	sdelay $0x1  }
0xa7: {  	s23 =	simm.s32 $0x1B8B  }
0xa8: {  	_ =	swait.ge [sflag:s23], $0x1  }
0xa9: {  	[sflag:s23] =	ssyncset.done $0x0  }
0xaa: {  	s25 =	simm.s32 $0x1B8E;
	s24 =	sld [smem:$0x3FFE];
	[sflag:s23] =	ssyncadd.s32 $0xFFFFFFFF  }
0xab: {  	s26 =	simm.s32 $execute0_lowered;
	[smem:$0x3FD2] =	sst s25  }
0xac: {  	s5 =	sshll.u32 s26, $0x1;
	_ =	strace $0x80000049;
	[dreg:$0x1] =	wrdreg $0xFFFFFFFF  }
0xad: {  	s28 =	simm.s32 $_size_execute0_lowered;
	s3 =	sadd.s32 s3, s5;
	[dreg:$0x0] =	wrdreg $0x0  }
0xae: {  	s5 =	sshll.u32 s28, $0x1;
	[dreg:$0x2] =	wrdreg s3  }
0xaf: {  	[dreg:$0x3] =	wrdreg s5  }
0xb0: {  	[dreg:$0x4] =	wrdreg $0xC0  }
0xb1: {  	_ =	task [dreg:s7], $0x5FFFF  }
0xb2: {  	[dreg:$0x1] =	wrdreg $0xFFFFFFFF  }
0xb3: {  	[dreg:$0x0] =	wrdreg $0x60  }
0xb4: {  	[dreg:$0x2] =	wrdreg s24  }
0xb5: {  	[dreg:$0x3] =	wrdreg s16  }
0xb6: {  	[dreg:$0x4] =	wrdreg $0x9  }
0xb7: {  	_ =	task.clear_ibuf [dreg:s7], $0x5FFFF;
	_ =	strace $0x90000049  }
0xb8: {  	s29 =	simm.s32 $0x9;
	_ =	strace $0x8000004B  }
0xb9: {  	_ =	swait.ge [sflag:s29], $0x1  }
0xba: {  	[sflag:s29] =	ssyncadd.s32 $0xFFFFFFFF  }
0xbb: {  	_ =	strace $0x9000004B  }
0xbc: {  	_ =	sfence  }
0xbd: {  	s30 =	sld [smem:$0x0];
	_ =	sdelay $0x2  }
0xbe: {  	s31 =	sshll.u32 s1, $0xD;
	s1 =	sshrl.u32 s1, $0x2  }
0xbf: {  	s3 =	sand.u32 $0x4000, s31;
	s1 =	sadd.s32 s1, s30  }
0xc0: {  	s0 =	sor.u32 s3, s0;
	s1 =	sshll.u32 s1, $0x11  }
0xc1: {  	s0 =	sor.u32 s1, s0  }
0xc2: {  	s0 =	sadd.s32 $0x8F2B, s0  }
0xc3: {  	[sflag:s0] =	ssyncadd.remote.s32 $0x1  }
0xc4: {  	_ =	sfence.sel $0xFFFF  }
0xc5: {  	[dreg:$0x0] =	wrdreg $0xFFFFFFFF;
	(pc) =	sbr.abs _section_cstart, $3  }
0xc6: {  	[dreg:$0x1] =	wrdreg $0xFFFFFFFF  }
0xc7: {  	_ =	task.clear_ibuf [dreg:s7], $0x2FFFF;
	_ =	strace $0x9FFFFFFF  }
0xc8: {  	(tm) =	ssettm $0x7FFFFFFF  }
0xc9: {  	_ =	shalt  }
tec
execute0_lowered:
.L_overlay_start_1:
0x0: {  	(tag) =	ssettag $0x1  }
0x1: {  	s4 =	rddreg [dreg:$0x0]  }
0x2: {  	s5 =	rddreg [dreg:$0x1]  }
0x3: {  	s0 =	rddreg [dreg:$0x2];
	s2 =	simm.s32 $0x0  }
0x4: {  	s1 =	stileid.u32;
	s3 =	srdreg.scid;
	s11 =	simm.s32 $0x0  }
0x5: {  	[smem:$0x7FF] =	sst s2;
	s6 =	sshll.u32 s1, $0x11;
	s7 =	sand.u32 $0x1, s3  }
0x6: {  	s3 =	sadd.s32 $0xEE00, s4;
	s9 =	sshll.u32 s1, $0xB;
	_ =	strace $0x8000004A  }
0x7: {  	s6 =	sadd.s32 s6, s4;
	s30 =	ssub.s32 $0x2, s7;
	s10 =	sshll.u32 s7, $0xA  }
0x8: {  	s7 =	sshll.u32 s7, $0x10;
	s8 =	sshrl.u32 s30, $0x1;
	s31 =	sor.u32 s10, s9  }
0x9: {  	s6 =	sadd.s32 s7, s6;
	s7 =	simm.s32 $0x2;
	s9 =	simm.s32 $0x2000  }
0xa: {  	s10 =	simm.s32 $0x1;
	s8 =	ssub.s32 s30, s8;
	s4 =	sadd.s32 s5, s31  }
0xb: {  	s6 =	sadd.s32 $0x4EE00, s6;
	s5 =	smax.u32 s8, $0x1;
	s8 =	simm.s32 $0x80  }
.LBB2_1:
0xc: {  	[tilespmem:s2], [sflag:$0x2] =	stream.linear.gather [hbm4b:s4+s2], $0x2000, $0x38;
	[tilespmem:$0x4000] =	vst v63  }
0xd: {  	_ =	swait.ge [sflag:s7], $0x2000  }
0xe: {  	[sflag:s7] =	ssyncset.done $0x0  }
0xf: {  	s12 =	simm.s32 $0x0;
	[sflag:s7] =	ssyncadd.s32 $0xFFFFE000  }
0x10: {  	[tilespmem:s9], [sflag:$0x1] =	stream.indirect.gather [hbm4b:s3+s8], $0x40, s12, s8, $0xb8;
	[tilespmem:$0x4000] =	vst v63  }
0x11: {  	_ =	swait.ge [sflag:s10], $0x2000  }
0x12: {  	[sflag:s10] =	ssyncset.done $0x0  }
0x13: {  	[sflag:s10] =	ssyncadd.s32 $0xFFFFE000  }
0x14: {  	[hbm4b:s6+s2] =	stream.linear.scatter [tilespmem:s9], [sflag:$0x2], $0x2000, $0x38;
	[tilespmem:$0x4000] =	vst v63  }
0x15: {  	s13 =	simm.s32 $0x200;
	_ =	swait.ge [sflag:s7], $0x2000  }
0x16: {  	s14 =	simm.s32 $0x400;
	s12 =	sadd.s32 $0x400, s6;
	[sflag:s7] =	ssyncset.done $0x0  }
.LBB2_2:
0x17: {  	s15 =	sshra.s32 s13, $0x2  }
0x18: {  	[sflag:s7] =	ssyncadd.s32 $0xFFFFE000;
	s13 =	smov.u32 s14;
	s16 =	sadd.s32 $0x200, s14  }
0x19: {  	[tilespmem:s9], [sflag:$0x1] =	stream.indirect.gather [hbm4b:s3+s8], $0x40, s15, s8, $0xb8;
	[tilespmem:$0x4000] =	vst v63  }
0x1a: {  	p0 =	sne.s32 s14, $0x7E00;
	_ =	swait.ge [sflag:s10], $0x2000  }
.Ltmp0:
0x1b: {  	[sflag:s10] =	ssyncset.done $0x0;
	(pc) =	sbr.rel @p0 .LBB2_2-.Ltmp0, $4  }
0x1c: {  	[sflag:s10] =	ssyncadd.s32 $0xFFFFE000  }
0x1d: {  	[hbm4b:s12+s2] =	stream.linear.scatter [tilespmem:s9], [sflag:$0x2], $0x2000, $0x38;
	[tilespmem:$0x4000] =	vst v63  }
0x1e: {  	_ =	swait.ge [sflag:s7], $0x2000  }
0x1f: {  	s14 =	smov.u32 s16;
	s12 =	sadd.s32 $0x400, s12;
	[sflag:s7] =	ssyncset.done $0x0  }
0x20: {  	s13 =	sshra.s32 s13, $0x2;
	[sflag:s7] =	ssyncadd.s32 $0xFFFFE000  }
0x21: {  	[tilespmem:s9], [sflag:$0x1] =	stream.indirect.gather [hbm4b:s3+s8], $0x40, s13, s8, $0xb8;
	[tilespmem:$0x4000] =	vst v63  }
0x22: {  	s11 =	sadd.s32 $0x1, s11;
	_ =	swait.ge [sflag:s10], $0x2000  }
0x23: {  	p0 =	sne.s32 s11, s5;
	[sflag:s10] =	ssyncset.done $0x0  }
.Ltmp1:
0x24: {  	[sflag:s10] =	ssyncadd.s32 $0xFFFFE000;
	(pc) =	sbr.rel @p0 .LBB2_1-.Ltmp1, $4  }
0x25: {  	[hbm4b:s12+s2] =	stream.linear.scatter [tilespmem:s9], [sflag:$0x2], $0x2000, $0x38;
	[tilespmem:$0x4000] =	vst v63  }
0x26: {  	_ =	swait.ge [sflag:s7], $0x2000  }
0x27: {  	[sflag:s7] =	ssyncset.done $0x0  }
0x28: {  	[sflag:s7] =	ssyncadd.s32 $0xFFFFE000  }
0x29: {  	_ =	sfence.sel $0x180000  }
0x2a: {  	[bflag:$0x0] =	sbarrier.arrive $0xFFFF  }
0x2b: {  	p0 =	sne.s32 s1, $0x0;
	_ =	strace $0x9000004A  }
0x2c: {  	s0 =	sadd.s32 @!p0 $0x100000, s0;
	[bflag:$0x2] =	sbarrier.arrive $0xFFFF  }
0x2d: {  	[sflag:s0] =	ssyncadd.tile.s32 @!p0 $0x1;
	_ =	shalt  }
.Lfunc_end2:
_tile_overlayer_lowered:
.L_overlay_start_2:
0x2e: {  	(tag) =	ssettag $0x2  }
0x2f: {  	s0 =	rddreg [dreg:$0x0];
	s2 =	stileid.u32  }
0x30: {  	s1 =	rddreg [dreg:$0x1];
	p0 =	sne.s32 s2, $0x0  }
0x31: {  	s3 =	rddreg [dreg:$0x2];
	[bflag:$0x3] =	sbarrier.arrive $0xFFFF;
	s2 =	simm.s32 @!p0 $0x1C02  }
0x32: {  	[timem:s3], [sflag:s2] =	dma.local @!p0 [hbm:s0], s1  }
0x33: {  	s0 =	simm.s32 @!p0 $0x2  }
0x34: {  	_ =	swait.ge @!p0 [sflag:s0], s1  }
0x35: {  	s1 =	ssub.s32 @!p0 $0x0, s1;
	[sflag:s0] =	ssyncset.done @!p0 $0x0  }
0x36: {  	[sflag:s0] =	ssyncadd.s32 @!p0 s1  }
0x37: {  	[bflag:$0x3] =	sbarrier.arrive $0xFFFF  }
0x38: {  	_ =	shalt  }

// kernel: kernel.30.cloned.1.call-start
scs
__scs_entry_jumppad:
0x0: {  	(pc) =	sbr.rel $0x88, $3  }
0x1: {  	(tag) =	ssettag $0x0;
	lr =	simm.s32 $0x1  }
0x2: {  	[smem:$0x3F80] =	sst lr;
	_ =	strace $0xD0000000  }
0x3: {  	_ = 	snop  }
0x4: {  	_ = 	snop  }
0x5: {  	_ = 	snop  }
0x6: {  	_ = 	snop  }
0x7: {  	_ = 	snop  }
__scs_overlays_trampoline_lowered:
0x8: {  	[smem:$0x3F8F] =	sst s0  }
0x9: {  	[smem:$0x3F90] =	sst s1  }
0xa: {  	[smem:$0x3F91] =	sst s2  }
0xb: {  	[smem:$0x3F92] =	sst s3  }
0xc: {  	[smem:$0x3F93] =	sst s4  }
0xd: {  	[smem:$0x3F94] =	sst s5  }
0xe: {  	[smem:$0x3F95] =	sst s6  }
0xf: {  	[smem:$0x3F96] =	sst s7  }
0x10: {  	[smem:$0x3F97] =	sst s8  }
0x11: {  	[smem:$0x3F98] =	sst s9;
	s0 =	simm.s32 @!p0 $0x0  }
0x12: {  	s1 =	sld [smem:$0x3F7E];
	s0 =	simm.s32 @p0 $0x1  }
0x13: {  	[smem:$0x3F99] =	sst s0;
	s0 =	simm.s32 @!p1 $0x0  }
0x14: {  	s2 =	sld [smem:$0x3F7D];
	s0 =	simm.s32 @p1 $0x1  }
0x15: {  	[smem:$0x3F9A] =	sst s0;
	s0 =	simm.s32 @!p2 $0x0  }
0x16: {  	s3 =	sld [smem:$0x3FDB];
	s0 =	simm.s32 @p2 $0x1  }
0x17: {  	s4 =	simm.s32 $0x1BF5;
	[smem:$0x3F9C] =	sst s0  }
0x18: {  	s0 =	sld [smem:$0x3F7F];
	_ =	swait.ge [sflag:s4], $0x0  }
0x19: {  	s7 =	sld [smem:$0x3F80]  }
0x1a: {  	s8 =	sadd.s32 $0xFFFFE003, lr  }
0x1b: {  	s9 =	sadd.s32 $0xFFFFFEF7, lr;
	s5 =	simm.s32 $0xFFFFFFFF;
	p2 =	slt.u32 s8, $0xFFFFF086  }
0x1c: {  	p1 =	slt.u32 s9, $0xF7A;
	s5 =	simm.s32 @!p2 $0x0  }
0x1d: {  	s5 =	simm.s32 @p1 $0x1;
	p0 =	seq.s32 s7, s2  }
0x1e: {  	s7 =	smul.u32 @!p0 $0xF7A, s2;
	p2 =	seq.s32 @!p0 s5, $0x0  }
0x1f: {  	s9 =	smul.u32 $0xF7A, s1;
	s8 =	simm.s32 @!p0 $0x1BF5;
	p2 =	por !p2, p0  }
0x20: {  	[sflag:s8] =	ssyncset.s32 @!p0 $0xFFFFF086;
	s6 =	sadd.s32 @!p0 s3, s7;
	s7 =	simm.s32 @!p0 $0x108  }
0x21: {  	s3 =	sadd.s32 s3, s9;
	s6 =	sadd.s32 @!p0 $0x88, s6;
	s7 =	simm.s32 @p2 $0x1082  }
0x22: {  	[simem:s7], [sflag:s8] =	dma.local @!p0 [hbm:s6], $0xF7A  }
0x23: {  	s9 =	sor.u32 $0xD0000000, s2;
	s6 =	simm.s32 $0x108;
	_ =	swait.ge @!p0 [sflag:s8], $0x0  }
0x24: {  	s3 =	sadd.s32 $0x88, s3;
	s6 =	simm.s32 @!p1 $0x1082;
	[sflag:s4] =	ssyncset.s32 $0xFFFFF086  }
0x25: {  	[simem:s6], [sflag:s4] =	dma.local [hbm:s3], $0xF7A  }
0x26: {  	[smem:$0x3F80] =	sst s1;
	(tag) =	ssettag s2;
	_ =	strace s9  }
0x27: {  	s1 =	sld [smem:$0x3F90]  }
0x28: {  	s2 =	sld [smem:$0x3F91]  }
0x29: {  	s4 =	sld [smem:$0x3F93]  }
0x2a: {  	p0 =	seq.s32 s5, $0x0;
	s5 =	sld [smem:$0x3F94]  }
0x2b: {  	s6 =	sld [smem:$0x3F95]  }
0x2c: {  	s7 =	sld [smem:$0x3F96]  }
0x2d: {  	s3 =	simm.s32 $0x108;
	s8 =	sld [smem:$0x3F97]  }
0x2e: {  	s3 =	simm.s32 @!p0 $0x1082;
	s9 =	sld [smem:$0x3F98]  }
0x2f: {  	lr =	sadd.s32 s0, s3;
	s0 =	sld [smem:$0x3F8F]  }
0x30: {  	s3 =	sld [smem:$0x3F92]  }
0x31: {  	[smem:$0x3F9B] =	sst s10  }
0x32: {  	s10 =	sld [smem:$0x3F99];
	_ =	sdelay $0x3  }
0x33: {  	p0 =	seq.s32 s10, $0x1;
	s10 =	sld [smem:$0x3F9B];
	_ =	sdelay $0x3  }
0x34: {  	[smem:$0x3F9B] =	sst s10  }
0x35: {  	s10 =	sld [smem:$0x3F9A];
	_ =	sdelay $0x3  }
0x36: {  	p1 =	seq.s32 s10, $0x1;
	s10 =	sld [smem:$0x3F9B];
	_ =	sdelay $0x3  }
0x37: {  	[smem:$0x3F9B] =	sst s10  }
0x38: {  	s10 =	sld [smem:$0x3F9C]  }
0x39: {  	_ = 	snop;
	(pc) =	sbr.ind lr, $3  }
0x3a: {  	_ = 	snop  }
0x3b: {  	_ = 	snop  }
0x3c: {  	p2 =	seq.s32 s10, $0x1;
	s10 =	sld [smem:$0x3F9B]  }
0x3d: {  	_ =	shalt  }
0x3e: {  	_ =	shalt  }
0x3f: {  	_ =	shalt  }
0x40: {  	_ =	shalt  }
0x41: {  	_ =	shalt  }
0x42: {  	_ =	shalt  }
0x43: {  	_ =	shalt  }
0x44: {  	_ =	shalt  }
0x45: {  	_ =	shalt  }
0x46: {  	_ =	shalt  }
0x47: {  	_ =	shalt  }
0x48: {  	_ =	shalt  }
0x49: {  	_ =	shalt  }
0x4a: {  	_ =	shalt  }
0x4b: {  	_ =	shalt  }
0x4c: {  	_ =	shalt  }
0x4d: {  	_ =	shalt  }
0x4e: {  	_ =	shalt  }
0x4f: {  	_ =	shalt  }
0x50: {  	_ =	shalt  }
0x51: {  	_ =	shalt  }
0x52: {  	_ =	shalt  }
0x53: {  	_ =	shalt  }
0x54: {  	_ =	shalt  }
0x55: {  	_ =	shalt  }
0x56: {  	_ =	shalt  }
0x57: {  	_ =	shalt  }
0x58: {  	_ =	shalt  }
0x59: {  	_ =	shalt  }
0x5a: {  	_ =	shalt  }
0x5b: {  	_ =	shalt  }
0x5c: {  	_ =	shalt  }
0x5d: {  	_ =	shalt  }
0x5e: {  	_ =	shalt  }
0x5f: {  	_ =	shalt  }
0x60: {  	_ =	shalt  }
0x61: {  	_ =	shalt  }
0x62: {  	_ =	shalt  }
0x63: {  	_ =	shalt  }
0x64: {  	_ =	shalt  }
0x65: {  	_ =	shalt  }
0x66: {  	_ =	shalt  }
0x67: {  	_ =	shalt  }
0x68: {  	_ =	shalt  }
0x69: {  	_ =	shalt  }
0x6a: {  	_ =	shalt  }
0x6b: {  	_ =	shalt  }
0x6c: {  	_ =	shalt  }
0x6d: {  	_ =	shalt  }
0x6e: {  	_ =	shalt  }
0x6f: {  	_ =	shalt  }
0x70: {  	_ =	shalt  }
0x71: {  	_ =	shalt  }
0x72: {  	_ =	shalt  }
0x73: {  	_ =	shalt  }
0x74: {  	_ =	shalt  }
0x75: {  	_ =	shalt  }
0x76: {  	_ =	shalt  }
0x77: {  	_ =	shalt  }
0x78: {  	_ =	shalt  }
0x79: {  	_ =	shalt  }
0x7a: {  	_ =	shalt  }
0x7b: {  	_ =	shalt  }
0x7c: {  	_ =	shalt  }
0x7d: {  	_ =	shalt  }
0x7e: {  	_ =	shalt  }
0x7f: {  	_ =	shalt  }
0x80: {  	_ =	shalt  }
0x81: {  	_ =	shalt  }
0x82: {  	_ =	shalt  }
0x83: {  	_ =	shalt  }
0x84: {  	_ =	shalt  }
0x85: {  	_ =	shalt  }
0x86: {  	_ =	shalt  }
0x87: {  	_ =	shalt  }
.Lfunc_end0:
.L_simem_size_0:
called_computation.2_lowered:
.L_overlay_start_0:
0x88: {  	s2 =	sld [smem:$0x3FD9]  }
0x89: {  	s3 =	sld [smem:$0x3FFE];
	_ =	sdelay $0x1  }
0x8a: {  	s1 =	srdreg.scid  }
0x8b: {  	s0 =	sand.u32 $0x1, s1  }
0x8c: {  	s15 =	sshll.u32 s0, $0xA;
	s2 =	sadd.s32 s3, s2  }
0x8d: {  	s2 =	sadd.s32 s2, s15  }
0x8e: {  	[smem:$0x3FA7] =	sst s2  }
0x8f: {  	_ = 	snop  }
0x90: {  	s2 =	sld [smem:$0x3FD0];
	_ =	sdelay $0x2  }
0x91: {  	s4 =	simm.s32 $0xB;
	s16 =	simm.s32 $0x10  }
0x92: {  	[smem:s16], [sflag:s4] =	dma.local [hbm:s2], $0x1  }
0x93: {  	_ =	swait.eq [sflag:s4], $0x1  }
0x94: {  	[sflag:s4] =	ssyncset.done $0x0  }
0x95: {  	s17 =	sld [smem:$0x11];
	[sflag:s4] =	ssyncadd.s32 $0xFFFFFFFF  }
0x96: {  	s18 =	sld [smem:$0x12];
	(tm) =	ssettm $0x1  }
0x97: {  	s19 =	sld [smem:$0x3FFB];
	_ =	sdelay $0x3  }
0x98: {  	_ =	strace s19  }
0x99: {  	s2 =	sld [smem:$0x3FFC];
	_ =	sdelay $0x3  }
0x9a: {  	_ =	strace s2  }
0x9b: {  	s2 =	sld [smem:$0x3FFD];
	_ =	sdelay $0x3  }
0x9c: {  	_ =	strace s2  }
0x9d: {  	_ =	strace $0x8FFFFFFF  }
0x9e: {  	s20 =	sld [smem:$0x3FDB];
	_ =	sdelay $0x1  }
0x9f: {  	s5 =	simm.s32 $_scs_section_size  }
0xa0: {  	s6 =	simm.s32 $_size__tile_overlayer_lowered;
	s7 =	simm.s32 $_tile_overlayer_lowered  }
0xa1: {  	s8 =	simm.s32 $0x1BFF;
	s21 =	sshll.u32 s7, $0x1;
	s5 =	sadd.s32 s5, s20  }
0xa2: {  	s22 =	simm.s32 $0x0;
	s6 =	sshll.u32 s6, $0x1;
	s7 =	sadd.s32 s21, s5  }
0xa3: {  	[timem:s22], [sflag:s8] =	dma.local [hbm:s7], s6  }
0xa4: {  	_ =	swait.ge [sflag:s8], s6  }
0xa5: {  	s6 =	ssub.s32 $0x0, s6;
	[sflag:s8] =	ssyncset.done $0x0  }
0xa6: {  	[sflag:s8] =	ssyncadd.s32 s6;
	_ =	sdelay $0x1  }
0xa7: {  	s23 =	simm.s32 $0x1B8B  }
0xa8: {  	_ =	swait.ge [sflag:s23], $0x1  }
0xa9: {  	[sflag:s23] =	ssyncset.done $0x0  }
0xaa: {  	[sflag:s23] =	ssyncadd.s32 $0xFFFFFFFF  }
0xab: {  	s6 =	sld [smem:$0x0]  }
0xac: {  	s7 =	sand.u32 $0xFFFFFFFE, s1  }
0xad: {  	p0 =	sne.s32 s1, s7  }
0xae: {  	s7 =	sshll.u32 @p0 s7, $0xE  }
0xaf: {  	s7 =	sadd.s32 @p0 $0x11B8D, s7;
	s8 =	sshll.u32 @p0 s6, $0x11  }
0xb0: {  	s7 =	sor.u32 @p0 s8, s7  }
0xb1: {  	[sflag:s7] =	ssyncadd.remote.s32 @p0 $0x1;
	_ =	sdelay $0x1  }
0xb2: {  	s7 =	simm.s32 @p0 $0x1B8D  }
0xb3: {  	_ =	swait.eq @p0 [sflag:s7], $0x1  }
0xb4: {  	[sflag:s7] =	ssyncadd.s32 @p0 $0xFFFFFFFF  }
0xb5: {  	s8 =	sshll.u32 @!p0 s1, $0xE  }
0xb6: {  	s8 =	sor.u32 @!p0 $0x4000, s8;
	s7 =	simm.s32 @!p0 $0x1B8D  }
0xb7: {  	s6 =	sshll.u32 @!p0 s6, $0x11;
	s8 =	sadd.s32 @!p0 $0x11B8D, s8;
	_ =	swait.eq @!p0 [sflag:s7], $0x1  }
0xb8: {  	s6 =	sor.u32 @!p0 s6, s8;
	[sflag:s7] =	ssyncadd.s32 @!p0 $0xFFFFFFFF  }
0xb9: {  	s25 =	simm.s32 $0x1B8E;
	s24 =	sld [smem:$0x3FFE];
	[sflag:s6] =	ssyncadd.remote.s32 @!p0 $0x1  }
0xba: {  	s26 =	simm.s32 $execute0_lowered;
	[smem:$0x3FD2] =	sst s25  }
0xbb: {  	s7 =	sshll.u32 s26, $0x1;
	_ =	strace $0x8000004C;
	[dreg:$0x1] =	wrdreg $0xFFFFFFFF  }
0xbc: {  	s28 =	simm.s32 $_size_execute0_lowered;
	s5 =	sadd.s32 s5, s7;
	[dreg:$0x0] =	wrdreg $0x0  }
0xbd: {  	s7 =	sshll.u32 s28, $0x1;
	[dreg:$0x2] =	wrdreg s5  }
0xbe: {  	[dreg:$0x3] =	wrdreg s7  }
0xbf: {  	[dreg:$0x4] =	wrdreg $0xC0  }
0xc0: {  	_ =	task [dreg:s22], $0x5FFFF  }
0xc1: {  	[dreg:$0x1] =	wrdreg $0xFFFFFFFF  }
0xc2: {  	[dreg:$0x0] =	wrdreg $0x60  }
0xc3: {  	[dreg:$0x2] =	wrdreg s17  }
0xc4: {  	[dreg:$0x3] =	wrdreg s24  }
0xc5: {  	[dreg:$0x4] =	wrdreg s18  }
0xc6: {  	[dreg:$0x5] =	wrdreg $0xA  }
0xc7: {  	_ =	task.clear_ibuf [dreg:s22], $0x6FFFF;
	_ =	strace $0x9000004C  }
0xc8: {  	s29 =	simm.s32 $0xA;
	_ =	strace $0x8000004E  }
0xc9: {  	_ =	swait.ge [sflag:s29], $0x1  }
0xca: {  	[sflag:s29] =	ssyncadd.s32 $0xFFFFFFFF  }
0xcb: {  	_ =	strace $0x9000004E  }
0xcc: {  	_ =	sfence  }
0xcd: {  	s30 =	sld [smem:$0x0];
	_ =	sdelay $0x2  }
0xce: {  	s31 =	sshll.u32 s1, $0xD;
	s1 =	sshrl.u32 s1, $0x2  }
0xcf: {  	s4 =	sand.u32 $0x4000, s31;
	s1 =	sadd.s32 s1, s30  }
0xd0: {  	s0 =	sor.u32 s4, s0;
	s1 =	sshll.u32 s1, $0x11  }
0xd1: {  	s0 =	sor.u32 s1, s0  }
0xd2: {  	s0 =	sadd.s32 $0x8F2B, s0  }
0xd3: {  	[sflag:s0] =	ssyncadd.remote.s32 $0x1  }
0xd4: {  	_ =	sfence.sel $0xFFFF  }
0xd5: {  	[dreg:$0x0] =	wrdreg $0xFFFFFFFF;
	(pc) =	sbr.abs _section_cstart, $3  }
0xd6: {  	[dreg:$0x1] =	wrdreg $0xFFFFFFFF  }
0xd7: {  	_ =	task.clear_ibuf [dreg:s22], $0x2FFFF;
	_ =	strace $0x9FFFFFFF  }
0xd8: {  	(tm) =	ssettm $0x7FFFFFFF  }
0xd9: {  	_ =	shalt  }
tec
execute0_lowered:
.L_overlay_start_1:
0x0: {  	(tag) =	ssettag $0x1  }
0x1: {  	s4 =	rddreg [dreg:$0x0]  }
0x2: {  	s5 =	rddreg [dreg:$0x1]  }
0x3: {  	s7 =	rddreg [dreg:$0x2]  }
0x4: {  	s0 =	rddreg [dreg:$0x3]  }
0x5: {  	s2 =	simm.s32 $0x0;
	s1 =	stileid.u32;
	s3 =	srdreg.scid  }
0x6: {  	s15 =	simm.s32 $0x800;
	s17 =	simm.s32 $0x2000;
	s18 =	simm.s32 $0x2080  }
0x7: {  	s19 =	simm.s32 $0x2100;
	s20 =	simm.s32 $0x2180;
	s21 =	simm.s32 $0x0  }
0x8: {  	s6 =	sshll.u32 s1, $0x5;
	s3 =	sand.u32 $0x1, s3;
	s8 =	sshll.u32 s1, $0x1  }
0x9: {  	[smem:$0x7FF] =	sst s2;
	s14 =	sshll.u32 s1, $0x8;
	s6 =	sand.u32 $0x100, s6  }
0xa: {  	s8 =	sor.u32 s3, s8;
	_ =	strace $0x8000004D;
	s12 =	ssub.s32 $0x2, s3  }
0xb: {  	s3 =	sadd.s32 $0xBC00, s5;
	s16 =	sor.u32 $0x7FF, s14;
	s9 =	sadd.s32 s6, s5  }
0xc: {  	s10 =	sshll.u32 s8, $0x3;
	s8 =	sshll.u32 s8, $0x8;
	s31 =	sshrl.u32 s12, $0x1  }
0xd: {  	s4 =	sadd.s32 s4, s6;
	v0 =	vmov s16;
	s16 =	simm.s32 $0x1000;
	s11 =	sadd.s32 s10, s5  }
0xe: {  	s13 =	sadd.s32 s8, s5;
	s12 =	ssub.s32 s12, s31;
	s5 =	sadd.s32 $0xE800, s9  }
0xf: {  	s6 =	sadd.s32 $0xEA00, s9;
	s7 =	sadd.s32 s7, s10;
	s8 =	sadd.s32 $0xB800, s11  }
0x10: {  	v1 =	vlaneseq.u32;
	s9 =	sadd.s32 $0xBA00, s11;
	s10 =	sadd.s32 $0xBE00, s13;
	s11 =	smax.u32 s12, $0x1  }
0x11: {  	vm0 =	vmxor vm0, vm0;
	v2 =	vimm.s32 $0x0;
	v3 =	vor.u32 $0x10, v1;
	s12 =	sand.u32 $0x800, s14;
	s13 =	simm.s32 $0x2A00;
	s14 =	simm.s32 $0x1  }
.LBB2_1:
0x12: {  	[tilespmem:s13], [sflag:$0x1] =	stream.linear.gather [hbm4b:s3+s2], $0x1, $0x38;
	[tilespmem:$0x2A80] =	vst v63  }
0x13: {  	_ =	swait.ge [sflag:s14], $0x1  }
0x14: {  	[sflag:s14] =	ssyncset.done $0x0  }
0x15: {  	[sflag:s14] =	ssyncadd.s32 $0xFFFFFFFF  }
0x16: {  	v4 =	vld [tilespmem:$0x2A00];
	[tilespmem:s2], [sflag:$0x1] =	stream.linear.gather [hbm4b:s4+s2], $0x800, $0x38  }
0x17: {  	_ =	swait.ge [sflag:s14], $0x800  }
0x18: {  	[sflag:s14] =	ssyncset.done $0x0  }
0x19: {  	[sflag:s14] =	ssyncadd.s32 $0xFFFFF800  }
0x1a: {  	[tilespmem:s15], [sflag:$0x1] =	stream.linear.gather [hbm4b:s5+s2], $0x800, $0x38;
	[tilespmem:$0x2A80] =	vst v63  }
0x1b: {  	_ =	swait.ge [sflag:s14], $0x800  }
0x1c: {  	[sflag:s14] =	ssyncset.done $0x0  }
0x1d: {  	[sflag:s14] =	ssyncadd.s32 $0xFFFFF800  }
0x1e: {  	[tilespmem:s16], [sflag:$0x1] =	stream.linear.gather [hbm4b:s6+s2], $0x800, $0x38;
	[tilespmem:$0x2A80] =	vst v63  }
0x1f: {  	_ =	swait.ge [sflag:s14], $0x800  }
0x20: {  	[sflag:s14] =	ssyncset.done $0x0  }
0x21: {  	[sflag:s14] =	ssyncadd.s32 $0xFFFFF800  }
0x22: {  	[tilespmem:s17], [sflag:$0x1] =	stream.linear.gather [hbm4b:s7+s2], $0x40, $0x38;
	[tilespmem:$0x2A80] =	vst v63  }
0x23: {  	_ =	swait.ge [sflag:s14], $0x40  }
0x24: {  	[sflag:s14] =	ssyncset.done $0x0  }
0x25: {  	[sflag:s14] =	ssyncadd.s32 $0xFFFFFFC0  }
0x26: {  	[tilespmem:s18], [sflag:$0x1] =	stream.linear.gather [hbm4b:s8+s2], $0x40, $0x38;
	[tilespmem:$0x2A80] =	vst v63  }
0x27: {  	_ =	swait.ge [sflag:s14], $0x40  }
0x28: {  	[sflag:s14] =	ssyncset.done $0x0  }
0x29: {  	[sflag:s14] =	ssyncadd.s32 $0xFFFFFFC0  }
0x2a: {  	[tilespmem:s19], [sflag:$0x1] =	stream.linear.gather [hbm4b:s9+s2], $0x40, $0x38;
	[tilespmem:$0x2A80] =	vst v63  }
0x2b: {  	_ =	swait.ge [sflag:s14], $0x40  }
0x2c: {  	[sflag:s14] =	ssyncset.done $0x0  }
0x2d: {  	s22 =	simm.s32 $0x0;
	[sflag:s14] =	ssyncadd.s32 $0xFFFFFFC0  }
0x2e: {  	v5 =	vld [tilespmem:s22+$0x0];
	_ =	sdelay $0x1  }
0x2f: {  	v6 =	vld [tilespmem:s22+$0x800]  }
0x30: {  	v7 =	vld [tilespmem:s22+$0x1000];
	_ =	sdelay $0x1  }
0x31: {  	v8 =	vshrl.u32 v5, $0x10  }
0x32: {  	v8 =	vand.u32 $0x1, v8  }
0x33: {  	v9 =	vmul.f32 v5, v5;
	v10 =	vshrl.u32 v6, $0x10;
	v5 =	vadd.s32 v8, v5  }
0x34: {  	v8 =	vand.u32 $0x1, v10;
	v10 =	vshrl.u32 v7, $0x10;
	v5 =	vadd.s32 $0x7FFF, v5  }
0x35: {  	v8 =	vadd.s32 v8, v6;
	v10 =	vand.u32 $0x1, v10;
	v6 =	vmul.f32 v6, v6  }
0x36: {  	v5 =	vand.u32 $0xFFFF0000, v5;
	v8 =	vadd.s32 $0x7FFF, v8;
	v10 =	vadd.s32 v10, v7  }
0x37: {  	s23 =	simm.s32 $0x10;
	[tilespmem:s22+$0x0] =	vst v5;
	v8 =	vand.u32 $0xFFFF0000, v8;
	v10 =	vadd.s32 $0x7FFF, v10  }
0x38: {  	s24 =	simm.s32 $0x80;
	v7 =	vmul.f32 v7, v7;
	v6 =	vadd.f32 v6, v9;
	v5 =	vld [tilespmem:s23+$0x0];
	[tilespmem:s22+$0x800] =	vst v8;
	v8 =	vand.u32 $0xFFFF0000, v10  }
.LBB2_2:
0x39: {  	p0 =	seq.s32 s24, $0x1FC0;
	v9 =	vld [tilespmem:s23+$0x800];
	[tilespmem:s22+$0x1000] =	vst v8  }
0x3a: {  	v8 =	vld [tilespmem:s23+$0x1000];
	v6 =	vadd.f32 v7, v6;
	_ =	sdelay $0x1  }
0x3b: {  	[tilespmem:s22+$0x1800] =	vst v6;
	s22 =	smov.u32 s23  }
0x3c: {  	v6 =	vmul.f32 v5, v5;
	v7 =	vshrl.u32 v5, $0x10  }
0x3d: {  	v10 =	vmul.f32 v9, v9;
	v7 =	vand.u32 $0x1, v7;
	v11 =	vshrl.u32 v9, $0x10  }
.Ltmp0:
0x3e: {  	v5 =	vadd.s32 v7, v5;
	v7 =	vand.u32 $0x1, v11;
	v11 =	vshrl.u32 v8, $0x10;
	(pc) =	sbr.rel @!p0 .LBB2_2-.Ltmp0, $4  }
0x3f: {  	v5 =	vadd.s32 $0x7FFF, v5;
	v7 =	vadd.s32 v7, v9;
	v9 =	vand.u32 $0x1, v11  }
0x40: {  	v5 =	vand.u32 $0xFFFF0000, v5;
	v7 =	vadd.s32 $0x7FFF, v7;
	v9 =	vadd.s32 v9, v8  }
0x41: {  	s23 =	sshra.s32 s24, $0x2;
	v6 =	vadd.f32 v10, v6;
	[tilespmem:s22+$0x0] =	vst v5;
	v10 =	vand.u32 $0xFFFF0000, v7;
	v9 =	vadd.s32 $0x7FFF, v9  }
0x42: {  	s24 =	sadd.s32 $0x40, s24;
	v7 =	vmul.f32 v8, v8;
	v5 =	vld [tilespmem:s23+$0x0];
	[tilespmem:s22+$0x800] =	vst v10;
	v8 =	vand.u32 $0xFFFF0000, v9  }
0x43: {  	v9 =	vld [tilespmem:s23+$0x800]  }
0x44: {  	[tilespmem:s22+$0x1000] =	vst v8  }
0x45: {  	v8 =	vld [tilespmem:s23+$0x1000];
	_ =	sdelay $0x1  }
0x46: {  	v6 =	vadd.f32 v7, v6;
	v7 =	vshrl.u32 v5, $0x10  }
0x47: {  	v10 =	vmul.f32 v5, v5;
	v7 =	vand.u32 $0x1, v7;
	v11 =	vshrl.u32 v9, $0x10  }
0x48: {  	v5 =	vadd.s32 v7, v5;
	v7 =	vmul.f32 v9, v9;
	v11 =	vand.u32 $0x1, v11  }
0x49: {  	v63 =	vshrl.u32 v8, $0x10;
	v9 =	vadd.s32 v11, v9;
	v5 =	vadd.s32 $0x7FFF, v5  }
0x4a: {  	v11 =	vand.u32 $0x1, v63;
	v5 =	vand.u32 $0xFFFF0000, v5;
	v9 =	vadd.s32 $0x7FFF, v9  }
0x4b: {  	[tilespmem:s22+$0x1800] =	vst v6;
	v6 =	vadd.s32 v11, v8;
	v7 =	vadd.f32 v7, v10;
	v8 =	vmul.f32 v8, v8  }
0x4c: {  	[tilespmem:s23+$0x0] =	vst v5;
	v5 =	vand.u32 $0xFFFF0000, v9;
	v6 =	vadd.s32 $0x7FFF, v6  }
0x4d: {  	[tilespmem:s23+$0x800] =	vst v5;
	v5 =	vand.u32 $0xFFFF0000, v6;
	v6 =	vadd.f32 v8, v7  }
0x4e: {  	[tilespmem:s23+$0x1000] =	vst v5  }
0x4f: {  	v4 =	vbroadcast v4, $0x0;
	s22 =	simm.s32 $0x0;
	[tilespmem:s23+$0x1800] =	vst v6  }
.LBB2_4:
0x50: {  	s23 =	sshll.u32 s22, $0x4  }
0x51: {  	v5 =	vld [tilespmem:s23+$0x2000]  }
0x52: {  	v6 =	vld [tilespmem:s23+$0x2080]  }
0x53: {  	s24 =	simm.s32 $0x0;
	v7 =	vld [tilespmem:s23+$0x2100]  }
.LBB2_5:
0x54: {  	_ =	sdelay $0x1  }
0x55: {  	v8 =	vmov s24  }
0x56: {  	s25 =	simm.s32 $0x0;
	v9 =	vperm.xlane v5, v8;
	v10 =	vperm.xlane v6, v8  }
0x57: {  	v12 =	vld [tilespmem:s25+$0x0];
	v11 =	vperm.xlane v7, v8  }
0x58: {  	v15 =	vld [tilespmem:s25+$0x800];
	v13 =	vmul.f32 v9, v9;
	v8 =	vshrl.u32 v9, $0x10;
	v14 =	vshrl.u32 v10, $0x10  }
0x59: {  	v16 =	vmul.f32 v10, v10;
	v8 =	vand.u32 $0x1, v8;
	v14 =	vand.u32 $0x1, v14  }
0x5a: {  	v8 =	vadd.s32 v8, v9;
	v9 =	vadd.s32 v14, v10;
	v10 =	vshrl.u32 v11, $0x10;
	v14 =	vld [tilespmem:s25+$0x1000]  }
0x5b: {  	v8 =	vadd.s32 $0x7FFF, v8;
	v9 =	vadd.s32 $0x7FFF, v9;
	v10 =	vand.u32 $0x1, v10  }
0x5c: {  	v8 =	vand.u32 $0xFFFF0000, v8;
	v9 =	vand.u32 $0xFFFF0000, v9;
	v10 =	vadd.s32 v10, v11  }
0x5d: {  	v12 =	vmul.f32 v8, v12;
	v10 =	vadd.s32 $0x7FFF, v10;
	v15 =	vmul.f32 v9, v15  }
0x5e: {  	v13 =	vadd.f32 v16, v13;
	v16 =	vld [tilespmem:s25+$0x1800];
	v10 =	vand.u32 $0xFFFF0000, v10  }
0x5f: {  	v11 =	vmul.f32 v11, v11;
	v15 =	vadd.f32 v15, v12;
	v14 =	vmul.f32 v10, v14;
	_ =	sdelay $0x1  }
0x60: {  	v12 =	vadd.f32 v11, v13;
	v11 =	vadd.f32 v14, v15;
	_ =	sdelay $0x1  }
0x61: {  	v13 =	vadd.f32 v16, v12;
	v11 =	vadd.f32 v11, v11;
	_ =	sdelay $0x1  }
0x62: {  	s31 =	sor.u32 s23, s24;
	v11 =	vsub.f32 v13, v11  }
0x63: {  	p0 =	por $0x1, $0x1;
	vm1 =	vmmov vm0;
	s25 =	sshll.u32 s31, $0x7  }
0x64: {  	vm1 =	vmneg @p0 vm1;
	s25 =	sshra.s32 s25, $0x2;
	vm2 =	vle.f32 v11, v4  }
0x65: {  	s26 =	sadd.s32 $0x2180, s25;
	vm1 =	vmand vm1, vm2  }
0x66: {  	v11 =	vmov s26;
	_ =	sdelay $0x3  }
0x67: {  	s28 =	simm.s32 $0x0;
	v13 =	vor.u32 s12, v1  }
0x68: {  	[tilespmem:v11+s28+$0x0 ss:$0x1] =	vst.idx.msk vm1, v13;
	v13 =	vsel vm1, $0x1, v2  }
0x69: {  	s29 =	simm.s32 $0x10;
	(xrf0) =	vadd.scan.msk.s32 $0xffff, v13  }
0x6a: {  	v13 =	vld [tilespmem:s29+$0x800];
	_ =	sdelay $0x4  }
0x6b: {  	v16 =	vmul.f32 v9, v13;
	v13, _, _ =	vpop (xrf0)  }
0x6c: {  	(v2sf) =	vpush v13, $0xF;
	_ =	sdelay $0x2  }
0x6d: {  	v14 =	vld [tilespmem:s29+$0x0];
	_ =	sdelay $0x1  }
0x6e: {  	v15 =	vld [tilespmem:s29+$0x1000];
	_ =	sdelay $0x2  }
0x6f: {  	v14 =	vmul.f32 v8, v14  }
0x70: {  	v13 =	vld [tilespmem:s29+$0x1800]  }
0x71: {  	v15 =	vmul.f32 v10, v15;
	v14 =	vadd.f32 v16, v14  }
0x72: {  	s30 =	simm.s32 $0xC0;
	s26 =	simm.s32 $0x80;
	s29 =	smov.u32 s12  }
.LBB2_6:
0x73: {  	p0 =	sne.s32 s30, $0x1FC0;
	v14 =	vadd.f32 v15, v14;
	_ =	sdelay $0x1  }
0x74: {  	v13 =	vadd.f32 v13, v12;
	v14 =	vadd.f32 v14, v14  }
0x75: {  	s31 =	spop (v2sf)  }
0x76: {  	v13 =	vsub.f32 v13, v14;
	s28 =	sadd.s32 s28, s31  }
0x77: {  	vm2 =	vmmov vm0;
	p1 =	slt.s32 s28, $0x20  }
0x78: {  	vm1 =	vle.f32 v13, v4;
	vm2 =	vmneg @p1 vm2  }
0x79: {  	vm1 =	vmand vm2, vm1  }
0x7a: {  	v13 =	vsel vm1, $0x1, v2  }
0x7b: {  	(xrf0) =	vadd.scan.msk.s32 $0xffff, v13;
	_ =	sdelay $0x1  }
0x7c: {  	s29 =	sadd.s32 $0x10, s29  }
0x7d: {  	v13 =	vor.u32 s29, v1  }
0x7e: {  	[tilespmem:v11+s28+$0x0 ss:$0x1] =	vst.idx.msk vm1, v13;
	_ =	sdelay $0x1  }
0x7f: {  	v13, _, _ =	vpop (xrf0)  }
0x80: {  	(v2sf) =	vpush v13, $0xF  }
0x81: {  	s31 =	sshra.s32 s26, $0x2;
	s26 =	smov.u32 s30  }
0x82: {  	v13 =	vld [tilespmem:s31+$0x0]  }
0x83: {  	v14 =	vld [tilespmem:s31+$0x800];
	_ =	sdelay $0x1  }
0x84: {  	v15 =	vld [tilespmem:s31+$0x1000];
	_ =	sdelay $0x1  }
.Ltmp1:
0x85: {  	(pc) =	sbr.rel @p0 .LBB2_6-.Ltmp1, $4  }
0x86: {  	v16 =	vmul.f32 v8, v13;
	v14 =	vmul.f32 v9, v14  }
0x87: {  	v13 =	vld [tilespmem:s31+$0x1800]  }
0x88: {  	v14 =	vadd.f32 v14, v16;
	v15 =	vmul.f32 v10, v15  }
0x89: {  	s30 =	sadd.s32 $0x40, s30  }
0x8a: {  	v14 =	vadd.f32 v15, v14;
	_ =	sdelay $0x1  }
0x8b: {  	v13 =	vadd.f32 v13, v12;
	v14 =	vadd.f32 v14, v14  }
0x8c: {  	s30 =	spop (v2sf)  }
0x8d: {  	v13 =	vsub.f32 v13, v14;
	s28 =	sadd.s32 s28, s30  }
0x8e: {  	vm1 =	vmmov vm0;
	p0 =	slt.s32 s28, $0x20  }
0x8f: {  	vm2 =	vle.f32 v13, v4;
	vm1 =	vmneg @p0 vm1  }
0x90: {  	vm1 =	vmand vm1, vm2  }
0x91: {  	v54 =	vsel vm1, $0x1, v2  }
0x92: {  	(xrf0) =	vadd.scan.msk.s32 $0xffff, v54;
	_ =	sdelay $0x5  }
0x93: {  	s29 =	sadd.s32 $0x10, s29;
	v13, _, _ =	vpop (xrf0)  }
0x94: {  	v55 =	vor.u32 s29, v1;
	(v2sf) =	vpush v13, $0xF  }
0x95: {  	s26 =	sshra.s32 s26, $0x2;
	[tilespmem:v11+s28+$0x0 ss:$0x1] =	vst.idx.msk vm1, v55  }
0x96: {  	v56 =	vld [tilespmem:s26+$0x0]  }
0x97: {  	v14 =	vld [tilespmem:s26+$0x800];
	_ =	sdelay $0x1  }
0x98: {  	v57 =	vld [tilespmem:s26+$0x1000];
	_ =	sdelay $0x2  }
0x99: {  	v8 =	vmul.f32 v8, v56;
	v9 =	vmul.f32 v9, v14  }
0x9a: {  	v58 =	vld [tilespmem:s26+$0x1800]  }
0x9b: {  	v59 =	vmul.f32 v10, v57;
	v8 =	vadd.f32 v9, v8;
	_ =	sdelay $0x1  }
0x9c: {  	v8 =	vadd.f32 v59, v8;
	_ =	sdelay $0x1  }
0x9d: {  	v60 =	vadd.f32 v58, v12;
	v8 =	vadd.f32 v8, v8  }
0x9e: {  	s31 =	spop (v2sf)  }
0x9f: {  	v8 =	vsub.f32 v60, v8;
	s26 =	sadd.s32 s28, s31  }
0xa0: {  	vm1 =	vmmov vm0;
	p0 =	slt.s32 s26, $0x20  }
0xa1: {  	vm2 =	vle.f32 v8, v4;
	vm1 =	vmneg @p0 vm1  }
0xa2: {  	vm1 =	vmand vm1, vm2  }
0xa3: {  	v8 =	vsel vm1, $0x1, v2  }
0xa4: {  	(xrf0) =	vadd.scan.msk.s32 $0xffff, v8;
	_ =	sdelay $0x5  }
0xa5: {  	v8, _, _ =	vpop (xrf0)  }
0xa6: {  	(v2sf) =	vpush v8, $0xF;
	_ =	sdelay $0x7  }
0xa7: {  	s30 =	sadd.s32 $0x10, s29  }
0xa8: {  	v8 =	vor.u32 s30, v1  }
0xa9: {  	[tilespmem:v11+s26+$0x0 ss:$0x1] =	vst.idx.msk vm1, v8  }
0xaa: {  	v8 =	vld [tilespmem:s25+$0x2180];
	_ =	sdelay $0x3  }
0xab: {  	s24 =	sadd.s32 $0x1, s24;
	v61 =	vld [tilespmem:s25+$0x2190];
	s31 =	spop (v2sf)  }
0xac: {  	p0 =	sne.s32 s24, $0x10;
	v62 =	vperm.xlane v8, v2;
	s26 =	sadd.s32 s26, s31  }
.Ltmp2:
0xad: {  	p6 =	sgt.s32 s26, $0x0;
	v63 =	vmov s26;
	(pc) =	sbr.rel @p0 .LBB2_5-.Ltmp2, $4  }
0xae: {  	v10 =	vpsel p6, v62, v0;
	vm1 =	vgt.s32 v63, v1  }
0xaf: {  	v8 =	vsel vm1, v8, v10;
	vm1 =	vgt.s32 v63, v3  }
0xb0: {  	[tilespmem:s25+$0x2180] =	vst v8;
	v8 =	vsel vm1, v61, v10  }
0xb1: {  	[tilespmem:s25+$0x2190] =	vst v8  }
0xb2: {  	s22 =	sadd.s32 $0x1, s22  }
0xb3: {  	p0 =	sne.s32 s22, $0x4  }
.Ltmp3:
0xb4: {  	_ = 	snop;
	(pc) =	sbr.rel @p0 .LBB2_4-.Ltmp3, $1  }
0xb5: {  	_ =	sdelay $0x3  }
0xb6: {  	s21 =	sadd.s32 $0x1, s21  }
0xb7: {  	p0 =	sne.s32 s21, s11  }
.Ltmp4:
0xb8: {  	_ = 	snop;
	(pc) =	sbr.rel @p0 .LBB2_1-.Ltmp4, $4  }
0xb9: {  	[hbm4b:s10+s2] =	stream.linear.scatter [tilespmem:s20], [sflag:$0x1], $0x800, $0x38;
	[tilespmem:$0x2A80] =	vst v63  }
0xba: {  	_ =	swait.ge [sflag:s14], $0x800  }
0xbb: {  	[sflag:s14] =	ssyncset.done $0x0  }
0xbc: {  	[sflag:s14] =	ssyncadd.s32 $0xFFFFF800  }
0xbd: {  	_ =	sfence.sel $0x180000  }
0xbe: {  	[bflag:$0x0] =	sbarrier.arrive $0xFFFF  }
0xbf: {  	p0 =	sne.s32 s1, $0x0;
	_ =	strace $0x9000004D  }
0xc0: {  	s0 =	sadd.s32 @!p0 $0x100000, s0;
	[bflag:$0x2] =	sbarrier.arrive $0xFFFF  }
0xc1: {  	[sflag:s0] =	ssyncadd.tile.s32 @!p0 $0x1;
	_ =	shalt  }
.Lfunc_end2:
_tile_overlayer_lowered:
.L_overlay_start_2:
0xc2: {  	(tag) =	ssettag $0x2  }
0xc3: {  	s0 =	rddreg [dreg:$0x0];
	s2 =	stileid.u32  }
0xc4: {  	s1 =	rddreg [dreg:$0x1];
	p0 =	sne.s32 s2, $0x0  }
0xc5: {  	s3 =	rddreg [dreg:$0x2];
	[bflag:$0x3] =	sbarrier.arrive $0xFFFF;
	s2 =	simm.s32 @!p0 $0x1C01  }
0xc6: {  	[timem:s3], [sflag:s2] =	dma.local @!p0 [hbm:s0], s1  }
0xc7: {  	s0 =	simm.s32 @!p0 $0x1  }
0xc8: {  	_ =	swait.ge @!p0 [sflag:s0], s1  }
0xc9: {  	s1 =	ssub.s32 @!p0 $0x0, s1;
	[sflag:s0] =	ssyncset.done @!p0 $0x0  }
0xca: {  	[sflag:s0] =	ssyncadd.s32 @!p0 s1  }
0xcb: {  	[bflag:$0x3] =	sbarrier.arrive $0xFFFF  }
0xcc: {  	_ =	shalt  }

// kernel: kernel.33.cloned.1.call-start
scs
__scs_entry_jumppad:
0x0: {  	(pc) =	sbr.rel $0x88, $3  }
0x1: {  	(tag) =	ssettag $0x0;
	lr =	simm.s32 $0x1  }
0x2: {  	[smem:$0x3F80] =	sst lr;
	_ =	strace $0xD0000000  }
0x3: {  	_ = 	snop  }
0x4: {  	_ = 	snop  }
0x5: {  	_ = 	snop  }
0x6: {  	_ = 	snop  }
0x7: {  	_ = 	snop  }
__scs_overlays_trampoline_lowered:
0x8: {  	[smem:$0x3F8F] =	sst s0  }
0x9: {  	[smem:$0x3F90] =	sst s1  }
0xa: {  	[smem:$0x3F91] =	sst s2  }
0xb: {  	[smem:$0x3F92] =	sst s3  }
0xc: {  	[smem:$0x3F93] =	sst s4  }
0xd: {  	[smem:$0x3F94] =	sst s5  }
0xe: {  	[smem:$0x3F95] =	sst s6  }
0xf: {  	[smem:$0x3F96] =	sst s7  }
0x10: {  	[smem:$0x3F97] =	sst s8  }
0x11: {  	[smem:$0x3F98] =	sst s9;
	s0 =	simm.s32 @!p0 $0x0  }
0x12: {  	s1 =	sld [smem:$0x3F7E];
	s0 =	simm.s32 @p0 $0x1  }
0x13: {  	[smem:$0x3F99] =	sst s0;
	s0 =	simm.s32 @!p1 $0x0  }
0x14: {  	s2 =	sld [smem:$0x3F7D];
	s0 =	simm.s32 @p1 $0x1  }
0x15: {  	[smem:$0x3F9A] =	sst s0;
	s0 =	simm.s32 @!p2 $0x0  }
0x16: {  	s3 =	sld [smem:$0x3FDB];
	s0 =	simm.s32 @p2 $0x1  }
0x17: {  	s4 =	simm.s32 $0x1BF5;
	[smem:$0x3F9C] =	sst s0  }
0x18: {  	s0 =	sld [smem:$0x3F7F];
	_ =	swait.ge [sflag:s4], $0x0  }
0x19: {  	s7 =	sld [smem:$0x3F80]  }
0x1a: {  	s8 =	sadd.s32 $0xFFFFE003, lr  }
0x1b: {  	s9 =	sadd.s32 $0xFFFFFEF7, lr;
	s5 =	simm.s32 $0xFFFFFFFF;
	p2 =	slt.u32 s8, $0xFFFFF086  }
0x1c: {  	p1 =	slt.u32 s9, $0xF7A;
	s5 =	simm.s32 @!p2 $0x0  }
0x1d: {  	s5 =	simm.s32 @p1 $0x1;
	p0 =	seq.s32 s7, s2  }
0x1e: {  	s7 =	smul.u32 @!p0 $0xF7A, s2;
	p2 =	seq.s32 @!p0 s5, $0x0  }
0x1f: {  	s9 =	smul.u32 $0xF7A, s1;
	s8 =	simm.s32 @!p0 $0x1BF5;
	p2 =	por !p2, p0  }
0x20: {  	[sflag:s8] =	ssyncset.s32 @!p0 $0xFFFFF086;
	s6 =	sadd.s32 @!p0 s3, s7;
	s7 =	simm.s32 @!p0 $0x108  }
0x21: {  	s3 =	sadd.s32 s3, s9;
	s6 =	sadd.s32 @!p0 $0x88, s6;
	s7 =	simm.s32 @p2 $0x1082  }
0x22: {  	[simem:s7], [sflag:s8] =	dma.local @!p0 [hbm:s6], $0xF7A  }
0x23: {  	s9 =	sor.u32 $0xD0000000, s2;
	s6 =	simm.s32 $0x108;
	_ =	swait.ge @!p0 [sflag:s8], $0x0  }
0x24: {  	s3 =	sadd.s32 $0x88, s3;
	s6 =	simm.s32 @!p1 $0x1082;
	[sflag:s4] =	ssyncset.s32 $0xFFFFF086  }
0x25: {  	[simem:s6], [sflag:s4] =	dma.local [hbm:s3], $0xF7A  }
0x26: {  	[smem:$0x3F80] =	sst s1;
	(tag) =	ssettag s2;
	_ =	strace s9  }
0x27: {  	s1 =	sld [smem:$0x3F90]  }
0x28: {  	s2 =	sld [smem:$0x3F91]  }
0x29: {  	s4 =	sld [smem:$0x3F93]  }
0x2a: {  	p0 =	seq.s32 s5, $0x0;
	s5 =	sld [smem:$0x3F94]  }
0x2b: {  	s6 =	sld [smem:$0x3F95]  }
0x2c: {  	s7 =	sld [smem:$0x3F96]  }
0x2d: {  	s3 =	simm.s32 $0x108;
	s8 =	sld [smem:$0x3F97]  }
0x2e: {  	s3 =	simm.s32 @!p0 $0x1082;
	s9 =	sld [smem:$0x3F98]  }
0x2f: {  	lr =	sadd.s32 s0, s3;
	s0 =	sld [smem:$0x3F8F]  }
0x30: {  	s3 =	sld [smem:$0x3F92]  }
0x31: {  	[smem:$0x3F9B] =	sst s10  }
0x32: {  	s10 =	sld [smem:$0x3F99];
	_ =	sdelay $0x3  }
0x33: {  	p0 =	seq.s32 s10, $0x1;
	s10 =	sld [smem:$0x3F9B];
	_ =	sdelay $0x3  }
0x34: {  	[smem:$0x3F9B] =	sst s10  }
0x35: {  	s10 =	sld [smem:$0x3F9A];
	_ =	sdelay $0x3  }
0x36: {  	p1 =	seq.s32 s10, $0x1;
	s10 =	sld [smem:$0x3F9B];
	_ =	sdelay $0x3  }
0x37: {  	[smem:$0x3F9B] =	sst s10  }
0x38: {  	s10 =	sld [smem:$0x3F9C]  }
0x39: {  	_ = 	snop;
	(pc) =	sbr.ind lr, $3  }
0x3a: {  	_ = 	snop  }
0x3b: {  	_ = 	snop  }
0x3c: {  	p2 =	seq.s32 s10, $0x1;
	s10 =	sld [smem:$0x3F9B]  }
0x3d: {  	_ =	shalt  }
0x3e: {  	_ =	shalt  }
0x3f: {  	_ =	shalt  }
0x40: {  	_ =	shalt  }
0x41: {  	_ =	shalt  }
0x42: {  	_ =	shalt  }
0x43: {  	_ =	shalt  }
0x44: {  	_ =	shalt  }
0x45: {  	_ =	shalt  }
0x46: {  	_ =	shalt  }
0x47: {  	_ =	shalt  }
0x48: {  	_ =	shalt  }
0x49: {  	_ =	shalt  }
0x4a: {  	_ =	shalt  }
0x4b: {  	_ =	shalt  }
0x4c: {  	_ =	shalt  }
0x4d: {  	_ =	shalt  }
0x4e: {  	_ =	shalt  }
0x4f: {  	_ =	shalt  }
0x50: {  	_ =	shalt  }
0x51: {  	_ =	shalt  }
0x52: {  	_ =	shalt  }
0x53: {  	_ =	shalt  }
0x54: {  	_ =	shalt  }
0x55: {  	_ =	shalt  }
0x56: {  	_ =	shalt  }
0x57: {  	_ =	shalt  }
0x58: {  	_ =	shalt  }
0x59: {  	_ =	shalt  }
0x5a: {  	_ =	shalt  }
0x5b: {  	_ =	shalt  }
0x5c: {  	_ =	shalt  }
0x5d: {  	_ =	shalt  }
0x5e: {  	_ =	shalt  }
0x5f: {  	_ =	shalt  }
0x60: {  	_ =	shalt  }
0x61: {  	_ =	shalt  }
0x62: {  	_ =	shalt  }
0x63: {  	_ =	shalt  }
0x64: {  	_ =	shalt  }
0x65: {  	_ =	shalt  }
0x66: {  	_ =	shalt  }
0x67: {  	_ =	shalt  }
0x68: {  	_ =	shalt  }
0x69: {  	_ =	shalt  }
0x6a: {  	_ =	shalt  }
0x6b: {  	_ =	shalt  }
0x6c: {  	_ =	shalt  }
0x6d: {  	_ =	shalt  }
0x6e: {  	_ =	shalt  }
0x6f: {  	_ =	shalt  }
0x70: {  	_ =	shalt  }
0x71: {  	_ =	shalt  }
0x72: {  	_ =	shalt  }
0x73: {  	_ =	shalt  }
0x74: {  	_ =	shalt  }
0x75: {  	_ =	shalt  }
0x76: {  	_ =	shalt  }
0x77: {  	_ =	shalt  }
0x78: {  	_ =	shalt  }
0x79: {  	_ =	shalt  }
0x7a: {  	_ =	shalt  }
0x7b: {  	_ =	shalt  }
0x7c: {  	_ =	shalt  }
0x7d: {  	_ =	shalt  }
0x7e: {  	_ =	shalt  }
0x7f: {  	_ =	shalt  }
0x80: {  	_ =	shalt  }
0x81: {  	_ =	shalt  }
0x82: {  	_ =	shalt  }
0x83: {  	_ =	shalt  }
0x84: {  	_ =	shalt  }
0x85: {  	_ =	shalt  }
0x86: {  	_ =	shalt  }
0x87: {  	_ =	shalt  }
.Lfunc_end0:
.L_simem_size_0:
called_computation.3_lowered:
.L_overlay_start_0:
0x88: {  	s2 =	sld [smem:$0x3FD9]  }
0x89: {  	s3 =	sld [smem:$0x3FFE];
	_ =	sdelay $0x1  }
0x8a: {  	s1 =	srdreg.scid  }
0x8b: {  	s0 =	sand.u32 $0x1, s1  }
0x8c: {  	s14 =	sshll.u32 s0, $0xA;
	s2 =	sadd.s32 s3, s2  }
0x8d: {  	s2 =	sadd.s32 s2, s14  }
0x8e: {  	[smem:$0x3FA7] =	sst s2  }
0x8f: {  	_ = 	snop  }
0x90: {  	s2 =	sld [smem:$0x3FD0];
	_ =	sdelay $0x2  }
0x91: {  	s15 =	simm.s32 $0xB;
	s4 =	simm.s32 $0x10  }
0x92: {  	[smem:s4], [sflag:s15] =	dma.local [hbm:s2], $0x1  }
0x93: {  	_ =	swait.eq [sflag:s15], $0x1  }
0x94: {  	[sflag:s15] =	ssyncset.done $0x0  }
0x95: {  	[sflag:s15] =	ssyncadd.s32 $0xFFFFFFFF  }
0x96: {  	s16 =	sld [smem:$0x10];
	(tm) =	ssettm $0x1  }
0x97: {  	s17 =	sld [smem:$0x3FFB];
	_ =	sdelay $0x3  }
0x98: {  	_ =	strace s17  }
0x99: {  	s3 =	sld [smem:$0x3FFC];
	_ =	sdelay $0x3  }
0x9a: {  	_ =	strace s3  }
0x9b: {  	s3 =	sld [smem:$0x3FFD];
	_ =	sdelay $0x3  }
0x9c: {  	_ =	strace s3  }
0x9d: {  	_ =	strace $0x8FFFFFFF  }
0x9e: {  	s18 =	sld [smem:$0x3FDB];
	_ =	sdelay $0x1  }
0x9f: {  	s19 =	simm.s32 $_scs_section_size  }
0xa0: {  	s5 =	simm.s32 $_size__tile_overlayer_lowered;
	s6 =	simm.s32 $_tile_overlayer_lowered  }
0xa1: {  	s22 =	simm.s32 $0x1BFF;
	s21 =	sshll.u32 s6, $0x1;
	s3 =	sadd.s32 s19, s18  }
0xa2: {  	s7 =	simm.s32 $0x0;
	s20 =	sshll.u32 s5, $0x1;
	s5 =	sadd.s32 s21, s3  }
0xa3: {  	[timem:s7], [sflag:s22] =	dma.local [hbm:s5], s20  }
0xa4: {  	_ =	swait.ge [sflag:s22], s20  }
0xa5: {  	s4 =	ssub.s32 $0x0, s20;
	[sflag:s22] =	ssyncset.done $0x0  }
0xa6: {  	[sflag:s22] =	ssyncadd.s32 s4;
	_ =	sdelay $0x1  }
0xa7: {  	s23 =	simm.s32 $0x1B8B  }
0xa8: {  	_ =	swait.ge [sflag:s23], $0x1  }
0xa9: {  	[sflag:s23] =	ssyncset.done $0x0  }
0xaa: {  	s25 =	simm.s32 $0x1B8E;
	s24 =	sld [smem:$0x3FFE];
	[sflag:s23] =	ssyncadd.s32 $0xFFFFFFFF  }
0xab: {  	s26 =	simm.s32 $execute0_lowered;
	[smem:$0x3FD2] =	sst s25  }
0xac: {  	s5 =	sshll.u32 s26, $0x1;
	_ =	strace $0x8000004F;
	[dreg:$0x1] =	wrdreg $0xFFFFFFFF  }
0xad: {  	s28 =	simm.s32 $_size_execute0_lowered;
	s3 =	sadd.s32 s3, s5;
	[dreg:$0x0] =	wrdreg $0x0  }
0xae: {  	s5 =	sshll.u32 s28, $0x1;
	[dreg:$0x2] =	wrdreg s3  }
0xaf: {  	[dreg:$0x3] =	wrdreg s5  }
0xb0: {  	[dreg:$0x4] =	wrdreg $0xC0  }
0xb1: {  	_ =	task [dreg:s7], $0x5FFFF  }
0xb2: {  	[dreg:$0x1] =	wrdreg $0xFFFFFFFF  }
0xb3: {  	[dreg:$0x0] =	wrdreg $0x60  }
0xb4: {  	[dreg:$0x2] =	wrdreg s16  }
0xb5: {  	[dreg:$0x3] =	wrdreg s24  }
0xb6: {  	[dreg:$0x4] =	wrdreg $0x9  }
0xb7: {  	_ =	task.clear_ibuf [dreg:s7], $0x5FFFF;
	_ =	strace $0x9000004F  }
0xb8: {  	s29 =	simm.s32 $0x9;
	_ =	strace $0x80000051  }
0xb9: {  	_ =	swait.ge [sflag:s29], $0x1  }
0xba: {  	[sflag:s29] =	ssyncadd.s32 $0xFFFFFFFF  }
0xbb: {  	_ =	strace $0x90000051  }
0xbc: {  	_ =	sfence  }
0xbd: {  	s30 =	sld [smem:$0x0];
	_ =	sdelay $0x2  }
0xbe: {  	s31 =	sshll.u32 s1, $0xD;
	s1 =	sshrl.u32 s1, $0x2  }
0xbf: {  	s3 =	sand.u32 $0x4000, s31;
	s1 =	sadd.s32 s1, s30  }
0xc0: {  	s0 =	sor.u32 s3, s0;
	s1 =	sshll.u32 s1, $0x11  }
0xc1: {  	s0 =	sor.u32 s1, s0  }
0xc2: {  	s0 =	sadd.s32 $0x8F2B, s0  }
0xc3: {  	[sflag:s0] =	ssyncadd.remote.s32 $0x1  }
0xc4: {  	_ =	sfence.sel $0xFFFF  }
0xc5: {  	[dreg:$0x0] =	wrdreg $0xFFFFFFFF;
	(pc) =	sbr.abs _section_cstart, $3  }
0xc6: {  	[dreg:$0x1] =	wrdreg $0xFFFFFFFF  }
0xc7: {  	_ =	task.clear_ibuf [dreg:s7], $0x2FFFF;
	_ =	strace $0x9FFFFFFF  }
0xc8: {  	(tm) =	ssettm $0x7FFFFFFF  }
0xc9: {  	_ =	shalt  }
tec
execute0_lowered:
.L_overlay_start_1:
0x0: {  	(tag) =	ssettag $0x1  }
0x1: {  	s1 =	rddreg [dreg:$0x0]  }
0x2: {  	s4 =	rddreg [dreg:$0x1]  }
0x3: {  	s0 =	rddreg [dreg:$0x2];
	s5 =	srdreg.scid  }
0x4: {  	s3 =	simm.s32 $0x0;
	s2 =	stileid.u32;
	s10 =	simm.s32 $0x1  }
0x5: {  	s11 =	simm.s32 $0x0;
	s5 =	sand.u32 $0x1, s5;
	[smem:$0x7FF] =	sst s3  }
0x6: {  	s6 =	sshll.u32 s2, $0x9;
	s8 =	sshll.u32 s2, $0x10;
	s7 =	sshll.u32 s5, $0x8  }
0x7: {  	_ =	strace $0x80000050;
	s29 =	ssub.s32 $0x2, s5;
	s8 =	sadd.s32 s8, s4  }
0x8: {  	s30 =	sshll.u32 s5, $0xF;
	s6 =	sor.u32 s7, s6;
	s9 =	sshrl.u32 s29, $0x1  }
0x9: {  	s31 =	sadd.s32 s30, s8;
	s8 =	simm.s32 $0x80;
	s6 =	sadd.s32 s6, s4  }
0xa: {  	s7 =	ssub.s32 s29, s9;
	s9 =	simm.s32 $0x800;
	s4 =	sadd.s32 $0xBE00, s6  }
0xb: {  	s5 =	smax.u32 s7, $0x1;
	s6 =	sadd.s32 $0xEE00, s31;
	s7 =	simm.s32 $0x2  }
.LBB2_1:
0xc: {  	[tilespmem:s3], [sflag:$0x2] =	stream.linear.gather [hbm4b:s4+s3], $0x800, $0x38;
	[tilespmem:$0x4800] =	vst v63  }
0xd: {  	_ =	swait.ge [sflag:s7], $0x800  }
0xe: {  	[sflag:s7] =	ssyncset.done $0x0  }
0xf: {  	s12 =	simm.s32 $0x0;
	[sflag:s7] =	ssyncadd.s32 $0xFFFFF800  }
0x10: {  	[tilespmem:s9], [sflag:$0x1] =	stream.indirect.gather [hbm4b:s1+s8], $0x80, s12, s8, $0xb8;
	[tilespmem:$0x4800] =	vst v63  }
0x11: {  	_ =	swait.ge [sflag:s10], $0x4000  }
0x12: {  	[sflag:s10] =	ssyncset.done $0x0  }
0x13: {  	[sflag:s10] =	ssyncadd.s32 $0xFFFFC000  }
0x14: {  	[hbm4b:s6+s3] =	stream.linear.scatter [tilespmem:s9], [sflag:$0x2], $0x4000, $0x38;
	[tilespmem:$0x4800] =	vst v63  }
0x15: {  	s13 =	simm.s32 $0x200;
	_ =	swait.ge [sflag:s7], $0x4000  }
0x16: {  	s14 =	simm.s32 $0x400;
	s12 =	sadd.s32 $0x800, s6;
	[sflag:s7] =	ssyncset.done $0x0  }
.LBB2_2:
0x17: {  	s15 =	sshra.s32 s13, $0x2  }
0x18: {  	[sflag:s7] =	ssyncadd.s32 $0xFFFFC000;
	s13 =	smov.u32 s14;
	s16 =	sadd.s32 $0x200, s14  }
0x19: {  	[tilespmem:s9], [sflag:$0x1] =	stream.indirect.gather [hbm4b:s1+s8], $0x80, s15, s8, $0xb8;
	[tilespmem:$0x4800] =	vst v63  }
0x1a: {  	p0 =	sne.s32 s14, $0x1E00;
	_ =	swait.ge [sflag:s10], $0x4000  }
.Ltmp0:
0x1b: {  	[sflag:s10] =	ssyncset.done $0x0;
	(pc) =	sbr.rel @p0 .LBB2_2-.Ltmp0, $4  }
0x1c: {  	[sflag:s10] =	ssyncadd.s32 $0xFFFFC000  }
0x1d: {  	[hbm4b:s12+s3] =	stream.linear.scatter [tilespmem:s9], [sflag:$0x2], $0x4000, $0x38;
	[tilespmem:$0x4800] =	vst v63  }
0x1e: {  	_ =	swait.ge [sflag:s7], $0x4000  }
0x1f: {  	s14 =	smov.u32 s16;
	s12 =	sadd.s32 $0x800, s12;
	[sflag:s7] =	ssyncset.done $0x0  }
0x20: {  	s13 =	sshra.s32 s13, $0x2;
	[sflag:s7] =	ssyncadd.s32 $0xFFFFC000  }
0x21: {  	[tilespmem:s9], [sflag:$0x1] =	stream.indirect.gather [hbm4b:s1+s8], $0x80, s13, s8, $0xb8;
	[tilespmem:$0x4800] =	vst v63  }
0x22: {  	s11 =	sadd.s32 $0x1, s11;
	_ =	swait.ge [sflag:s10], $0x4000  }
0x23: {  	p0 =	sne.s32 s11, s5;
	[sflag:s10] =	ssyncset.done $0x0  }
.Ltmp1:
0x24: {  	[sflag:s10] =	ssyncadd.s32 $0xFFFFC000;
	(pc) =	sbr.rel @p0 .LBB2_1-.Ltmp1, $4  }
0x25: {  	[hbm4b:s12+s3] =	stream.linear.scatter [tilespmem:s9], [sflag:$0x2], $0x4000, $0x38;
	[tilespmem:$0x4800] =	vst v63  }
0x26: {  	_ =	swait.ge [sflag:s7], $0x4000  }
0x27: {  	[sflag:s7] =	ssyncset.done $0x0  }
0x28: {  	[sflag:s7] =	ssyncadd.s32 $0xFFFFC000  }
0x29: {  	_ =	sfence.sel $0x180000  }
0x2a: {  	[bflag:$0x0] =	sbarrier.arrive $0xFFFF  }
0x2b: {  	p0 =	sne.s32 s2, $0x0;
	_ =	strace $0x90000050  }
0x2c: {  	s0 =	sadd.s32 @!p0 $0x100000, s0;
	[bflag:$0x2] =	sbarrier.arrive $0xFFFF  }
0x2d: {  	[sflag:s0] =	ssyncadd.tile.s32 @!p0 $0x1;
	_ =	shalt  }
.Lfunc_end2:
_tile_overlayer_lowered:
.L_overlay_start_2:
0x2e: {  	(tag) =	ssettag $0x2  }
0x2f: {  	s0 =	rddreg [dreg:$0x0];
	s2 =	stileid.u32  }
0x30: {  	s1 =	rddreg [dreg:$0x1];
	p0 =	sne.s32 s2, $0x0  }
0x31: {  	s3 =	rddreg [dreg:$0x2];
	[bflag:$0x3] =	sbarrier.arrive $0xFFFF;
	s2 =	simm.s32 @!p0 $0x1C02  }
0x32: {  	[timem:s3], [sflag:s2] =	dma.local @!p0 [hbm:s0], s1  }
0x33: {  	s0 =	simm.s32 @!p0 $0x2  }
0x34: {  	_ =	swait.ge @!p0 [sflag:s0], s1  }
0x35: {  	s1 =	ssub.s32 @!p0 $0x0, s1;
	[sflag:s0] =	ssyncset.done @!p0 $0x0  }
0x36: {  	[sflag:s0] =	ssyncadd.s32 @!p0 s1  }
0x37: {  	[bflag:$0x3] =	sbarrier.arrive $0xFFFF  }
0x38: {  	_ =	shalt  }

// kernel: kernel.36.cloned.1.call-start
scs
__scs_entry_jumppad:
0x0: {  	(pc) =	sbr.rel $0x88, $3  }
0x1: {  	(tag) =	ssettag $0x0;
	lr =	simm.s32 $0x1  }
0x2: {  	[smem:$0x3F80] =	sst lr;
	_ =	strace $0xD0000000  }
0x3: {  	_ = 	snop  }
0x4: {  	_ = 	snop  }
0x5: {  	_ = 	snop  }
0x6: {  	_ = 	snop  }
0x7: {  	_ = 	snop  }
__scs_overlays_trampoline_lowered:
0x8: {  	[smem:$0x3F8F] =	sst s0  }
0x9: {  	[smem:$0x3F90] =	sst s1  }
0xa: {  	[smem:$0x3F91] =	sst s2  }
0xb: {  	[smem:$0x3F92] =	sst s3  }
0xc: {  	[smem:$0x3F93] =	sst s4  }
0xd: {  	[smem:$0x3F94] =	sst s5  }
0xe: {  	[smem:$0x3F95] =	sst s6  }
0xf: {  	[smem:$0x3F96] =	sst s7  }
0x10: {  	[smem:$0x3F97] =	sst s8  }
0x11: {  	[smem:$0x3F98] =	sst s9;
	s0 =	simm.s32 @!p0 $0x0  }
0x12: {  	s1 =	sld [smem:$0x3F7E];
	s0 =	simm.s32 @p0 $0x1  }
0x13: {  	[smem:$0x3F99] =	sst s0;
	s0 =	simm.s32 @!p1 $0x0  }
0x14: {  	s2 =	sld [smem:$0x3F7D];
	s0 =	simm.s32 @p1 $0x1  }
0x15: {  	[smem:$0x3F9A] =	sst s0;
	s0 =	simm.s32 @!p2 $0x0  }
0x16: {  	s3 =	sld [smem:$0x3FDB];
	s0 =	simm.s32 @p2 $0x1  }
0x17: {  	s4 =	simm.s32 $0x1BF5;
	[smem:$0x3F9C] =	sst s0  }
0x18: {  	s0 =	sld [smem:$0x3F7F];
	_ =	swait.ge [sflag:s4], $0x0  }
0x19: {  	s7 =	sld [smem:$0x3F80]  }
0x1a: {  	s8 =	sadd.s32 $0xFFFFE003, lr  }
0x1b: {  	s9 =	sadd.s32 $0xFFFFFEF7, lr;
	s5 =	simm.s32 $0xFFFFFFFF;
	p2 =	slt.u32 s8, $0xFFFFF086  }
0x1c: {  	p1 =	slt.u32 s9, $0xF7A;
	s5 =	simm.s32 @!p2 $0x0  }
0x1d: {  	s5 =	simm.s32 @p1 $0x1;
	p0 =	seq.s32 s7, s2  }
0x1e: {  	s7 =	smul.u32 @!p0 $0xF7A, s2;
	p2 =	seq.s32 @!p0 s5, $0x0  }
0x1f: {  	s9 =	smul.u32 $0xF7A, s1;
	s8 =	simm.s32 @!p0 $0x1BF5;
	p2 =	por !p2, p0  }
0x20: {  	[sflag:s8] =	ssyncset.s32 @!p0 $0xFFFFF086;
	s6 =	sadd.s32 @!p0 s3, s7;
	s7 =	simm.s32 @!p0 $0x108  }
0x21: {  	s3 =	sadd.s32 s3, s9;
	s6 =	sadd.s32 @!p0 $0x88, s6;
	s7 =	simm.s32 @p2 $0x1082  }
0x22: {  	[simem:s7], [sflag:s8] =	dma.local @!p0 [hbm:s6], $0xF7A  }
0x23: {  	s9 =	sor.u32 $0xD0000000, s2;
	s6 =	simm.s32 $0x108;
	_ =	swait.ge @!p0 [sflag:s8], $0x0  }
0x24: {  	s3 =	sadd.s32 $0x88, s3;
	s6 =	simm.s32 @!p1 $0x1082;
	[sflag:s4] =	ssyncset.s32 $0xFFFFF086  }
0x25: {  	[simem:s6], [sflag:s4] =	dma.local [hbm:s3], $0xF7A  }
0x26: {  	[smem:$0x3F80] =	sst s1;
	(tag) =	ssettag s2;
	_ =	strace s9  }
0x27: {  	s1 =	sld [smem:$0x3F90]  }
0x28: {  	s2 =	sld [smem:$0x3F91]  }
0x29: {  	s4 =	sld [smem:$0x3F93]  }
0x2a: {  	p0 =	seq.s32 s5, $0x0;
	s5 =	sld [smem:$0x3F94]  }
0x2b: {  	s6 =	sld [smem:$0x3F95]  }
0x2c: {  	s7 =	sld [smem:$0x3F96]  }
0x2d: {  	s3 =	simm.s32 $0x108;
	s8 =	sld [smem:$0x3F97]  }
0x2e: {  	s3 =	simm.s32 @!p0 $0x1082;
	s9 =	sld [smem:$0x3F98]  }
0x2f: {  	lr =	sadd.s32 s0, s3;
	s0 =	sld [smem:$0x3F8F]  }
0x30: {  	s3 =	sld [smem:$0x3F92]  }
0x31: {  	[smem:$0x3F9B] =	sst s10  }
0x32: {  	s10 =	sld [smem:$0x3F99];
	_ =	sdelay $0x3  }
0x33: {  	p0 =	seq.s32 s10, $0x1;
	s10 =	sld [smem:$0x3F9B];
	_ =	sdelay $0x3  }
0x34: {  	[smem:$0x3F9B] =	sst s10  }
0x35: {  	s10 =	sld [smem:$0x3F9A];
	_ =	sdelay $0x3  }
0x36: {  	p1 =	seq.s32 s10, $0x1;
	s10 =	sld [smem:$0x3F9B];
	_ =	sdelay $0x3  }
0x37: {  	[smem:$0x3F9B] =	sst s10  }
0x38: {  	s10 =	sld [smem:$0x3F9C]  }
0x39: {  	_ = 	snop;
	(pc) =	sbr.ind lr, $3  }
0x3a: {  	_ = 	snop  }
0x3b: {  	_ = 	snop  }
0x3c: {  	p2 =	seq.s32 s10, $0x1;
	s10 =	sld [smem:$0x3F9B]  }
0x3d: {  	_ =	shalt  }
0x3e: {  	_ =	shalt  }
0x3f: {  	_ =	shalt  }
0x40: {  	_ =	shalt  }
0x41: {  	_ =	shalt  }
0x42: {  	_ =	shalt  }
0x43: {  	_ =	shalt  }
0x44: {  	_ =	shalt  }
0x45: {  	_ =	shalt  }
0x46: {  	_ =	shalt  }
0x47: {  	_ =	shalt  }
0x48: {  	_ =	shalt  }
0x49: {  	_ =	shalt  }
0x4a: {  	_ =	shalt  }
0x4b: {  	_ =	shalt  }
0x4c: {  	_ =	shalt  }
0x4d: {  	_ =	shalt  }
0x4e: {  	_ =	shalt  }
0x4f: {  	_ =	shalt  }
0x50: {  	_ =	shalt  }
0x51: {  	_ =	shalt  }
0x52: {  	_ =	shalt  }
0x53: {  	_ =	shalt  }
0x54: {  	_ =	shalt  }
0x55: {  	_ =	shalt  }
0x56: {  	_ =	shalt  }
0x57: {  	_ =	shalt  }
0x58: {  	_ =	shalt  }
0x59: {  	_ =	shalt  }
0x5a: {  	_ =	shalt  }
0x5b: {  	_ =	shalt  }
0x5c: {  	_ =	shalt  }
0x5d: {  	_ =	shalt  }
0x5e: {  	_ =	shalt  }
0x5f: {  	_ =	shalt  }
0x60: {  	_ =	shalt  }
0x61: {  	_ =	shalt  }
0x62: {  	_ =	shalt  }
0x63: {  	_ =	shalt  }
0x64: {  	_ =	shalt  }
0x65: {  	_ =	shalt  }
0x66: {  	_ =	shalt  }
0x67: {  	_ =	shalt  }
0x68: {  	_ =	shalt  }
0x69: {  	_ =	shalt  }
0x6a: {  	_ =	shalt  }
0x6b: {  	_ =	shalt  }
0x6c: {  	_ =	shalt  }
0x6d: {  	_ =	shalt  }
0x6e: {  	_ =	shalt  }
0x6f: {  	_ =	shalt  }
0x70: {  	_ =	shalt  }
0x71: {  	_ =	shalt  }
0x72: {  	_ =	shalt  }
0x73: {  	_ =	shalt  }
0x74: {  	_ =	shalt  }
0x75: {  	_ =	shalt  }
0x76: {  	_ =	shalt  }
0x77: {  	_ =	shalt  }
0x78: {  	_ =	shalt  }
0x79: {  	_ =	shalt  }
0x7a: {  	_ =	shalt  }
0x7b: {  	_ =	shalt  }
0x7c: {  	_ =	shalt  }
0x7d: {  	_ =	shalt  }
0x7e: {  	_ =	shalt  }
0x7f: {  	_ =	shalt  }
0x80: {  	_ =	shalt  }
0x81: {  	_ =	shalt  }
0x82: {  	_ =	shalt  }
0x83: {  	_ =	shalt  }
0x84: {  	_ =	shalt  }
0x85: {  	_ =	shalt  }
0x86: {  	_ =	shalt  }
0x87: {  	_ =	shalt  }
.Lfunc_end0:
.L_simem_size_0:
called_computation.4_lowered:
.L_overlay_start_0:
0x88: {  	s2 =	sld [smem:$0x3FD9]  }
0x89: {  	s3 =	sld [smem:$0x3FFE];
	_ =	sdelay $0x1  }
0x8a: {  	s1 =	srdreg.scid  }
0x8b: {  	s0 =	sand.u32 $0x1, s1  }
0x8c: {  	s15 =	sshll.u32 s0, $0xA;
	s2 =	sadd.s32 s3, s2  }
0x8d: {  	s2 =	sadd.s32 s2, s15  }
0x8e: {  	[smem:$0x3FA7] =	sst s2  }
0x8f: {  	_ = 	snop  }
0x90: {  	s2 =	sld [smem:$0x3FD0];
	_ =	sdelay $0x2  }
0x91: {  	s16 =	simm.s32 $0xB;
	s4 =	simm.s32 $0x10  }
0x92: {  	[smem:s4], [sflag:s16] =	dma.local [hbm:s2], $0x1  }
0x93: {  	_ =	swait.eq [sflag:s16], $0x1  }
0x94: {  	[sflag:s16] =	ssyncset.done $0x0  }
0x95: {  	[sflag:s16] =	ssyncadd.s32 $0xFFFFFFFF  }
0x96: {  	s17 =	sld [smem:$0x12];
	(tm) =	ssettm $0x1  }
0x97: {  	s18 =	sld [smem:$0x3FFB];
	_ =	sdelay $0x3  }
0x98: {  	_ =	strace s18  }
0x99: {  	s2 =	sld [smem:$0x3FFC];
	_ =	sdelay $0x3  }
0x9a: {  	_ =	strace s2  }
0x9b: {  	s2 =	sld [smem:$0x3FFD];
	_ =	sdelay $0x3  }
0x9c: {  	_ =	strace s2  }
0x9d: {  	_ =	strace $0x8FFFFFFF  }
0x9e: {  	s19 =	sld [smem:$0x3FDB];
	_ =	sdelay $0x1  }
0x9f: {  	s20 =	simm.s32 $_scs_section_size  }
0xa0: {  	s5 =	simm.s32 $_size__tile_overlayer_lowered;
	s6 =	simm.s32 $_tile_overlayer_lowered  }
0xa1: {  	s7 =	simm.s32 $0x1BFF;
	s21 =	sshll.u32 s6, $0x1;
	s4 =	sadd.s32 s20, s19  }
0xa2: {  	s22 =	simm.s32 $0x0;
	s5 =	sshll.u32 s5, $0x1;
	s6 =	sadd.s32 s21, s4  }
0xa3: {  	[timem:s22], [sflag:s7] =	dma.local [hbm:s6], s5  }
0xa4: {  	_ =	swait.ge [sflag:s7], s5  }
0xa5: {  	s5 =	ssub.s32 $0x0, s5;
	[sflag:s7] =	ssyncset.done $0x0  }
0xa6: {  	[sflag:s7] =	ssyncadd.s32 s5;
	_ =	sdelay $0x1  }
0xa7: {  	s23 =	simm.s32 $0x1B8B  }
0xa8: {  	_ =	swait.ge [sflag:s23], $0x1  }
0xa9: {  	[sflag:s23] =	ssyncset.done $0x0  }
0xaa: {  	[sflag:s23] =	ssyncadd.s32 $0xFFFFFFFF  }
0xab: {  	s5 =	sld [smem:$0x0]  }
0xac: {  	s6 =	sand.u32 $0xFFFFFFFE, s1  }
0xad: {  	p0 =	sne.s32 s1, s6  }
0xae: {  	s6 =	sshll.u32 @p0 s6, $0xE  }
0xaf: {  	s6 =	sadd.s32 @p0 $0x11B8D, s6;
	s7 =	sshll.u32 @p0 s5, $0x11  }
0xb0: {  	s6 =	sor.u32 @p0 s7, s6  }
0xb1: {  	[sflag:s6] =	ssyncadd.remote.s32 @p0 $0x1;
	_ =	sdelay $0x1  }
0xb2: {  	s6 =	simm.s32 @p0 $0x1B8D  }
0xb3: {  	_ =	swait.eq @p0 [sflag:s6], $0x1  }
0xb4: {  	[sflag:s6] =	ssyncadd.s32 @p0 $0xFFFFFFFF  }
0xb5: {  	s7 =	sshll.u32 @!p0 s1, $0xE  }
0xb6: {  	s7 =	sor.u32 @!p0 $0x4000, s7;
	s6 =	simm.s32 @!p0 $0x1B8D  }
0xb7: {  	s5 =	sshll.u32 @!p0 s5, $0x11;
	s7 =	sadd.s32 @!p0 $0x11B8D, s7;
	_ =	swait.eq @!p0 [sflag:s6], $0x1  }
0xb8: {  	s5 =	sor.u32 @!p0 s5, s7;
	[sflag:s6] =	ssyncadd.s32 @!p0 $0xFFFFFFFF  }
0xb9: {  	s25 =	simm.s32 $0x1B8E;
	s24 =	sld [smem:$0x3FFE];
	[sflag:s5] =	ssyncadd.remote.s32 @!p0 $0x1  }
0xba: {  	s26 =	simm.s32 $execute0_lowered;
	[smem:$0x3FD2] =	sst s25  }
0xbb: {  	s6 =	sshll.u32 s26, $0x1;
	_ =	strace $0x80000052;
	[dreg:$0x1] =	wrdreg $0xFFFFFFFF  }
0xbc: {  	s28 =	simm.s32 $_size_execute0_lowered;
	s4 =	sadd.s32 s4, s6;
	[dreg:$0x0] =	wrdreg $0x0  }
0xbd: {  	s6 =	sshll.u32 s28, $0x1;
	[dreg:$0x2] =	wrdreg s4  }
0xbe: {  	[dreg:$0x3] =	wrdreg s6  }
0xbf: {  	[dreg:$0x4] =	wrdreg $0xC0  }
0xc0: {  	_ =	task [dreg:s22], $0x5FFFF  }
0xc1: {  	[dreg:$0x1] =	wrdreg $0xFFFFFFFF  }
0xc2: {  	[dreg:$0x0] =	wrdreg $0x60  }
0xc3: {  	[dreg:$0x2] =	wrdreg s17  }
0xc4: {  	[dreg:$0x3] =	wrdreg s24  }
0xc5: {  	[dreg:$0x4] =	wrdreg $0xA  }
0xc6: {  	_ =	task.clear_ibuf [dreg:s22], $0x5FFFF;
	_ =	strace $0x90000052  }
0xc7: {  	s29 =	simm.s32 $0xA;
	_ =	strace $0x80000054  }
0xc8: {  	_ =	swait.ge [sflag:s29], $0x1  }
0xc9: {  	[sflag:s29] =	ssyncadd.s32 $0xFFFFFFFF  }
0xca: {  	_ =	strace $0x90000054  }
0xcb: {  	_ =	sfence  }
0xcc: {  	s30 =	sld [smem:$0x0];
	_ =	sdelay $0x2  }
0xcd: {  	s31 =	sshll.u32 s1, $0xD;
	s1 =	sshrl.u32 s1, $0x2  }
0xce: {  	s4 =	sand.u32 $0x4000, s31;
	s1 =	sadd.s32 s1, s30  }
0xcf: {  	s0 =	sor.u32 s4, s0;
	s1 =	sshll.u32 s1, $0x11  }
0xd0: {  	s0 =	sor.u32 s1, s0  }
0xd1: {  	s0 =	sadd.s32 $0x8F2B, s0  }
0xd2: {  	[sflag:s0] =	ssyncadd.remote.s32 $0x1  }
0xd3: {  	_ =	sfence.sel $0xFFFF  }
0xd4: {  	[dreg:$0x0] =	wrdreg $0xFFFFFFFF;
	(pc) =	sbr.abs _section_cstart, $3  }
0xd5: {  	[dreg:$0x1] =	wrdreg $0xFFFFFFFF  }
0xd6: {  	_ =	task.clear_ibuf [dreg:s22], $0x2FFFF;
	_ =	strace $0x9FFFFFFF  }
0xd7: {  	(tm) =	ssettm $0x7FFFFFFF  }
tec
execute0_lowered:
.L_overlay_start_1:
0x0: {  	(tag) =	ssettag $0x1  }
0x1: {  	s4 =	rddreg [dreg:$0x0]  }
0x2: {  	s5 =	rddreg [dreg:$0x1]  }
0x3: {  	s0 =	rddreg [dreg:$0x2]  }
0x4: {  	s2 =	simm.s32 $0x0;
	s1 =	stileid.u32;
	s3 =	srdreg.scid  }
0x5: {  	s14 =	simm.s32 $0x1;
	s15 =	simm.s32 $0x400;
	s17 =	simm.s32 $0x1000  }
0x6: {  	s18 =	simm.s32 $0x1080;
	s19 =	simm.s32 $0x1100;
	s20 =	simm.s32 $0x1180  }
0x7: {  	s21 =	simm.s32 $0x0;
	s6 =	sshll.u32 s1, $0x4;
	s3 =	sand.u32 $0x1, s3  }
0x8: {  	s7 =	sshll.u32 s1, $0x1;
	[smem:$0x7FF] =	sst s2;
	s13 =	sshll.u32 s1, $0x7  }
0x9: {  	s6 =	sand.u32 $0x80, s6;
	s7 =	sor.u32 s3, s7;
	_ =	strace $0x80000053  }
0xa: {  	s30 =	ssub.s32 $0x2, s3;
	s3 =	sadd.s32 $0xBC00, s5;
	s8 =	sadd.s32 s6, s5  }
0xb: {  	s9 =	sshll.u32 s7, $0x2;
	s10 =	sshll.u32 s7, $0x6;
	s31 =	sshrl.u32 s30, $0x1  }
0xc: {  	s4 =	sadd.s32 s4, s6;
	s9 =	sadd.s32 s9, s5;
	s11 =	sadd.s32 s10, s5  }
0xd: {  	s12 =	ssub.s32 s30, s31;
	s5 =	sadd.s32 $0xB800, s8;
	s6 =	sadd.s32 $0xBA00, s8  }
0xe: {  	s16 =	sor.u32 $0x3FF, s10;
	s7 =	sadd.s32 $0xDE00, s9;
	s8 =	sadd.s32 $0xE000, s9  }
0xf: {  	vm0 =	vmxor vm0, vm0;
	s9 =	sadd.s32 $0xE200, s9;
	s10 =	sadd.s32 $0xE400, s11;
	s11 =	smax.u32 s12, $0x1  }
0x10: {  	v1 =	vlaneseq.u32;
	v2 =	vimm.s32 $0x0;
	s12 =	sand.u32 $0x400, s13;
	s13 =	simm.s32 $0x1400;
	v0 =	vmov s16;
	s16 =	simm.s32 $0x800  }
.LBB2_1:
0x11: {  	[tilespmem:s13], [sflag:$0x1] =	stream.linear.gather [hbm4b:s3+s2], $0x1, $0x38;
	[tilespmem:$0x1480] =	vst v63  }
0x12: {  	_ =	swait.ge [sflag:s14], $0x1  }
0x13: {  	[sflag:s14] =	ssyncset.done $0x0  }
0x14: {  	[sflag:s14] =	ssyncadd.s32 $0xFFFFFFFF  }
0x15: {  	v3 =	vld [tilespmem:$0x1400];
	[tilespmem:s2], [sflag:$0x1] =	stream.linear.gather [hbm4b:s4+s2], $0x400, $0x38  }
0x16: {  	_ =	swait.ge [sflag:s14], $0x400  }
0x17: {  	[sflag:s14] =	ssyncset.done $0x0  }
0x18: {  	[sflag:s14] =	ssyncadd.s32 $0xFFFFFC00  }
0x19: {  	[tilespmem:s15], [sflag:$0x1] =	stream.linear.gather [hbm4b:s5+s2], $0x400, $0x38;
	[tilespmem:$0x1480] =	vst v63  }
0x1a: {  	_ =	swait.ge [sflag:s14], $0x400  }
0x1b: {  	[sflag:s14] =	ssyncset.done $0x0  }
0x1c: {  	[sflag:s14] =	ssyncadd.s32 $0xFFFFFC00  }
0x1d: {  	[tilespmem:s16], [sflag:$0x1] =	stream.linear.gather [hbm4b:s6+s2], $0x400, $0x38;
	[tilespmem:$0x1480] =	vst v63  }
0x1e: {  	_ =	swait.ge [sflag:s14], $0x400  }
0x1f: {  	[sflag:s14] =	ssyncset.done $0x0  }
0x20: {  	[sflag:s14] =	ssyncadd.s32 $0xFFFFFC00  }
0x21: {  	[tilespmem:s17], [sflag:$0x1] =	stream.linear.gather [hbm4b:s7+s2], $0x20, $0x38;
	[tilespmem:$0x1480] =	vst v63  }
0x22: {  	_ =	swait.ge [sflag:s14], $0x20  }
0x23: {  	[sflag:s14] =	ssyncset.done $0x0  }
0x24: {  	[sflag:s14] =	ssyncadd.s32 $0xFFFFFFE0  }
0x25: {  	[tilespmem:s18], [sflag:$0x1] =	stream.linear.gather [hbm4b:s8+s2], $0x20, $0x38;
	[tilespmem:$0x1480] =	vst v63  }
0x26: {  	_ =	swait.ge [sflag:s14], $0x20  }
0x27: {  	[sflag:s14] =	ssyncset.done $0x0  }
0x28: {  	[sflag:s14] =	ssyncadd.s32 $0xFFFFFFE0  }
0x29: {  	[tilespmem:s19], [sflag:$0x1] =	stream.linear.gather [hbm4b:s9+s2], $0x20, $0x38;
	[tilespmem:$0x1480] =	vst v63  }
0x2a: {  	_ =	swait.ge [sflag:s14], $0x20  }
0x2b: {  	[sflag:s14] =	ssyncset.done $0x0  }
0x2c: {  	s22 =	simm.s32 $0x0;
	[sflag:s14] =	ssyncadd.s32 $0xFFFFFFE0  }
0x2d: {  	v4 =	vld [tilespmem:s22+$0x0]  }
0x2e: {  	v5 =	vld [tilespmem:s22+$0x400]  }
0x2f: {  	v6 =	vld [tilespmem:s22+$0x800];
	_ =	sdelay $0x3  }
0x30: {  	v7 =	vshrl.u32 v4, $0x10;
	v8 =	vmul.f32 v4, v4  }
0x31: {  	v9 =	vshrl.u32 v5, $0x10;
	v63 =	vshrl.u32 v6, $0x10;
	v7 =	vand.u32 $0x1, v7  }
0x32: {  	v4 =	vadd.s32 v7, v4;
	v7 =	vand.u32 $0x1, v9;
	v9 =	vand.u32 $0x1, v63  }
0x33: {  	v4 =	vadd.s32 $0x7FFF, v4;
	v7 =	vadd.s32 v7, v5;
	v5 =	vmul.f32 v5, v5  }
0x34: {  	v9 =	vadd.s32 v9, v6;
	v4 =	vand.u32 $0xFFFF0000, v4;
	v7 =	vadd.s32 $0x7FFF, v7  }
0x35: {  	s23 =	simm.s32 $0x10;
	v9 =	vadd.s32 $0x7FFF, v9;
	[tilespmem:s22+$0x0] =	vst v4;
	v7 =	vand.u32 $0xFFFF0000, v7  }
0x36: {  	s24 =	simm.s32 $0x80;
	v6 =	vmul.f32 v6, v6;
	v5 =	vadd.f32 v5, v8;
	v4 =	vld [tilespmem:s23+$0x0];
	[tilespmem:s22+$0x400] =	vst v7;
	v7 =	vand.u32 $0xFFFF0000, v9  }
.LBB2_2:
0x37: {  	p0 =	seq.s32 s24, $0xFC0;
	v8 =	vld [tilespmem:s23+$0x400];
	[tilespmem:s22+$0x800] =	vst v7  }
0x38: {  	v7 =	vld [tilespmem:s23+$0x800];
	v5 =	vadd.f32 v6, v5;
	_ =	sdelay $0x1  }
0x39: {  	[tilespmem:s22+$0xC00] =	vst v5;
	s22 =	smov.u32 s23  }
0x3a: {  	v5 =	vmul.f32 v4, v4;
	v6 =	vshrl.u32 v4, $0x10  }
0x3b: {  	v9 =	vmul.f32 v8, v8;
	v6 =	vand.u32 $0x1, v6;
	v10 =	vshrl.u32 v8, $0x10  }
.Ltmp0:
0x3c: {  	v4 =	vadd.s32 v6, v4;
	v6 =	vand.u32 $0x1, v10;
	v10 =	vshrl.u32 v7, $0x10;
	(pc) =	sbr.rel @!p0 .LBB2_2-.Ltmp0, $4  }
0x3d: {  	v4 =	vadd.s32 $0x7FFF, v4;
	v6 =	vadd.s32 v6, v8;
	v8 =	vand.u32 $0x1, v10  }
0x3e: {  	v4 =	vand.u32 $0xFFFF0000, v4;
	v6 =	vadd.s32 $0x7FFF, v6;
	v8 =	vadd.s32 v8, v7  }
0x3f: {  	s23 =	sshra.s32 s24, $0x2;
	v5 =	vadd.f32 v9, v5;
	[tilespmem:s22+$0x0] =	vst v4;
	v9 =	vand.u32 $0xFFFF0000, v6;
	v8 =	vadd.s32 $0x7FFF, v8  }
0x40: {  	s24 =	sadd.s32 $0x40, s24;
	v6 =	vmul.f32 v7, v7;
	v4 =	vld [tilespmem:s23+$0x0];
	[tilespmem:s22+$0x400] =	vst v9;
	v7 =	vand.u32 $0xFFFF0000, v8  }
0x41: {  	v8 =	vld [tilespmem:s23+$0x400]  }
0x42: {  	[tilespmem:s22+$0x800] =	vst v7  }
0x43: {  	v7 =	vld [tilespmem:s23+$0x800];
	_ =	sdelay $0x1  }
0x44: {  	v5 =	vadd.f32 v6, v5;
	v61 =	vshrl.u32 v4, $0x10  }
0x45: {  	v9 =	vmul.f32 v4, v4;
	v6 =	vand.u32 $0x1, v61;
	v10 =	vshrl.u32 v8, $0x10  }
0x46: {  	v62 =	vmul.f32 v8, v8;
	v4 =	vadd.s32 v6, v4;
	v10 =	vand.u32 $0x1, v10  }
0x47: {  	v63 =	vshrl.u32 v7, $0x10;
	v8 =	vadd.s32 v10, v8;
	v4 =	vadd.s32 $0x7FFF, v4  }
0x48: {  	v10 =	vand.u32 $0x1, v63;
	v6 =	vadd.f32 v62, v9;
	v4 =	vand.u32 $0xFFFF0000, v4  }
0x49: {  	[tilespmem:s22+$0xC00] =	vst v5;
	v8 =	vadd.s32 $0x7FFF, v8;
	v5 =	vadd.s32 v10, v7;
	v7 =	vmul.f32 v7, v7  }
0x4a: {  	[tilespmem:s23+$0x0] =	vst v4;
	v4 =	vand.u32 $0xFFFF0000, v8;
	v5 =	vadd.s32 $0x7FFF, v5  }
0x4b: {  	[tilespmem:s23+$0x400] =	vst v4;
	v4 =	vand.u32 $0xFFFF0000, v5;
	v5 =	vadd.f32 v7, v6  }
0x4c: {  	[tilespmem:s23+$0x800] =	vst v4  }
0x4d: {  	v3 =	vbroadcast v3, $0x0;
	p1 =	por $0x1, $0x1;
	s22 =	simm.s32 $0x0;
	[tilespmem:s23+$0xC00] =	vst v5  }
.LBB2_4:
0x4e: {  	v4 =	vld [tilespmem:s22+$0x1000]  }
0x4f: {  	v5 =	vld [tilespmem:s22+$0x1080]  }
0x50: {  	p0 =	por p1, p1;
	v6 =	vld [tilespmem:s22+$0x1100];
	s23 =	simm.s32 $0x0  }
.LBB2_5:
0x51: {  	_ =	sdelay $0x1  }
0x52: {  	v7 =	vmov s23  }
0x53: {  	s24 =	simm.s32 $0x0;
	v8 =	vperm.xlane v4, v7;
	v9 =	vperm.xlane v5, v7  }
0x54: {  	v11 =	vld [tilespmem:s24+$0x0];
	v10 =	vperm.xlane v6, v7  }
0x55: {  	v14 =	vld [tilespmem:s24+$0x400];
	v12 =	vmul.f32 v8, v8;
	v7 =	vshrl.u32 v8, $0x10;
	v13 =	vshrl.u32 v9, $0x10  }
0x56: {  	v15 =	vmul.f32 v9, v9;
	v7 =	vand.u32 $0x1, v7;
	v13 =	vand.u32 $0x1, v13  }
0x57: {  	v7 =	vadd.s32 v7, v8;
	v8 =	vadd.s32 v13, v9;
	v9 =	vshrl.u32 v10, $0x10;
	v13 =	vld [tilespmem:s24+$0x800]  }
0x58: {  	v7 =	vadd.s32 $0x7FFF, v7;
	v8 =	vadd.s32 $0x7FFF, v8;
	v9 =	vand.u32 $0x1, v9  }
0x59: {  	v7 =	vand.u32 $0xFFFF0000, v7;
	v8 =	vand.u32 $0xFFFF0000, v8;
	v9 =	vadd.s32 v9, v10  }
0x5a: {  	v11 =	vmul.f32 v7, v11;
	v9 =	vadd.s32 $0x7FFF, v9;
	v14 =	vmul.f32 v8, v14  }
0x5b: {  	v12 =	vadd.f32 v15, v12;
	v15 =	vld [tilespmem:s24+$0xC00];
	v9 =	vand.u32 $0xFFFF0000, v9  }
0x5c: {  	v10 =	vmul.f32 v10, v10;
	v14 =	vadd.f32 v14, v11;
	v13 =	vmul.f32 v9, v13;
	_ =	sdelay $0x1  }
0x5d: {  	v11 =	vadd.f32 v10, v12;
	v10 =	vadd.f32 v13, v14;
	_ =	sdelay $0x1  }
0x5e: {  	v12 =	vadd.f32 v15, v11;
	v10 =	vadd.f32 v10, v10;
	_ =	sdelay $0x1  }
0x5f: {  	s31 =	sor.u32 s22, s23;
	v10 =	vsub.f32 v12, v10  }
0x60: {  	p1 =	por $0x1, $0x1;
	vm1 =	vmmov vm0;
	s24 =	sshll.u32 s31, $0x6  }
0x61: {  	vm1 =	vmneg @p1 vm1;
	s24 =	sshra.s32 s24, $0x2;
	vm2 =	vle.f32 v10, v3  }
0x62: {  	s25 =	sadd.s32 $0x1180, s24;
	vm1 =	vmand vm1, vm2  }
0x63: {  	v10 =	vmov s25;
	_ =	sdelay $0x3  }
0x64: {  	s26 =	simm.s32 $0x0;
	v12 =	vor.u32 s12, v1  }
0x65: {  	[tilespmem:v10+s26+$0x0 ss:$0x1] =	vst.idx.msk vm1, v12;
	v12 =	vsel vm1, $0x1, v2  }
0x66: {  	s28 =	simm.s32 $0x10;
	(xrf0) =	vadd.scan.msk.s32 $0xffff, v12  }
0x67: {  	v12 =	vld [tilespmem:s28+$0x400];
	_ =	sdelay $0x4  }
0x68: {  	v15 =	vmul.f32 v8, v12;
	v12, _, _ =	vpop (xrf0)  }
0x69: {  	(v2sf) =	vpush v12, $0xF;
	_ =	sdelay $0x2  }
0x6a: {  	v13 =	vld [tilespmem:s28+$0x0];
	_ =	sdelay $0x1  }
0x6b: {  	v14 =	vld [tilespmem:s28+$0x800];
	_ =	sdelay $0x2  }
0x6c: {  	v13 =	vmul.f32 v7, v13  }
0x6d: {  	v12 =	vld [tilespmem:s28+$0xC00]  }
0x6e: {  	v14 =	vmul.f32 v9, v14;
	v13 =	vadd.f32 v15, v13  }
0x6f: {  	s29 =	simm.s32 $0xC0;
	s25 =	simm.s32 $0x80;
	s28 =	smov.u32 s12  }
.LBB2_6:
0x70: {  	p1 =	sne.s32 s29, $0xFC0;
	v13 =	vadd.f32 v14, v13;
	_ =	sdelay $0x1  }
0x71: {  	v12 =	vadd.f32 v12, v11;
	v13 =	vadd.f32 v13, v13  }
0x72: {  	s30 =	spop (v2sf)  }
0x73: {  	v12 =	vsub.f32 v12, v13;
	s26 =	sadd.s32 s26, s30  }
0x74: {  	vm2 =	vmmov vm0;
	p2 =	slt.s32 s26, $0x10  }
0x75: {  	vm1 =	vle.f32 v12, v3;
	vm2 =	vmneg @p2 vm2  }
0x76: {  	vm1 =	vmand vm2, vm1  }
0x77: {  	v12 =	vsel vm1, $0x1, v2  }
0x78: {  	(xrf0) =	vadd.scan.msk.s32 $0xffff, v12;
	_ =	sdelay $0x1  }
0x79: {  	s28 =	sadd.s32 $0x10, s28  }
0x7a: {  	v12 =	vor.u32 s28, v1  }
0x7b: {  	[tilespmem:v10+s26+$0x0 ss:$0x1] =	vst.idx.msk vm1, v12;
	_ =	sdelay $0x1  }
0x7c: {  	v12, _, _ =	vpop (xrf0)  }
0x7d: {  	(v2sf) =	vpush v12, $0xF  }
0x7e: {  	s30 =	sshra.s32 s25, $0x2;
	s25 =	smov.u32 s29  }
0x7f: {  	v12 =	vld [tilespmem:s30+$0x0]  }
0x80: {  	v13 =	vld [tilespmem:s30+$0x400];
	_ =	sdelay $0x1  }
0x81: {  	v14 =	vld [tilespmem:s30+$0x800];
	_ =	sdelay $0x1  }
.Ltmp1:
0x82: {  	(pc) =	sbr.rel @p1 .LBB2_6-.Ltmp1, $4  }
0x83: {  	v15 =	vmul.f32 v7, v12;
	v13 =	vmul.f32 v8, v13  }
0x84: {  	v12 =	vld [tilespmem:s30+$0xC00]  }
0x85: {  	v13 =	vadd.f32 v13, v15;
	v14 =	vmul.f32 v9, v14  }
0x86: {  	s29 =	sadd.s32 $0x40, s29  }
0x87: {  	v13 =	vadd.f32 v14, v13;
	_ =	sdelay $0x1  }
0x88: {  	v12 =	vadd.f32 v12, v11;
	v13 =	vadd.f32 v13, v13  }
0x89: {  	s29 =	spop (v2sf)  }
0x8a: {  	v12 =	vsub.f32 v12, v13;
	s26 =	sadd.s32 s26, s29  }
0x8b: {  	vm1 =	vmmov vm0;
	p1 =	slt.s32 s26, $0x10  }
0x8c: {  	vm2 =	vle.f32 v12, v3;
	vm1 =	vmneg @p1 vm1  }
0x8d: {  	vm1 =	vmand vm1, vm2  }
0x8e: {  	v58 =	vsel vm1, $0x1, v2  }
0x8f: {  	(xrf0) =	vadd.scan.msk.s32 $0xffff, v58;
	_ =	sdelay $0x5  }
0x90: {  	s28 =	sadd.s32 $0x10, s28;
	v12, _, _ =	vpop (xrf0)  }
0x91: {  	v59 =	vor.u32 s28, v1;
	(v2sf) =	vpush v12, $0xF  }
0x92: {  	s25 =	sshra.s32 s25, $0x2;
	[tilespmem:v10+s26+$0x0 ss:$0x1] =	vst.idx.msk vm1, v59  }
0x93: {  	v60 =	vld [tilespmem:s25+$0x0]  }
0x94: {  	v13 =	vld [tilespmem:s25+$0x400];
	_ =	sdelay $0x1  }
0x95: {  	v61 =	vld [tilespmem:s25+$0x800];
	_ =	sdelay $0x2  }
0x96: {  	v7 =	vmul.f32 v7, v60;
	v8 =	vmul.f32 v8, v13  }
0x97: {  	v62 =	vld [tilespmem:s25+$0xC00]  }
0x98: {  	v7 =	vadd.f32 v8, v7;
	v8 =	vmul.f32 v9, v61;
	_ =	sdelay $0x1  }
0x99: {  	v7 =	vadd.f32 v8, v7;
	_ =	sdelay $0x1  }
0x9a: {  	v8 =	vadd.f32 v62, v11;
	v7 =	vadd.f32 v7, v7  }
0x9b: {  	s29 =	spop (v2sf)  }
0x9c: {  	v7 =	vsub.f32 v8, v7;
	s25 =	sadd.s32 s26, s29  }
0x9d: {  	vm1 =	vmmov vm0;
	p1 =	slt.s32 s25, $0x10  }
0x9e: {  	vm2 =	vle.f32 v7, v3;
	vm1 =	vmneg @p1 vm1  }
0x9f: {  	vm1 =	vmand vm1, vm2  }
0xa0: {  	v7 =	vsel vm1, $0x1, v2  }
0xa1: {  	(xrf0) =	vadd.scan.msk.s32 $0xffff, v7;
	_ =	sdelay $0x5  }
0xa2: {  	v7, _, _ =	vpop (xrf0)  }
0xa3: {  	(v2sf) =	vpush v7, $0xF;
	_ =	sdelay $0x7  }
0xa4: {  	s30 =	sadd.s32 $0x10, s28  }
0xa5: {  	v7 =	vor.u32 s30, v1  }
0xa6: {  	[tilespmem:v10+s25+$0x0 ss:$0x1] =	vst.idx.msk vm1, v7  }
0xa7: {  	v7 =	vld [tilespmem:s24+$0x1180];
	_ =	sdelay $0x2  }
0xa8: {  	s23 =	sadd.s32 $0x1, s23  }
0xa9: {  	p1 =	sne.s32 s23, $0x10;
	s31 =	spop (v2sf)  }
.Ltmp2:
0xaa: {  	v8 =	vperm.xlane v7, v2;
	s25 =	sadd.s32 s25, s31;
	(pc) =	sbr.rel @p1 .LBB2_5-.Ltmp2, $4  }
0xab: {  	p6 =	sgt.s32 s25, $0x0;
	v63 =	vmov s25  }
0xac: {  	v8 =	vpsel p6, v8, v0;
	vm1 =	vgt.s32 v63, v1  }
0xad: {  	v7 =	vsel vm1, v7, v8  }
0xae: {  	[tilespmem:s24+$0x1180] =	vst v7  }
.Ltmp3:
0xaf: {  	(pc) =	sbr.rel @p0 .LBB2_4-.Ltmp3, $2  }
0xb0: {  	_ =	sdelay $0x2  }
0xb1: {  	s22 =	simm.s32 $0x10;
	p1 =	por $0x0, $0x0  }
0xb2: {  	s21 =	sadd.s32 $0x1, s21  }
0xb3: {  	p0 =	sne.s32 s21, s11  }
.Ltmp4:
0xb4: {  	_ = 	snop;
	(pc) =	sbr.rel @p0 .LBB2_1-.Ltmp4, $4  }
0xb5: {  	[hbm4b:s10+s2] =	stream.linear.scatter [tilespmem:s20], [sflag:$0x1], $0x200, $0x38;
	[tilespmem:$0x1480] =	vst v63  }
0xb6: {  	_ =	swait.ge [sflag:s14], $0x200  }
0xb7: {  	[sflag:s14] =	ssyncset.done $0x0  }
0xb8: {  	[sflag:s14] =	ssyncadd.s32 $0xFFFFFE00  }
0xb9: {  	_ =	sfence.sel $0x180000  }
0xba: {  	[bflag:$0x0] =	sbarrier.arrive $0xFFFF  }
0xbb: {  	p0 =	sne.s32 s1, $0x0;
	_ =	strace $0x90000053  }
0xbc: {  	s0 =	sadd.s32 @!p0 $0x100000, s0;
	[bflag:$0x2] =	sbarrier.arrive $0xFFFF  }
0xbd: {  	[sflag:s0] =	ssyncadd.tile.s32 @!p0 $0x1;
	_ =	shalt  }
.Lfunc_end2:
_tile_overlayer_lowered:
.L_overlay_start_2:
0xbe: {  	(tag) =	ssettag $0x2  }
0xbf: {  	s0 =	rddreg [dreg:$0x0];
	s2 =	stileid.u32  }
0xc0: {  	s1 =	rddreg [dreg:$0x1];
	p0 =	sne.s32 s2, $0x0  }
0xc1: {  	s3 =	rddreg [dreg:$0x2];
	[bflag:$0x3] =	sbarrier.arrive $0xFFFF;
	s2 =	simm.s32 @!p0 $0x1C01  }
0xc2: {  	[timem:s3], [sflag:s2] =	dma.local @!p0 [hbm:s0], s1  }
0xc3: {  	s0 =	simm.s32 @!p0 $0x1  }
0xc4: {  	_ =	swait.ge @!p0 [sflag:s0], s1  }
0xc5: {  	s1 =	ssub.s32 @!p0 $0x0, s1;
	[sflag:s0] =	ssyncset.done @!p0 $0x0  }
0xc6: {  	[sflag:s0] =	ssyncadd.s32 @!p0 s1  }
0xc7: {  	[bflag:$0x3] =	sbarrier.arrive $0xFFFF  }
0xc8: {  	_ =	shalt  }

// kernel: kernel.39.cloned.1.call-start
scs
__scs_entry_jumppad:
0x0: {  	(pc) =	sbr.rel $0x88, $3  }
0x1: {  	(tag) =	ssettag $0x0;
	lr =	simm.s32 $0x1  }
0x2: {  	[smem:$0x3F80] =	sst lr;
	_ =	strace $0xD0000000  }
0x3: {  	_ = 	snop  }
0x4: {  	_ = 	snop  }
0x5: {  	_ = 	snop  }
0x6: {  	_ = 	snop  }
0x7: {  	_ = 	snop  }
__scs_overlays_trampoline_lowered:
0x8: {  	[smem:$0x3F8F] =	sst s0  }
0x9: {  	[smem:$0x3F90] =	sst s1  }
0xa: {  	[smem:$0x3F91] =	sst s2  }
0xb: {  	[smem:$0x3F92] =	sst s3  }
0xc: {  	[smem:$0x3F93] =	sst s4  }
0xd: {  	[smem:$0x3F94] =	sst s5  }
0xe: {  	[smem:$0x3F95] =	sst s6  }
0xf: {  	[smem:$0x3F96] =	sst s7  }
0x10: {  	[smem:$0x3F97] =	sst s8  }
0x11: {  	[smem:$0x3F98] =	sst s9;
	s0 =	simm.s32 @!p0 $0x0  }
0x12: {  	s1 =	sld [smem:$0x3F7E];
	s0 =	simm.s32 @p0 $0x1  }
0x13: {  	[smem:$0x3F99] =	sst s0;
	s0 =	simm.s32 @!p1 $0x0  }
0x14: {  	s2 =	sld [smem:$0x3F7D];
	s0 =	simm.s32 @p1 $0x1  }
0x15: {  	[smem:$0x3F9A] =	sst s0;
	s0 =	simm.s32 @!p2 $0x0  }
0x16: {  	s3 =	sld [smem:$0x3FDB];
	s0 =	simm.s32 @p2 $0x1  }
0x17: {  	s4 =	simm.s32 $0x1BF5;
	[smem:$0x3F9C] =	sst s0  }
0x18: {  	s0 =	sld [smem:$0x3F7F];
	_ =	swait.ge [sflag:s4], $0x0  }
0x19: {  	s7 =	sld [smem:$0x3F80]  }
0x1a: {  	s8 =	sadd.s32 $0xFFFFE003, lr  }
0x1b: {  	s9 =	sadd.s32 $0xFFFFFEF7, lr;
	s5 =	simm.s32 $0xFFFFFFFF;
	p2 =	slt.u32 s8, $0xFFFFF086  }
0x1c: {  	p1 =	slt.u32 s9, $0xF7A;
	s5 =	simm.s32 @!p2 $0x0  }
0x1d: {  	s5 =	simm.s32 @p1 $0x1;
	p0 =	seq.s32 s7, s2  }
0x1e: {  	s7 =	smul.u32 @!p0 $0xF7A, s2;
	p2 =	seq.s32 @!p0 s5, $0x0  }
0x1f: {  	s9 =	smul.u32 $0xF7A, s1;
	s8 =	simm.s32 @!p0 $0x1BF5;
	p2 =	por !p2, p0  }
0x20: {  	[sflag:s8] =	ssyncset.s32 @!p0 $0xFFFFF086;
	s6 =	sadd.s32 @!p0 s3, s7;
	s7 =	simm.s32 @!p0 $0x108  }
0x21: {  	s3 =	sadd.s32 s3, s9;
	s6 =	sadd.s32 @!p0 $0x88, s6;
	s7 =	simm.s32 @p2 $0x1082  }
0x22: {  	[simem:s7], [sflag:s8] =	dma.local @!p0 [hbm:s6], $0xF7A  }
0x23: {  	s9 =	sor.u32 $0xD0000000, s2;
	s6 =	simm.s32 $0x108;
	_ =	swait.ge @!p0 [sflag:s8], $0x0  }
0x24: {  	s3 =	sadd.s32 $0x88, s3;
	s6 =	simm.s32 @!p1 $0x1082;
	[sflag:s4] =	ssyncset.s32 $0xFFFFF086  }
0x25: {  	[simem:s6], [sflag:s4] =	dma.local [hbm:s3], $0xF7A  }
0x26: {  	[smem:$0x3F80] =	sst s1;
	(tag) =	ssettag s2;
	_ =	strace s9  }
0x27: {  	s1 =	sld [smem:$0x3F90]  }
0x28: {  	s2 =	sld [smem:$0x3F91]  }
0x29: {  	s4 =	sld [smem:$0x3F93]  }
0x2a: {  	p0 =	seq.s32 s5, $0x0;
	s5 =	sld [smem:$0x3F94]  }
0x2b: {  	s6 =	sld [smem:$0x3F95]  }
0x2c: {  	s7 =	sld [smem:$0x3F96]  }
0x2d: {  	s3 =	simm.s32 $0x108;
	s8 =	sld [smem:$0x3F97]  }
0x2e: {  	s3 =	simm.s32 @!p0 $0x1082;
	s9 =	sld [smem:$0x3F98]  }
0x2f: {  	lr =	sadd.s32 s0, s3;
	s0 =	sld [smem:$0x3F8F]  }
0x30: {  	s3 =	sld [smem:$0x3F92]  }
0x31: {  	[smem:$0x3F9B] =	sst s10  }
0x32: {  	s10 =	sld [smem:$0x3F99];
	_ =	sdelay $0x3  }
0x33: {  	p0 =	seq.s32 s10, $0x1;
	s10 =	sld [smem:$0x3F9B];
	_ =	sdelay $0x3  }
0x34: {  	[smem:$0x3F9B] =	sst s10  }
0x35: {  	s10 =	sld [smem:$0x3F9A];
	_ =	sdelay $0x3  }
0x36: {  	p1 =	seq.s32 s10, $0x1;
	s10 =	sld [smem:$0x3F9B];
	_ =	sdelay $0x3  }
0x37: {  	[smem:$0x3F9B] =	sst s10  }
0x38: {  	s10 =	sld [smem:$0x3F9C]  }
0x39: {  	_ = 	snop;
	(pc) =	sbr.ind lr, $3  }
0x3a: {  	_ = 	snop  }
0x3b: {  	_ = 	snop  }
0x3c: {  	p2 =	seq.s32 s10, $0x1;
	s10 =	sld [smem:$0x3F9B]  }
0x3d: {  	_ =	shalt  }
0x3e: {  	_ =	shalt  }
0x3f: {  	_ =	shalt  }
0x40: {  	_ =	shalt  }
0x41: {  	_ =	shalt  }
0x42: {  	_ =	shalt  }
0x43: {  	_ =	shalt  }
0x44: {  	_ =	shalt  }
0x45: {  	_ =	shalt  }
0x46: {  	_ =	shalt  }
0x47: {  	_ =	shalt  }
0x48: {  	_ =	shalt  }
0x49: {  	_ =	shalt  }
0x4a: {  	_ =	shalt  }
0x4b: {  	_ =	shalt  }
0x4c: {  	_ =	shalt  }
0x4d: {  	_ =	shalt  }
0x4e: {  	_ =	shalt  }
0x4f: {  	_ =	shalt  }
0x50: {  	_ =	shalt  }
0x51: {  	_ =	shalt  }
0x52: {  	_ =	shalt  }
0x53: {  	_ =	shalt  }
0x54: {  	_ =	shalt  }
0x55: {  	_ =	shalt  }
0x56: {  	_ =	shalt  }
0x57: {  	_ =	shalt  }
0x58: {  	_ =	shalt  }
0x59: {  	_ =	shalt  }
0x5a: {  	_ =	shalt  }
0x5b: {  	_ =	shalt  }
0x5c: {  	_ =	shalt  }
0x5d: {  	_ =	shalt  }
0x5e: {  	_ =	shalt  }
0x5f: {  	_ =	shalt  }
0x60: {  	_ =	shalt  }
0x61: {  	_ =	shalt  }
0x62: {  	_ =	shalt  }
0x63: {  	_ =	shalt  }
0x64: {  	_ =	shalt  }
0x65: {  	_ =	shalt  }
0x66: {  	_ =	shalt  }
0x67: {  	_ =	shalt  }
0x68: {  	_ =	shalt  }
0x69: {  	_ =	shalt  }
0x6a: {  	_ =	shalt  }
0x6b: {  	_ =	shalt  }
0x6c: {  	_ =	shalt  }
0x6d: {  	_ =	shalt  }
0x6e: {  	_ =	shalt  }
0x6f: {  	_ =	shalt  }
0x70: {  	_ =	shalt  }
0x71: {  	_ =	shalt  }
0x72: {  	_ =	shalt  }
0x73: {  	_ =	shalt  }
0x74: {  	_ =	shalt  }
0x75: {  	_ =	shalt  }
0x76: {  	_ =	shalt  }
0x77: {  	_ =	shalt  }
0x78: {  	_ =	shalt  }
0x79: {  	_ =	shalt  }
0x7a: {  	_ =	shalt  }
0x7b: {  	_ =	shalt  }
0x7c: {  	_ =	shalt  }
0x7d: {  	_ =	shalt  }
0x7e: {  	_ =	shalt  }
0x7f: {  	_ =	shalt  }
0x80: {  	_ =	shalt  }
0x81: {  	_ =	shalt  }
0x82: {  	_ =	shalt  }
0x83: {  	_ =	shalt  }
0x84: {  	_ =	shalt  }
0x85: {  	_ =	shalt  }
0x86: {  	_ =	shalt  }
0x87: {  	_ =	shalt  }
.Lfunc_end0:
.L_simem_size_0:
called_computation.5_lowered:
.L_overlay_start_0:
0x88: {  	s2 =	sld [smem:$0x3FD9]  }
0x89: {  	s3 =	sld [smem:$0x3FFE];
	_ =	sdelay $0x1  }
0x8a: {  	s1 =	srdreg.scid  }
0x8b: {  	s0 =	sand.u32 $0x1, s1  }
0x8c: {  	s14 =	sshll.u32 s0, $0xA;
	s2 =	sadd.s32 s3, s2  }
0x8d: {  	s2 =	sadd.s32 s2, s14  }
0x8e: {  	[smem:$0x3FA7] =	sst s2  }
0x8f: {  	_ = 	snop  }
0x90: {  	s2 =	sld [smem:$0x3FD0];
	_ =	sdelay $0x2  }
0x91: {  	s15 =	simm.s32 $0xB;
	s4 =	simm.s32 $0x10  }
0x92: {  	[smem:s4], [sflag:s15] =	dma.local [hbm:s2], $0x1  }
0x93: {  	_ =	swait.eq [sflag:s15], $0x1  }
0x94: {  	[sflag:s15] =	ssyncset.done $0x0  }
0x95: {  	[sflag:s15] =	ssyncadd.s32 $0xFFFFFFFF  }
0x96: {  	s16 =	sld [smem:$0x10];
	(tm) =	ssettm $0x1  }
0x97: {  	s17 =	sld [smem:$0x3FFB];
	_ =	sdelay $0x3  }
0x98: {  	_ =	strace s17  }
0x99: {  	s3 =	sld [smem:$0x3FFC];
	_ =	sdelay $0x3  }
0x9a: {  	_ =	strace s3  }
0x9b: {  	s3 =	sld [smem:$0x3FFD];
	_ =	sdelay $0x3  }
0x9c: {  	_ =	strace s3  }
0x9d: {  	_ =	strace $0x8FFFFFFF  }
0x9e: {  	s18 =	sld [smem:$0x3FDB];
	_ =	sdelay $0x1  }
0x9f: {  	s19 =	simm.s32 $_scs_section_size  }
0xa0: {  	s5 =	simm.s32 $_size__tile_overlayer_lowered;
	s6 =	simm.s32 $_tile_overlayer_lowered  }
0xa1: {  	s22 =	simm.s32 $0x1BFF;
	s21 =	sshll.u32 s6, $0x1;
	s3 =	sadd.s32 s19, s18  }
0xa2: {  	s7 =	simm.s32 $0x0;
	s20 =	sshll.u32 s5, $0x1;
	s5 =	sadd.s32 s21, s3  }
0xa3: {  	[timem:s7], [sflag:s22] =	dma.local [hbm:s5], s20  }
0xa4: {  	_ =	swait.ge [sflag:s22], s20  }
0xa5: {  	s4 =	ssub.s32 $0x0, s20;
	[sflag:s22] =	ssyncset.done $0x0  }
0xa6: {  	[sflag:s22] =	ssyncadd.s32 s4;
	_ =	sdelay $0x1  }
0xa7: {  	s23 =	simm.s32 $0x1B8B  }
0xa8: {  	_ =	swait.ge [sflag:s23], $0x1  }
0xa9: {  	[sflag:s23] =	ssyncset.done $0x0  }
0xaa: {  	s25 =	simm.s32 $0x1B8E;
	s24 =	sld [smem:$0x3FFE];
	[sflag:s23] =	ssyncadd.s32 $0xFFFFFFFF  }
0xab: {  	s26 =	simm.s32 $execute0_lowered;
	[smem:$0x3FD2] =	sst s25  }
0xac: {  	s5 =	sshll.u32 s26, $0x1;
	_ =	strace $0x80000055;
	[dreg:$0x1] =	wrdreg $0xFFFFFFFF  }
0xad: {  	s28 =	simm.s32 $_size_execute0_lowered;
	s3 =	sadd.s32 s3, s5;
	[dreg:$0x0] =	wrdreg $0x0  }
0xae: {  	s5 =	sshll.u32 s28, $0x1;
	[dreg:$0x2] =	wrdreg s3  }
0xaf: {  	[dreg:$0x3] =	wrdreg s5  }
0xb0: {  	[dreg:$0x4] =	wrdreg $0xC0  }
0xb1: {  	_ =	task [dreg:s7], $0x5FFFF  }
0xb2: {  	[dreg:$0x1] =	wrdreg $0xFFFFFFFF  }
0xb3: {  	[dreg:$0x0] =	wrdreg $0x60  }
0xb4: {  	[dreg:$0x2] =	wrdreg s16  }
0xb5: {  	[dreg:$0x3] =	wrdreg s24  }
0xb6: {  	[dreg:$0x4] =	wrdreg $0x9  }
0xb7: {  	_ =	task.clear_ibuf [dreg:s7], $0x5FFFF;
	_ =	strace $0x90000055  }
0xb8: {  	s29 =	simm.s32 $0x9;
	_ =	strace $0x80000057  }
0xb9: {  	_ =	swait.ge [sflag:s29], $0x1  }
0xba: {  	[sflag:s29] =	ssyncadd.s32 $0xFFFFFFFF  }
0xbb: {  	_ =	strace $0x90000057  }
0xbc: {  	_ =	sfence  }
0xbd: {  	s30 =	sld [smem:$0x0];
	_ =	sdelay $0x2  }
0xbe: {  	s31 =	sshll.u32 s1, $0xD;
	s1 =	sshrl.u32 s1, $0x2  }
0xbf: {  	s3 =	sand.u32 $0x4000, s31;
	s1 =	sadd.s32 s1, s30  }
0xc0: {  	s0 =	sor.u32 s3, s0;
	s1 =	sshll.u32 s1, $0x11  }
0xc1: {  	s0 =	sor.u32 s1, s0  }
0xc2: {  	s0 =	sadd.s32 $0x8F2B, s0  }
0xc3: {  	[sflag:s0] =	ssyncadd.remote.s32 $0x1  }
0xc4: {  	_ =	sfence.sel $0xFFFF  }
0xc5: {  	[dreg:$0x0] =	wrdreg $0xFFFFFFFF;
	(pc) =	sbr.abs _section_cstart, $3  }
0xc6: {  	[dreg:$0x1] =	wrdreg $0xFFFFFFFF  }
0xc7: {  	_ =	task.clear_ibuf [dreg:s7], $0x2FFFF;
	_ =	strace $0x9FFFFFFF  }
0xc8: {  	(tm) =	ssettm $0x7FFFFFFF  }
0xc9: {  	_ =	shalt  }
tec
execute0_lowered:
.L_overlay_start_1:
0x0: {  	(tag) =	ssettag $0x1  }
0x1: {  	s1 =	srdreg.scid;
	s0 =	stileid.u32  }
0x2: {  	s2 =	rddreg [dreg:$0x0];
	s13 =	sand.u32 $0x1, s1;
	s31 =	sshll.u32 s0, $0x1  }
0x3: {  	s9 =	rddreg [dreg:$0x1];
	s10 =	sor.u32 s13, s31  }
0x4: {  	s3 =	simm.s32 $0x0;
	s1 =	rddreg [dreg:$0x2];
	s4 =	sshll.u32 s10, $0x6  }
0x5: {  	[smem:$0x7FF] =	sst s3;
	s4 =	sadd.s32 s4, s9  }
0x6: {  	_ =	strace $0x80000056;
	s5 =	sadd.s32 $0xE400, s4;
	s4 =	simm.s32 $0x2  }
0x7: {  	[tilespmem:s3], [sflag:$0x2] =	stream.linear.gather [hbm4b:s5+s3], $0x200, $0x38;
	[tilespmem:$0x4200] =	vst v63  }
0x8: {  	_ =	swait.ge [sflag:s4], $0x200  }
0x9: {  	s6 =	simm.s32 $0x80;
	[sflag:s4] =	ssyncset.done $0x0  }
0xa: {  	s7 =	simm.s32 $0x200;
	s8 =	simm.s32 $0x1;
	[sflag:s4] =	ssyncadd.s32 $0xFFFFFE00  }
0xb: {  	[tilespmem:s7], [sflag:$0x1] =	stream.indirect.gather [hbm4b:s2+s6], $0x80, s3, s6, $0xb8;
	[tilespmem:$0x4200] =	vst v63  }
0xc: {  	s10 =	sshll.u32 s10, $0xD;
	_ =	swait.ge [sflag:s8], $0x4000  }
0xd: {  	s14 =	sadd.s32 s10, s9;
	[sflag:s8] =	ssyncset.done $0x0  }
0xe: {  	s9 =	sadd.s32 $0xEE00, s14;
	[sflag:s8] =	ssyncadd.s32 $0xFFFFC000  }
0xf: {  	[hbm4b:s9+s3] =	stream.linear.scatter [tilespmem:s7], [sflag:$0x2], $0x4000, $0x38;
	[tilespmem:$0x4200] =	vst v63  }
0x10: {  	_ =	swait.ge [sflag:s4], $0x4000  }
0x11: {  	[sflag:s4] =	ssyncset.done $0x0  }
0x12: {  	[sflag:s4] =	ssyncadd.s32 $0xFFFFC000  }
0x13: {  	[tilespmem:s7], [sflag:$0x1] =	stream.indirect.gather [hbm4b:s2+s6], $0x80, s6, s6, $0xb8;
	[tilespmem:$0x4200] =	vst v63  }
0x14: {  	_ =	swait.ge [sflag:s8], $0x4000  }
0x15: {  	[sflag:s8] =	ssyncset.done $0x0  }
0x16: {  	s10 =	sadd.s32 $0xF600, s14;
	[sflag:s8] =	ssyncadd.s32 $0xFFFFC000  }
0x17: {  	[hbm4b:s10+s3] =	stream.linear.scatter [tilespmem:s7], [sflag:$0x2], $0x4000, $0x38;
	[tilespmem:$0x4200] =	vst v63  }
0x18: {  	_ =	swait.ge [sflag:s4], $0x4000  }
0x19: {  	[sflag:s4] =	ssyncset.done $0x0  }
0x1a: {  	s11 =	simm.s32 $0x100;
	[sflag:s4] =	ssyncadd.s32 $0xFFFFC000  }
0x1b: {  	[tilespmem:s7], [sflag:$0x1] =	stream.indirect.gather [hbm4b:s2+s6], $0x80, s11, s6, $0xb8;
	[tilespmem:$0x4200] =	vst v63  }
0x1c: {  	_ =	swait.ge [sflag:s8], $0x4000  }
0x1d: {  	[sflag:s8] =	ssyncset.done $0x0  }
0x1e: {  	s15 =	ssub.s32 $0x2, s13;
	s12 =	sadd.s32 $0xFE00, s14;
	[sflag:s8] =	ssyncadd.s32 $0xFFFFC000  }
0x1f: {  	[hbm4b:s12+s3] =	stream.linear.scatter [tilespmem:s7], [sflag:$0x2], $0x4000, $0x38;
	[tilespmem:$0x4200] =	vst v63  }
0x20: {  	s16 =	sshrl.u32 s15, $0x1;
	_ =	swait.ge [sflag:s4], $0x4000  }
0x21: {  	s15 =	ssub.s32 s15, s16;
	[sflag:s4] =	ssyncset.done $0x0  }
0x22: {  	s13 =	simm.s32 $0x180;
	s15 =	smax.u32 s15, $0x1;
	[sflag:s4] =	ssyncadd.s32 $0xFFFFC000  }
0x23: {  	[tilespmem:s7], [sflag:$0x1] =	stream.indirect.gather [hbm4b:s2+s6], $0x80, s13, s6, $0xb8;
	[tilespmem:$0x4200] =	vst v63  }
0x24: {  	p0 =	sne.s32 s15, $0x1;
	_ =	swait.ge [sflag:s8], $0x4000  }
.Ltmp0:
0x25: {  	[sflag:s8] =	ssyncset.done $0x0;
	(pc) =	sbr.rel @!p0 .LBB2_2-.Ltmp0, $4  }
0x26: {  	s14 =	sadd.s32 $0x10600, s14;
	[sflag:s8] =	ssyncadd.s32 $0xFFFFC000  }
0x27: {  	[hbm4b:s14+s3] =	stream.linear.scatter [tilespmem:s7], [sflag:$0x2], $0x4000, $0x38;
	[tilespmem:$0x4200] =	vst v63  }
0x28: {  	_ =	swait.ge [sflag:s4], $0x4000  }
0x29: {  	s15 =	sadd.s32 $0xFFFFFFFF, s15;
	[sflag:s4] =	ssyncset.done $0x0  }
.LBB2_1:
0x2a: {  	p0 =	sne.s32 s15, $0x1;
	s15 =	sadd.s32 $0xFFFFFFFF, s15;
	[sflag:s4] =	ssyncadd.s32 $0xFFFFC000  }
0x2b: {  	[tilespmem:s3], [sflag:$0x2] =	stream.linear.gather [hbm4b:s5+s3], $0x200, $0x38;
	[tilespmem:$0x4200] =	vst v63  }
0x2c: {  	_ =	swait.ge [sflag:s4], $0x200  }
0x2d: {  	[sflag:s4] =	ssyncset.done $0x0  }
0x2e: {  	[sflag:s4] =	ssyncadd.s32 $0xFFFFFE00  }
0x2f: {  	[tilespmem:s7], [sflag:$0x1] =	stream.indirect.gather [hbm4b:s2+s6], $0x80, s3, s6, $0xb8;
	[tilespmem:$0x4200] =	vst v63  }
0x30: {  	_ =	swait.ge [sflag:s8], $0x4000  }
0x31: {  	[sflag:s8] =	ssyncset.done $0x0  }
0x32: {  	[sflag:s8] =	ssyncadd.s32 $0xFFFFC000  }
0x33: {  	[hbm4b:s9+s3] =	stream.linear.scatter [tilespmem:s7], [sflag:$0x2], $0x4000, $0x38;
	[tilespmem:$0x4200] =	vst v63  }
0x34: {  	_ =	swait.ge [sflag:s4], $0x4000  }
0x35: {  	[sflag:s4] =	ssyncset.done $0x0  }
0x36: {  	[sflag:s4] =	ssyncadd.s32 $0xFFFFC000  }
0x37: {  	[tilespmem:s7], [sflag:$0x1] =	stream.indirect.gather [hbm4b:s2+s6], $0x80, s6, s6, $0xb8;
	[tilespmem:$0x4200] =	vst v63  }
0x38: {  	_ =	swait.ge [sflag:s8], $0x4000  }
0x39: {  	[sflag:s8] =	ssyncset.done $0x0  }
0x3a: {  	[sflag:s8] =	ssyncadd.s32 $0xFFFFC000  }
0x3b: {  	[hbm4b:s10+s3] =	stream.linear.scatter [tilespmem:s7], [sflag:$0x2], $0x4000, $0x38;
	[tilespmem:$0x4200] =	vst v63  }
0x3c: {  	_ =	swait.ge [sflag:s4], $0x4000  }
0x3d: {  	[sflag:s4] =	ssyncset.done $0x0  }
0x3e: {  	[sflag:s4] =	ssyncadd.s32 $0xFFFFC000  }
0x3f: {  	[tilespmem:s7], [sflag:$0x1] =	stream.indirect.gather [hbm4b:s2+s6], $0x80, s11, s6, $0xb8;
	[tilespmem:$0x4200] =	vst v63  }
0x40: {  	_ =	swait.ge [sflag:s8], $0x4000  }
0x41: {  	[sflag:s8] =	ssyncset.done $0x0  }
0x42: {  	[sflag:s8] =	ssyncadd.s32 $0xFFFFC000  }
0x43: {  	[hbm4b:s12+s3] =	stream.linear.scatter [tilespmem:s7], [sflag:$0x2], $0x4000, $0x38;
	[tilespmem:$0x4200] =	vst v63  }
0x44: {  	_ =	swait.ge [sflag:s4], $0x4000  }
0x45: {  	[sflag:s4] =	ssyncset.done $0x0  }
0x46: {  	[sflag:s4] =	ssyncadd.s32 $0xFFFFC000  }
0x47: {  	[tilespmem:s7], [sflag:$0x1] =	stream.indirect.gather [hbm4b:s2+s6], $0x80, s13, s6, $0xb8;
	[tilespmem:$0x4200] =	vst v63  }
0x48: {  	_ =	swait.ge [sflag:s8], $0x4000  }
.Ltmp1:
0x49: {  	[sflag:s8] =	ssyncset.done $0x0;
	(pc) =	sbr.rel @p0 .LBB2_1-.Ltmp1, $4  }
0x4a: {  	[sflag:s8] =	ssyncadd.s32 $0xFFFFC000  }
0x4b: {  	[hbm4b:s14+s3] =	stream.linear.scatter [tilespmem:s7], [sflag:$0x2], $0x4000, $0x38;
	[tilespmem:$0x4200] =	vst v63  }
0x4c: {  	_ =	swait.ge [sflag:s4], $0x4000  }
0x4d: {  	[sflag:s4] =	ssyncset.done $0x0  }
.LBB2_2:
0x4e: {  	[sflag:s4] =	ssyncadd.s32 $0xFFFFC000  }
0x4f: {  	_ =	sfence.sel $0x180000  }
0x50: {  	[bflag:$0x0] =	sbarrier.arrive $0xFFFF  }
0x51: {  	p0 =	sne.s32 s0, $0x0;
	_ =	strace $0x90000056  }
0x52: {  	s0 =	sadd.s32 @!p0 $0x100000, s1;
	[bflag:$0x2] =	sbarrier.arrive $0xFFFF  }
0x53: {  	[sflag:s0] =	ssyncadd.tile.s32 @!p0 $0x1;
	_ =	shalt  }
.Lfunc_end2:
_tile_overlayer_lowered:
.L_overlay_start_2:
0x54: {  	(tag) =	ssettag $0x2  }
0x55: {  	s0 =	rddreg [dreg:$0x0];
	s2 =	stileid.u32  }
0x56: {  	s1 =	rddreg [dreg:$0x1];
	p0 =	sne.s32 s2, $0x0  }
0x57: {  	s3 =	rddreg [dreg:$0x2];
	[bflag:$0x3] =	sbarrier.arrive $0xFFFF;
	s2 =	simm.s32 @!p0 $0x1C02  }
0x58: {  	[timem:s3], [sflag:s2] =	dma.local @!p0 [hbm:s0], s1  }
0x59: {  	s0 =	simm.s32 @!p0 $0x2  }
0x5a: {  	_ =	swait.ge @!p0 [sflag:s0], s1  }
0x5b: {  	s1 =	ssub.s32 @!p0 $0x0, s1;
	[sflag:s0] =	ssyncset.done @!p0 $0x0  }
0x5c: {  	[sflag:s0] =	ssyncadd.s32 @!p0 s1  }
0x5d: {  	[bflag:$0x3] =	sbarrier.arrive $0xFFFF  }
0x5e: {  	_ =	shalt  }

// kernel: kernel.42.cloned.1.call-start
scs
__scs_entry_jumppad:
0x0: {  	(pc) =	sbr.rel $0x88, $3  }
0x1: {  	(tag) =	ssettag $0x0;
	lr =	simm.s32 $0x1  }
0x2: {  	[smem:$0x3F80] =	sst lr;
	_ =	strace $0xD0000000  }
0x3: {  	_ = 	snop  }
0x4: {  	_ = 	snop  }
0x5: {  	_ = 	snop  }
0x6: {  	_ = 	snop  }
0x7: {  	_ = 	snop  }
__scs_overlays_trampoline_lowered:
0x8: {  	[smem:$0x3F8F] =	sst s0  }
0x9: {  	[smem:$0x3F90] =	sst s1  }
0xa: {  	[smem:$0x3F91] =	sst s2  }
0xb: {  	[smem:$0x3F92] =	sst s3  }
0xc: {  	[smem:$0x3F93] =	sst s4  }
0xd: {  	[smem:$0x3F94] =	sst s5  }
0xe: {  	[smem:$0x3F95] =	sst s6  }
0xf: {  	[smem:$0x3F96] =	sst s7  }
0x10: {  	[smem:$0x3F97] =	sst s8  }
0x11: {  	[smem:$0x3F98] =	sst s9;
	s0 =	simm.s32 @!p0 $0x0  }
0x12: {  	s1 =	sld [smem:$0x3F7E];
	s0 =	simm.s32 @p0 $0x1  }
0x13: {  	[smem:$0x3F99] =	sst s0;
	s0 =	simm.s32 @!p1 $0x0  }
0x14: {  	s2 =	sld [smem:$0x3F7D];
	s0 =	simm.s32 @p1 $0x1  }
0x15: {  	[smem:$0x3F9A] =	sst s0;
	s0 =	simm.s32 @!p2 $0x0  }
0x16: {  	s3 =	sld [smem:$0x3FDB];
	s0 =	simm.s32 @p2 $0x1  }
0x17: {  	s4 =	simm.s32 $0x1BF5;
	[smem:$0x3F9C] =	sst s0  }
0x18: {  	s0 =	sld [smem:$0x3F7F];
	_ =	swait.ge [sflag:s4], $0x0  }
0x19: {  	s7 =	sld [smem:$0x3F80]  }
0x1a: {  	s8 =	sadd.s32 $0xFFFFE003, lr  }
0x1b: {  	s9 =	sadd.s32 $0xFFFFFEF7, lr;
	s5 =	simm.s32 $0xFFFFFFFF;
	p2 =	slt.u32 s8, $0xFFFFF086  }
0x1c: {  	p1 =	slt.u32 s9, $0xF7A;
	s5 =	simm.s32 @!p2 $0x0  }
0x1d: {  	s5 =	simm.s32 @p1 $0x1;
	p0 =	seq.s32 s7, s2  }
0x1e: {  	s7 =	smul.u32 @!p0 $0xF7A, s2;
	p2 =	seq.s32 @!p0 s5, $0x0  }
0x1f: {  	s9 =	smul.u32 $0xF7A, s1;
	s8 =	simm.s32 @!p0 $0x1BF5;
	p2 =	por !p2, p0  }
0x20: {  	[sflag:s8] =	ssyncset.s32 @!p0 $0xFFFFF086;
	s6 =	sadd.s32 @!p0 s3, s7;
	s7 =	simm.s32 @!p0 $0x108  }
0x21: {  	s3 =	sadd.s32 s3, s9;
	s6 =	sadd.s32 @!p0 $0x88, s6;
	s7 =	simm.s32 @p2 $0x1082  }
0x22: {  	[simem:s7], [sflag:s8] =	dma.local @!p0 [hbm:s6], $0xF7A  }
0x23: {  	s9 =	sor.u32 $0xD0000000, s2;
	s6 =	simm.s32 $0x108;
	_ =	swait.ge @!p0 [sflag:s8], $0x0  }
0x24: {  	s3 =	sadd.s32 $0x88, s3;
	s6 =	simm.s32 @!p1 $0x1082;
	[sflag:s4] =	ssyncset.s32 $0xFFFFF086  }
0x25: {  	[simem:s6], [sflag:s4] =	dma.local [hbm:s3], $0xF7A  }
0x26: {  	[smem:$0x3F80] =	sst s1;
	(tag) =	ssettag s2;
	_ =	strace s9  }
0x27: {  	s1 =	sld [smem:$0x3F90]  }
0x28: {  	s2 =	sld [smem:$0x3F91]  }
0x29: {  	s4 =	sld [smem:$0x3F93]  }
0x2a: {  	p0 =	seq.s32 s5, $0x0;
	s5 =	sld [smem:$0x3F94]  }
0x2b: {  	s6 =	sld [smem:$0x3F95]  }
0x2c: {  	s7 =	sld [smem:$0x3F96]  }
0x2d: {  	s3 =	simm.s32 $0x108;
	s8 =	sld [smem:$0x3F97]  }
0x2e: {  	s3 =	simm.s32 @!p0 $0x1082;
	s9 =	sld [smem:$0x3F98]  }
0x2f: {  	lr =	sadd.s32 s0, s3;
	s0 =	sld [smem:$0x3F8F]  }
0x30: {  	s3 =	sld [smem:$0x3F92]  }
0x31: {  	[smem:$0x3F9B] =	sst s10  }
0x32: {  	s10 =	sld [smem:$0x3F99];
	_ =	sdelay $0x3  }
0x33: {  	p0 =	seq.s32 s10, $0x1;
	s10 =	sld [smem:$0x3F9B];
	_ =	sdelay $0x3  }
0x34: {  	[smem:$0x3F9B] =	sst s10  }
0x35: {  	s10 =	sld [smem:$0x3F9A];
	_ =	sdelay $0x3  }
0x36: {  	p1 =	seq.s32 s10, $0x1;
	s10 =	sld [smem:$0x3F9B];
	_ =	sdelay $0x3  }
0x37: {  	[smem:$0x3F9B] =	sst s10  }
0x38: {  	s10 =	sld [smem:$0x3F9C]  }
0x39: {  	_ = 	snop;
	(pc) =	sbr.ind lr, $3  }
0x3a: {  	_ = 	snop  }
0x3b: {  	_ = 	snop  }
0x3c: {  	p2 =	seq.s32 s10, $0x1;
	s10 =	sld [smem:$0x3F9B]  }
0x3d: {  	_ =	shalt  }
0x3e: {  	_ =	shalt  }
0x3f: {  	_ =	shalt  }
0x40: {  	_ =	shalt  }
0x41: {  	_ =	shalt  }
0x42: {  	_ =	shalt  }
0x43: {  	_ =	shalt  }
0x44: {  	_ =	shalt  }
0x45: {  	_ =	shalt  }
0x46: {  	_ =	shalt  }
0x47: {  	_ =	shalt  }
0x48: {  	_ =	shalt  }
0x49: {  	_ =	shalt  }
0x4a: {  	_ =	shalt  }
0x4b: {  	_ =	shalt  }
0x4c: {  	_ =	shalt  }
0x4d: {  	_ =	shalt  }
0x4e: {  	_ =	shalt  }
0x4f: {  	_ =	shalt  }
0x50: {  	_ =	shalt  }
0x51: {  	_ =	shalt  }
0x52: {  	_ =	shalt  }
0x53: {  	_ =	shalt  }
0x54: {  	_ =	shalt  }
0x55: {  	_ =	shalt  }
0x56: {  	_ =	shalt  }
0x57: {  	_ =	shalt  }
0x58: {  	_ =	shalt  }
0x59: {  	_ =	shalt  }
0x5a: {  	_ =	shalt  }
0x5b: {  	_ =	shalt  }
0x5c: {  	_ =	shalt  }
0x5d: {  	_ =	shalt  }
0x5e: {  	_ =	shalt  }
0x5f: {  	_ =	shalt  }
0x60: {  	_ =	shalt  }
0x61: {  	_ =	shalt  }
0x62: {  	_ =	shalt  }
0x63: {  	_ =	shalt  }
0x64: {  	_ =	shalt  }
0x65: {  	_ =	shalt  }
0x66: {  	_ =	shalt  }
0x67: {  	_ =	shalt  }
0x68: {  	_ =	shalt  }
0x69: {  	_ =	shalt  }
0x6a: {  	_ =	shalt  }
0x6b: {  	_ =	shalt  }
0x6c: {  	_ =	shalt  }
0x6d: {  	_ =	shalt  }
0x6e: {  	_ =	shalt  }
0x6f: {  	_ =	shalt  }
0x70: {  	_ =	shalt  }
0x71: {  	_ =	shalt  }
0x72: {  	_ =	shalt  }
0x73: {  	_ =	shalt  }
0x74: {  	_ =	shalt  }
0x75: {  	_ =	shalt  }
0x76: {  	_ =	shalt  }
0x77: {  	_ =	shalt  }
0x78: {  	_ =	shalt  }
0x79: {  	_ =	shalt  }
0x7a: {  	_ =	shalt  }
0x7b: {  	_ =	shalt  }
0x7c: {  	_ =	shalt  }
0x7d: {  	_ =	shalt  }
0x7e: {  	_ =	shalt  }
0x7f: {  	_ =	shalt  }
0x80: {  	_ =	shalt  }
0x81: {  	_ =	shalt  }
0x82: {  	_ =	shalt  }
0x83: {  	_ =	shalt  }
0x84: {  	_ =	shalt  }
0x85: {  	_ =	shalt  }
0x86: {  	_ =	shalt  }
0x87: {  	_ =	shalt  }
.Lfunc_end0:
.L_simem_size_0:
called_computation.6_lowered:
.L_overlay_start_0:
0x88: {  	s2 =	sld [smem:$0x3FD9]  }
0x89: {  	s3 =	sld [smem:$0x3FFE];
	_ =	sdelay $0x1  }
0x8a: {  	s1 =	srdreg.scid  }
0x8b: {  	s0 =	sand.u32 $0x1, s1  }
0x8c: {  	s15 =	sshll.u32 s0, $0xA;
	s2 =	sadd.s32 s3, s2  }
0x8d: {  	s2 =	sadd.s32 s2, s15  }
0x8e: {  	[smem:$0x3FA7] =	sst s2  }
0x8f: {  	_ = 	snop  }
0x90: {  	s2 =	sld [smem:$0x3FD0];
	_ =	sdelay $0x2  }
0x91: {  	s16 =	simm.s32 $0xB;
	s4 =	simm.s32 $0x10  }
0x92: {  	[smem:s4], [sflag:s16] =	dma.local [hbm:s2], $0x1  }
0x93: {  	_ =	swait.eq [sflag:s16], $0x1  }
0x94: {  	[sflag:s16] =	ssyncset.done $0x0  }
0x95: {  	[sflag:s16] =	ssyncadd.s32 $0xFFFFFFFF  }
0x96: {  	s17 =	sld [smem:$0x12];
	(tm) =	ssettm $0x1  }
0x97: {  	s18 =	sld [smem:$0x3FFB];
	_ =	sdelay $0x3  }
0x98: {  	_ =	strace s18  }
0x99: {  	s2 =	sld [smem:$0x3FFC];
	_ =	sdelay $0x3  }
0x9a: {  	_ =	strace s2  }
0x9b: {  	s2 =	sld [smem:$0x3FFD];
	_ =	sdelay $0x3  }
0x9c: {  	_ =	strace s2  }
0x9d: {  	_ =	strace $0x8FFFFFFF  }
0x9e: {  	s19 =	sld [smem:$0x3FDB];
	_ =	sdelay $0x1  }
0x9f: {  	s20 =	simm.s32 $_scs_section_size  }
0xa0: {  	s5 =	simm.s32 $_size__tile_overlayer_lowered;
	s6 =	simm.s32 $_tile_overlayer_lowered  }
0xa1: {  	s7 =	simm.s32 $0x1BFF;
	s21 =	sshll.u32 s6, $0x1;
	s4 =	sadd.s32 s20, s19  }
0xa2: {  	s22 =	simm.s32 $0x0;
	s5 =	sshll.u32 s5, $0x1;
	s6 =	sadd.s32 s21, s4  }
0xa3: {  	[timem:s22], [sflag:s7] =	dma.local [hbm:s6], s5  }
0xa4: {  	_ =	swait.ge [sflag:s7], s5  }
0xa5: {  	s5 =	ssub.s32 $0x0, s5;
	[sflag:s7] =	ssyncset.done $0x0  }
0xa6: {  	[sflag:s7] =	ssyncadd.s32 s5;
	_ =	sdelay $0x1  }
0xa7: {  	s23 =	simm.s32 $0x1B8B  }
0xa8: {  	_ =	swait.ge [sflag:s23], $0x1  }
0xa9: {  	[sflag:s23] =	ssyncset.done $0x0  }
0xaa: {  	[sflag:s23] =	ssyncadd.s32 $0xFFFFFFFF  }
0xab: {  	s5 =	sld [smem:$0x0]  }
0xac: {  	s6 =	sand.u32 $0xFFFFFFFE, s1  }
0xad: {  	p0 =	sne.s32 s1, s6  }
0xae: {  	s6 =	sshll.u32 @p0 s6, $0xE  }
0xaf: {  	s6 =	sadd.s32 @p0 $0x11B8D, s6;
	s7 =	sshll.u32 @p0 s5, $0x11  }
0xb0: {  	s6 =	sor.u32 @p0 s7, s6  }
0xb1: {  	[sflag:s6] =	ssyncadd.remote.s32 @p0 $0x1;
	_ =	sdelay $0x1  }
0xb2: {  	s6 =	simm.s32 @p0 $0x1B8D  }
0xb3: {  	_ =	swait.eq @p0 [sflag:s6], $0x1  }
0xb4: {  	[sflag:s6] =	ssyncadd.s32 @p0 $0xFFFFFFFF  }
0xb5: {  	s7 =	sshll.u32 @!p0 s1, $0xE  }
0xb6: {  	s7 =	sor.u32 @!p0 $0x4000, s7;
	s6 =	simm.s32 @!p0 $0x1B8D  }
0xb7: {  	s5 =	sshll.u32 @!p0 s5, $0x11;
	s7 =	sadd.s32 @!p0 $0x11B8D, s7;
	_ =	swait.eq @!p0 [sflag:s6], $0x1  }
0xb8: {  	s5 =	sor.u32 @!p0 s5, s7;
	[sflag:s6] =	ssyncadd.s32 @!p0 $0xFFFFFFFF  }
0xb9: {  	s25 =	simm.s32 $0x1B8E;
	s24 =	sld [smem:$0x3FFE];
	[sflag:s5] =	ssyncadd.remote.s32 @!p0 $0x1  }
0xba: {  	s26 =	simm.s32 $execute0_lowered;
	[smem:$0x3FD2] =	sst s25  }
0xbb: {  	s6 =	sshll.u32 s26, $0x1;
	_ =	strace $0x80000058;
	[dreg:$0x1] =	wrdreg $0xFFFFFFFF  }
0xbc: {  	s28 =	simm.s32 $_size_execute0_lowered;
	s4 =	sadd.s32 s4, s6;
	[dreg:$0x0] =	wrdreg $0x0  }
0xbd: {  	s6 =	sshll.u32 s28, $0x1;
	[dreg:$0x2] =	wrdreg s4  }
0xbe: {  	[dreg:$0x3] =	wrdreg s6  }
0xbf: {  	[dreg:$0x4] =	wrdreg $0xC0  }
0xc0: {  	_ =	task [dreg:s22], $0x5FFFF  }
0xc1: {  	[dreg:$0x1] =	wrdreg $0xFFFFFFFF  }
0xc2: {  	[dreg:$0x0] =	wrdreg $0x60  }
0xc3: {  	[dreg:$0x2] =	wrdreg s24  }
0xc4: {  	[dreg:$0x3] =	wrdreg s17  }
0xc5: {  	[dreg:$0x4] =	wrdreg $0xA  }
0xc6: {  	_ =	task.clear_ibuf [dreg:s22], $0x5FFFF;
	_ =	strace $0x90000058  }
0xc7: {  	s29 =	simm.s32 $0xA;
	_ =	strace $0x8000005A  }
0xc8: {  	_ =	swait.ge [sflag:s29], $0x1  }
0xc9: {  	[sflag:s29] =	ssyncadd.s32 $0xFFFFFFFF  }
0xca: {  	_ =	strace $0x9000005A  }
0xcb: {  	_ =	sfence  }
0xcc: {  	s30 =	sld [smem:$0x0];
	_ =	sdelay $0x2  }
0xcd: {  	s31 =	sshll.u32 s1, $0xD;
	s1 =	sshrl.u32 s1, $0x2  }
0xce: {  	s4 =	sand.u32 $0x4000, s31;
	s1 =	sadd.s32 s1, s30  }
0xcf: {  	s0 =	sor.u32 s4, s0;
	s1 =	sshll.u32 s1, $0x11  }
0xd0: {  	s0 =	sor.u32 s1, s0  }
0xd1: {  	s0 =	sadd.s32 $0x8F2B, s0  }
0xd2: {  	[sflag:s0] =	ssyncadd.remote.s32 $0x1  }
0xd3: {  	_ =	sfence.sel $0xFFFF  }
0xd4: {  	[dreg:$0x0] =	wrdreg $0xFFFFFFFF;
	(pc) =	sbr.abs _section_cstart, $3  }
0xd5: {  	[dreg:$0x1] =	wrdreg $0xFFFFFFFF  }
0xd6: {  	_ =	task.clear_ibuf [dreg:s22], $0x2FFFF;
	_ =	strace $0x9FFFFFFF  }
0xd7: {  	(tm) =	ssettm $0x7FFFFFFF  }
tec
execute0_lowered:
.L_overlay_start_1:
0x0: {  	(tag) =	ssettag $0x1  }
0x1: {  	s4 =	rddreg [dreg:$0x0]  }
0x2: {  	s7 =	rddreg [dreg:$0x1]  }
0x3: {  	s0 =	rddreg [dreg:$0x2]  }
0x4: {  	s2 =	simm.s32 $0x0;
	s1 =	stileid.u32;
	s3 =	srdreg.scid  }
0x5: {  	s15 =	simm.s32 $0x200;
	s17 =	simm.s32 $0x800;
	s18 =	simm.s32 $0x880  }
0x6: {  	s19 =	simm.s32 $0x900;
	s20 =	simm.s32 $0x980;
	s21 =	simm.s32 $0x0  }
0x7: {  	s5 =	sshll.u32 s1, $0x3;
	s3 =	sand.u32 $0x1, s3;
	s6 =	sshll.u32 s1, $0x1  }
0x8: {  	[smem:$0x7FF] =	sst s2;
	s14 =	sshll.u32 s1, $0x6;
	s5 =	sand.u32 $0x40, s5  }
0x9: {  	s6 =	sor.u32 s3, s6;
	_ =	strace $0x80000059;
	s30 =	ssub.s32 $0x2, s3  }
0xa: {  	s3 =	sadd.s32 $0xBC00, s4;
	s8 =	sadd.s32 s5, s4;
	s9 =	sshll.u32 s6, $0x1  }
0xb: {  	s11 =	sshll.u32 s6, $0x5;
	s31 =	sshrl.u32 s30, $0x1;
	s10 =	sadd.s32 s9, s4  }
0xc: {  	s12 =	sadd.s32 s11, s4;
	s13 =	ssub.s32 s30, s31;
	s4 =	sadd.s32 $0xDE00, s8  }
0xd: {  	s5 =	sadd.s32 $0xE000, s8;
	s6 =	sadd.s32 $0xE200, s8;
	s7 =	sadd.s32 s7, s9  }
0xe: {  	s16 =	sor.u32 $0x1FF, s11;
	s8 =	sadd.s32 $0xB800, s10;
	s9 =	sadd.s32 $0xBA00, s10  }
0xf: {  	vm0 =	vmxor vm0, vm0;
	s10 =	sadd.s32 $0xBE00, s12;
	s11 =	smax.u32 s13, $0x1;
	s12 =	sand.u32 $0x200, s14  }
0x10: {  	v1 =	vlaneseq.u32;
	v2 =	vimm.s32 $0x0;
	s13 =	simm.s32 $0xB00;
	s14 =	simm.s32 $0x1;
	v0 =	vmov s16;
	s16 =	simm.s32 $0x400  }
.LBB2_1:
0x11: {  	[tilespmem:s13], [sflag:$0x1] =	stream.linear.gather [hbm4b:s3+s2], $0x1, $0x38;
	[tilespmem:$0xB80] =	vst v63  }
0x12: {  	_ =	swait.ge [sflag:s14], $0x1  }
0x13: {  	[sflag:s14] =	ssyncset.done $0x0  }
0x14: {  	[sflag:s14] =	ssyncadd.s32 $0xFFFFFFFF  }
0x15: {  	v6 =	vld [tilespmem:$0xB00];
	[tilespmem:s2], [sflag:$0x1] =	stream.linear.gather [hbm4b:s4+s2], $0x200, $0x38  }
0x16: {  	_ =	swait.ge [sflag:s14], $0x200  }
0x17: {  	[sflag:s14] =	ssyncset.done $0x0  }
0x18: {  	[sflag:s14] =	ssyncadd.s32 $0xFFFFFE00  }
0x19: {  	[tilespmem:s15], [sflag:$0x1] =	stream.linear.gather [hbm4b:s5+s2], $0x200, $0x38;
	[tilespmem:$0xB80] =	vst v63  }
0x1a: {  	_ =	swait.ge [sflag:s14], $0x200  }
0x1b: {  	[sflag:s14] =	ssyncset.done $0x0  }
0x1c: {  	[sflag:s14] =	ssyncadd.s32 $0xFFFFFE00  }
0x1d: {  	[tilespmem:s16], [sflag:$0x1] =	stream.linear.gather [hbm4b:s6+s2], $0x200, $0x38;
	[tilespmem:$0xB80] =	vst v63  }
0x1e: {  	_ =	swait.ge [sflag:s14], $0x200  }
0x1f: {  	[sflag:s14] =	ssyncset.done $0x0  }
0x20: {  	[sflag:s14] =	ssyncadd.s32 $0xFFFFFE00  }
0x21: {  	[tilespmem:s17], [sflag:$0x1] =	stream.linear.gather [hbm4b:s7+s2], $0x10, $0x38;
	[tilespmem:$0xB80] =	vst v63  }
0x22: {  	_ =	swait.ge [sflag:s14], $0x10  }
0x23: {  	[sflag:s14] =	ssyncset.done $0x0  }
0x24: {  	[sflag:s14] =	ssyncadd.s32 $0xFFFFFFF0  }
0x25: {  	[tilespmem:s18], [sflag:$0x1] =	stream.linear.gather [hbm4b:s8+s2], $0x10, $0x38;
	[tilespmem:$0xB80] =	vst v63  }
0x26: {  	_ =	swait.ge [sflag:s14], $0x10  }
0x27: {  	[sflag:s14] =	ssyncset.done $0x0  }
0x28: {  	[sflag:s14] =	ssyncadd.s32 $0xFFFFFFF0  }
0x29: {  	[tilespmem:s19], [sflag:$0x1] =	stream.linear.gather [hbm4b:s9+s2], $0x10, $0x38;
	[tilespmem:$0xB80] =	vst v63  }
0x2a: {  	_ =	swait.ge [sflag:s14], $0x10  }
0x2b: {  	[sflag:s14] =	ssyncset.done $0x0  }
0x2c: {  	s22 =	simm.s32 $0x0;
	[sflag:s14] =	ssyncadd.s32 $0xFFFFFFF0  }
0x2d: {  	v3 =	vld [tilespmem:s22+$0x0]  }
0x2e: {  	v4 =	vld [tilespmem:s22+$0x200]  }
0x2f: {  	v5 =	vld [tilespmem:s22+$0x400];
	_ =	sdelay $0x3  }
0x30: {  	v7 =	vshrl.u32 v3, $0x10;
	v8 =	vmul.f32 v3, v3  }
0x31: {  	v9 =	vshrl.u32 v4, $0x10;
	v63 =	vshrl.u32 v5, $0x10;
	v7 =	vand.u32 $0x1, v7  }
0x32: {  	v3 =	vadd.s32 v7, v3;
	v7 =	vand.u32 $0x1, v9;
	v9 =	vand.u32 $0x1, v63  }
0x33: {  	v3 =	vadd.s32 $0x7FFF, v3;
	v7 =	vadd.s32 v7, v4;
	v4 =	vmul.f32 v4, v4  }
0x34: {  	v9 =	vadd.s32 v9, v5;
	v3 =	vand.u32 $0xFFFF0000, v3;
	v7 =	vadd.s32 $0x7FFF, v7  }
0x35: {  	s23 =	simm.s32 $0x10;
	v9 =	vadd.s32 $0x7FFF, v9;
	[tilespmem:s22+$0x0] =	vst v3;
	v7 =	vand.u32 $0xFFFF0000, v7  }
0x36: {  	s24 =	simm.s32 $0x80;
	v5 =	vmul.f32 v5, v5;
	v4 =	vadd.f32 v4, v8;
	v3 =	vld [tilespmem:s23+$0x0];
	[tilespmem:s22+$0x200] =	vst v7;
	v7 =	vand.u32 $0xFFFF0000, v9  }
.LBB2_2:
0x37: {  	p0 =	sne.s32 s24, $0x7C0;
	v8 =	vld [tilespmem:s23+$0x200];
	[tilespmem:s22+$0x400] =	vst v7  }
0x38: {  	v7 =	vld [tilespmem:s23+$0x400];
	v4 =	vadd.f32 v5, v4;
	_ =	sdelay $0x1  }
0x39: {  	[tilespmem:s22+$0x600] =	vst v4;
	s22 =	smov.u32 s23  }
0x3a: {  	v4 =	vmul.f32 v3, v3;
	v5 =	vshrl.u32 v3, $0x10  }
0x3b: {  	v9 =	vmul.f32 v8, v8;
	v5 =	vand.u32 $0x1, v5;
	v10 =	vshrl.u32 v8, $0x10  }
.Ltmp0:
0x3c: {  	v3 =	vadd.s32 v5, v3;
	v5 =	vand.u32 $0x1, v10;
	v10 =	vshrl.u32 v7, $0x10;
	(pc) =	sbr.rel @p0 .LBB2_2-.Ltmp0, $4  }
0x3d: {  	v3 =	vadd.s32 $0x7FFF, v3;
	v5 =	vadd.s32 v5, v8;
	v8 =	vand.u32 $0x1, v10  }
0x3e: {  	v3 =	vand.u32 $0xFFFF0000, v3;
	v5 =	vadd.s32 $0x7FFF, v5;
	v8 =	vadd.s32 v8, v7  }
0x3f: {  	s23 =	sshra.s32 s24, $0x2;
	v4 =	vadd.f32 v9, v4;
	[tilespmem:s22+$0x0] =	vst v3;
	v9 =	vand.u32 $0xFFFF0000, v5;
	v8 =	vadd.s32 $0x7FFF, v8  }
0x40: {  	s24 =	sadd.s32 $0x40, s24;
	v5 =	vmul.f32 v7, v7;
	v3 =	vld [tilespmem:s23+$0x0];
	[tilespmem:s22+$0x200] =	vst v9;
	v7 =	vand.u32 $0xFFFF0000, v8  }
0x41: {  	v8 =	vld [tilespmem:s23+$0x200]  }
0x42: {  	[tilespmem:s22+$0x400] =	vst v7  }
0x43: {  	v7 =	vld [tilespmem:s23+$0x400];
	_ =	sdelay $0x1  }
0x44: {  	v4 =	vadd.f32 v5, v4;
	v5 =	vshrl.u32 v3, $0x10  }
0x45: {  	v9 =	vmul.f32 v3, v3;
	v5 =	vand.u32 $0x1, v5;
	v10 =	vshrl.u32 v8, $0x10  }
0x46: {  	v3 =	vadd.s32 v5, v3;
	v5 =	vmul.f32 v8, v8;
	v10 =	vand.u32 $0x1, v10  }
0x47: {  	v63 =	vshrl.u32 v7, $0x10;
	v8 =	vadd.s32 v10, v8;
	v3 =	vadd.s32 $0x7FFF, v3  }
0x48: {  	v10 =	vand.u32 $0x1, v63;
	v3 =	vand.u32 $0xFFFF0000, v3;
	v8 =	vadd.s32 $0x7FFF, v8  }
0x49: {  	[tilespmem:s22+$0x600] =	vst v4;
	v4 =	vadd.s32 v10, v7;
	v5 =	vadd.f32 v5, v9;
	v7 =	vmul.f32 v7, v7  }
0x4a: {  	[tilespmem:s23+$0x0] =	vst v3;
	v3 =	vand.u32 $0xFFFF0000, v8;
	v4 =	vadd.s32 $0x7FFF, v4  }
0x4b: {  	[tilespmem:s23+$0x200] =	vst v3;
	v3 =	vand.u32 $0xFFFF0000, v4;
	v4 =	vadd.f32 v7, v5  }
0x4c: {  	[tilespmem:s23+$0x400] =	vst v3  }
0x4d: {  	[tilespmem:s23+$0x600] =	vst v4  }
0x4e: {  	v3 =	vld [tilespmem:$0x800]  }
0x4f: {  	v4 =	vld [tilespmem:$0x880]  }
0x50: {  	v6 =	vbroadcast v6, $0x0;
	s22 =	simm.s32 $0x0;
	s23 =	simm.s32 $0x0;
	v5 =	vld [tilespmem:$0x900]  }
.LBB2_4:
0x51: {  	_ =	sdelay $0x1  }
0x52: {  	v7 =	vmov s23  }
0x53: {  	s24 =	simm.s32 $0x0;
	v8 =	vperm.xlane v3, v7;
	v9 =	vperm.xlane v4, v7  }
0x54: {  	v11 =	vld [tilespmem:s24+$0x0];
	v10 =	vperm.xlane v5, v7  }
0x55: {  	v14 =	vld [tilespmem:s24+$0x200];
	v12 =	vmul.f32 v8, v8;
	v7 =	vshrl.u32 v8, $0x10;
	v13 =	vshrl.u32 v9, $0x10  }
0x56: {  	v15 =	vmul.f32 v9, v9;
	v7 =	vand.u32 $0x1, v7;
	v13 =	vand.u32 $0x1, v13  }
0x57: {  	v7 =	vadd.s32 v7, v8;
	v8 =	vadd.s32 v13, v9;
	v9 =	vshrl.u32 v10, $0x10;
	v13 =	vld [tilespmem:s24+$0x400]  }
0x58: {  	v7 =	vadd.s32 $0x7FFF, v7;
	v8 =	vadd.s32 $0x7FFF, v8;
	v9 =	vand.u32 $0x1, v9  }
0x59: {  	v7 =	vand.u32 $0xFFFF0000, v7;
	v8 =	vand.u32 $0xFFFF0000, v8;
	v9 =	vadd.s32 v9, v10  }
0x5a: {  	v11 =	vmul.f32 v7, v11;
	v9 =	vadd.s32 $0x7FFF, v9;
	v14 =	vmul.f32 v8, v14  }
0x5b: {  	v12 =	vadd.f32 v15, v12;
	v15 =	vld [tilespmem:s24+$0x600];
	v9 =	vand.u32 $0xFFFF0000, v9  }
0x5c: {  	v10 =	vmul.f32 v10, v10;
	v14 =	vadd.f32 v14, v11;
	v13 =	vmul.f32 v9, v13;
	_ =	sdelay $0x1  }
0x5d: {  	v11 =	vadd.f32 v10, v12;
	v10 =	vadd.f32 v13, v14;
	_ =	sdelay $0x1  }
0x5e: {  	v12 =	vadd.f32 v15, v11;
	v10 =	vadd.f32 v10, v10;
	_ =	sdelay $0x1  }
0x5f: {  	v10 =	vsub.f32 v12, v10  }
0x60: {  	s31 =	sshll.u32 s23, $0x6;
	p0 =	por $0x1, $0x1;
	vm1 =	vmmov vm0  }
0x61: {  	vm1 =	vmneg @p0 vm1;
	s24 =	sshra.s32 s31, $0x2;
	vm2 =	vle.f32 v10, v6  }
0x62: {  	s25 =	sadd.s32 $0x980, s24;
	vm1 =	vmand vm1, vm2  }
0x63: {  	v10 =	vmov s25;
	_ =	sdelay $0x3  }
0x64: {  	v12 =	vor.u32 s12, v1  }
0x65: {  	[tilespmem:v10+s22+$0x0 ss:$0x1] =	vst.idx.msk vm1, v12;
	v12 =	vsel vm1, $0x1, v2  }
0x66: {  	s26 =	simm.s32 $0x10;
	(xrf0) =	vadd.scan.msk.s32 $0xffff, v12  }
0x67: {  	v12 =	vld [tilespmem:s26+$0x200];
	_ =	sdelay $0x4  }
0x68: {  	v15 =	vmul.f32 v8, v12;
	v12, _, _ =	vpop (xrf0)  }
0x69: {  	(v2sf) =	vpush v12, $0xF;
	_ =	sdelay $0x2  }
0x6a: {  	v13 =	vld [tilespmem:s26+$0x0];
	_ =	sdelay $0x1  }
0x6b: {  	v14 =	vld [tilespmem:s26+$0x400];
	_ =	sdelay $0x2  }
0x6c: {  	v13 =	vmul.f32 v7, v13  }
0x6d: {  	v12 =	vld [tilespmem:s26+$0x600]  }
0x6e: {  	s29 =	simm.s32 $0xC0;
	v14 =	vmul.f32 v9, v14;
	v13 =	vadd.f32 v15, v13  }
0x6f: {  	s28 =	simm.s32 $0x0;
	s25 =	simm.s32 $0x80;
	s26 =	smov.u32 s12  }
.LBB2_5:
0x70: {  	p0 =	sne.s32 s29, $0x7C0;
	v13 =	vadd.f32 v14, v13;
	_ =	sdelay $0x1  }
0x71: {  	v12 =	vadd.f32 v12, v11;
	v13 =	vadd.f32 v13, v13  }
0x72: {  	s30 =	spop (v2sf)  }
0x73: {  	v12 =	vsub.f32 v12, v13;
	s28 =	sadd.s32 s28, s30  }
0x74: {  	vm2 =	vmmov vm0;
	p1 =	slt.s32 s28, $0x10  }
0x75: {  	vm1 =	vle.f32 v12, v6;
	vm2 =	vmneg @p1 vm2  }
0x76: {  	vm1 =	vmand vm2, vm1  }
0x77: {  	v12 =	vsel vm1, $0x1, v2  }
0x78: {  	(xrf0) =	vadd.scan.msk.s32 $0xffff, v12;
	_ =	sdelay $0x1  }
0x79: {  	s26 =	sadd.s32 $0x10, s26  }
0x7a: {  	v12 =	vor.u32 s26, v1  }
0x7b: {  	[tilespmem:v10+s28+$0x0 ss:$0x1] =	vst.idx.msk vm1, v12;
	_ =	sdelay $0x1  }
0x7c: {  	v12, _, _ =	vpop (xrf0)  }
0x7d: {  	(v2sf) =	vpush v12, $0xF  }
0x7e: {  	s30 =	sshra.s32 s25, $0x2;
	s25 =	smov.u32 s29  }
0x7f: {  	v12 =	vld [tilespmem:s30+$0x0]  }
0x80: {  	v13 =	vld [tilespmem:s30+$0x200];
	_ =	sdelay $0x1  }
0x81: {  	v14 =	vld [tilespmem:s30+$0x400];
	_ =	sdelay $0x1  }
.Ltmp1:
0x82: {  	(pc) =	sbr.rel @p0 .LBB2_5-.Ltmp1, $4  }
0x83: {  	v15 =	vmul.f32 v7, v12;
	v13 =	vmul.f32 v8, v13  }
0x84: {  	v12 =	vld [tilespmem:s30+$0x600]  }
0x85: {  	v13 =	vadd.f32 v13, v15;
	v14 =	vmul.f32 v9, v14  }
0x86: {  	s29 =	sadd.s32 $0x40, s29  }
0x87: {  	v13 =	vadd.f32 v14, v13;
	_ =	sdelay $0x1  }
0x88: {  	v12 =	vadd.f32 v12, v11;
	v13 =	vadd.f32 v13, v13  }
0x89: {  	s29 =	spop (v2sf)  }
0x8a: {  	v12 =	vsub.f32 v12, v13;
	s28 =	sadd.s32 s28, s29  }
0x8b: {  	vm1 =	vmmov vm0;
	p0 =	slt.s32 s28, $0x10  }
0x8c: {  	vm2 =	vle.f32 v12, v6;
	vm1 =	vmneg @p0 vm1  }
0x8d: {  	vm1 =	vmand vm1, vm2  }
0x8e: {  	v58 =	vsel vm1, $0x1, v2  }
0x8f: {  	(xrf0) =	vadd.scan.msk.s32 $0xffff, v58;
	_ =	sdelay $0x5  }
0x90: {  	s26 =	sadd.s32 $0x10, s26;
	v12, _, _ =	vpop (xrf0)  }
0x91: {  	v59 =	vor.u32 s26, v1;
	(v2sf) =	vpush v12, $0xF  }
0x92: {  	s25 =	sshra.s32 s25, $0x2;
	[tilespmem:v10+s28+$0x0 ss:$0x1] =	vst.idx.msk vm1, v59  }
0x93: {  	v60 =	vld [tilespmem:s25+$0x0]  }
0x94: {  	v13 =	vld [tilespmem:s25+$0x200];
	_ =	sdelay $0x1  }
0x95: {  	v61 =	vld [tilespmem:s25+$0x400];
	_ =	sdelay $0x2  }
0x96: {  	v7 =	vmul.f32 v7, v60;
	v8 =	vmul.f32 v8, v13  }
0x97: {  	v62 =	vld [tilespmem:s25+$0x600]  }
0x98: {  	v7 =	vadd.f32 v8, v7;
	v8 =	vmul.f32 v9, v61;
	_ =	sdelay $0x1  }
0x99: {  	v7 =	vadd.f32 v8, v7;
	_ =	sdelay $0x1  }
0x9a: {  	v8 =	vadd.f32 v62, v11;
	v7 =	vadd.f32 v7, v7  }
0x9b: {  	s30 =	spop (v2sf)  }
0x9c: {  	v7 =	vsub.f32 v8, v7;
	s25 =	sadd.s32 s28, s30  }
0x9d: {  	vm1 =	vmmov vm0;
	p0 =	slt.s32 s25, $0x10  }
0x9e: {  	vm2 =	vle.f32 v7, v6;
	vm1 =	vmneg @p0 vm1  }
0x9f: {  	vm1 =	vmand vm1, vm2  }
0xa0: {  	v7 =	vsel vm1, $0x1, v2  }
0xa1: {  	(xrf0) =	vadd.scan.msk.s32 $0xffff, v7;
	_ =	sdelay $0x5  }
0xa2: {  	v7, _, _ =	vpop (xrf0)  }
0xa3: {  	(v2sf) =	vpush v7, $0xF;
	_ =	sdelay $0x7  }
0xa4: {  	s26 =	sadd.s32 $0x10, s26  }
0xa5: {  	v7 =	vor.u32 s26, v1  }
0xa6: {  	[tilespmem:v10+s25+$0x0 ss:$0x1] =	vst.idx.msk vm1, v7  }
0xa7: {  	v7 =	vld [tilespmem:s24+$0x980];
	_ =	sdelay $0x2  }
0xa8: {  	s23 =	sadd.s32 $0x1, s23  }
0xa9: {  	p0 =	sne.s32 s23, $0x10;
	s31 =	spop (v2sf)  }
.Ltmp2:
0xaa: {  	v8 =	vperm.xlane v7, v2;
	s25 =	sadd.s32 s25, s31;
	(pc) =	sbr.rel @p0 .LBB2_4-.Ltmp2, $4  }
0xab: {  	p6 =	sgt.s32 s25, $0x0;
	v63 =	vmov s25  }
0xac: {  	v8 =	vpsel p6, v8, v0;
	vm1 =	vgt.s32 v63, v1  }
0xad: {  	v7 =	vsel vm1, v7, v8  }
0xae: {  	[tilespmem:s24+$0x980] =	vst v7  }
0xaf: {  	s21 =	sadd.s32 $0x1, s21  }
0xb0: {  	p0 =	sne.s32 s21, s11  }
.Ltmp3:
0xb1: {  	_ = 	snop;
	(pc) =	sbr.rel @p0 .LBB2_1-.Ltmp3, $4  }
0xb2: {  	[hbm4b:s10+s2] =	stream.linear.scatter [tilespmem:s20], [sflag:$0x1], $0x100, $0x38;
	[tilespmem:$0xB80] =	vst v63  }
0xb3: {  	_ =	swait.ge [sflag:s14], $0x100  }
0xb4: {  	[sflag:s14] =	ssyncset.done $0x0  }
0xb5: {  	[sflag:s14] =	ssyncadd.s32 $0xFFFFFF00  }
0xb6: {  	_ =	sfence.sel $0x180000  }
0xb7: {  	[bflag:$0x0] =	sbarrier.arrive $0xFFFF  }
0xb8: {  	p0 =	sne.s32 s1, $0x0;
	_ =	strace $0x90000059  }
0xb9: {  	s0 =	sadd.s32 @!p0 $0x100000, s0;
	[bflag:$0x2] =	sbarrier.arrive $0xFFFF  }
0xba: {  	[sflag:s0] =	ssyncadd.tile.s32 @!p0 $0x1;
	_ =	shalt  }
.Lfunc_end2:
_tile_overlayer_lowered:
.L_overlay_start_2:
0xbb: {  	(tag) =	ssettag $0x2  }
0xbc: {  	s0 =	rddreg [dreg:$0x0];
	s2 =	stileid.u32  }
0xbd: {  	s1 =	rddreg [dreg:$0x1];
	p0 =	sne.s32 s2, $0x0  }
0xbe: {  	s3 =	rddreg [dreg:$0x2];
	[bflag:$0x3] =	sbarrier.arrive $0xFFFF;
	s2 =	simm.s32 @!p0 $0x1C01  }
0xbf: {  	[timem:s3], [sflag:s2] =	dma.local @!p0 [hbm:s0], s1  }
0xc0: {  	s0 =	simm.s32 @!p0 $0x1  }
0xc1: {  	_ =	swait.ge @!p0 [sflag:s0], s1  }
0xc2: {  	s1 =	ssub.s32 @!p0 $0x0, s1;
	[sflag:s0] =	ssyncset.done @!p0 $0x0  }
0xc3: {  	[sflag:s0] =	ssyncadd.s32 @!p0 s1  }
0xc4: {  	[bflag:$0x3] =	sbarrier.arrive $0xFFFF  }
0xc5: {  	_ =	shalt  }

// kernel: kernel.45.cloned.1.call-start
scs
__scs_entry_jumppad:
0x0: {  	(pc) =	sbr.rel $0x88, $3  }
0x1: {  	(tag) =	ssettag $0x0;
	lr =	simm.s32 $0x1  }
0x2: {  	[smem:$0x3F80] =	sst lr;
	_ =	strace $0xD0000000  }
0x3: {  	_ = 	snop  }
0x4: {  	_ = 	snop  }
0x5: {  	_ = 	snop  }
0x6: {  	_ = 	snop  }
0x7: {  	_ = 	snop  }
__scs_overlays_trampoline_lowered:
0x8: {  	[smem:$0x3F8F] =	sst s0  }
0x9: {  	[smem:$0x3F90] =	sst s1  }
0xa: {  	[smem:$0x3F91] =	sst s2  }
0xb: {  	[smem:$0x3F92] =	sst s3  }
0xc: {  	[smem:$0x3F93] =	sst s4  }
0xd: {  	[smem:$0x3F94] =	sst s5  }
0xe: {  	[smem:$0x3F95] =	sst s6  }
0xf: {  	[smem:$0x3F96] =	sst s7  }
0x10: {  	[smem:$0x3F97] =	sst s8  }
0x11: {  	[smem:$0x3F98] =	sst s9;
	s0 =	simm.s32 @!p0 $0x0  }
0x12: {  	s1 =	sld [smem:$0x3F7E];
	s0 =	simm.s32 @p0 $0x1  }
0x13: {  	[smem:$0x3F99] =	sst s0;
	s0 =	simm.s32 @!p1 $0x0  }
0x14: {  	s2 =	sld [smem:$0x3F7D];
	s0 =	simm.s32 @p1 $0x1  }
0x15: {  	[smem:$0x3F9A] =	sst s0;
	s0 =	simm.s32 @!p2 $0x0  }
0x16: {  	s3 =	sld [smem:$0x3FDB];
	s0 =	simm.s32 @p2 $0x1  }
0x17: {  	s4 =	simm.s32 $0x1BF5;
	[smem:$0x3F9C] =	sst s0  }
0x18: {  	s0 =	sld [smem:$0x3F7F];
	_ =	swait.ge [sflag:s4], $0x0  }
0x19: {  	s7 =	sld [smem:$0x3F80]  }
0x1a: {  	s8 =	sadd.s32 $0xFFFFE003, lr  }
0x1b: {  	s9 =	sadd.s32 $0xFFFFFEF7, lr;
	s5 =	simm.s32 $0xFFFFFFFF;
	p2 =	slt.u32 s8, $0xFFFFF086  }
0x1c: {  	p1 =	slt.u32 s9, $0xF7A;
	s5 =	simm.s32 @!p2 $0x0  }
0x1d: {  	s5 =	simm.s32 @p1 $0x1;
	p0 =	seq.s32 s7, s2  }
0x1e: {  	s7 =	smul.u32 @!p0 $0xF7A, s2;
	p2 =	seq.s32 @!p0 s5, $0x0  }
0x1f: {  	s9 =	smul.u32 $0xF7A, s1;
	s8 =	simm.s32 @!p0 $0x1BF5;
	p2 =	por !p2, p0  }
0x20: {  	[sflag:s8] =	ssyncset.s32 @!p0 $0xFFFFF086;
	s6 =	sadd.s32 @!p0 s3, s7;
	s7 =	simm.s32 @!p0 $0x108  }
0x21: {  	s3 =	sadd.s32 s3, s9;
	s6 =	sadd.s32 @!p0 $0x88, s6;
	s7 =	simm.s32 @p2 $0x1082  }
0x22: {  	[simem:s7], [sflag:s8] =	dma.local @!p0 [hbm:s6], $0xF7A  }
0x23: {  	s9 =	sor.u32 $0xD0000000, s2;
	s6 =	simm.s32 $0x108;
	_ =	swait.ge @!p0 [sflag:s8], $0x0  }
0x24: {  	s3 =	sadd.s32 $0x88, s3;
	s6 =	simm.s32 @!p1 $0x1082;
	[sflag:s4] =	ssyncset.s32 $0xFFFFF086  }
0x25: {  	[simem:s6], [sflag:s4] =	dma.local [hbm:s3], $0xF7A  }
0x26: {  	[smem:$0x3F80] =	sst s1;
	(tag) =	ssettag s2;
	_ =	strace s9  }
0x27: {  	s1 =	sld [smem:$0x3F90]  }
0x28: {  	s2 =	sld [smem:$0x3F91]  }
0x29: {  	s4 =	sld [smem:$0x3F93]  }
0x2a: {  	p0 =	seq.s32 s5, $0x0;
	s5 =	sld [smem:$0x3F94]  }
0x2b: {  	s6 =	sld [smem:$0x3F95]  }
0x2c: {  	s7 =	sld [smem:$0x3F96]  }
0x2d: {  	s3 =	simm.s32 $0x108;
	s8 =	sld [smem:$0x3F97]  }
0x2e: {  	s3 =	simm.s32 @!p0 $0x1082;
	s9 =	sld [smem:$0x3F98]  }
0x2f: {  	lr =	sadd.s32 s0, s3;
	s0 =	sld [smem:$0x3F8F]  }
0x30: {  	s3 =	sld [smem:$0x3F92]  }
0x31: {  	[smem:$0x3F9B] =	sst s10  }
0x32: {  	s10 =	sld [smem:$0x3F99];
	_ =	sdelay $0x3  }
0x33: {  	p0 =	seq.s32 s10, $0x1;
	s10 =	sld [smem:$0x3F9B];
	_ =	sdelay $0x3  }
0x34: {  	[smem:$0x3F9B] =	sst s10  }
0x35: {  	s10 =	sld [smem:$0x3F9A];
	_ =	sdelay $0x3  }
0x36: {  	p1 =	seq.s32 s10, $0x1;
	s10 =	sld [smem:$0x3F9B];
	_ =	sdelay $0x3  }
0x37: {  	[smem:$0x3F9B] =	sst s10  }
0x38: {  	s10 =	sld [smem:$0x3F9C]  }
0x39: {  	_ = 	snop;
	(pc) =	sbr.ind lr, $3  }
0x3a: {  	_ = 	snop  }
0x3b: {  	_ = 	snop  }
0x3c: {  	p2 =	seq.s32 s10, $0x1;
	s10 =	sld [smem:$0x3F9B]  }
0x3d: {  	_ =	shalt  }
0x3e: {  	_ =	shalt  }
0x3f: {  	_ =	shalt  }
0x40: {  	_ =	shalt  }
0x41: {  	_ =	shalt  }
0x42: {  	_ =	shalt  }
0x43: {  	_ =	shalt  }
0x44: {  	_ =	shalt  }
0x45: {  	_ =	shalt  }
0x46: {  	_ =	shalt  }
0x47: {  	_ =	shalt  }
0x48: {  	_ =	shalt  }
0x49: {  	_ =	shalt  }
0x4a: {  	_ =	shalt  }
0x4b: {  	_ =	shalt  }
0x4c: {  	_ =	shalt  }
0x4d: {  	_ =	shalt  }
0x4e: {  	_ =	shalt  }
0x4f: {  	_ =	shalt  }
0x50: {  	_ =	shalt  }
0x51: {  	_ =	shalt  }
0x52: {  	_ =	shalt  }
0x53: {  	_ =	shalt  }
0x54: {  	_ =	shalt  }
0x55: {  	_ =	shalt  }
0x56: {  	_ =	shalt  }
0x57: {  	_ =	shalt  }
0x58: {  	_ =	shalt  }
0x59: {  	_ =	shalt  }
0x5a: {  	_ =	shalt  }
0x5b: {  	_ =	shalt  }
0x5c: {  	_ =	shalt  }
0x5d: {  	_ =	shalt  }
0x5e: {  	_ =	shalt  }
0x5f: {  	_ =	shalt  }
0x60: {  	_ =	shalt  }
0x61: {  	_ =	shalt  }
0x62: {  	_ =	shalt  }
0x63: {  	_ =	shalt  }
0x64: {  	_ =	shalt  }
0x65: {  	_ =	shalt  }
0x66: {  	_ =	shalt  }
0x67: {  	_ =	shalt  }
0x68: {  	_ =	shalt  }
0x69: {  	_ =	shalt  }
0x6a: {  	_ =	shalt  }
0x6b: {  	_ =	shalt  }
0x6c: {  	_ =	shalt  }
0x6d: {  	_ =	shalt  }
0x6e: {  	_ =	shalt  }
0x6f: {  	_ =	shalt  }
0x70: {  	_ =	shalt  }
0x71: {  	_ =	shalt  }
0x72: {  	_ =	shalt  }
0x73: {  	_ =	shalt  }
0x74: {  	_ =	shalt  }
0x75: {  	_ =	shalt  }
0x76: {  	_ =	shalt  }
0x77: {  	_ =	shalt  }
0x78: {  	_ =	shalt  }
0x79: {  	_ =	shalt  }
0x7a: {  	_ =	shalt  }
0x7b: {  	_ =	shalt  }
0x7c: {  	_ =	shalt  }
0x7d: {  	_ =	shalt  }
0x7e: {  	_ =	shalt  }
0x7f: {  	_ =	shalt  }
0x80: {  	_ =	shalt  }
0x81: {  	_ =	shalt  }
0x82: {  	_ =	shalt  }
0x83: {  	_ =	shalt  }
0x84: {  	_ =	shalt  }
0x85: {  	_ =	shalt  }
0x86: {  	_ =	shalt  }
0x87: {  	_ =	shalt  }
.Lfunc_end0:
.L_simem_size_0:
called_computation.7_lowered:
.L_overlay_start_0:
0x88: {  	s2 =	sld [smem:$0x3FD9]  }
0x89: {  	s3 =	sld [smem:$0x3FFE];
	_ =	sdelay $0x1  }
0x8a: {  	s1 =	srdreg.scid  }
0x8b: {  	s0 =	sand.u32 $0x1, s1  }
0x8c: {  	s14 =	sshll.u32 s0, $0xA;
	s2 =	sadd.s32 s3, s2  }
0x8d: {  	s2 =	sadd.s32 s2, s14  }
0x8e: {  	[smem:$0x3FA7] =	sst s2  }
0x8f: {  	_ = 	snop  }
0x90: {  	s2 =	sld [smem:$0x3FD0];
	_ =	sdelay $0x2  }
0x91: {  	s15 =	simm.s32 $0xB;
	s4 =	simm.s32 $0x10  }
0x92: {  	[smem:s4], [sflag:s15] =	dma.local [hbm:s2], $0x1  }
0x93: {  	_ =	swait.eq [sflag:s15], $0x1  }
0x94: {  	[sflag:s15] =	ssyncset.done $0x0  }
0x95: {  	[sflag:s15] =	ssyncadd.s32 $0xFFFFFFFF  }
0x96: {  	s16 =	sld [smem:$0x10];
	(tm) =	ssettm $0x1  }
0x97: {  	s17 =	sld [smem:$0x3FFB];
	_ =	sdelay $0x3  }
0x98: {  	_ =	strace s17  }
0x99: {  	s3 =	sld [smem:$0x3FFC];
	_ =	sdelay $0x3  }
0x9a: {  	_ =	strace s3  }
0x9b: {  	s3 =	sld [smem:$0x3FFD];
	_ =	sdelay $0x3  }
0x9c: {  	_ =	strace s3  }
0x9d: {  	_ =	strace $0x8FFFFFFF  }
0x9e: {  	s18 =	sld [smem:$0x3FDB];
	_ =	sdelay $0x1  }
0x9f: {  	s19 =	simm.s32 $_scs_section_size  }
0xa0: {  	s5 =	simm.s32 $_size__tile_overlayer_lowered;
	s6 =	simm.s32 $_tile_overlayer_lowered  }
0xa1: {  	s22 =	simm.s32 $0x1BFF;
	s21 =	sshll.u32 s6, $0x1;
	s3 =	sadd.s32 s19, s18  }
0xa2: {  	s7 =	simm.s32 $0x0;
	s20 =	sshll.u32 s5, $0x1;
	s5 =	sadd.s32 s21, s3  }
0xa3: {  	[timem:s7], [sflag:s22] =	dma.local [hbm:s5], s20  }
0xa4: {  	_ =	swait.ge [sflag:s22], s20  }
0xa5: {  	s4 =	ssub.s32 $0x0, s20;
	[sflag:s22] =	ssyncset.done $0x0  }
0xa6: {  	[sflag:s22] =	ssyncadd.s32 s4;
	_ =	sdelay $0x1  }
0xa7: {  	s23 =	simm.s32 $0x1B8B  }
0xa8: {  	_ =	swait.ge [sflag:s23], $0x1  }
0xa9: {  	[sflag:s23] =	ssyncset.done $0x0  }
0xaa: {  	s25 =	simm.s32 $0x1B8E;
	s24 =	sld [smem:$0x3FFE];
	[sflag:s23] =	ssyncadd.s32 $0xFFFFFFFF  }
0xab: {  	s26 =	simm.s32 $execute0_lowered;
	[smem:$0x3FD2] =	sst s25  }
0xac: {  	s5 =	sshll.u32 s26, $0x1;
	_ =	strace $0x8000005B;
	[dreg:$0x1] =	wrdreg $0xFFFFFFFF  }
0xad: {  	s28 =	simm.s32 $_size_execute0_lowered;
	s3 =	sadd.s32 s3, s5;
	[dreg:$0x0] =	wrdreg $0x0  }
0xae: {  	s5 =	sshll.u32 s28, $0x1;
	[dreg:$0x2] =	wrdreg s3  }
0xaf: {  	[dreg:$0x3] =	wrdreg s5  }
0xb0: {  	[dreg:$0x4] =	wrdreg $0xC0  }
0xb1: {  	_ =	task [dreg:s7], $0x5FFFF  }
0xb2: {  	[dreg:$0x1] =	wrdreg $0xFFFFFFFF  }
0xb3: {  	[dreg:$0x0] =	wrdreg $0x60  }
0xb4: {  	[dreg:$0x2] =	wrdreg s16  }
0xb5: {  	[dreg:$0x3] =	wrdreg s24  }
0xb6: {  	[dreg:$0x4] =	wrdreg $0x9  }
0xb7: {  	_ =	task.clear_ibuf [dreg:s7], $0x5FFFF;
	_ =	strace $0x9000005B  }
0xb8: {  	s29 =	simm.s32 $0x9;
	_ =	strace $0x8000005D  }
0xb9: {  	_ =	swait.ge [sflag:s29], $0x1  }
0xba: {  	[sflag:s29] =	ssyncadd.s32 $0xFFFFFFFF  }
0xbb: {  	_ =	strace $0x9000005D  }
0xbc: {  	_ =	sfence  }
0xbd: {  	s30 =	sld [smem:$0x0];
	_ =	sdelay $0x2  }
0xbe: {  	s31 =	sshll.u32 s1, $0xD;
	s1 =	sshrl.u32 s1, $0x2  }
0xbf: {  	s3 =	sand.u32 $0x4000, s31;
	s1 =	sadd.s32 s1, s30  }
0xc0: {  	s0 =	sor.u32 s3, s0;
	s1 =	sshll.u32 s1, $0x11  }
0xc1: {  	s0 =	sor.u32 s1, s0  }
0xc2: {  	s0 =	sadd.s32 $0x8F2B, s0  }
0xc3: {  	[sflag:s0] =	ssyncadd.remote.s32 $0x1  }
0xc4: {  	_ =	sfence.sel $0xFFFF  }
0xc5: {  	[dreg:$0x0] =	wrdreg $0xFFFFFFFF;
	(pc) =	sbr.abs _section_cstart, $3  }
0xc6: {  	[dreg:$0x1] =	wrdreg $0xFFFFFFFF  }
0xc7: {  	_ =	task.clear_ibuf [dreg:s7], $0x2FFFF;
	_ =	strace $0x9FFFFFFF  }
0xc8: {  	(tm) =	ssettm $0x7FFFFFFF  }
0xc9: {  	_ =	shalt  }
tec
execute0_lowered:
.L_overlay_start_1:
0x0: {  	(tag) =	ssettag $0x1  }
0x1: {  	s1 =	srdreg.scid;
	s0 =	stileid.u32  }
0x2: {  	s2 =	rddreg [dreg:$0x0];
	s10 =	sand.u32 $0x1, s1;
	s31 =	sshll.u32 s0, $0x1  }
0x3: {  	s9 =	rddreg [dreg:$0x1];
	s11 =	sor.u32 s10, s31  }
0x4: {  	s3 =	simm.s32 $0x0;
	s1 =	rddreg [dreg:$0x2];
	s4 =	sshll.u32 s11, $0x5  }
0x5: {  	[smem:$0x7FF] =	sst s3;
	s4 =	sadd.s32 s4, s9  }
0x6: {  	_ =	strace $0x8000005C;
	s5 =	sadd.s32 $0xBE00, s4;
	s4 =	simm.s32 $0x2  }
0x7: {  	[tilespmem:s3], [sflag:$0x2] =	stream.linear.gather [hbm4b:s5+s3], $0x100, $0x38;
	[tilespmem:$0x4100] =	vst v63  }
0x8: {  	_ =	swait.ge [sflag:s4], $0x100  }
0x9: {  	s6 =	simm.s32 $0x80;
	[sflag:s4] =	ssyncset.done $0x0  }
0xa: {  	s7 =	simm.s32 $0x100;
	s8 =	simm.s32 $0x1;
	[sflag:s4] =	ssyncadd.s32 $0xFFFFFF00  }
0xb: {  	[tilespmem:s7], [sflag:$0x1] =	stream.indirect.gather [hbm4b:s2+s6], $0x80, s3, s6, $0xb8;
	[tilespmem:$0x4100] =	vst v63  }
0xc: {  	s11 =	sshll.u32 s11, $0xC;
	_ =	swait.ge [sflag:s8], $0x4000  }
0xd: {  	s11 =	sadd.s32 s11, s9;
	[sflag:s8] =	ssyncset.done $0x0  }
0xe: {  	s10 =	ssub.s32 $0x2, s10;
	s9 =	sadd.s32 $0xEE00, s11;
	[sflag:s8] =	ssyncadd.s32 $0xFFFFC000  }
0xf: {  	[hbm4b:s9+s3] =	stream.linear.scatter [tilespmem:s7], [sflag:$0x2], $0x4000, $0x38;
	[tilespmem:$0x4100] =	vst v63  }
0x10: {  	s12 =	sshrl.u32 s10, $0x1;
	_ =	swait.ge [sflag:s4], $0x4000  }
0x11: {  	s10 =	ssub.s32 s10, s12;
	[sflag:s4] =	ssyncset.done $0x0  }
0x12: {  	s12 =	smax.u32 s10, $0x1;
	[sflag:s4] =	ssyncadd.s32 $0xFFFFC000  }
0x13: {  	[tilespmem:s7], [sflag:$0x1] =	stream.indirect.gather [hbm4b:s2+s6], $0x80, s6, s6, $0xb8;
	[tilespmem:$0x4100] =	vst v63  }
0x14: {  	p0 =	sne.s32 s12, $0x1;
	_ =	swait.ge [sflag:s8], $0x4000  }
.Ltmp0:
0x15: {  	[sflag:s8] =	ssyncset.done $0x0;
	(pc) =	sbr.rel @!p0 .LBB2_2-.Ltmp0, $4  }
0x16: {  	s10 =	sadd.s32 $0xF600, s11;
	[sflag:s8] =	ssyncadd.s32 $0xFFFFC000  }
0x17: {  	[hbm4b:s10+s3] =	stream.linear.scatter [tilespmem:s7], [sflag:$0x2], $0x4000, $0x38;
	[tilespmem:$0x4100] =	vst v63  }
0x18: {  	_ =	swait.ge [sflag:s4], $0x4000  }
0x19: {  	s11 =	sadd.s32 $0xFFFFFFFF, s12;
	[sflag:s4] =	ssyncset.done $0x0  }
.LBB2_1:
0x1a: {  	p0 =	sne.s32 s11, $0x1;
	s11 =	sadd.s32 $0xFFFFFFFF, s11;
	[sflag:s4] =	ssyncadd.s32 $0xFFFFC000  }
0x1b: {  	[tilespmem:s3], [sflag:$0x2] =	stream.linear.gather [hbm4b:s5+s3], $0x100, $0x38;
	[tilespmem:$0x4100] =	vst v63  }
0x1c: {  	_ =	swait.ge [sflag:s4], $0x100  }
0x1d: {  	[sflag:s4] =	ssyncset.done $0x0  }
0x1e: {  	[sflag:s4] =	ssyncadd.s32 $0xFFFFFF00  }
0x1f: {  	[tilespmem:s7], [sflag:$0x1] =	stream.indirect.gather [hbm4b:s2+s6], $0x80, s3, s6, $0xb8;
	[tilespmem:$0x4100] =	vst v63  }
0x20: {  	_ =	swait.ge [sflag:s8], $0x4000  }
0x21: {  	[sflag:s8] =	ssyncset.done $0x0  }
0x22: {  	[sflag:s8] =	ssyncadd.s32 $0xFFFFC000  }
0x23: {  	[hbm4b:s9+s3] =	stream.linear.scatter [tilespmem:s7], [sflag:$0x2], $0x4000, $0x38;
	[tilespmem:$0x4100] =	vst v63  }
0x24: {  	_ =	swait.ge [sflag:s4], $0x4000  }
0x25: {  	[sflag:s4] =	ssyncset.done $0x0  }
0x26: {  	[sflag:s4] =	ssyncadd.s32 $0xFFFFC000  }
0x27: {  	[tilespmem:s7], [sflag:$0x1] =	stream.indirect.gather [hbm4b:s2+s6], $0x80, s6, s6, $0xb8;
	[tilespmem:$0x4100] =	vst v63  }
0x28: {  	_ =	swait.ge [sflag:s8], $0x4000  }
.Ltmp1:
0x29: {  	[sflag:s8] =	ssyncset.done $0x0;
	(pc) =	sbr.rel @p0 .LBB2_1-.Ltmp1, $4  }
0x2a: {  	[sflag:s8] =	ssyncadd.s32 $0xFFFFC000  }
0x2b: {  	[hbm4b:s10+s3] =	stream.linear.scatter [tilespmem:s7], [sflag:$0x2], $0x4000, $0x38;
	[tilespmem:$0x4100] =	vst v63  }
0x2c: {  	_ =	swait.ge [sflag:s4], $0x4000  }
0x2d: {  	[sflag:s4] =	ssyncset.done $0x0  }
.LBB2_2:
0x2e: {  	[sflag:s4] =	ssyncadd.s32 $0xFFFFC000  }
0x2f: {  	_ =	sfence.sel $0x180000  }
0x30: {  	[bflag:$0x0] =	sbarrier.arrive $0xFFFF  }
0x31: {  	p0 =	sne.s32 s0, $0x0;
	_ =	strace $0x9000005C  }
0x32: {  	s0 =	sadd.s32 @!p0 $0x100000, s1;
	[bflag:$0x2] =	sbarrier.arrive $0xFFFF  }
0x33: {  	[sflag:s0] =	ssyncadd.tile.s32 @!p0 $0x1;
	_ =	shalt  }
.Lfunc_end2:
_tile_overlayer_lowered:
.L_overlay_start_2:
0x34: {  	(tag) =	ssettag $0x2  }
0x35: {  	s0 =	rddreg [dreg:$0x0];
	s2 =	stileid.u32  }
0x36: {  	s1 =	rddreg [dreg:$0x1];
	p0 =	sne.s32 s2, $0x0  }
0x37: {  	s3 =	rddreg [dreg:$0x2];
	[bflag:$0x3] =	sbarrier.arrive $0xFFFF;
	s2 =	simm.s32 @!p0 $0x1C02  }
0x38: {  	[timem:s3], [sflag:s2] =	dma.local @!p0 [hbm:s0], s1  }
0x39: {  	s0 =	simm.s32 @!p0 $0x2  }
0x3a: {  	_ =	swait.ge @!p0 [sflag:s0], s1  }
0x3b: {  	s1 =	ssub.s32 @!p0 $0x0, s1;
	[sflag:s0] =	ssyncset.done @!p0 $0x0  }
0x3c: {  	[sflag:s0] =	ssyncadd.s32 @!p0 s1  }
0x3d: {  	[bflag:$0x3] =	sbarrier.arrive $0xFFFF  }
0x3e: {  	_ =	shalt  }

</sc_bundles>
